<compile_context>
chip_gen: v7x
topology: tpu7x:2x2x1
jax: 0.10.2.dev20260603
libtpu: 0.0.44.dev20260713+nightly
codegen_flags: <defaults>
</compile_context>

<pallas_src>
import functools

import jax
import jax.numpy as jnp
from jax import lax
from jax.experimental import pallas as pl
from jax.experimental.pallas import tpu as pltpu
from jax.experimental.pallas import tpu_sc as plsc

B = 16384
D = 128
WALK = 5
NC = 2
NS = 16
NW = NC * NS
NB = B // NW
C = 64
NCHUNK = NB // C


def _sc_body(s_hbm, w_hbm, x_hbm, t_hbm, st_hbm, sidx, widx,
             xs0, xs1, xw0, xw1, lt_v, t_v, st_v, sem0, sem1):
    wid = lax.axis_index("s") * NC + lax.axis_index("c")
    base = wid * NB
    pltpu.sync_copy(s_hbm.at[pl.ds(base, NB)], sidx)
    pltpu.sync_copy(w_hbm.at[:, pl.ds(base, NB)], widx)
    lane_iota = lax.iota(jnp.int32, 16)

    xs_bufs = (xs0, xs1)
    xw_bufs = (xw0, xw1)
    sems = (sem0, sem1)

    def fire(c, p):
        xs_v, xw_v, sem = xs_bufs[p], xw_bufs[p], sems[p]
        pltpu.async_copy(x_hbm.at[sidx.at[pl.ds(c * C, C)]], xs_v, sem)
        for j in range(WALK):
            pltpu.async_copy(
                x_hbm.at[widx.at[j, pl.ds(c * C, C)]],
                xw_v.at[pl.ds(j * C, C)], sem)

    def wait(c, p):
        xs_v, xw_v, sem = xs_bufs[p], xw_bufs[p], sems[p]
        pltpu.make_async_copy(
            x_hbm.at[sidx.at[pl.ds(c * C, C)]], xs_v, sem).wait()
        for j in range(WALK):
            pltpu.make_async_copy(
                x_hbm.at[widx.at[j, pl.ds(c * C, C)]],
                xw_v.at[pl.ds(j * C, C)], sem).wait()

    def compute(c, p):
        xs_v, xw_v = xs_bufs[p], xw_bufs[p]

        def g_body(g, carry2):
            def l_body(i, accs):
                b = g * 16 + i
                xs = [xs_v[b, pl.ds(k * 16, 16)] for k in range(8)]
                new = []
                for j in range(WALK):
                    r = j * C + b
                    acc = xs[0] * xw_v[r, pl.ds(0, 16)]
                    for k in range(1, 8):
                        acc = acc + xs[k] * xw_v[r, pl.ds(k * 16, 16)]
                    lj = jnp.sum(acc)
                    new.append(jnp.where(lane_iota == i, lj, accs[j]))
                return tuple(new)

            accs = lax.fori_loop(
                0, 16, l_body,
                tuple(jnp.zeros((16,), jnp.float32) for _ in range(WALK)))
            for j in range(WALK):
                lt_v[j, pl.ds(c * C + g * 16, 16)] = accs[j]
            return carry2

        lax.fori_loop(0, C // 16, g_body, 0)

    fire(0, 0)

    def chunk_body(c, carry4):
        def step(p):
            def go(_):
                wait(c, p)

                @pl.when(c + 1 < NCHUNK)
                def _fire_next():
                    fire(c + 1, 1 - p)

                compute(c, p)
                return 0
            return go

        return lax.cond(c % 2 == 0, step(0), step(1), carry4)

    lax.fori_loop(0, NCHUNK, chunk_body, 0)

    stats = []
    for j in range(WALK):
        m = lt_v[j, pl.ds(0, 16)]
        for i in range(1, NB // 16):
            m = jnp.maximum(m, lt_v[j, pl.ds(i * 16, 16)])
        mj = jnp.max(m)
        se = jnp.zeros((16,), jnp.float32)
        for i in range(NB // 16):
            se = se + jnp.exp(lt_v[j, pl.ds(i * 16, 16)] - mj)
        stats.append((mj, jnp.sum(se)))

    def t_body(i, carry3):
        tv = lt_v[0, pl.ds(i * 16, 16)]
        for j in range(1, WALK):
            tv = tv + lt_v[j, pl.ds(i * 16, 16)]
        t_v[pl.ds(i * 16, 16)] = tv
        return carry3

    lax.fori_loop(0, NB // 16, t_body, 0)
    pltpu.sync_copy(t_v, t_hbm.at[0, pl.ds(base, NB)])

    st = jnp.zeros((16,), jnp.float32)
    for j in range(WALK):
        st = jnp.where(lane_iota == j, stats[j][0], st)
        st = jnp.where(lane_iota == (j + 8), stats[j][1], st)
    for q in range(8):
        st_v[0, pl.ds(q * 16, 16)] = st if q == 0 else jnp.zeros(
            (16,), jnp.float32)
    pltpu.sync_copy(st_v, st_hbm.at[wid])


_sc_partial = functools.partial(
    pl.kernel,
    mesh=plsc.VectorSubcoreMesh(core_axis_name="c", subcore_axis_name="s"),
    compiler_params=pltpu.CompilerParams(needs_layout_passes=False),
    out_type=(
        jax.ShapeDtypeStruct((1, B), jnp.float32),
        jax.ShapeDtypeStruct((NW, 1, 128), jnp.float32),
    ),
    scratch_types=[
        pltpu.VMEM((NB,), jnp.int32),
        pltpu.VMEM((WALK, NB), jnp.int32),
        pltpu.VMEM((C, D), jnp.float32),
        pltpu.VMEM((C, D), jnp.float32),
        pltpu.VMEM((C * WALK, D), jnp.float32),
        pltpu.VMEM((C * WALK, D), jnp.float32),
        pltpu.VMEM((WALK, NB), jnp.float32),
        pltpu.VMEM((NB,), jnp.float32),
        pltpu.VMEM((1, 128), jnp.float32),
        pltpu.SemaphoreType.DMA,
        pltpu.SemaphoreType.DMA,
    ],
)(_sc_body)


def _tc_body(t_ref, st_ref, out_ref):
    st = st_ref[...][:, 0, :]
    m = st[:, 0:WALK]
    se = st[:, 8:8 + WALK]
    gm = jnp.max(m, axis=0, keepdims=True)
    s_all = jnp.sum(se * jnp.exp(m - gm), axis=0, keepdims=True)
    k_const = jnp.sum(gm + jnp.log(s_all))
    out_ref[...] = k_const - t_ref[0]


def kernel(s, w, neg, X):
    del neg
    t, st = _sc_partial(s, w.T, X)
    return pl.pallas_call(
        _tc_body,
        out_shape=jax.ShapeDtypeStruct((B,), jnp.float32),
    )(t, st)

# --- scband reference (transcript-rebuilt; emitter-appended) ---
"""Pipeline reference for scband-node2vec-2422361555229 (READ-ONLY COPY).

The authoritative reference and input builder live on the scoring server;
editing this copy changes nothing except your own understanding.
"""

import jax, jax.numpy as jnp
import numpy as np

INPUT_DIM = 1000000
EMBED_DIM = 128
BATCH = 16384
WALK = 5
NEG = 20


def setup_inputs(seed: int = 0) -> dict:
    key = jax.random.key(seed)
    k_s, k_w, k_neg, k_x = jax.random.split(key, 4)
    s = jax.random.randint(k_s, (BATCH,), 0, INPUT_DIM, dtype=jnp.int64 if jax.config.jax_enable_x64 else jnp.int32).astype(jnp.int32)
    w = jax.random.randint(k_w, (BATCH, WALK), 0, INPUT_DIM).astype(jnp.int32)
    neg = jax.random.randint(k_neg, (BATCH, NEG), 0, INPUT_DIM).astype(jnp.int32)
    # Parameter X: torch kaiming_normal_ on [INPUT_DIM, 128], fan_in=128 -> std=sqrt(2/128)
    X = jax.random.normal(k_x, (INPUT_DIM, EMBED_DIM), dtype=jnp.float32) * np.sqrt(2.0 / EMBED_DIM)
    return {"s": s, "w": w, "neg": neg, "X": X}


def reference(s, w, neg, X):
    # temp = X[cat((w, neg), dim=1)] : [B, WALK+NEG, 128] (gather)
    idx = jnp.concatenate([w, neg], axis=1)
    temp = jnp.take(X, idx, axis=0)
    # matmul with X[s].unsqueeze(2) : [B, WALK+NEG, 1]
    xs = jnp.take(X, s, axis=0)[:, :, None]
    temp = jnp.matmul(temp, xs)
    temp = jnp.squeeze(temp, axis=-1)  # [B, WALK+NEG]
    # torch Softmax(dim=0): softmax across the batch dimension
    temp = jax.nn.softmax(temp, axis=0)
    temp = jnp.log(temp[:, :5])
    return -jnp.sum(temp, axis=1)  # [B]

if __name__ == "__main__":
    import jax
    _d = setup_inputs()
    print(jax.jit(kernel)(*tuple(_d.values())))

</pallas_src>

<mosaic_0001>
#map = affine_map<(d0, d1) -> (0)>
#map1 = affine_map<(d0, d1) -> (0, 0)>
#map2 = affine_map<(d0, d1) -> (0, 0, 0)>
module attributes {stable_mosaic.version = 14 : i64} {
  func.func @_sc_body(%arg0: i32, %arg1: i32, %arg2: memref<16384xi32, #tpu.memory_space<hbm>>, %arg3: memref<5x16384xi32, #tpu.memory_space<hbm>>, %arg4: memref<1000000x128xf32, #tpu.memory_space<hbm>>, %arg5: memref<1x16384xf32, #tpu.memory_space<hbm>>, %arg6: memref<32x1x128xf32, #tpu.memory_space<hbm>>, %arg7: memref<512xi32, #tpu.memory_space<vmem>>, %arg8: memref<5x512xi32, #tpu.memory_space<vmem>>, %arg9: memref<64x128xf32, #tpu.memory_space<vmem>>, %arg10: memref<64x128xf32, #tpu.memory_space<vmem>>, %arg11: memref<320x128xf32, #tpu.memory_space<vmem>>, %arg12: memref<320x128xf32, #tpu.memory_space<vmem>>, %arg13: memref<5x512xf32, #tpu.memory_space<vmem>>, %arg14: memref<512xf32, #tpu.memory_space<vmem>>, %arg15: memref<1x128xf32, #tpu.memory_space<vmem>>, %arg16: memref<!tpu.dma_semaphore, #tpu.memory_space<semaphore_mem>>, %arg17: memref<!tpu.dma_semaphore, #tpu.memory_space<semaphore_mem>>) attributes {dimension_semantics = [#tpu.dimension_semantics<core_parallel>, #tpu.dimension_semantics<subcore_parallel>], iteration_bounds = array<i64: 2, 16>, scalar_prefetch = 0 : i64, scratch_operands = 11 : i64, tpu.core_type = #tpu.core_type<sc_vector_subcore>, window_params = [{transform_indices = #map}, {transform_indices = #map1}, {transform_indices = #map1}, {transform_indices = #map1}, {transform_indices = #map2}]} {
    %mul3A = arith.constant 2 : i32
    %mul3A_0 = arith.muli %arg1, %mul3A : i32
    %add3A = arith.addi %mul3A_0, %arg0 : i32
    %mul3A_1 = arith.constant 512 : i32
    %mul3A_2 = arith.muli %add3A, %mul3A_1 : i32
    "tpu.region"() ({
      %run_scoped3A_2282 = tpu.sem_alloc : memref<!tpu.dma_semaphore, #tpu.memory_space<semaphore_mem>>
      %dma_start3A_2283 = tpu.memref_slice %arg2[%mul3A_2] : memref<16384xi32, #tpu.memory_space<hbm>> -> memref<512xi32, #tpu.memory_space<hbm>>
      %dma_start3A_2284 = tpu.memref_slice %arg2[%mul3A_2] : memref<16384xi32, #tpu.memory_space<hbm>> -> memref<512xi32, #tpu.memory_space<hbm>>
      tpu.enqueue_dma source(%dma_start3A_2284 : memref<512xi32, #tpu.memory_space<hbm>>) target(%arg7 : memref<512xi32, #tpu.memory_space<vmem>>) target_semaphore(%run_scoped3A_2282 : memref<!tpu.dma_semaphore, #tpu.memory_space<semaphore_mem>>)
      %dma_wait3A = tpu.memref_slice %arg2[%mul3A_2] : memref<16384xi32, #tpu.memory_space<hbm>> -> memref<512xi32, #tpu.memory_space<hbm>>
      %dma_wait3A_2285 = tpu.memref_slice %arg2[%mul3A_2] : memref<16384xi32, #tpu.memory_space<hbm>> -> memref<512xi32, #tpu.memory_space<hbm>>
      tpu.wait_dma2 semaphore(%run_scoped3A_2282 : memref<!tpu.dma_semaphore, #tpu.memory_space<semaphore_mem>>) src(%dma_wait3A_2285 : memref<512xi32, #tpu.memory_space<hbm>>) dst(%arg7 : memref<512xi32, #tpu.memory_space<vmem>>)
      tpu.yield
    }) : () -> ()
    "tpu.region"() ({
      %run_scoped3A_2282 = tpu.sem_alloc : memref<!tpu.dma_semaphore, #tpu.memory_space<semaphore_mem>>
      %dma_start3A_2283 = arith.constant 0 : i32
      %dma_start3A_2284 = tpu.memref_slice %arg3[%dma_start3A_2283, %mul3A_2] : memref<5x16384xi32, #tpu.memory_space<hbm>> -> memref<5x512xi32, #tpu.memory_space<hbm>>
      %dma_start3A_2285 = arith.constant 0 : i32
      %dma_start3A_2286 = tpu.memref_slice %arg3[%dma_start3A_2285, %mul3A_2] : memref<5x16384xi32, #tpu.memory_space<hbm>> -> memref<5x512xi32, #tpu.memory_space<hbm>>
      tpu.enqueue_dma source(%dma_start3A_2286 : memref<5x512xi32, #tpu.memory_space<hbm>>) target(%arg8 : memref<5x512xi32, #tpu.memory_space<vmem>>) target_semaphore(%run_scoped3A_2282 : memref<!tpu.dma_semaphore, #tpu.memory_space<semaphore_mem>>)
      %dma_wait3A = arith.constant 0 : i32
      %dma_wait3A_2287 = tpu.memref_slice %arg3[%dma_wait3A, %mul3A_2] : memref<5x16384xi32, #tpu.memory_space<hbm>> -> memref<5x512xi32, #tpu.memory_space<hbm>>
      %dma_wait3A_2288 = arith.constant 0 : i32
      %dma_wait3A_2289 = tpu.memref_slice %arg3[%dma_wait3A_2288, %mul3A_2] : memref<5x16384xi32, #tpu.memory_space<hbm>> -> memref<5x512xi32, #tpu.memory_space<hbm>>
      tpu.wait_dma2 semaphore(%run_scoped3A_2282 : memref<!tpu.dma_semaphore, #tpu.memory_space<semaphore_mem>>) src(%dma_wait3A_2289 : memref<5x512xi32, #tpu.memory_space<hbm>>) dst(%arg8 : memref<5x512xi32, #tpu.memory_space<vmem>>)
      tpu.yield
    }) : () -> ()
    %iota3A = tpu.iota {dimensions = array<i32: 0>} : vector<16xi32>
    %dma_start3A = arith.constant 0 : i32
    %dma_start3A_3 = tpu.memref_slice %arg7[%dma_start3A] : memref<512xi32, #tpu.memory_space<vmem>> -> memref<64xi32, #tpu.memory_space<vmem>>
    %dma_start3A_4 = arith.constant 0 : i32
    %dma_start3A_5 = arith.constant 0 : i32
    %dma_start3A_6 = tpu.memref_slice %arg4[%dma_start3A_4, %dma_start3A_5] : memref<1000000x128xf32, #tpu.memory_space<hbm>> -> memref<1000000x128xf32, #tpu.memory_space<hbm>>
    tpu.enqueue_indirect_dma source(%dma_start3A_6 : memref<1000000x128xf32, #tpu.memory_space<hbm>>) target(%arg9 : memref<64x128xf32, #tpu.memory_space<vmem>>) offsets(%dma_start3A_3 : memref<64xi32, #tpu.memory_space<vmem>>) semaphore(%arg16 : memref<!tpu.dma_semaphore, #tpu.memory_space<semaphore_mem>>)
    %dma_start3A_7 = arith.constant 0 : i32
    %dma_start3A_8 = arith.constant 0 : i32
    %dma_start3A_9 = arith.constant 0 : i32
    %dma_start3A_10 = tpu.memref_slice %arg11[%dma_start3A_8, %dma_start3A_9] : memref<320x128xf32, #tpu.memory_space<vmem>> -> memref<64x128xf32, #tpu.memory_space<vmem>>
    %dma_start3A_11 = arith.constant 0 : i32
    %dma_start3A_12 = tpu.memref_slice %arg8[%dma_start3A_7, %dma_start3A_11] : memref<5x512xi32, #tpu.memory_space<vmem>> -> memref<1x64xi32, #tpu.memory_space<vmem>>
    %dma_start3A_13 = tpu.memref_squeeze %dma_start3A_12 : memref<1x64xi32, #tpu.memory_space<vmem>> -> memref<64xi32, #tpu.memory_space<vmem>>
    %dma_start3A_14 = arith.constant 0 : i32
    %dma_start3A_15 = arith.constant 0 : i32
    %dma_start3A_16 = tpu.memref_slice %arg4[%dma_start3A_14, %dma_start3A_15] : memref<1000000x128xf32, #tpu.memory_space<hbm>> -> memref<1000000x128xf32, #tpu.memory_space<hbm>>
    tpu.enqueue_indirect_dma source(%dma_start3A_16 : memref<1000000x128xf32, #tpu.memory_space<hbm>>) target(%dma_start3A_10 : memref<64x128xf32, #tpu.memory_space<vmem>>) offsets(%dma_start3A_13 : memref<64xi32, #tpu.memory_space<vmem>>) semaphore(%arg16 : memref<!tpu.dma_semaphore, #tpu.memory_space<semaphore_mem>>)
    %dma_start3A_17 = arith.constant 1 : i32
    %dma_start3A_18 = arith.constant 64 : i32
    %dma_start3A_19 = arith.constant 0 : i32
    %dma_start3A_20 = tpu.memref_slice %arg11[%dma_start3A_18, %dma_start3A_19] : memref<320x128xf32, #tpu.memory_space<vmem>> -> memref<64x128xf32, #tpu.memory_space<vmem>>
    %dma_start3A_21 = arith.constant 0 : i32
    %dma_start3A_22 = tpu.memref_slice %arg8[%dma_start3A_17, %dma_start3A_21] : memref<5x512xi32, #tpu.memory_space<vmem>> -> memref<1x64xi32, #tpu.memory_space<vmem>>
    %dma_start3A_23 = tpu.memref_squeeze %dma_start3A_22 : memref<1x64xi32, #tpu.memory_space<vmem>> -> memref<64xi32, #tpu.memory_space<vmem>>
    %dma_start3A_24 = arith.constant 0 : i32
    %dma_start3A_25 = arith.constant 0 : i32
    %dma_start3A_26 = tpu.memref_slice %arg4[%dma_start3A_24, %dma_start3A_25] : memref<1000000x128xf32, #tpu.memory_space<hbm>> -> memref<1000000x128xf32, #tpu.memory_space<hbm>>
    tpu.enqueue_indirect_dma source(%dma_start3A_26 : memref<1000000x128xf32, #tpu.memory_space<hbm>>) target(%dma_start3A_20 : memref<64x128xf32, #tpu.memory_space<vmem>>) offsets(%dma_start3A_23 : memref<64xi32, #tpu.memory_space<vmem>>) semaphore(%arg16 : memref<!tpu.dma_semaphore, #tpu.memory_space<semaphore_mem>>)
    %dma_start3A_27 = arith.constant 2 : i32
    %dma_start3A_28 = arith.constant 128 : i32
    %dma_start3A_29 = arith.constant 0 : i32
    %dma_start3A_30 = tpu.memref_slice %arg11[%dma_start3A_28, %dma_start3A_29] : memref<320x128xf32, #tpu.memory_space<vmem>> -> memref<64x128xf32, #tpu.memory_space<vmem>>
    %dma_start3A_31 = arith.constant 0 : i32
    %dma_start3A_32 = tpu.memref_slice %arg8[%dma_start3A_27, %dma_start3A_31] : memref<5x512xi32, #tpu.memory_space<vmem>> -> memref<1x64xi32, #tpu.memory_space<vmem>>
    %dma_start3A_33 = tpu.memref_squeeze %dma_start3A_32 : memref<1x64xi32, #tpu.memory_space<vmem>> -> memref<64xi32, #tpu.memory_space<vmem>>
    %dma_start3A_34 = arith.constant 0 : i32
    %dma_start3A_35 = arith.constant 0 : i32
    %dma_start3A_36 = tpu.memref_slice %arg4[%dma_start3A_34, %dma_start3A_35] : memref<1000000x128xf32, #tpu.memory_space<hbm>> -> memref<1000000x128xf32, #tpu.memory_space<hbm>>
    tpu.enqueue_indirect_dma source(%dma_start3A_36 : memref<1000000x128xf32, #tpu.memory_space<hbm>>) target(%dma_start3A_30 : memref<64x128xf32, #tpu.memory_space<vmem>>) offsets(%dma_start3A_33 : memref<64xi32, #tpu.memory_space<vmem>>) semaphore(%arg16 : memref<!tpu.dma_semaphore, #tpu.memory_space<semaphore_mem>>)
    %dma_start3A_37 = arith.constant 3 : i32
    %dma_start3A_38 = arith.constant 192 : i32
    %dma_start3A_39 = arith.constant 0 : i32
    %dma_start3A_40 = tpu.memref_slice %arg11[%dma_start3A_38, %dma_start3A_39] : memref<320x128xf32, #tpu.memory_space<vmem>> -> memref<64x128xf32, #tpu.memory_space<vmem>>
    %dma_start3A_41 = arith.constant 0 : i32
    %dma_start3A_42 = tpu.memref_slice %arg8[%dma_start3A_37, %dma_start3A_41] : memref<5x512xi32, #tpu.memory_space<vmem>> -> memref<1x64xi32, #tpu.memory_space<vmem>>
    %dma_start3A_43 = tpu.memref_squeeze %dma_start3A_42 : memref<1x64xi32, #tpu.memory_space<vmem>> -> memref<64xi32, #tpu.memory_space<vmem>>
    %dma_start3A_44 = arith.constant 0 : i32
    %dma_start3A_45 = arith.constant 0 : i32
    %dma_start3A_46 = tpu.memref_slice %arg4[%dma_start3A_44, %dma_start3A_45] : memref<1000000x128xf32, #tpu.memory_space<hbm>> -> memref<1000000x128xf32, #tpu.memory_space<hbm>>
    tpu.enqueue_indirect_dma source(%dma_start3A_46 : memref<1000000x128xf32, #tpu.memory_space<hbm>>) target(%dma_start3A_40 : memref<64x128xf32, #tpu.memory_space<vmem>>) offsets(%dma_start3A_43 : memref<64xi32, #tpu.memory_space<vmem>>) semaphore(%arg16 : memref<!tpu.dma_semaphore, #tpu.memory_space<semaphore_mem>>)
    %dma_start3A_47 = arith.constant 4 : i32
    %dma_start3A_48 = arith.constant 256 : i32
    %dma_start3A_49 = arith.constant 0 : i32
    %dma_start3A_50 = tpu.memref_slice %arg11[%dma_start3A_48, %dma_start3A_49] : memref<320x128xf32, #tpu.memory_space<vmem>> -> memref<64x128xf32, #tpu.memory_space<vmem>>
    %dma_start3A_51 = arith.constant 0 : i32
    %dma_start3A_52 = tpu.memref_slice %arg8[%dma_start3A_47, %dma_start3A_51] : memref<5x512xi32, #tpu.memory_space<vmem>> -> memref<1x64xi32, #tpu.memory_space<vmem>>
    %dma_start3A_53 = tpu.memref_squeeze %dma_start3A_52 : memref<1x64xi32, #tpu.memory_space<vmem>> -> memref<64xi32, #tpu.memory_space<vmem>>
    %dma_start3A_54 = arith.constant 0 : i32
    %dma_start3A_55 = arith.constant 0 : i32
    %dma_start3A_56 = tpu.memref_slice %arg4[%dma_start3A_54, %dma_start3A_55] : memref<1000000x128xf32, #tpu.memory_space<hbm>> -> memref<1000000x128xf32, #tpu.memory_space<hbm>>
    tpu.enqueue_indirect_dma source(%dma_start3A_56 : memref<1000000x128xf32, #tpu.memory_space<hbm>>) target(%dma_start3A_50 : memref<64x128xf32, #tpu.memory_space<vmem>>) offsets(%dma_start3A_53 : memref<64xi32, #tpu.memory_space<vmem>>) semaphore(%arg16 : memref<!tpu.dma_semaphore, #tpu.memory_space<semaphore_mem>>)
    %scan3A = arith.constant 0 : i32
    %scan3A_57 = arith.constant 0 : i32
    %scan3A_58 = arith.constant 8 : i32
    %scan3A_59 = arith.addi %scan3A_57, %scan3A_58 : i32
    %scan3A_60 = arith.constant 1 : i32
    %scan3A_61 = scf.for %scan3A_2282 = %scan3A_57 to %scan3A_59 step %scan3A_60 iter_args(%scan3A_2283 = %scan3A) -> (i32)  : i32 {
      %jit3A = arith.constant 2 : i32
      %eq3A_2284 = arith.constant 0 : i32
      %eq3A_2285 = arith.cmpi eq, %jit3A, %eq3A_2284 : i32
      %jit3A_2286 = arith.constant 1 : i32
      %select_n3A_2287 = arith.select %eq3A_2285, %jit3A_2286, %jit3A : i32
      %rem3A = arith.remsi %scan3A_2282, %select_n3A_2287 : i32
      %ne3A = arith.constant 0 : i32
      %ne3A_2288 = arith.cmpi ne, %rem3A, %ne3A : i32
      %lt3A = arith.constant 0 : i32
      %lt3A_2289 = arith.cmpi slt, %rem3A, %lt3A : i32
      %lt3A_2290 = arith.constant 0 : i32
      %lt3A_2291 = arith.cmpi slt, %select_n3A_2287, %lt3A_2290 : i32
      %ne3A_2292 = arith.xori %lt3A_2289, %lt3A_2291 : i1
      %and3A = arith.andi %ne3A_2292, %ne3A_2288 : i1
      %add3A_2293 = arith.addi %rem3A, %select_n3A_2287 : i32
      %select_n3A_2294 = arith.select %and3A, %add3A_2293, %rem3A : i32
      %eq3A_2295 = arith.constant 0 : i32
      %eq3A_2296 = arith.cmpi eq, %select_n3A_2294, %eq3A_2295 : i32
      %convert_element_type3A = arith.extui %eq3A_2296 : i1 to i32
      %cond3A = arith.constant 0 : i32
      %cond3A_2297 = arith.cmpi ne, %convert_element_type3A, %cond3A : i32
      %cond3A_2298 = scf.if %cond3A_2297 -> (i32) {
        %mul3A_2299 = arith.constant 64 : i32
        %mul3A_2300 = arith.muli %scan3A_2282, %mul3A_2299 : i32
        %dma_wait3A = tpu.memref_slice %arg7[%mul3A_2300] : memref<512xi32, #tpu.memory_space<vmem>> -> memref<64xi32, #tpu.memory_space<vmem>>
        %dma_wait3A_2301 = arith.constant 0 : i32
        %dma_wait3A_2302 = arith.constant 0 : i32
        %dma_wait3A_2303 = tpu.memref_slice %arg4[%dma_wait3A_2301, %dma_wait3A_2302] : memref<1000000x128xf32, #tpu.memory_space<hbm>> -> memref<1000000x128xf32, #tpu.memory_space<hbm>>
        tpu.wait_indirect_dma semaphore(%arg16 : memref<!tpu.dma_semaphore, #tpu.memory_space<semaphore_mem>>) src(%dma_wait3A_2303 : memref<1000000x128xf32, #tpu.memory_space<hbm>>) dst(%arg9 : memref<64x128xf32, #tpu.memory_space<vmem>>)
        %mul3A_2304 = arith.constant 64 : i32
        %mul3A_2305 = arith.muli %scan3A_2282, %mul3A_2304 : i32
        %dma_wait3A_2306 = arith.constant 0 : i32
        %dma_wait3A_2307 = arith.constant 0 : i32
        %dma_wait3A_2308 = arith.constant 0 : i32
        %dma_wait3A_2309 = tpu.memref_slice %arg11[%dma_wait3A_2307, %dma_wait3A_2308] : memref<320x128xf32, #tpu.memory_space<vmem>> -> memref<64x128xf32, #tpu.memory_space<vmem>>
        %dma_wait3A_2310 = tpu.memref_slice %arg8[%dma_wait3A_2306, %mul3A_2305] : memref<5x512xi32, #tpu.memory_space<vmem>> -> memref<1x64xi32, #tpu.memory_space<vmem>>
        %dma_wait3A_2311 = tpu.memref_squeeze %dma_wait3A_2310 : memref<1x64xi32, #tpu.memory_space<vmem>> -> memref<64xi32, #tpu.memory_space<vmem>>
        %dma_wait3A_2312 = arith.constant 0 : i32
        %dma_wait3A_2313 = arith.constant 0 : i32
        %dma_wait3A_2314 = tpu.memref_slice %arg4[%dma_wait3A_2312, %dma_wait3A_2313] : memref<1000000x128xf32, #tpu.memory_space<hbm>> -> memref<1000000x128xf32, #tpu.memory_space<hbm>>
        tpu.wait_indirect_dma semaphore(%arg16 : memref<!tpu.dma_semaphore, #tpu.memory_space<semaphore_mem>>) src(%dma_wait3A_2314 : memref<1000000x128xf32, #tpu.memory_space<hbm>>) dst(%dma_wait3A_2309 : memref<64x128xf32, #tpu.memory_space<vmem>>)
        %mul3A_2315 = arith.constant 64 : i32
        %mul3A_2316 = arith.muli %scan3A_2282, %mul3A_2315 : i32
        %dma_wait3A_2317 = arith.constant 1 : i32
        %dma_wait3A_2318 = arith.constant 64 : i32
        %dma_wait3A_2319 = arith.constant 0 : i32
        %dma_wait3A_2320 = tpu.memref_slice %arg11[%dma_wait3A_2318, %dma_wait3A_2319] : memref<320x128xf32, #tpu.memory_space<vmem>> -> memref<64x128xf32, #tpu.memory_space<vmem>>
        %dma_wait3A_2321 = tpu.memref_slice %arg8[%dma_wait3A_2317, %mul3A_2316] : memref<5x512xi32, #tpu.memory_space<vmem>> -> memref<1x64xi32, #tpu.memory_space<vmem>>
        %dma_wait3A_2322 = tpu.memref_squeeze %dma_wait3A_2321 : memref<1x64xi32, #tpu.memory_space<vmem>> -> memref<64xi32, #tpu.memory_space<vmem>>
        %dma_wait3A_2323 = arith.constant 0 : i32
        %dma_wait3A_2324 = arith.constant 0 : i32
        %dma_wait3A_2325 = tpu.memref_slice %arg4[%dma_wait3A_2323, %dma_wait3A_2324] : memref<1000000x128xf32, #tpu.memory_space<hbm>> -> memref<1000000x128xf32, #tpu.memory_space<hbm>>
        tpu.wait_indirect_dma semaphore(%arg16 : memref<!tpu.dma_semaphore, #tpu.memory_space<semaphore_mem>>) src(%dma_wait3A_2325 : memref<1000000x128xf32, #tpu.memory_space<hbm>>) dst(%dma_wait3A_2320 : memref<64x128xf32, #tpu.memory_space<vmem>>)
        %mul3A_2326 = arith.constant 64 : i32
        %mul3A_2327 = arith.muli %scan3A_2282, %mul3A_2326 : i32
        %dma_wait3A_2328 = arith.constant 2 : i32
        %dma_wait3A_2329 = arith.constant 128 : i32
        %dma_wait3A_2330 = arith.constant 0 : i32
        %dma_wait3A_2331 = tpu.memref_slice %arg11[%dma_wait3A_2329, %dma_wait3A_2330] : memref<320x128xf32, #tpu.memory_space<vmem>> -> memref<64x128xf32, #tpu.memory_space<vmem>>
        %dma_wait3A_2332 = tpu.memref_slice %arg8[%dma_wait3A_2328, %mul3A_2327] : memref<5x512xi32, #tpu.memory_space<vmem>> -> memref<1x64xi32, #tpu.memory_space<vmem>>
        %dma_wait3A_2333 = tpu.memref_squeeze %dma_wait3A_2332 : memref<1x64xi32, #tpu.memory_space<vmem>> -> memref<64xi32, #tpu.memory_space<vmem>>
        %dma_wait3A_2334 = arith.constant 0 : i32
        %dma_wait3A_2335 = arith.constant 0 : i32
        %dma_wait3A_2336 = tpu.memref_slice %arg4[%dma_wait3A_2334, %dma_wait3A_2335] : memref<1000000x128xf32, #tpu.memory_space<hbm>> -> memref<1000000x128xf32, #tpu.memory_space<hbm>>
        tpu.wait_indirect_dma semaphore(%arg16 : memref<!tpu.dma_semaphore, #tpu.memory_space<semaphore_mem>>) src(%dma_wait3A_2336 : memref<1000000x128xf32, #tpu.memory_space<hbm>>) dst(%dma_wait3A_2331 : memref<64x128xf32, #tpu.memory_space<vmem>>)
        %mul3A_2337 = arith.constant 64 : i32
        %mul3A_2338 = arith.muli %scan3A_2282, %mul3A_2337 : i32
        %dma_wait3A_2339 = arith.constant 3 : i32
        %dma_wait3A_2340 = arith.constant 192 : i32
        %dma_wait3A_2341 = arith.constant 0 : i32
        %dma_wait3A_2342 = tpu.memref_slice %arg11[%dma_wait3A_2340, %dma_wait3A_2341] : memref<320x128xf32, #tpu.memory_space<vmem>> -> memref<64x128xf32, #tpu.memory_space<vmem>>
        %dma_wait3A_2343 = tpu.memref_slice %arg8[%dma_wait3A_2339, %mul3A_2338] : memref<5x512xi32, #tpu.memory_space<vmem>> -> memref<1x64xi32, #tpu.memory_space<vmem>>
        %dma_wait3A_2344 = tpu.memref_squeeze %dma_wait3A_2343 : memref<1x64xi32, #tpu.memory_space<vmem>> -> memref<64xi32, #tpu.memory_space<vmem>>
        %dma_wait3A_2345 = arith.constant 0 : i32
        %dma_wait3A_2346 = arith.constant 0 : i32
        %dma_wait3A_2347 = tpu.memref_slice %arg4[%dma_wait3A_2345, %dma_wait3A_2346] : memref<1000000x128xf32, #tpu.memory_space<hbm>> -> memref<1000000x128xf32, #tpu.memory_space<hbm>>
        tpu.wait_indirect_dma semaphore(%arg16 : memref<!tpu.dma_semaphore, #tpu.memory_space<semaphore_mem>>) src(%dma_wait3A_2347 : memref<1000000x128xf32, #tpu.memory_space<hbm>>) dst(%dma_wait3A_2342 : memref<64x128xf32, #tpu.memory_space<vmem>>)
        %mul3A_2348 = arith.constant 64 : i32
        %mul3A_2349 = arith.muli %scan3A_2282, %mul3A_2348 : i32
        %dma_wait3A_2350 = arith.constant 4 : i32
        %dma_wait3A_2351 = arith.constant 256 : i32
        %dma_wait3A_2352 = arith.constant 0 : i32
        %dma_wait3A_2353 = tpu.memref_slice %arg11[%dma_wait3A_2351, %dma_wait3A_2352] : memref<320x128xf32, #tpu.memory_space<vmem>> -> memref<64x128xf32, #tpu.memory_space<vmem>>
        %dma_wait3A_2354 = tpu.memref_slice %arg8[%dma_wait3A_2350, %mul3A_2349] : memref<5x512xi32, #tpu.memory_space<vmem>> -> memref<1x64xi32, #tpu.memory_space<vmem>>
        %dma_wait3A_2355 = tpu.memref_squeeze %dma_wait3A_2354 : memref<1x64xi32, #tpu.memory_space<vmem>> -> memref<64xi32, #tpu.memory_space<vmem>>
        %dma_wait3A_2356 = arith.constant 0 : i32
        %dma_wait3A_2357 = arith.constant 0 : i32
        %dma_wait3A_2358 = tpu.memref_slice %arg4[%dma_wait3A_2356, %dma_wait3A_2357] : memref<1000000x128xf32, #tpu.memory_space<hbm>> -> memref<1000000x128xf32, #tpu.memory_space<hbm>>
        tpu.wait_indirect_dma semaphore(%arg16 : memref<!tpu.dma_semaphore, #tpu.memory_space<semaphore_mem>>) src(%dma_wait3A_2358 : memref<1000000x128xf32, #tpu.memory_space<hbm>>) dst(%dma_wait3A_2353 : memref<64x128xf32, #tpu.memory_space<vmem>>)
        %add3A_2359 = arith.constant 1 : i32
        %add3A_2360 = arith.addi %scan3A_2282, %add3A_2359 : i32
        %lt3A_2361 = arith.constant 8 : i32
        %lt3A_2362 = arith.cmpi slt, %add3A_2360, %lt3A_2361 : i32
        %convert_element_type3A_2363 = arith.extui %lt3A_2362 : i1 to i32
        %cond3A_2364 = arith.constant 0 : i32
        %cond3A_2365 = arith.cmpi ne, %convert_element_type3A_2363, %cond3A_2364 : i32
        scf.if %cond3A_2365 {
          %add3A_2373 = arith.constant 1 : i32
          %add3A_2374 = arith.addi %scan3A_2282, %add3A_2373 : i32
          %mul3A_2375 = arith.constant 64 : i32
          %mul3A_2376 = arith.muli %add3A_2374, %mul3A_2375 : i32
          %dma_start3A_2377 = tpu.memref_slice %arg7[%mul3A_2376] : memref<512xi32, #tpu.memory_space<vmem>> -> memref<64xi32, #tpu.memory_space<vmem>>
          %dma_start3A_2378 = arith.constant 0 : i32
          %dma_start3A_2379 = arith.constant 0 : i32
          %dma_start3A_2380 = tpu.memref_slice %arg4[%dma_start3A_2378, %dma_start3A_2379] : memref<1000000x128xf32, #tpu.memory_space<hbm>> -> memref<1000000x128xf32, #tpu.memory_space<hbm>>
          tpu.enqueue_indirect_dma source(%dma_start3A_2380 : memref<1000000x128xf32, #tpu.memory_space<hbm>>) target(%arg10 : memref<64x128xf32, #tpu.memory_space<vmem>>) offsets(%dma_start3A_2377 : memref<64xi32, #tpu.memory_space<vmem>>) semaphore(%arg17 : memref<!tpu.dma_semaphore, #tpu.memory_space<semaphore_mem>>)
          %mul3A_2381 = arith.constant 64 : i32
          %mul3A_2382 = arith.muli %add3A_2374, %mul3A_2381 : i32
          %dma_start3A_2383 = arith.constant 0 : i32
          %dma_start3A_2384 = arith.constant 0 : i32
          %dma_start3A_2385 = arith.constant 0 : i32
          %dma_start3A_2386 = tpu.memref_slice %arg12[%dma_start3A_2384, %dma_start3A_2385] : memref<320x128xf32, #tpu.memory_space<vmem>> -> memref<64x128xf32, #tpu.memory_space<vmem>>
          %dma_start3A_2387 = tpu.memref_slice %arg8[%dma_start3A_2383, %mul3A_2382] : memref<5x512xi32, #tpu.memory_space<vmem>> -> memref<1x64xi32, #tpu.memory_space<vmem>>
          %dma_start3A_2388 = tpu.memref_squeeze %dma_start3A_2387 : memref<1x64xi32, #tpu.memory_space<vmem>> -> memref<64xi32, #tpu.memory_space<vmem>>
          %dma_start3A_2389 = arith.constant 0 : i32
          %dma_start3A_2390 = arith.constant 0 : i32
          %dma_start3A_2391 = tpu.memref_slice %arg4[%dma_start3A_2389, %dma_start3A_2390] : memref<1000000x128xf32, #tpu.memory_space<hbm>> -> memref<1000000x128xf32, #tpu.memory_space<hbm>>
          tpu.enqueue_indirect_dma source(%dma_start3A_2391 : memref<1000000x128xf32, #tpu.memory_space<hbm>>) target(%dma_start3A_2386 : memref<64x128xf32, #tpu.memory_space<vmem>>) offsets(%dma_start3A_2388 : memref<64xi32, #tpu.memory_space<vmem>>) semaphore(%arg17 : memref<!tpu.dma_semaphore, #tpu.memory_space<semaphore_mem>>)
          %mul3A_2392 = arith.constant 64 : i32
          %mul3A_2393 = arith.muli %add3A_2374, %mul3A_2392 : i32
          %dma_start3A_2394 = arith.constant 1 : i32
          %dma_start3A_2395 = arith.constant 64 : i32
          %dma_start3A_2396 = arith.constant 0 : i32
          %dma_start3A_2397 = tpu.memref_slice %arg12[%dma_start3A_2395, %dma_start3A_2396] : memref<320x128xf32, #tpu.memory_space<vmem>> -> memref<64x128xf32, #tpu.memory_space<vmem>>
          %dma_start3A_2398 = tpu.memref_slice %arg8[%dma_start3A_2394, %mul3A_2393] : memref<5x512xi32, #tpu.memory_space<vmem>> -> memref<1x64xi32, #tpu.memory_space<vmem>>
          %dma_start3A_2399 = tpu.memref_squeeze %dma_start3A_2398 : memref<1x64xi32, #tpu.memory_space<vmem>> -> memref<64xi32, #tpu.memory_space<vmem>>
          %dma_start3A_2400 = arith.constant 0 : i32
          %dma_start3A_2401 = arith.constant 0 : i32
          %dma_start3A_2402 = tpu.memref_slice %arg4[%dma_start3A_2400, %dma_start3A_2401] : memref<1000000x128xf32, #tpu.memory_space<hbm>> -> memref<1000000x128xf32, #tpu.memory_space<hbm>>
          tpu.enqueue_indirect_dma source(%dma_start3A_2402 : memref<1000000x128xf32, #tpu.memory_space<hbm>>) target(%dma_start3A_2397 : memref<64x128xf32, #tpu.memory_space<vmem>>) offsets(%dma_start3A_2399 : memref<64xi32, #tpu.memory_space<vmem>>) semaphore(%arg17 : memref<!tpu.dma_semaphore, #tpu.memory_space<semaphore_mem>>)
          %mul3A_2403 = arith.constant 64 : i32
          %mul3A_2404 = arith.muli %add3A_2374, %mul3A_2403 : i32
          %dma_start3A_2405 = arith.constant 2 : i32
          %dma_start3A_2406 = arith.constant 128 : i32
          %dma_start3A_2407 = arith.constant 0 : i32
          %dma_start3A_2408 = tpu.memref_slice %arg12[%dma_start3A_2406, %dma_start3A_2407] : memref<320x128xf32, #tpu.memory_space<vmem>> -> memref<64x128xf32, #tpu.memory_space<vmem>>
          %dma_start3A_2409 = tpu.memref_slice %arg8[%dma_start3A_2405, %mul3A_2404] : memref<5x512xi32, #tpu.memory_space<vmem>> -> memref<1x64xi32, #tpu.memory_space<vmem>>
          %dma_start3A_2410 = tpu.memref_squeeze %dma_start3A_2409 : memref<1x64xi32, #tpu.memory_space<vmem>> -> memref<64xi32, #tpu.memory_space<vmem>>
          %dma_start3A_2411 = arith.constant 0 : i32
          %dma_start3A_2412 = arith.constant 0 : i32
          %dma_start3A_2413 = tpu.memref_slice %arg4[%dma_start3A_2411, %dma_start3A_2412] : memref<1000000x128xf32, #tpu.memory_space<hbm>> -> memref<1000000x128xf32, #tpu.memory_space<hbm>>
          tpu.enqueue_indirect_dma source(%dma_start3A_2413 : memref<1000000x128xf32, #tpu.memory_space<hbm>>) target(%dma_start3A_2408 : memref<64x128xf32, #tpu.memory_space<vmem>>) offsets(%dma_start3A_2410 : memref<64xi32, #tpu.memory_space<vmem>>) semaphore(%arg17 : memref<!tpu.dma_semaphore, #tpu.memory_space<semaphore_mem>>)
          %mul3A_2414 = arith.constant 64 : i32
          %mul3A_2415 = arith.muli %add3A_2374, %mul3A_2414 : i32
          %dma_start3A_2416 = arith.constant 3 : i32
          %dma_start3A_2417 = arith.constant 192 : i32
          %dma_start3A_2418 = arith.constant 0 : i32
          %dma_start3A_2419 = tpu.memref_slice %arg12[%dma_start3A_2417, %dma_start3A_2418] : memref<320x128xf32, #tpu.memory_space<vmem>> -> memref<64x128xf32, #tpu.memory_space<vmem>>
          %dma_start3A_2420 = tpu.memref_slice %arg8[%dma_start3A_2416, %mul3A_2415] : memref<5x512xi32, #tpu.memory_space<vmem>> -> memref<1x64xi32, #tpu.memory_space<vmem>>
          %dma_start3A_2421 = tpu.memref_squeeze %dma_start3A_2420 : memref<1x64xi32, #tpu.memory_space<vmem>> -> memref<64xi32, #tpu.memory_space<vmem>>
          %dma_start3A_2422 = arith.constant 0 : i32
          %dma_start3A_2423 = arith.constant 0 : i32
          %dma_start3A_2424 = tpu.memref_slice %arg4[%dma_start3A_2422, %dma_start3A_2423] : memref<1000000x128xf32, #tpu.memory_space<hbm>> -> memref<1000000x128xf32, #tpu.memory_space<hbm>>
          tpu.enqueue_indirect_dma source(%dma_start3A_2424 : memref<1000000x128xf32, #tpu.memory_space<hbm>>) target(%dma_start3A_2419 : memref<64x128xf32, #tpu.memory_space<vmem>>) offsets(%dma_start3A_2421 : memref<64xi32, #tpu.memory_space<vmem>>) semaphore(%arg17 : memref<!tpu.dma_semaphore, #tpu.memory_space<semaphore_mem>>)
          %mul3A_2425 = arith.constant 64 : i32
          %mul3A_2426 = arith.muli %add3A_2374, %mul3A_2425 : i32
          %dma_start3A_2427 = arith.constant 4 : i32
          %dma_start3A_2428 = arith.constant 256 : i32
          %dma_start3A_2429 = arith.constant 0 : i32
          %dma_start3A_2430 = tpu.memref_slice %arg12[%dma_start3A_2428, %dma_start3A_2429] : memref<320x128xf32, #tpu.memory_space<vmem>> -> memref<64x128xf32, #tpu.memory_space<vmem>>
          %dma_start3A_2431 = tpu.memref_slice %arg8[%dma_start3A_2427, %mul3A_2426] : memref<5x512xi32, #tpu.memory_space<vmem>> -> memref<1x64xi32, #tpu.memory_space<vmem>>
          %dma_start3A_2432 = tpu.memref_squeeze %dma_start3A_2431 : memref<1x64xi32, #tpu.memory_space<vmem>> -> memref<64xi32, #tpu.memory_space<vmem>>
          %dma_start3A_2433 = arith.constant 0 : i32
          %dma_start3A_2434 = arith.constant 0 : i32
          %dma_start3A_2435 = tpu.memref_slice %arg4[%dma_start3A_2433, %dma_start3A_2434] : memref<1000000x128xf32, #tpu.memory_space<hbm>> -> memref<1000000x128xf32, #tpu.memory_space<hbm>>
          tpu.enqueue_indirect_dma source(%dma_start3A_2435 : memref<1000000x128xf32, #tpu.memory_space<hbm>>) target(%dma_start3A_2430 : memref<64x128xf32, #tpu.memory_space<vmem>>) offsets(%dma_start3A_2432 : memref<64xi32, #tpu.memory_space<vmem>>) semaphore(%arg17 : memref<!tpu.dma_semaphore, #tpu.memory_space<semaphore_mem>>)
        } else {
        }
        %scan3A_2366 = arith.constant 0 : i32
        %scan3A_2367 = arith.constant 0 : i32
        %scan3A_2368 = arith.constant 4 : i32
        %scan3A_2369 = arith.addi %scan3A_2367, %scan3A_2368 : i32
        %scan3A_2370 = arith.constant 1 : i32
        scf.for %scan3A_2373 = %scan3A_2367 to %scan3A_2369 step %scan3A_2370  : i32 {
          %broadcast_in_dim3A_2374 = arith.constant 0.000000e+00 : f32
          %broadcast_in_dim3A_2375 = vector.broadcast %broadcast_in_dim3A_2374 : f32 to vector<16xf32>
          %broadcast_in_dim3A_2376 = arith.constant 0.000000e+00 : f32
          %broadcast_in_dim3A_2377 = vector.broadcast %broadcast_in_dim3A_2376 : f32 to vector<16xf32>
          %broadcast_in_dim3A_2378 = arith.constant 0.000000e+00 : f32
          %broadcast_in_dim3A_2379 = vector.broadcast %broadcast_in_dim3A_2378 : f32 to vector<16xf32>
          %broadcast_in_dim3A_2380 = arith.constant 0.000000e+00 : f32
          %broadcast_in_dim3A_2381 = vector.broadcast %broadcast_in_dim3A_2380 : f32 to vector<16xf32>
          %broadcast_in_dim3A_2382 = arith.constant 0.000000e+00 : f32
          %broadcast_in_dim3A_2383 = vector.broadcast %broadcast_in_dim3A_2382 : f32 to vector<16xf32>
          %scan3A_2384 = arith.constant 0 : i32
          %scan3A_2385 = arith.constant 16 : i32
          %scan3A_2386 = arith.addi %scan3A_2384, %scan3A_2385 : i32
          %scan3A_2387 = arith.constant 1 : i32
          %scan3A_2388:5 = scf.for %scan3A_2435 = %scan3A_2384 to %scan3A_2386 step %scan3A_2387 iter_args(%scan3A_2436 = %broadcast_in_dim3A_2375, %scan3A_2437 = %broadcast_in_dim3A_2377, %scan3A_2438 = %broadcast_in_dim3A_2379, %scan3A_2439 = %broadcast_in_dim3A_2381, %scan3A_2440 = %broadcast_in_dim3A_2383) -> (vector<16xf32>, vector<16xf32>, vector<16xf32>, vector<16xf32>, vector<16xf32>)  : i32 {
            %mul3A_2441 = arith.constant 16 : i32
            %mul3A_2442 = arith.muli %scan3A_2373, %mul3A_2441 : i32
            %add3A_2443 = arith.addi %mul3A_2442, %scan3A_2435 : i32
            %get3A_2444 = arith.index_cast %add3A_2443 : i32 to index
            %get3A_2445 = arith.constant 0 : index
            %get3A_2446 = tpu.vector_load %arg9[%get3A_2444, %get3A_2445] {strides = array<i32>} : memref<64x128xf32, #tpu.memory_space<vmem>>, vector<16xf32>,
            %get3A_2447 = arith.index_cast %add3A_2443 : i32 to index
            %get3A_2448 = arith.constant 16 : index
            %get3A_2449 = tpu.vector_load %arg9[%get3A_2447, %get3A_2448] {strides = array<i32>} : memref<64x128xf32, #tpu.memory_space<vmem>>, vector<16xf32>,
            %get3A_2450 = arith.index_cast %add3A_2443 : i32 to index
            %get3A_2451 = arith.constant 32 : index
            %get3A_2452 = tpu.vector_load %arg9[%get3A_2450, %get3A_2451] {strides = array<i32>} : memref<64x128xf32, #tpu.memory_space<vmem>>, vector<16xf32>,
            %get3A_2453 = arith.index_cast %add3A_2443 : i32 to index
            %get3A_2454 = arith.constant 48 : index
            %get3A_2455 = tpu.vector_load %arg9[%get3A_2453, %get3A_2454] {strides = array<i32>} : memref<64x128xf32, #tpu.memory_space<vmem>>, vector<16xf32>,
            %get3A_2456 = arith.index_cast %add3A_2443 : i32 to index
            %get3A_2457 = arith.constant 64 : index
            %get3A_2458 = tpu.vector_load %arg9[%get3A_2456, %get3A_2457] {strides = array<i32>} : memref<64x128xf32, #tpu.memory_space<vmem>>, vector<16xf32>,
            %get3A_2459 = arith.index_cast %add3A_2443 : i32 to index
            %get3A_2460 = arith.constant 80 : index
            %get3A_2461 = tpu.vector_load %arg9[%get3A_2459, %get3A_2460] {strides = array<i32>} : memref<64x128xf32, #tpu.memory_space<vmem>>, vector<16xf32>,
            %get3A_2462 = arith.index_cast %add3A_2443 : i32 to index
            %get3A_2463 = arith.constant 96 : index
            %get3A_2464 = tpu.vector_load %arg9[%get3A_2462, %get3A_2463] {strides = array<i32>} : memref<64x128xf32, #tpu.memory_space<vmem>>, vector<16xf32>,
            %get3A_2465 = arith.index_cast %add3A_2443 : i32 to index
            %get3A_2466 = arith.constant 112 : index
            %get3A_2467 = tpu.vector_load %arg9[%get3A_2465, %get3A_2466] {strides = array<i32>} : memref<64x128xf32, #tpu.memory_space<vmem>>, vector<16xf32>,
            %add3A_2468 = arith.constant 0 : i32
            %add3A_2469 = arith.addi %add3A_2468, %add3A_2443 : i32
            %get3A_2470 = arith.index_cast %add3A_2469 : i32 to index
            %get3A_2471 = arith.constant 0 : index
            %get3A_2472 = tpu.vector_load %arg11[%get3A_2470, %get3A_2471] {strides = array<i32>} : memref<320x128xf32, #tpu.memory_space<vmem>>, vector<16xf32>,
            %mul3A_2473 = arith.mulf %get3A_2446, %get3A_2472 : vector<16xf32>
            %get3A_2474 = arith.index_cast %add3A_2469 : i32 to index
            %get3A_2475 = arith.constant 16 : index
            %get3A_2476 = tpu.vector_load %arg11[%get3A_2474, %get3A_2475] {strides = array<i32>} : memref<320x128xf32, #tpu.memory_space<vmem>>, vector<16xf32>,
            %mul3A_2477 = arith.mulf %get3A_2449, %get3A_2476 : vector<16xf32>
            %add3A_2478 = arith.addf %mul3A_2473, %mul3A_2477 : vector<16xf32>
            %get3A_2479 = arith.index_cast %add3A_2469 : i32 to index
            %get3A_2480 = arith.constant 32 : index
            %get3A_2481 = tpu.vector_load %arg11[%get3A_2479, %get3A_2480] {strides = array<i32>} : memref<320x128xf32, #tpu.memory_space<vmem>>, vector<16xf32>,
            %mul3A_2482 = arith.mulf %get3A_2452, %get3A_2481 : vector<16xf32>
            %add3A_2483 = arith.addf %add3A_2478, %mul3A_2482 : vector<16xf32>
            %get3A_2484 = arith.index_cast %add3A_2469 : i32 to index
            %get3A_2485 = arith.constant 48 : index
            %get3A_2486 = tpu.vector_load %arg11[%get3A_2484, %get3A_2485] {strides = array<i32>} : memref<320x128xf32, #tpu.memory_space<vmem>>, vector<16xf32>,
            %mul3A_2487 = arith.mulf %get3A_2455, %get3A_2486 : vector<16xf32>
            %add3A_2488 = arith.addf %add3A_2483, %mul3A_2487 : vector<16xf32>
            %get3A_2489 = arith.index_cast %add3A_2469 : i32 to index
            %get3A_2490 = arith.constant 64 : index
            %get3A_2491 = tpu.vector_load %arg11[%get3A_2489, %get3A_2490] {strides = array<i32>} : memref<320x128xf32, #tpu.memory_space<vmem>>, vector<16xf32>,
            %mul3A_2492 = arith.mulf %get3A_2458, %get3A_2491 : vector<16xf32>
            %add3A_2493 = arith.addf %add3A_2488, %mul3A_2492 : vector<16xf32>
            %get3A_2494 = arith.index_cast %add3A_2469 : i32 to index
            %get3A_2495 = arith.constant 80 : index
            %get3A_2496 = tpu.vector_load %arg11[%get3A_2494, %get3A_2495] {strides = array<i32>} : memref<320x128xf32, #tpu.memory_space<vmem>>, vector<16xf32>,
            %mul3A_2497 = arith.mulf %get3A_2461, %get3A_2496 : vector<16xf32>
            %add3A_2498 = arith.addf %add3A_2493, %mul3A_2497 : vector<16xf32>
            %get3A_2499 = arith.index_cast %add3A_2469 : i32 to index
            %get3A_2500 = arith.constant 96 : index
            %get3A_2501 = tpu.vector_load %arg11[%get3A_2499, %get3A_2500] {strides = array<i32>} : memref<320x128xf32, #tpu.memory_space<vmem>>, vector<16xf32>,
            %mul3A_2502 = arith.mulf %get3A_2464, %get3A_2501 : vector<16xf32>
            %add3A_2503 = arith.addf %add3A_2498, %mul3A_2502 : vector<16xf32>
            %get3A_2504 = arith.index_cast %add3A_2469 : i32 to index
            %get3A_2505 = arith.constant 112 : index
            %get3A_2506 = tpu.vector_load %arg11[%get3A_2504, %get3A_2505] {strides = array<i32>} : memref<320x128xf32, #tpu.memory_space<vmem>>, vector<16xf32>,
            %mul3A_2507 = arith.mulf %get3A_2467, %get3A_2506 : vector<16xf32>
            %add3A_2508 = arith.addf %add3A_2503, %mul3A_2507 : vector<16xf32>
            %reduce_sum3A_2509 = arith.constant true
            %reduce_sum3A_2510 = vector.broadcast %reduce_sum3A_2509 : i1 to vector<16xi1>
            %reduce_sum3A_2511 = tpu.scan <sum>, %add3A_2508 masked %reduce_sum3A_2510 : vector<16xf32>, vector<16xi1> -> vector<16xf32>
            %reduce_sum3A_2512 = vector.extract %reduce_sum3A_2511[15] : f32 from vector<16xf32>
            %eq3A_2513 = vector.broadcast %scan3A_2435 : i32 to vector<16xi32>
            %eq3A_2514 = arith.cmpi eq, %iota3A, %eq3A_2513 : vector<16xi32>
            %broadcast_in_dim3A_2515 = vector.broadcast %reduce_sum3A_2512 : f32 to vector<16xf32>
            %select_n3A_2516 = arith.select %eq3A_2514, %broadcast_in_dim3A_2515, %scan3A_2436 : vector<16xi1>, vector<16xf32>
            %add3A_2517 = arith.constant 64 : i32
            %add3A_2518 = arith.addi %add3A_2517, %add3A_2443 : i32
            %get3A_2519 = arith.index_cast %add3A_2518 : i32 to index
            %get3A_2520 = arith.constant 0 : index
            %get3A_2521 = tpu.vector_load %arg11[%get3A_2519, %get3A_2520] {strides = array<i32>} : memref<320x128xf32, #tpu.memory_space<vmem>>, vector<16xf32>,
            %mul3A_2522 = arith.mulf %get3A_2446, %get3A_2521 : vector<16xf32>
            %get3A_2523 = arith.index_cast %add3A_2518 : i32 to index
            %get3A_2524 = arith.constant 16 : index
            %get3A_2525 = tpu.vector_load %arg11[%get3A_2523, %get3A_2524] {strides = array<i32>} : memref<320x128xf32, #tpu.memory_space<vmem>>, vector<16xf32>,
            %mul3A_2526 = arith.mulf %get3A_2449, %get3A_2525 : vector<16xf32>
            %add3A_2527 = arith.addf %mul3A_2522, %mul3A_2526 : vector<16xf32>
            %get3A_2528 = arith.index_cast %add3A_2518 : i32 to index
            %get3A_2529 = arith.constant 32 : index
            %get3A_2530 = tpu.vector_load %arg11[%get3A_2528, %get3A_2529] {strides = array<i32>} : memref<320x128xf32, #tpu.memory_space<vmem>>, vector<16xf32>,
            %mul3A_2531 = arith.mulf %get3A_2452, %get3A_2530 : vector<16xf32>
            %add3A_2532 = arith.addf %add3A_2527, %mul3A_2531 : vector<16xf32>
            %get3A_2533 = arith.index_cast %add3A_2518 : i32 to index
            %get3A_2534 = arith.constant 48 : index
            %get3A_2535 = tpu.vector_load %arg11[%get3A_2533, %get3A_2534] {strides = array<i32>} : memref<320x128xf32, #tpu.memory_space<vmem>>, vector<16xf32>,
            %mul3A_2536 = arith.mulf %get3A_2455, %get3A_2535 : vector<16xf32>
            %add3A_2537 = arith.addf %add3A_2532, %mul3A_2536 : vector<16xf32>
            %get3A_2538 = arith.index_cast %add3A_2518 : i32 to index
            %get3A_2539 = arith.constant 64 : index
            %get3A_2540 = tpu.vector_load %arg11[%get3A_2538, %get3A_2539] {strides = array<i32>} : memref<320x128xf32, #tpu.memory_space<vmem>>, vector<16xf32>,
            %mul3A_2541 = arith.mulf %get3A_2458, %get3A_2540 : vector<16xf32>
            %add3A_2542 = arith.addf %add3A_2537, %mul3A_2541 : vector<16xf32>
            %get3A_2543 = arith.index_cast %add3A_2518 : i32 to index
            %get3A_2544 = arith.constant 80 : index
            %get3A_2545 = tpu.vector_load %arg11[%get3A_2543, %get3A_2544] {strides = array<i32>} : memref<320x128xf32, #tpu.memory_space<vmem>>, vector<16xf32>,
            %mul3A_2546 = arith.mulf %get3A_2461, %get3A_2545 : vector<16xf32>
            %add3A_2547 = arith.addf %add3A_2542, %mul3A_2546 : vector<16xf32>
            %get3A_2548 = arith.index_cast %add3A_2518 : i32 to index
            %get3A_2549 = arith.constant 96 : index
            %get3A_2550 = tpu.vector_load %arg11[%get3A_2548, %get3A_2549] {strides = array<i32>} : memref<320x128xf32, #tpu.memory_space<vmem>>, vector<16xf32>,
            %mul3A_2551 = arith.mulf %get3A_2464, %get3A_2550 : vector<16xf32>
            %add3A_2552 = arith.addf %add3A_2547, %mul3A_2551 : vector<16xf32>
            %get3A_2553 = arith.index_cast %add3A_2518 : i32 to index
            %get3A_2554 = arith.constant 112 : index
            %get3A_2555 = tpu.vector_load %arg11[%get3A_2553, %get3A_2554] {strides = array<i32>} : memref<320x128xf32, #tpu.memory_space<vmem>>, vector<16xf32>,
            %mul3A_2556 = arith.mulf %get3A_2467, %get3A_2555 : vector<16xf32>
            %add3A_2557 = arith.addf %add3A_2552, %mul3A_2556 : vector<16xf32>
            %reduce_sum3A_2558 = arith.constant true
            %reduce_sum3A_2559 = vector.broadcast %reduce_sum3A_2558 : i1 to vector<16xi1>
            %reduce_sum3A_2560 = tpu.scan <sum>, %add3A_2557 masked %reduce_sum3A_2559 : vector<16xf32>, vector<16xi1> -> vector<16xf32>
            %reduce_sum3A_2561 = vector.extract %reduce_sum3A_2560[15] : f32 from vector<16xf32>
            %eq3A_2562 = vector.broadcast %scan3A_2435 : i32 to vector<16xi32>
            %eq3A_2563 = arith.cmpi eq, %iota3A, %eq3A_2562 : vector<16xi32>
            %broadcast_in_dim3A_2564 = vector.broadcast %reduce_sum3A_2561 : f32 to vector<16xf32>
            %select_n3A_2565 = arith.select %eq3A_2563, %broadcast_in_dim3A_2564, %scan3A_2437 : vector<16xi1>, vector<16xf32>
            %add3A_2566 = arith.constant 128 : i32
            %add3A_2567 = arith.addi %add3A_2566, %add3A_2443 : i32
            %get3A_2568 = arith.index_cast %add3A_2567 : i32 to index
            %get3A_2569 = arith.constant 0 : index
            %get3A_2570 = tpu.vector_load %arg11[%get3A_2568, %get3A_2569] {strides = array<i32>} : memref<320x128xf32, #tpu.memory_space<vmem>>, vector<16xf32>,
            %mul3A_2571 = arith.mulf %get3A_2446, %get3A_2570 : vector<16xf32>
            %get3A_2572 = arith.index_cast %add3A_2567 : i32 to index
            %get3A_2573 = arith.constant 16 : index
            %get3A_2574 = tpu.vector_load %arg11[%get3A_2572, %get3A_2573] {strides = array<i32>} : memref<320x128xf32, #tpu.memory_space<vmem>>, vector<16xf32>,
            %mul3A_2575 = arith.mulf %get3A_2449, %get3A_2574 : vector<16xf32>
            %add3A_2576 = arith.addf %mul3A_2571, %mul3A_2575 : vector<16xf32>
            %get3A_2577 = arith.index_cast %add3A_2567 : i32 to index
            %get3A_2578 = arith.constant 32 : index
            %get3A_2579 = tpu.vector_load %arg11[%get3A_2577, %get3A_2578] {strides = array<i32>} : memref<320x128xf32, #tpu.memory_space<vmem>>, vector<16xf32>,
            %mul3A_2580 = arith.mulf %get3A_2452, %get3A_2579 : vector<16xf32>
            %add3A_2581 = arith.addf %add3A_2576, %mul3A_2580 : vector<16xf32>
            %get3A_2582 = arith.index_cast %add3A_2567 : i32 to index
            %get3A_2583 = arith.constant 48 : index
            %get3A_2584 = tpu.vector_load %arg11[%get3A_2582, %get3A_2583] {strides = array<i32>} : memref<320x128xf32, #tpu.memory_space<vmem>>, vector<16xf32>,
            %mul3A_2585 = arith.mulf %get3A_2455, %get3A_2584 : vector<16xf32>
            %add3A_2586 = arith.addf %add3A_2581, %mul3A_2585 : vector<16xf32>
            %get3A_2587 = arith.index_cast %add3A_2567 : i32 to index
            %get3A_2588 = arith.constant 64 : index
            %get3A_2589 = tpu.vector_load %arg11[%get3A_2587, %get3A_2588] {strides = array<i32>} : memref<320x128xf32, #tpu.memory_space<vmem>>, vector<16xf32>,
            %mul3A_2590 = arith.mulf %get3A_2458, %get3A_2589 : vector<16xf32>
            %add3A_2591 = arith.addf %add3A_2586, %mul3A_2590 : vector<16xf32>
            %get3A_2592 = arith.index_cast %add3A_2567 : i32 to index
            %get3A_2593 = arith.constant 80 : index
            %get3A_2594 = tpu.vector_load %arg11[%get3A_2592, %get3A_2593] {strides = array<i32>} : memref<320x128xf32, #tpu.memory_space<vmem>>, vector<16xf32>,
            %mul3A_2595 = arith.mulf %get3A_2461, %get3A_2594 : vector<16xf32>
            %add3A_2596 = arith.addf %add3A_2591, %mul3A_2595 : vector<16xf32>
            %get3A_2597 = arith.index_cast %add3A_2567 : i32 to index
            %get3A_2598 = arith.constant 96 : index
            %get3A_2599 = tpu.vector_load %arg11[%get3A_2597, %get3A_2598] {strides = array<i32>} : memref<320x128xf32, #tpu.memory_space<vmem>>, vector<16xf32>,
            %mul3A_2600 = arith.mulf %get3A_2464, %get3A_2599 : vector<16xf32>
            %add3A_2601 = arith.addf %add3A_2596, %mul3A_2600 : vector<16xf32>
            %get3A_2602 = arith.index_cast %add3A_2567 : i32 to index
            %get3A_2603 = arith.constant 112 : index
            %get3A_2604 = tpu.vector_load %arg11[%get3A_2602, %get3A_2603] {strides = array<i32>} : memref<320x128xf32, #tpu.memory_space<vmem>>, vector<16xf32>,
            %mul3A_2605 = arith.mulf %get3A_2467, %get3A_2604 : vector<16xf32>
            %add3A_2606 = arith.addf %add3A_2601, %mul3A_2605 : vector<16xf32>
            %reduce_sum3A_2607 = arith.constant true
            %reduce_sum3A_2608 = vector.broadcast %reduce_sum3A_2607 : i1 to vector<16xi1>
            %reduce_sum3A_2609 = tpu.scan <sum>, %add3A_2606 masked %reduce_sum3A_2608 : vector<16xf32>, vector<16xi1> -> vector<16xf32>
            %reduce_sum3A_2610 = vector.extract %reduce_sum3A_2609[15] : f32 from vector<16xf32>
            %eq3A_2611 = vector.broadcast %scan3A_2435 : i32 to vector<16xi32>
            %eq3A_2612 = arith.cmpi eq, %iota3A, %eq3A_2611 : vector<16xi32>
            %broadcast_in_dim3A_2613 = vector.broadcast %reduce_sum3A_2610 : f32 to vector<16xf32>
            %select_n3A_2614 = arith.select %eq3A_2612, %broadcast_in_dim3A_2613, %scan3A_2438 : vector<16xi1>, vector<16xf32>
            %add3A_2615 = arith.constant 192 : i32
            %add3A_2616 = arith.addi %add3A_2615, %add3A_2443 : i32
            %get3A_2617 = arith.index_cast %add3A_2616 : i32 to index
            %get3A_2618 = arith.constant 0 : index
            %get3A_2619 = tpu.vector_load %arg11[%get3A_2617, %get3A_2618] {strides = array<i32>} : memref<320x128xf32, #tpu.memory_space<vmem>>, vector<16xf32>,
            %mul3A_2620 = arith.mulf %get3A_2446, %get3A_2619 : vector<16xf32>
            %get3A_2621 = arith.index_cast %add3A_2616 : i32 to index
            %get3A_2622 = arith.constant 16 : index
            %get3A_2623 = tpu.vector_load %arg11[%get3A_2621, %get3A_2622] {strides = array<i32>} : memref<320x128xf32, #tpu.memory_space<vmem>>, vector<16xf32>,
            %mul3A_2624 = arith.mulf %get3A_2449, %get3A_2623 : vector<16xf32>
            %add3A_2625 = arith.addf %mul3A_2620, %mul3A_2624 : vector<16xf32>
            %get3A_2626 = arith.index_cast %add3A_2616 : i32 to index
            %get3A_2627 = arith.constant 32 : index
            %get3A_2628 = tpu.vector_load %arg11[%get3A_2626, %get3A_2627] {strides = array<i32>} : memref<320x128xf32, #tpu.memory_space<vmem>>, vector<16xf32>,
            %mul3A_2629 = arith.mulf %get3A_2452, %get3A_2628 : vector<16xf32>
            %add3A_2630 = arith.addf %add3A_2625, %mul3A_2629 : vector<16xf32>
            %get3A_2631 = arith.index_cast %add3A_2616 : i32 to index
            %get3A_2632 = arith.constant 48 : index
            %get3A_2633 = tpu.vector_load %arg11[%get3A_2631, %get3A_2632] {strides = array<i32>} : memref<320x128xf32, #tpu.memory_space<vmem>>, vector<16xf32>,
            %mul3A_2634 = arith.mulf %get3A_2455, %get3A_2633 : vector<16xf32>
            %add3A_2635 = arith.addf %add3A_2630, %mul3A_2634 : vector<16xf32>
            %get3A_2636 = arith.index_cast %add3A_2616 : i32 to index
            %get3A_2637 = arith.constant 64 : index
            %get3A_2638 = tpu.vector_load %arg11[%get3A_2636, %get3A_2637] {strides = array<i32>} : memref<320x128xf32, #tpu.memory_space<vmem>>, vector<16xf32>,
            %mul3A_2639 = arith.mulf %get3A_2458, %get3A_2638 : vector<16xf32>
            %add3A_2640 = arith.addf %add3A_2635, %mul3A_2639 : vector<16xf32>
            %get3A_2641 = arith.index_cast %add3A_2616 : i32 to index
            %get3A_2642 = arith.constant 80 : index
            %get3A_2643 = tpu.vector_load %arg11[%get3A_2641, %get3A_2642] {strides = array<i32>} : memref<320x128xf32, #tpu.memory_space<vmem>>, vector<16xf32>,
            %mul3A_2644 = arith.mulf %get3A_2461, %get3A_2643 : vector<16xf32>
            %add3A_2645 = arith.addf %add3A_2640, %mul3A_2644 : vector<16xf32>
            %get3A_2646 = arith.index_cast %add3A_2616 : i32 to index
            %get3A_2647 = arith.constant 96 : index
            %get3A_2648 = tpu.vector_load %arg11[%get3A_2646, %get3A_2647] {strides = array<i32>} : memref<320x128xf32, #tpu.memory_space<vmem>>, vector<16xf32>,
            %mul3A_2649 = arith.mulf %get3A_2464, %get3A_2648 : vector<16xf32>
            %add3A_2650 = arith.addf %add3A_2645, %mul3A_2649 : vector<16xf32>
            %get3A_2651 = arith.index_cast %add3A_2616 : i32 to index
            %get3A_2652 = arith.constant 112 : index
            %get3A_2653 = tpu.vector_load %arg11[%get3A_2651, %get3A_2652] {strides = array<i32>} : memref<320x128xf32, #tpu.memory_space<vmem>>, vector<16xf32>,
            %mul3A_2654 = arith.mulf %get3A_2467, %get3A_2653 : vector<16xf32>
            %add3A_2655 = arith.addf %add3A_2650, %mul3A_2654 : vector<16xf32>
            %reduce_sum3A_2656 = arith.constant true
            %reduce_sum3A_2657 = vector.broadcast %reduce_sum3A_2656 : i1 to vector<16xi1>
            %reduce_sum3A_2658 = tpu.scan <sum>, %add3A_2655 masked %reduce_sum3A_2657 : vector<16xf32>, vector<16xi1> -> vector<16xf32>
            %reduce_sum3A_2659 = vector.extract %reduce_sum3A_2658[15] : f32 from vector<16xf32>
            %eq3A_2660 = vector.broadcast %scan3A_2435 : i32 to vector<16xi32>
            %eq3A_2661 = arith.cmpi eq, %iota3A, %eq3A_2660 : vector<16xi32>
            %broadcast_in_dim3A_2662 = vector.broadcast %reduce_sum3A_2659 : f32 to vector<16xf32>
            %select_n3A_2663 = arith.select %eq3A_2661, %broadcast_in_dim3A_2662, %scan3A_2439 : vector<16xi1>, vector<16xf32>
            %add3A_2664 = arith.constant 256 : i32
            %add3A_2665 = arith.addi %add3A_2664, %add3A_2443 : i32
            %get3A_2666 = arith.index_cast %add3A_2665 : i32 to index
            %get3A_2667 = arith.constant 0 : index
            %get3A_2668 = tpu.vector_load %arg11[%get3A_2666, %get3A_2667] {strides = array<i32>} : memref<320x128xf32, #tpu.memory_space<vmem>>, vector<16xf32>,
            %mul3A_2669 = arith.mulf %get3A_2446, %get3A_2668 : vector<16xf32>
            %get3A_2670 = arith.index_cast %add3A_2665 : i32 to index
            %get3A_2671 = arith.constant 16 : index
            %get3A_2672 = tpu.vector_load %arg11[%get3A_2670, %get3A_2671] {strides = array<i32>} : memref<320x128xf32, #tpu.memory_space<vmem>>, vector<16xf32>,
            %mul3A_2673 = arith.mulf %get3A_2449, %get3A_2672 : vector<16xf32>
            %add3A_2674 = arith.addf %mul3A_2669, %mul3A_2673 : vector<16xf32>
            %get3A_2675 = arith.index_cast %add3A_2665 : i32 to index
            %get3A_2676 = arith.constant 32 : index
            %get3A_2677 = tpu.vector_load %arg11[%get3A_2675, %get3A_2676] {strides = array<i32>} : memref<320x128xf32, #tpu.memory_space<vmem>>, vector<16xf32>,
            %mul3A_2678 = arith.mulf %get3A_2452, %get3A_2677 : vector<16xf32>
            %add3A_2679 = arith.addf %add3A_2674, %mul3A_2678 : vector<16xf32>
            %get3A_2680 = arith.index_cast %add3A_2665 : i32 to index
            %get3A_2681 = arith.constant 48 : index
            %get3A_2682 = tpu.vector_load %arg11[%get3A_2680, %get3A_2681] {strides = array<i32>} : memref<320x128xf32, #tpu.memory_space<vmem>>, vector<16xf32>,
            %mul3A_2683 = arith.mulf %get3A_2455, %get3A_2682 : vector<16xf32>
            %add3A_2684 = arith.addf %add3A_2679, %mul3A_2683 : vector<16xf32>
            %get3A_2685 = arith.index_cast %add3A_2665 : i32 to index
            %get3A_2686 = arith.constant 64 : index
            %get3A_2687 = tpu.vector_load %arg11[%get3A_2685, %get3A_2686] {strides = array<i32>} : memref<320x128xf32, #tpu.memory_space<vmem>>, vector<16xf32>,
            %mul3A_2688 = arith.mulf %get3A_2458, %get3A_2687 : vector<16xf32>
            %add3A_2689 = arith.addf %add3A_2684, %mul3A_2688 : vector<16xf32>
            %get3A_2690 = arith.index_cast %add3A_2665 : i32 to index
            %get3A_2691 = arith.constant 80 : index
            %get3A_2692 = tpu.vector_load %arg11[%get3A_2690, %get3A_2691] {strides = array<i32>} : memref<320x128xf32, #tpu.memory_space<vmem>>, vector<16xf32>,
            %mul3A_2693 = arith.mulf %get3A_2461, %get3A_2692 : vector<16xf32>
            %add3A_2694 = arith.addf %add3A_2689, %mul3A_2693 : vector<16xf32>
            %get3A_2695 = arith.index_cast %add3A_2665 : i32 to index
            %get3A_2696 = arith.constant 96 : index
            %get3A_2697 = tpu.vector_load %arg11[%get3A_2695, %get3A_2696] {strides = array<i32>} : memref<320x128xf32, #tpu.memory_space<vmem>>, vector<16xf32>,
            %mul3A_2698 = arith.mulf %get3A_2464, %get3A_2697 : vector<16xf32>
            %add3A_2699 = arith.addf %add3A_2694, %mul3A_2698 : vector<16xf32>
            %get3A_2700 = arith.index_cast %add3A_2665 : i32 to index
            %get3A_2701 = arith.constant 112 : index
            %get3A_2702 = tpu.vector_load %arg11[%get3A_2700, %get3A_2701] {strides = array<i32>} : memref<320x128xf32, #tpu.memory_space<vmem>>, vector<16xf32>,
            %mul3A_2703 = arith.mulf %get3A_2467, %get3A_2702 : vector<16xf32>
            %add3A_2704 = arith.addf %add3A_2699, %mul3A_2703 : vector<16xf32>
            %reduce_sum3A_2705 = arith.constant true
            %reduce_sum3A_2706 = vector.broadcast %reduce_sum3A_2705 : i1 to vector<16xi1>
            %reduce_sum3A_2707 = tpu.scan <sum>, %add3A_2704 masked %reduce_sum3A_2706 : vector<16xf32>, vector<16xi1> -> vector<16xf32>
            %reduce_sum3A_2708 = vector.extract %reduce_sum3A_2707[15] : f32 from vector<16xf32>
            %eq3A_2709 = vector.broadcast %scan3A_2435 : i32 to vector<16xi32>
            %eq3A_2710 = arith.cmpi eq, %iota3A, %eq3A_2709 : vector<16xi32>
            %broadcast_in_dim3A_2711 = vector.broadcast %reduce_sum3A_2708 : f32 to vector<16xf32>
            %select_n3A_2712 = arith.select %eq3A_2710, %broadcast_in_dim3A_2711, %scan3A_2440 : vector<16xi1>, vector<16xf32>
            scf.yield %select_n3A_2516, %select_n3A_2565, %select_n3A_2614, %select_n3A_2663, %select_n3A_2712 : vector<16xf32>, vector<16xf32>, vector<16xf32>, vector<16xf32>, vector<16xf32>
          }
          %scan3A_2389 = arith.constant 16 : i32
          %mul3A_2390 = arith.constant 64 : i32
          %mul3A_2391 = arith.muli %scan3A_2282, %mul3A_2390 : i32
          %mul3A_2392 = arith.constant 16 : i32
          %mul3A_2393 = arith.muli %scan3A_2373, %mul3A_2392 : i32
          %add3A_2394 = arith.addi %mul3A_2391, %mul3A_2393 : i32
          %swap3A_2395 = arith.constant 0 : i32
          %swap3A_2396 = arith.index_cast %swap3A_2395 : i32 to index
          %swap3A_2397 = arith.index_cast %add3A_2394 : i32 to index
          %swap3A_2398 = tpu.vector_load %arg13[%swap3A_2396, %swap3A_2397] {strides = array<i32>} : memref<5x512xf32, #tpu.memory_space<vmem>>, vector<16xf32>,
          tpu.vector_store %arg13[%swap3A_2396, %swap3A_2397], %scan3A_2388#0 {strides = array<i32>} : memref<5x512xf32, #tpu.memory_space<vmem>>, vector<16xf32>,
          %mul3A_2399 = arith.constant 64 : i32
          %mul3A_2400 = arith.muli %scan3A_2282, %mul3A_2399 : i32
          %mul3A_2401 = arith.constant 16 : i32
          %mul3A_2402 = arith.muli %scan3A_2373, %mul3A_2401 : i32
          %add3A_2403 = arith.addi %mul3A_2400, %mul3A_2402 : i32
          %swap3A_2404 = arith.constant 1 : i32
          %swap3A_2405 = arith.index_cast %swap3A_2404 : i32 to index
          %swap3A_2406 = arith.index_cast %add3A_2403 : i32 to index
          %swap3A_2407 = tpu.vector_load %arg13[%swap3A_2405, %swap3A_2406] {strides = array<i32>} : memref<5x512xf32, #tpu.memory_space<vmem>>, vector<16xf32>,
          tpu.vector_store %arg13[%swap3A_2405, %swap3A_2406], %scan3A_2388#1 {strides = array<i32>} : memref<5x512xf32, #tpu.memory_space<vmem>>, vector<16xf32>,
          %mul3A_2408 = arith.constant 64 : i32
          %mul3A_2409 = arith.muli %scan3A_2282, %mul3A_2408 : i32
          %mul3A_2410 = arith.constant 16 : i32
          %mul3A_2411 = arith.muli %scan3A_2373, %mul3A_2410 : i32
          %add3A_2412 = arith.addi %mul3A_2409, %mul3A_2411 : i32
          %swap3A_2413 = arith.constant 2 : i32
          %swap3A_2414 = arith.index_cast %swap3A_2413 : i32 to index
          %swap3A_2415 = arith.index_cast %add3A_2412 : i32 to index
          %swap3A_2416 = tpu.vector_load %arg13[%swap3A_2414, %swap3A_2415] {strides = array<i32>} : memref<5x512xf32, #tpu.memory_space<vmem>>, vector<16xf32>,
          tpu.vector_store %arg13[%swap3A_2414, %swap3A_2415], %scan3A_2388#2 {strides = array<i32>} : memref<5x512xf32, #tpu.memory_space<vmem>>, vector<16xf32>,
          %mul3A_2417 = arith.constant 64 : i32
          %mul3A_2418 = arith.muli %scan3A_2282, %mul3A_2417 : i32
          %mul3A_2419 = arith.constant 16 : i32
          %mul3A_2420 = arith.muli %scan3A_2373, %mul3A_2419 : i32
          %add3A_2421 = arith.addi %mul3A_2418, %mul3A_2420 : i32
          %swap3A_2422 = arith.constant 3 : i32
          %swap3A_2423 = arith.index_cast %swap3A_2422 : i32 to index
          %swap3A_2424 = arith.index_cast %add3A_2421 : i32 to index
          %swap3A_2425 = tpu.vector_load %arg13[%swap3A_2423, %swap3A_2424] {strides = array<i32>} : memref<5x512xf32, #tpu.memory_space<vmem>>, vector<16xf32>,
          tpu.vector_store %arg13[%swap3A_2423, %swap3A_2424], %scan3A_2388#3 {strides = array<i32>} : memref<5x512xf32, #tpu.memory_space<vmem>>, vector<16xf32>,
          %mul3A_2426 = arith.constant 64 : i32
          %mul3A_2427 = arith.muli %scan3A_2282, %mul3A_2426 : i32
          %mul3A_2428 = arith.constant 16 : i32
          %mul3A_2429 = arith.muli %scan3A_2373, %mul3A_2428 : i32
          %add3A_2430 = arith.addi %mul3A_2427, %mul3A_2429 : i32
          %swap3A_2431 = arith.constant 4 : i32
          %swap3A_2432 = arith.index_cast %swap3A_2431 : i32 to index
          %swap3A_2433 = arith.index_cast %add3A_2430 : i32 to index
          %swap3A_2434 = tpu.vector_load %arg13[%swap3A_2432, %swap3A_2433] {strides = array<i32>} : memref<5x512xf32, #tpu.memory_space<vmem>>, vector<16xf32>,
          tpu.vector_store %arg13[%swap3A_2432, %swap3A_2433], %scan3A_2388#4 {strides = array<i32>} : memref<5x512xf32, #tpu.memory_space<vmem>>, vector<16xf32>,
        }
        %scan3A_2371 = arith.constant 4 : i32
        %cond3A_2372 = arith.constant 0 : i32
        scf.yield %cond3A_2372 : i32
      } else {
        %mul3A_2299 = arith.constant 64 : i32
        %mul3A_2300 = arith.muli %scan3A_2282, %mul3A_2299 : i32
        %dma_wait3A = tpu.memref_slice %arg7[%mul3A_2300] : memref<512xi32, #tpu.memory_space<vmem>> -> memref<64xi32, #tpu.memory_space<vmem>>
        %dma_wait3A_2301 = arith.constant 0 : i32
        %dma_wait3A_2302 = arith.constant 0 : i32
        %dma_wait3A_2303 = tpu.memref_slice %arg4[%dma_wait3A_2301, %dma_wait3A_2302] : memref<1000000x128xf32, #tpu.memory_space<hbm>> -> memref<1000000x128xf32, #tpu.memory_space<hbm>>
        tpu.wait_indirect_dma semaphore(%arg17 : memref<!tpu.dma_semaphore, #tpu.memory_space<semaphore_mem>>) src(%dma_wait3A_2303 : memref<1000000x128xf32, #tpu.memory_space<hbm>>) dst(%arg10 : memref<64x128xf32, #tpu.memory_space<vmem>>)
        %mul3A_2304 = arith.constant 64 : i32
        %mul3A_2305 = arith.muli %scan3A_2282, %mul3A_2304 : i32
        %dma_wait3A_2306 = arith.constant 0 : i32
        %dma_wait3A_2307 = arith.constant 0 : i32
        %dma_wait3A_2308 = arith.constant 0 : i32
        %dma_wait3A_2309 = tpu.memref_slice %arg12[%dma_wait3A_2307, %dma_wait3A_2308] : memref<320x128xf32, #tpu.memory_space<vmem>> -> memref<64x128xf32, #tpu.memory_space<vmem>>
        %dma_wait3A_2310 = tpu.memref_slice %arg8[%dma_wait3A_2306, %mul3A_2305] : memref<5x512xi32, #tpu.memory_space<vmem>> -> memref<1x64xi32, #tpu.memory_space<vmem>>
        %dma_wait3A_2311 = tpu.memref_squeeze %dma_wait3A_2310 : memref<1x64xi32, #tpu.memory_space<vmem>> -> memref<64xi32, #tpu.memory_space<vmem>>
        %dma_wait3A_2312 = arith.constant 0 : i32
        %dma_wait3A_2313 = arith.constant 0 : i32
        %dma_wait3A_2314 = tpu.memref_slice %arg4[%dma_wait3A_2312, %dma_wait3A_2313] : memref<1000000x128xf32, #tpu.memory_space<hbm>> -> memref<1000000x128xf32, #tpu.memory_space<hbm>>
        tpu.wait_indirect_dma semaphore(%arg17 : memref<!tpu.dma_semaphore, #tpu.memory_space<semaphore_mem>>) src(%dma_wait3A_2314 : memref<1000000x128xf32, #tpu.memory_space<hbm>>) dst(%dma_wait3A_2309 : memref<64x128xf32, #tpu.memory_space<vmem>>)
        %mul3A_2315 = arith.constant 64 : i32
        %mul3A_2316 = arith.muli %scan3A_2282, %mul3A_2315 : i32
        %dma_wait3A_2317 = arith.constant 1 : i32
        %dma_wait3A_2318 = arith.constant 64 : i32
        %dma_wait3A_2319 = arith.constant 0 : i32
        %dma_wait3A_2320 = tpu.memref_slice %arg12[%dma_wait3A_2318, %dma_wait3A_2319] : memref<320x128xf32, #tpu.memory_space<vmem>> -> memref<64x128xf32, #tpu.memory_space<vmem>>
        %dma_wait3A_2321 = tpu.memref_slice %arg8[%dma_wait3A_2317, %mul3A_2316] : memref<5x512xi32, #tpu.memory_space<vmem>> -> memref<1x64xi32, #tpu.memory_space<vmem>>
        %dma_wait3A_2322 = tpu.memref_squeeze %dma_wait3A_2321 : memref<1x64xi32, #tpu.memory_space<vmem>> -> memref<64xi32, #tpu.memory_space<vmem>>
        %dma_wait3A_2323 = arith.constant 0 : i32
        %dma_wait3A_2324 = arith.constant 0 : i32
        %dma_wait3A_2325 = tpu.memref_slice %arg4[%dma_wait3A_2323, %dma_wait3A_2324] : memref<1000000x128xf32, #tpu.memory_space<hbm>> -> memref<1000000x128xf32, #tpu.memory_space<hbm>>
        tpu.wait_indirect_dma semaphore(%arg17 : memref<!tpu.dma_semaphore, #tpu.memory_space<semaphore_mem>>) src(%dma_wait3A_2325 : memref<1000000x128xf32, #tpu.memory_space<hbm>>) dst(%dma_wait3A_2320 : memref<64x128xf32, #tpu.memory_space<vmem>>)
        %mul3A_2326 = arith.constant 64 : i32
        %mul3A_2327 = arith.muli %scan3A_2282, %mul3A_2326 : i32
        %dma_wait3A_2328 = arith.constant 2 : i32
        %dma_wait3A_2329 = arith.constant 128 : i32
        %dma_wait3A_2330 = arith.constant 0 : i32
        %dma_wait3A_2331 = tpu.memref_slice %arg12[%dma_wait3A_2329, %dma_wait3A_2330] : memref<320x128xf32, #tpu.memory_space<vmem>> -> memref<64x128xf32, #tpu.memory_space<vmem>>
        %dma_wait3A_2332 = tpu.memref_slice %arg8[%dma_wait3A_2328, %mul3A_2327] : memref<5x512xi32, #tpu.memory_space<vmem>> -> memref<1x64xi32, #tpu.memory_space<vmem>>
        %dma_wait3A_2333 = tpu.memref_squeeze %dma_wait3A_2332 : memref<1x64xi32, #tpu.memory_space<vmem>> -> memref<64xi32, #tpu.memory_space<vmem>>
        %dma_wait3A_2334 = arith.constant 0 : i32
        %dma_wait3A_2335 = arith.constant 0 : i32
        %dma_wait3A_2336 = tpu.memref_slice %arg4[%dma_wait3A_2334, %dma_wait3A_2335] : memref<1000000x128xf32, #tpu.memory_space<hbm>> -> memref<1000000x128xf32, #tpu.memory_space<hbm>>
        tpu.wait_indirect_dma semaphore(%arg17 : memref<!tpu.dma_semaphore, #tpu.memory_space<semaphore_mem>>) src(%dma_wait3A_2336 : memref<1000000x128xf32, #tpu.memory_space<hbm>>) dst(%dma_wait3A_2331 : memref<64x128xf32, #tpu.memory_space<vmem>>)
        %mul3A_2337 = arith.constant 64 : i32
        %mul3A_2338 = arith.muli %scan3A_2282, %mul3A_2337 : i32
        %dma_wait3A_2339 = arith.constant 3 : i32
        %dma_wait3A_2340 = arith.constant 192 : i32
        %dma_wait3A_2341 = arith.constant 0 : i32
        %dma_wait3A_2342 = tpu.memref_slice %arg12[%dma_wait3A_2340, %dma_wait3A_2341] : memref<320x128xf32, #tpu.memory_space<vmem>> -> memref<64x128xf32, #tpu.memory_space<vmem>>
        %dma_wait3A_2343 = tpu.memref_slice %arg8[%dma_wait3A_2339, %mul3A_2338] : memref<5x512xi32, #tpu.memory_space<vmem>> -> memref<1x64xi32, #tpu.memory_space<vmem>>
        %dma_wait3A_2344 = tpu.memref_squeeze %dma_wait3A_2343 : memref<1x64xi32, #tpu.memory_space<vmem>> -> memref<64xi32, #tpu.memory_space<vmem>>
        %dma_wait3A_2345 = arith.constant 0 : i32
        %dma_wait3A_2346 = arith.constant 0 : i32
        %dma_wait3A_2347 = tpu.memref_slice %arg4[%dma_wait3A_2345, %dma_wait3A_2346] : memref<1000000x128xf32, #tpu.memory_space<hbm>> -> memref<1000000x128xf32, #tpu.memory_space<hbm>>
        tpu.wait_indirect_dma semaphore(%arg17 : memref<!tpu.dma_semaphore, #tpu.memory_space<semaphore_mem>>) src(%dma_wait3A_2347 : memref<1000000x128xf32, #tpu.memory_space<hbm>>) dst(%dma_wait3A_2342 : memref<64x128xf32, #tpu.memory_space<vmem>>)
        %mul3A_2348 = arith.constant 64 : i32
        %mul3A_2349 = arith.muli %scan3A_2282, %mul3A_2348 : i32
        %dma_wait3A_2350 = arith.constant 4 : i32
        %dma_wait3A_2351 = arith.constant 256 : i32
        %dma_wait3A_2352 = arith.constant 0 : i32
        %dma_wait3A_2353 = tpu.memref_slice %arg12[%dma_wait3A_2351, %dma_wait3A_2352] : memref<320x128xf32, #tpu.memory_space<vmem>> -> memref<64x128xf32, #tpu.memory_space<vmem>>
        %dma_wait3A_2354 = tpu.memref_slice %arg8[%dma_wait3A_2350, %mul3A_2349] : memref<5x512xi32, #tpu.memory_space<vmem>> -> memref<1x64xi32, #tpu.memory_space<vmem>>
        %dma_wait3A_2355 = tpu.memref_squeeze %dma_wait3A_2354 : memref<1x64xi32, #tpu.memory_space<vmem>> -> memref<64xi32, #tpu.memory_space<vmem>>
        %dma_wait3A_2356 = arith.constant 0 : i32
        %dma_wait3A_2357 = arith.constant 0 : i32
        %dma_wait3A_2358 = tpu.memref_slice %arg4[%dma_wait3A_2356, %dma_wait3A_2357] : memref<1000000x128xf32, #tpu.memory_space<hbm>> -> memref<1000000x128xf32, #tpu.memory_space<hbm>>
        tpu.wait_indirect_dma semaphore(%arg17 : memref<!tpu.dma_semaphore, #tpu.memory_space<semaphore_mem>>) src(%dma_wait3A_2358 : memref<1000000x128xf32, #tpu.memory_space<hbm>>) dst(%dma_wait3A_2353 : memref<64x128xf32, #tpu.memory_space<vmem>>)
        %add3A_2359 = arith.constant 1 : i32
        %add3A_2360 = arith.addi %scan3A_2282, %add3A_2359 : i32
        %lt3A_2361 = arith.constant 8 : i32
        %lt3A_2362 = arith.cmpi slt, %add3A_2360, %lt3A_2361 : i32
        %convert_element_type3A_2363 = arith.extui %lt3A_2362 : i1 to i32
        %cond3A_2364 = arith.constant 0 : i32
        %cond3A_2365 = arith.cmpi ne, %convert_element_type3A_2363, %cond3A_2364 : i32
        scf.if %cond3A_2365 {
          %add3A_2373 = arith.constant 1 : i32
          %add3A_2374 = arith.addi %scan3A_2282, %add3A_2373 : i32
          %mul3A_2375 = arith.constant 64 : i32
          %mul3A_2376 = arith.muli %add3A_2374, %mul3A_2375 : i32
          %dma_start3A_2377 = tpu.memref_slice %arg7[%mul3A_2376] : memref<512xi32, #tpu.memory_space<vmem>> -> memref<64xi32, #tpu.memory_space<vmem>>
          %dma_start3A_2378 = arith.constant 0 : i32
          %dma_start3A_2379 = arith.constant 0 : i32
          %dma_start3A_2380 = tpu.memref_slice %arg4[%dma_start3A_2378, %dma_start3A_2379] : memref<1000000x128xf32, #tpu.memory_space<hbm>> -> memref<1000000x128xf32, #tpu.memory_space<hbm>>
          tpu.enqueue_indirect_dma source(%dma_start3A_2380 : memref<1000000x128xf32, #tpu.memory_space<hbm>>) target(%arg9 : memref<64x128xf32, #tpu.memory_space<vmem>>) offsets(%dma_start3A_2377 : memref<64xi32, #tpu.memory_space<vmem>>) semaphore(%arg16 : memref<!tpu.dma_semaphore, #tpu.memory_space<semaphore_mem>>)
          %mul3A_2381 = arith.constant 64 : i32
          %mul3A_2382 = arith.muli %add3A_2374, %mul3A_2381 : i32
          %dma_start3A_2383 = arith.constant 0 : i32
          %dma_start3A_2384 = arith.constant 0 : i32
          %dma_start3A_2385 = arith.constant 0 : i32
          %dma_start3A_2386 = tpu.memref_slice %arg11[%dma_start3A_2384, %dma_start3A_2385] : memref<320x128xf32, #tpu.memory_space<vmem>> -> memref<64x128xf32, #tpu.memory_space<vmem>>
          %dma_start3A_2387 = tpu.memref_slice %arg8[%dma_start3A_2383, %mul3A_2382] : memref<5x512xi32, #tpu.memory_space<vmem>> -> memref<1x64xi32, #tpu.memory_space<vmem>>
          %dma_start3A_2388 = tpu.memref_squeeze %dma_start3A_2387 : memref<1x64xi32, #tpu.memory_space<vmem>> -> memref<64xi32, #tpu.memory_space<vmem>>
          %dma_start3A_2389 = arith.constant 0 : i32
          %dma_start3A_2390 = arith.constant 0 : i32
          %dma_start3A_2391 = tpu.memref_slice %arg4[%dma_start3A_2389, %dma_start3A_2390] : memref<1000000x128xf32, #tpu.memory_space<hbm>> -> memref<1000000x128xf32, #tpu.memory_space<hbm>>
          tpu.enqueue_indirect_dma source(%dma_start3A_2391 : memref<1000000x128xf32, #tpu.memory_space<hbm>>) target(%dma_start3A_2386 : memref<64x128xf32, #tpu.memory_space<vmem>>) offsets(%dma_start3A_2388 : memref<64xi32, #tpu.memory_space<vmem>>) semaphore(%arg16 : memref<!tpu.dma_semaphore, #tpu.memory_space<semaphore_mem>>)
          %mul3A_2392 = arith.constant 64 : i32
          %mul3A_2393 = arith.muli %add3A_2374, %mul3A_2392 : i32
          %dma_start3A_2394 = arith.constant 1 : i32
          %dma_start3A_2395 = arith.constant 64 : i32
          %dma_start3A_2396 = arith.constant 0 : i32
          %dma_start3A_2397 = tpu.memref_slice %arg11[%dma_start3A_2395, %dma_start3A_2396] : memref<320x128xf32, #tpu.memory_space<vmem>> -> memref<64x128xf32, #tpu.memory_space<vmem>>
          %dma_start3A_2398 = tpu.memref_slice %arg8[%dma_start3A_2394, %mul3A_2393] : memref<5x512xi32, #tpu.memory_space<vmem>> -> memref<1x64xi32, #tpu.memory_space<vmem>>
          %dma_start3A_2399 = tpu.memref_squeeze %dma_start3A_2398 : memref<1x64xi32, #tpu.memory_space<vmem>> -> memref<64xi32, #tpu.memory_space<vmem>>
          %dma_start3A_2400 = arith.constant 0 : i32
          %dma_start3A_2401 = arith.constant 0 : i32
          %dma_start3A_2402 = tpu.memref_slice %arg4[%dma_start3A_2400, %dma_start3A_2401] : memref<1000000x128xf32, #tpu.memory_space<hbm>> -> memref<1000000x128xf32, #tpu.memory_space<hbm>>
          tpu.enqueue_indirect_dma source(%dma_start3A_2402 : memref<1000000x128xf32, #tpu.memory_space<hbm>>) target(%dma_start3A_2397 : memref<64x128xf32, #tpu.memory_space<vmem>>) offsets(%dma_start3A_2399 : memref<64xi32, #tpu.memory_space<vmem>>) semaphore(%arg16 : memref<!tpu.dma_semaphore, #tpu.memory_space<semaphore_mem>>)
          %mul3A_2403 = arith.constant 64 : i32
          %mul3A_2404 = arith.muli %add3A_2374, %mul3A_2403 : i32
          %dma_start3A_2405 = arith.constant 2 : i32
          %dma_start3A_2406 = arith.constant 128 : i32
          %dma_start3A_2407 = arith.constant 0 : i32
          %dma_start3A_2408 = tpu.memref_slice %arg11[%dma_start3A_2406, %dma_start3A_2407] : memref<320x128xf32, #tpu.memory_space<vmem>> -> memref<64x128xf32, #tpu.memory_space<vmem>>
          %dma_start3A_2409 = tpu.memref_slice %arg8[%dma_start3A_2405, %mul3A_2404] : memref<5x512xi32, #tpu.memory_space<vmem>> -> memref<1x64xi32, #tpu.memory_space<vmem>>
          %dma_start3A_2410 = tpu.memref_squeeze %dma_start3A_2409 : memref<1x64xi32, #tpu.memory_space<vmem>> -> memref<64xi32, #tpu.memory_space<vmem>>
          %dma_start3A_2411 = arith.constant 0 : i32
          %dma_start3A_2412 = arith.constant 0 : i32
          %dma_start3A_2413 = tpu.memref_slice %arg4[%dma_start3A_2411, %dma_start3A_2412] : memref<1000000x128xf32, #tpu.memory_space<hbm>> -> memref<1000000x128xf32, #tpu.memory_space<hbm>>
          tpu.enqueue_indirect_dma source(%dma_start3A_2413 : memref<1000000x128xf32, #tpu.memory_space<hbm>>) target(%dma_start3A_2408 : memref<64x128xf32, #tpu.memory_space<vmem>>) offsets(%dma_start3A_2410 : memref<64xi32, #tpu.memory_space<vmem>>) semaphore(%arg16 : memref<!tpu.dma_semaphore, #tpu.memory_space<semaphore_mem>>)
          %mul3A_2414 = arith.constant 64 : i32
          %mul3A_2415 = arith.muli %add3A_2374, %mul3A_2414 : i32
          %dma_start3A_2416 = arith.constant 3 : i32
          %dma_start3A_2417 = arith.constant 192 : i32
          %dma_start3A_2418 = arith.constant 0 : i32
          %dma_start3A_2419 = tpu.memref_slice %arg11[%dma_start3A_2417, %dma_start3A_2418] : memref<320x128xf32, #tpu.memory_space<vmem>> -> memref<64x128xf32, #tpu.memory_space<vmem>>
          %dma_start3A_2420 = tpu.memref_slice %arg8[%dma_start3A_2416, %mul3A_2415] : memref<5x512xi32, #tpu.memory_space<vmem>> -> memref<1x64xi32, #tpu.memory_space<vmem>>
          %dma_start3A_2421 = tpu.memref_squeeze %dma_start3A_2420 : memref<1x64xi32, #tpu.memory_space<vmem>> -> memref<64xi32, #tpu.memory_space<vmem>>
          %dma_start3A_2422 = arith.constant 0 : i32
          %dma_start3A_2423 = arith.constant 0 : i32
          %dma_start3A_2424 = tpu.memref_slice %arg4[%dma_start3A_2422, %dma_start3A_2423] : memref<1000000x128xf32, #tpu.memory_space<hbm>> -> memref<1000000x128xf32, #tpu.memory_space<hbm>>
          tpu.enqueue_indirect_dma source(%dma_start3A_2424 : memref<1000000x128xf32, #tpu.memory_space<hbm>>) target(%dma_start3A_2419 : memref<64x128xf32, #tpu.memory_space<vmem>>) offsets(%dma_start3A_2421 : memref<64xi32, #tpu.memory_space<vmem>>) semaphore(%arg16 : memref<!tpu.dma_semaphore, #tpu.memory_space<semaphore_mem>>)
          %mul3A_2425 = arith.constant 64 : i32
          %mul3A_2426 = arith.muli %add3A_2374, %mul3A_2425 : i32
          %dma_start3A_2427 = arith.constant 4 : i32
          %dma_start3A_2428 = arith.constant 256 : i32
          %dma_start3A_2429 = arith.constant 0 : i32
          %dma_start3A_2430 = tpu.memref_slice %arg11[%dma_start3A_2428, %dma_start3A_2429] : memref<320x128xf32, #tpu.memory_space<vmem>> -> memref<64x128xf32, #tpu.memory_space<vmem>>
          %dma_start3A_2431 = tpu.memref_slice %arg8[%dma_start3A_2427, %mul3A_2426] : memref<5x512xi32, #tpu.memory_space<vmem>> -> memref<1x64xi32, #tpu.memory_space<vmem>>
          %dma_start3A_2432 = tpu.memref_squeeze %dma_start3A_2431 : memref<1x64xi32, #tpu.memory_space<vmem>> -> memref<64xi32, #tpu.memory_space<vmem>>
          %dma_start3A_2433 = arith.constant 0 : i32
          %dma_start3A_2434 = arith.constant 0 : i32
          %dma_start3A_2435 = tpu.memref_slice %arg4[%dma_start3A_2433, %dma_start3A_2434] : memref<1000000x128xf32, #tpu.memory_space<hbm>> -> memref<1000000x128xf32, #tpu.memory_space<hbm>>
          tpu.enqueue_indirect_dma source(%dma_start3A_2435 : memref<1000000x128xf32, #tpu.memory_space<hbm>>) target(%dma_start3A_2430 : memref<64x128xf32, #tpu.memory_space<vmem>>) offsets(%dma_start3A_2432 : memref<64xi32, #tpu.memory_space<vmem>>) semaphore(%arg16 : memref<!tpu.dma_semaphore, #tpu.memory_space<semaphore_mem>>)
        } else {
        }
        %scan3A_2366 = arith.constant 0 : i32
        %scan3A_2367 = arith.constant 0 : i32
        %scan3A_2368 = arith.constant 4 : i32
        %scan3A_2369 = arith.addi %scan3A_2367, %scan3A_2368 : i32
        %scan3A_2370 = arith.constant 1 : i32
        scf.for %scan3A_2373 = %scan3A_2367 to %scan3A_2369 step %scan3A_2370  : i32 {
          %broadcast_in_dim3A_2374 = arith.constant 0.000000e+00 : f32
          %broadcast_in_dim3A_2375 = vector.broadcast %broadcast_in_dim3A_2374 : f32 to vector<16xf32>
          %broadcast_in_dim3A_2376 = arith.constant 0.000000e+00 : f32
          %broadcast_in_dim3A_2377 = vector.broadcast %broadcast_in_dim3A_2376 : f32 to vector<16xf32>
          %broadcast_in_dim3A_2378 = arith.constant 0.000000e+00 : f32
          %broadcast_in_dim3A_2379 = vector.broadcast %broadcast_in_dim3A_2378 : f32 to vector<16xf32>
          %broadcast_in_dim3A_2380 = arith.constant 0.000000e+00 : f32
          %broadcast_in_dim3A_2381 = vector.broadcast %broadcast_in_dim3A_2380 : f32 to vector<16xf32>
          %broadcast_in_dim3A_2382 = arith.constant 0.000000e+00 : f32
          %broadcast_in_dim3A_2383 = vector.broadcast %broadcast_in_dim3A_2382 : f32 to vector<16xf32>
          %scan3A_2384 = arith.constant 0 : i32
          %scan3A_2385 = arith.constant 16 : i32
          %scan3A_2386 = arith.addi %scan3A_2384, %scan3A_2385 : i32
          %scan3A_2387 = arith.constant 1 : i32
          %scan3A_2388:5 = scf.for %scan3A_2435 = %scan3A_2384 to %scan3A_2386 step %scan3A_2387 iter_args(%scan3A_2436 = %broadcast_in_dim3A_2375, %scan3A_2437 = %broadcast_in_dim3A_2377, %scan3A_2438 = %broadcast_in_dim3A_2379, %scan3A_2439 = %broadcast_in_dim3A_2381, %scan3A_2440 = %broadcast_in_dim3A_2383) -> (vector<16xf32>, vector<16xf32>, vector<16xf32>, vector<16xf32>, vector<16xf32>)  : i32 {
            %mul3A_2441 = arith.constant 16 : i32
            %mul3A_2442 = arith.muli %scan3A_2373, %mul3A_2441 : i32
            %add3A_2443 = arith.addi %mul3A_2442, %scan3A_2435 : i32
            %get3A_2444 = arith.index_cast %add3A_2443 : i32 to index
            %get3A_2445 = arith.constant 0 : index
            %get3A_2446 = tpu.vector_load %arg10[%get3A_2444, %get3A_2445] {strides = array<i32>} : memref<64x128xf32, #tpu.memory_space<vmem>>, vector<16xf32>,
            %get3A_2447 = arith.index_cast %add3A_2443 : i32 to index
            %get3A_2448 = arith.constant 16 : index
            %get3A_2449 = tpu.vector_load %arg10[%get3A_2447, %get3A_2448] {strides = array<i32>} : memref<64x128xf32, #tpu.memory_space<vmem>>, vector<16xf32>,
            %get3A_2450 = arith.index_cast %add3A_2443 : i32 to index
            %get3A_2451 = arith.constant 32 : index
            %get3A_2452 = tpu.vector_load %arg10[%get3A_2450, %get3A_2451] {strides = array<i32>} : memref<64x128xf32, #tpu.memory_space<vmem>>, vector<16xf32>,
            %get3A_2453 = arith.index_cast %add3A_2443 : i32 to index
            %get3A_2454 = arith.constant 48 : index
            %get3A_2455 = tpu.vector_load %arg10[%get3A_2453, %get3A_2454] {strides = array<i32>} : memref<64x128xf32, #tpu.memory_space<vmem>>, vector<16xf32>,
            %get3A_2456 = arith.index_cast %add3A_2443 : i32 to index
            %get3A_2457 = arith.constant 64 : index
            %get3A_2458 = tpu.vector_load %arg10[%get3A_2456, %get3A_2457] {strides = array<i32>} : memref<64x128xf32, #tpu.memory_space<vmem>>, vector<16xf32>,
            %get3A_2459 = arith.index_cast %add3A_2443 : i32 to index
            %get3A_2460 = arith.constant 80 : index
            %get3A_2461 = tpu.vector_load %arg10[%get3A_2459, %get3A_2460] {strides = array<i32>} : memref<64x128xf32, #tpu.memory_space<vmem>>, vector<16xf32>,
            %get3A_2462 = arith.index_cast %add3A_2443 : i32 to index
            %get3A_2463 = arith.constant 96 : index
            %get3A_2464 = tpu.vector_load %arg10[%get3A_2462, %get3A_2463] {strides = array<i32>} : memref<64x128xf32, #tpu.memory_space<vmem>>, vector<16xf32>,
            %get3A_2465 = arith.index_cast %add3A_2443 : i32 to index
            %get3A_2466 = arith.constant 112 : index
            %get3A_2467 = tpu.vector_load %arg10[%get3A_2465, %get3A_2466] {strides = array<i32>} : memref<64x128xf32, #tpu.memory_space<vmem>>, vector<16xf32>,
            %add3A_2468 = arith.constant 0 : i32
            %add3A_2469 = arith.addi %add3A_2468, %add3A_2443 : i32
            %get3A_2470 = arith.index_cast %add3A_2469 : i32 to index
            %get3A_2471 = arith.constant 0 : index
            %get3A_2472 = tpu.vector_load %arg12[%get3A_2470, %get3A_2471] {strides = array<i32>} : memref<320x128xf32, #tpu.memory_space<vmem>>, vector<16xf32>,
            %mul3A_2473 = arith.mulf %get3A_2446, %get3A_2472 : vector<16xf32>
            %get3A_2474 = arith.index_cast %add3A_2469 : i32 to index
            %get3A_2475 = arith.constant 16 : index
            %get3A_2476 = tpu.vector_load %arg12[%get3A_2474, %get3A_2475] {strides = array<i32>} : memref<320x128xf32, #tpu.memory_space<vmem>>, vector<16xf32>,
            %mul3A_2477 = arith.mulf %get3A_2449, %get3A_2476 : vector<16xf32>
            %add3A_2478 = arith.addf %mul3A_2473, %mul3A_2477 : vector<16xf32>
            %get3A_2479 = arith.index_cast %add3A_2469 : i32 to index
            %get3A_2480 = arith.constant 32 : index
            %get3A_2481 = tpu.vector_load %arg12[%get3A_2479, %get3A_2480] {strides = array<i32>} : memref<320x128xf32, #tpu.memory_space<vmem>>, vector<16xf32>,
            %mul3A_2482 = arith.mulf %get3A_2452, %get3A_2481 : vector<16xf32>
            %add3A_2483 = arith.addf %add3A_2478, %mul3A_2482 : vector<16xf32>
            %get3A_2484 = arith.index_cast %add3A_2469 : i32 to index
            %get3A_2485 = arith.constant 48 : index
            %get3A_2486 = tpu.vector_load %arg12[%get3A_2484, %get3A_2485] {strides = array<i32>} : memref<320x128xf32, #tpu.memory_space<vmem>>, vector<16xf32>,
            %mul3A_2487 = arith.mulf %get3A_2455, %get3A_2486 : vector<16xf32>
            %add3A_2488 = arith.addf %add3A_2483, %mul3A_2487 : vector<16xf32>
            %get3A_2489 = arith.index_cast %add3A_2469 : i32 to index
            %get3A_2490 = arith.constant 64 : index
            %get3A_2491 = tpu.vector_load %arg12[%get3A_2489, %get3A_2490] {strides = array<i32>} : memref<320x128xf32, #tpu.memory_space<vmem>>, vector<16xf32>,
            %mul3A_2492 = arith.mulf %get3A_2458, %get3A_2491 : vector<16xf32>
            %add3A_2493 = arith.addf %add3A_2488, %mul3A_2492 : vector<16xf32>
            %get3A_2494 = arith.index_cast %add3A_2469 : i32 to index
            %get3A_2495 = arith.constant 80 : index
            %get3A_2496 = tpu.vector_load %arg12[%get3A_2494, %get3A_2495] {strides = array<i32>} : memref<320x128xf32, #tpu.memory_space<vmem>>, vector<16xf32>,
            %mul3A_2497 = arith.mulf %get3A_2461, %get3A_2496 : vector<16xf32>
            %add3A_2498 = arith.addf %add3A_2493, %mul3A_2497 : vector<16xf32>
            %get3A_2499 = arith.index_cast %add3A_2469 : i32 to index
            %get3A_2500 = arith.constant 96 : index
            %get3A_2501 = tpu.vector_load %arg12[%get3A_2499, %get3A_2500] {strides = array<i32>} : memref<320x128xf32, #tpu.memory_space<vmem>>, vector<16xf32>,
            %mul3A_2502 = arith.mulf %get3A_2464, %get3A_2501 : vector<16xf32>
            %add3A_2503 = arith.addf %add3A_2498, %mul3A_2502 : vector<16xf32>
            %get3A_2504 = arith.index_cast %add3A_2469 : i32 to index
            %get3A_2505 = arith.constant 112 : index
            %get3A_2506 = tpu.vector_load %arg12[%get3A_2504, %get3A_2505] {strides = array<i32>} : memref<320x128xf32, #tpu.memory_space<vmem>>, vector<16xf32>,
            %mul3A_2507 = arith.mulf %get3A_2467, %get3A_2506 : vector<16xf32>
            %add3A_2508 = arith.addf %add3A_2503, %mul3A_2507 : vector<16xf32>
            %reduce_sum3A_2509 = arith.constant true
            %reduce_sum3A_2510 = vector.broadcast %reduce_sum3A_2509 : i1 to vector<16xi1>
            %reduce_sum3A_2511 = tpu.scan <sum>, %add3A_2508 masked %reduce_sum3A_2510 : vector<16xf32>, vector<16xi1> -> vector<16xf32>
            %reduce_sum3A_2512 = vector.extract %reduce_sum3A_2511[15] : f32 from vector<16xf32>
            %eq3A_2513 = vector.broadcast %scan3A_2435 : i32 to vector<16xi32>
            %eq3A_2514 = arith.cmpi eq, %iota3A, %eq3A_2513 : vector<16xi32>
            %broadcast_in_dim3A_2515 = vector.broadcast %reduce_sum3A_2512 : f32 to vector<16xf32>
            %select_n3A_2516 = arith.select %eq3A_2514, %broadcast_in_dim3A_2515, %scan3A_2436 : vector<16xi1>, vector<16xf32>
            %add3A_2517 = arith.constant 64 : i32
            %add3A_2518 = arith.addi %add3A_2517, %add3A_2443 : i32
            %get3A_2519 = arith.index_cast %add3A_2518 : i32 to index
            %get3A_2520 = arith.constant 0 : index
            %get3A_2521 = tpu.vector_load %arg12[%get3A_2519, %get3A_2520] {strides = array<i32>} : memref<320x128xf32, #tpu.memory_space<vmem>>, vector<16xf32>,
            %mul3A_2522 = arith.mulf %get3A_2446, %get3A_2521 : vector<16xf32>
            %get3A_2523 = arith.index_cast %add3A_2518 : i32 to index
            %get3A_2524 = arith.constant 16 : index
            %get3A_2525 = tpu.vector_load %arg12[%get3A_2523, %get3A_2524] {strides = array<i32>} : memref<320x128xf32, #tpu.memory_space<vmem>>, vector<16xf32>,
            %mul3A_2526 = arith.mulf %get3A_2449, %get3A_2525 : vector<16xf32>
            %add3A_2527 = arith.addf %mul3A_2522, %mul3A_2526 : vector<16xf32>
            %get3A_2528 = arith.index_cast %add3A_2518 : i32 to index
            %get3A_2529 = arith.constant 32 : index
            %get3A_2530 = tpu.vector_load %arg12[%get3A_2528, %get3A_2529] {strides = array<i32>} : memref<320x128xf32, #tpu.memory_space<vmem>>, vector<16xf32>,
            %mul3A_2531 = arith.mulf %get3A_2452, %get3A_2530 : vector<16xf32>
            %add3A_2532 = arith.addf %add3A_2527, %mul3A_2531 : vector<16xf32>
            %get3A_2533 = arith.index_cast %add3A_2518 : i32 to index
            %get3A_2534 = arith.constant 48 : index
            %get3A_2535 = tpu.vector_load %arg12[%get3A_2533, %get3A_2534] {strides = array<i32>} : memref<320x128xf32, #tpu.memory_space<vmem>>, vector<16xf32>,
            %mul3A_2536 = arith.mulf %get3A_2455, %get3A_2535 : vector<16xf32>
            %add3A_2537 = arith.addf %add3A_2532, %mul3A_2536 : vector<16xf32>
            %get3A_2538 = arith.index_cast %add3A_2518 : i32 to index
            %get3A_2539 = arith.constant 64 : index
            %get3A_2540 = tpu.vector_load %arg12[%get3A_2538, %get3A_2539] {strides = array<i32>} : memref<320x128xf32, #tpu.memory_space<vmem>>, vector<16xf32>,
            %mul3A_2541 = arith.mulf %get3A_2458, %get3A_2540 : vector<16xf32>
            %add3A_2542 = arith.addf %add3A_2537, %mul3A_2541 : vector<16xf32>
            %get3A_2543 = arith.index_cast %add3A_2518 : i32 to index
            %get3A_2544 = arith.constant 80 : index
            %get3A_2545 = tpu.vector_load %arg12[%get3A_2543, %get3A_2544] {strides = array<i32>} : memref<320x128xf32, #tpu.memory_space<vmem>>, vector<16xf32>,
            %mul3A_2546 = arith.mulf %get3A_2461, %get3A_2545 : vector<16xf32>
            %add3A_2547 = arith.addf %add3A_2542, %mul3A_2546 : vector<16xf32>
            %get3A_2548 = arith.index_cast %add3A_2518 : i32 to index
            %get3A_2549 = arith.constant 96 : index
            %get3A_2550 = tpu.vector_load %arg12[%get3A_2548, %get3A_2549] {strides = array<i32>} : memref<320x128xf32, #tpu.memory_space<vmem>>, vector<16xf32>,
            %mul3A_2551 = arith.mulf %get3A_2464, %get3A_2550 : vector<16xf32>
            %add3A_2552 = arith.addf %add3A_2547, %mul3A_2551 : vector<16xf32>
            %get3A_2553 = arith.index_cast %add3A_2518 : i32 to index
            %get3A_2554 = arith.constant 112 : index
            %get3A_2555 = tpu.vector_load %arg12[%get3A_2553, %get3A_2554] {strides = array<i32>} : memref<320x128xf32, #tpu.memory_space<vmem>>, vector<16xf32>,
            %mul3A_2556 = arith.mulf %get3A_2467, %get3A_2555 : vector<16xf32>
            %add3A_2557 = arith.addf %add3A_2552, %mul3A_2556 : vector<16xf32>
            %reduce_sum3A_2558 = arith.constant true
            %reduce_sum3A_2559 = vector.broadcast %reduce_sum3A_2558 : i1 to vector<16xi1>
            %reduce_sum3A_2560 = tpu.scan <sum>, %add3A_2557 masked %reduce_sum3A_2559 : vector<16xf32>, vector<16xi1> -> vector<16xf32>
            %reduce_sum3A_2561 = vector.extract %reduce_sum3A_2560[15] : f32 from vector<16xf32>
            %eq3A_2562 = vector.broadcast %scan3A_2435 : i32 to vector<16xi32>
            %eq3A_2563 = arith.cmpi eq, %iota3A, %eq3A_2562 : vector<16xi32>
            %broadcast_in_dim3A_2564 = vector.broadcast %reduce_sum3A_2561 : f32 to vector<16xf32>
            %select_n3A_2565 = arith.select %eq3A_2563, %broadcast_in_dim3A_2564, %scan3A_2437 : vector<16xi1>, vector<16xf32>
            %add3A_2566 = arith.constant 128 : i32
            %add3A_2567 = arith.addi %add3A_2566, %add3A_2443 : i32
            %get3A_2568 = arith.index_cast %add3A_2567 : i32 to index
            %get3A_2569 = arith.constant 0 : index
            %get3A_2570 = tpu.vector_load %arg12[%get3A_2568, %get3A_2569] {strides = array<i32>} : memref<320x128xf32, #tpu.memory_space<vmem>>, vector<16xf32>,
            %mul3A_2571 = arith.mulf %get3A_2446, %get3A_2570 : vector<16xf32>
            %get3A_2572 = arith.index_cast %add3A_2567 : i32 to index
            %get3A_2573 = arith.constant 16 : index
            %get3A_2574 = tpu.vector_load %arg12[%get3A_2572, %get3A_2573] {strides = array<i32>} : memref<320x128xf32, #tpu.memory_space<vmem>>, vector<16xf32>,
            %mul3A_2575 = arith.mulf %get3A_2449, %get3A_2574 : vector<16xf32>
            %add3A_2576 = arith.addf %mul3A_2571, %mul3A_2575 : vector<16xf32>
            %get3A_2577 = arith.index_cast %add3A_2567 : i32 to index
            %get3A_2578 = arith.constant 32 : index
            %get3A_2579 = tpu.vector_load %arg12[%get3A_2577, %get3A_2578] {strides = array<i32>} : memref<320x128xf32, #tpu.memory_space<vmem>>, vector<16xf32>,
            %mul3A_2580 = arith.mulf %get3A_2452, %get3A_2579 : vector<16xf32>
            %add3A_2581 = arith.addf %add3A_2576, %mul3A_2580 : vector<16xf32>
            %get3A_2582 = arith.index_cast %add3A_2567 : i32 to index
            %get3A_2583 = arith.constant 48 : index
            %get3A_2584 = tpu.vector_load %arg12[%get3A_2582, %get3A_2583] {strides = array<i32>} : memref<320x128xf32, #tpu.memory_space<vmem>>, vector<16xf32>,
            %mul3A_2585 = arith.mulf %get3A_2455, %get3A_2584 : vector<16xf32>
            %add3A_2586 = arith.addf %add3A_2581, %mul3A_2585 : vector<16xf32>
            %get3A_2587 = arith.index_cast %add3A_2567 : i32 to index
            %get3A_2588 = arith.constant 64 : index
            %get3A_2589 = tpu.vector_load %arg12[%get3A_2587, %get3A_2588] {strides = array<i32>} : memref<320x128xf32, #tpu.memory_space<vmem>>, vector<16xf32>,
            %mul3A_2590 = arith.mulf %get3A_2458, %get3A_2589 : vector<16xf32>
            %add3A_2591 = arith.addf %add3A_2586, %mul3A_2590 : vector<16xf32>
            %get3A_2592 = arith.index_cast %add3A_2567 : i32 to index
            %get3A_2593 = arith.constant 80 : index
            %get3A_2594 = tpu.vector_load %arg12[%get3A_2592, %get3A_2593] {strides = array<i32>} : memref<320x128xf32, #tpu.memory_space<vmem>>, vector<16xf32>,
            %mul3A_2595 = arith.mulf %get3A_2461, %get3A_2594 : vector<16xf32>
            %add3A_2596 = arith.addf %add3A_2591, %mul3A_2595 : vector<16xf32>
            %get3A_2597 = arith.index_cast %add3A_2567 : i32 to index
            %get3A_2598 = arith.constant 96 : index
            %get3A_2599 = tpu.vector_load %arg12[%get3A_2597, %get3A_2598] {strides = array<i32>} : memref<320x128xf32, #tpu.memory_space<vmem>>, vector<16xf32>,
            %mul3A_2600 = arith.mulf %get3A_2464, %get3A_2599 : vector<16xf32>
            %add3A_2601 = arith.addf %add3A_2596, %mul3A_2600 : vector<16xf32>
            %get3A_2602 = arith.index_cast %add3A_2567 : i32 to index
            %get3A_2603 = arith.constant 112 : index
            %get3A_2604 = tpu.vector_load %arg12[%get3A_2602, %get3A_2603] {strides = array<i32>} : memref<320x128xf32, #tpu.memory_space<vmem>>, vector<16xf32>,
            %mul3A_2605 = arith.mulf %get3A_2467, %get3A_2604 : vector<16xf32>
            %add3A_2606 = arith.addf %add3A_2601, %mul3A_2605 : vector<16xf32>
            %reduce_sum3A_2607 = arith.constant true
            %reduce_sum3A_2608 = vector.broadcast %reduce_sum3A_2607 : i1 to vector<16xi1>
            %reduce_sum3A_2609 = tpu.scan <sum>, %add3A_2606 masked %reduce_sum3A_2608 : vector<16xf32>, vector<16xi1> -> vector<16xf32>
            %reduce_sum3A_2610 = vector.extract %reduce_sum3A_2609[15] : f32 from vector<16xf32>
            %eq3A_2611 = vector.broadcast %scan3A_2435 : i32 to vector<16xi32>
            %eq3A_2612 = arith.cmpi eq, %iota3A, %eq3A_2611 : vector<16xi32>
            %broadcast_in_dim3A_2613 = vector.broadcast %reduce_sum3A_2610 : f32 to vector<16xf32>
            %select_n3A_2614 = arith.select %eq3A_2612, %broadcast_in_dim3A_2613, %scan3A_2438 : vector<16xi1>, vector<16xf32>
            %add3A_2615 = arith.constant 192 : i32
            %add3A_2616 = arith.addi %add3A_2615, %add3A_2443 : i32
            %get3A_2617 = arith.index_cast %add3A_2616 : i32 to index
            %get3A_2618 = arith.constant 0 : index
            %get3A_2619 = tpu.vector_load %arg12[%get3A_2617, %get3A_2618] {strides = array<i32>} : memref<320x128xf32, #tpu.memory_space<vmem>>, vector<16xf32>,
            %mul3A_2620 = arith.mulf %get3A_2446, %get3A_2619 : vector<16xf32>
            %get3A_2621 = arith.index_cast %add3A_2616 : i32 to index
            %get3A_2622 = arith.constant 16 : index
            %get3A_2623 = tpu.vector_load %arg12[%get3A_2621, %get3A_2622] {strides = array<i32>} : memref<320x128xf32, #tpu.memory_space<vmem>>, vector<16xf32>,
            %mul3A_2624 = arith.mulf %get3A_2449, %get3A_2623 : vector<16xf32>
            %add3A_2625 = arith.addf %mul3A_2620, %mul3A_2624 : vector<16xf32>
            %get3A_2626 = arith.index_cast %add3A_2616 : i32 to index
            %get3A_2627 = arith.constant 32 : index
            %get3A_2628 = tpu.vector_load %arg12[%get3A_2626, %get3A_2627] {strides = array<i32>} : memref<320x128xf32, #tpu.memory_space<vmem>>, vector<16xf32>,
            %mul3A_2629 = arith.mulf %get3A_2452, %get3A_2628 : vector<16xf32>
            %add3A_2630 = arith.addf %add3A_2625, %mul3A_2629 : vector<16xf32>
            %get3A_2631 = arith.index_cast %add3A_2616 : i32 to index
            %get3A_2632 = arith.constant 48 : index
            %get3A_2633 = tpu.vector_load %arg12[%get3A_2631, %get3A_2632] {strides = array<i32>} : memref<320x128xf32, #tpu.memory_space<vmem>>, vector<16xf32>,
            %mul3A_2634 = arith.mulf %get3A_2455, %get3A_2633 : vector<16xf32>
            %add3A_2635 = arith.addf %add3A_2630, %mul3A_2634 : vector<16xf32>
            %get3A_2636 = arith.index_cast %add3A_2616 : i32 to index
            %get3A_2637 = arith.constant 64 : index
            %get3A_2638 = tpu.vector_load %arg12[%get3A_2636, %get3A_2637] {strides = array<i32>} : memref<320x128xf32, #tpu.memory_space<vmem>>, vector<16xf32>,
            %mul3A_2639 = arith.mulf %get3A_2458, %get3A_2638 : vector<16xf32>
            %add3A_2640 = arith.addf %add3A_2635, %mul3A_2639 : vector<16xf32>
            %get3A_2641 = arith.index_cast %add3A_2616 : i32 to index
            %get3A_2642 = arith.constant 80 : index
            %get3A_2643 = tpu.vector_load %arg12[%get3A_2641, %get3A_2642] {strides = array<i32>} : memref<320x128xf32, #tpu.memory_space<vmem>>, vector<16xf32>,
            %mul3A_2644 = arith.mulf %get3A_2461, %get3A_2643 : vector<16xf32>
            %add3A_2645 = arith.addf %add3A_2640, %mul3A_2644 : vector<16xf32>
            %get3A_2646 = arith.index_cast %add3A_2616 : i32 to index
            %get3A_2647 = arith.constant 96 : index
            %get3A_2648 = tpu.vector_load %arg12[%get3A_2646, %get3A_2647] {strides = array<i32>} : memref<320x128xf32, #tpu.memory_space<vmem>>, vector<16xf32>,
            %mul3A_2649 = arith.mulf %get3A_2464, %get3A_2648 : vector<16xf32>
            %add3A_2650 = arith.addf %add3A_2645, %mul3A_2649 : vector<16xf32>
            %get3A_2651 = arith.index_cast %add3A_2616 : i32 to index
            %get3A_2652 = arith.constant 112 : index
            %get3A_2653 = tpu.vector_load %arg12[%get3A_2651, %get3A_2652] {strides = array<i32>} : memref<320x128xf32, #tpu.memory_space<vmem>>, vector<16xf32>,
            %mul3A_2654 = arith.mulf %get3A_2467, %get3A_2653 : vector<16xf32>
            %add3A_2655 = arith.addf %add3A_2650, %mul3A_2654 : vector<16xf32>
            %reduce_sum3A_2656 = arith.constant true
            %reduce_sum3A_2657 = vector.broadcast %reduce_sum3A_2656 : i1 to vector<16xi1>
            %reduce_sum3A_2658 = tpu.scan <sum>, %add3A_2655 masked %reduce_sum3A_2657 : vector<16xf32>, vector<16xi1> -> vector<16xf32>
            %reduce_sum3A_2659 = vector.extract %reduce_sum3A_2658[15] : f32 from vector<16xf32>
            %eq3A_2660 = vector.broadcast %scan3A_2435 : i32 to vector<16xi32>
            %eq3A_2661 = arith.cmpi eq, %iota3A, %eq3A_2660 : vector<16xi32>
            %broadcast_in_dim3A_2662 = vector.broadcast %reduce_sum3A_2659 : f32 to vector<16xf32>
            %select_n3A_2663 = arith.select %eq3A_2661, %broadcast_in_dim3A_2662, %scan3A_2439 : vector<16xi1>, vector<16xf32>
            %add3A_2664 = arith.constant 256 : i32
            %add3A_2665 = arith.addi %add3A_2664, %add3A_2443 : i32
            %get3A_2666 = arith.index_cast %add3A_2665 : i32 to index
            %get3A_2667 = arith.constant 0 : index
            %get3A_2668 = tpu.vector_load %arg12[%get3A_2666, %get3A_2667] {strides = array<i32>} : memref<320x128xf32, #tpu.memory_space<vmem>>, vector<16xf32>,
            %mul3A_2669 = arith.mulf %get3A_2446, %get3A_2668 : vector<16xf32>
            %get3A_2670 = arith.index_cast %add3A_2665 : i32 to index
            %get3A_2671 = arith.constant 16 : index
            %get3A_2672 = tpu.vector_load %arg12[%get3A_2670, %get3A_2671] {strides = array<i32>} : memref<320x128xf32, #tpu.memory_space<vmem>>, vector<16xf32>,
            %mul3A_2673 = arith.mulf %get3A_2449, %get3A_2672 : vector<16xf32>
            %add3A_2674 = arith.addf %mul3A_2669, %mul3A_2673 : vector<16xf32>
            %get3A_2675 = arith.index_cast %add3A_2665 : i32 to index
            %get3A_2676 = arith.constant 32 : index
            %get3A_2677 = tpu.vector_load %arg12[%get3A_2675, %get3A_2676] {strides = array<i32>} : memref<320x128xf32, #tpu.memory_space<vmem>>, vector<16xf32>,
            %mul3A_2678 = arith.mulf %get3A_2452, %get3A_2677 : vector<16xf32>
            %add3A_2679 = arith.addf %add3A_2674, %mul3A_2678 : vector<16xf32>
            %get3A_2680 = arith.index_cast %add3A_2665 : i32 to index
            %get3A_2681 = arith.constant 48 : index
            %get3A_2682 = tpu.vector_load %arg12[%get3A_2680, %get3A_2681] {strides = array<i32>} : memref<320x128xf32, #tpu.memory_space<vmem>>, vector<16xf32>,
            %mul3A_2683 = arith.mulf %get3A_2455, %get3A_2682 : vector<16xf32>
            %add3A_2684 = arith.addf %add3A_2679, %mul3A_2683 : vector<16xf32>
            %get3A_2685 = arith.index_cast %add3A_2665 : i32 to index
            %get3A_2686 = arith.constant 64 : index
            %get3A_2687 = tpu.vector_load %arg12[%get3A_2685, %get3A_2686] {strides = array<i32>} : memref<320x128xf32, #tpu.memory_space<vmem>>, vector<16xf32>,
            %mul3A_2688 = arith.mulf %get3A_2458, %get3A_2687 : vector<16xf32>
            %add3A_2689 = arith.addf %add3A_2684, %mul3A_2688 : vector<16xf32>
            %get3A_2690 = arith.index_cast %add3A_2665 : i32 to index
            %get3A_2691 = arith.constant 80 : index
            %get3A_2692 = tpu.vector_load %arg12[%get3A_2690, %get3A_2691] {strides = array<i32>} : memref<320x128xf32, #tpu.memory_space<vmem>>, vector<16xf32>,
            %mul3A_2693 = arith.mulf %get3A_2461, %get3A_2692 : vector<16xf32>
            %add3A_2694 = arith.addf %add3A_2689, %mul3A_2693 : vector<16xf32>
            %get3A_2695 = arith.index_cast %add3A_2665 : i32 to index
            %get3A_2696 = arith.constant 96 : index
            %get3A_2697 = tpu.vector_load %arg12[%get3A_2695, %get3A_2696] {strides = array<i32>} : memref<320x128xf32, #tpu.memory_space<vmem>>, vector<16xf32>,
            %mul3A_2698 = arith.mulf %get3A_2464, %get3A_2697 : vector<16xf32>
            %add3A_2699 = arith.addf %add3A_2694, %mul3A_2698 : vector<16xf32>
            %get3A_2700 = arith.index_cast %add3A_2665 : i32 to index
            %get3A_2701 = arith.constant 112 : index
            %get3A_2702 = tpu.vector_load %arg12[%get3A_2700, %get3A_2701] {strides = array<i32>} : memref<320x128xf32, #tpu.memory_space<vmem>>, vector<16xf32>,
            %mul3A_2703 = arith.mulf %get3A_2467, %get3A_2702 : vector<16xf32>
            %add3A_2704 = arith.addf %add3A_2699, %mul3A_2703 : vector<16xf32>
            %reduce_sum3A_2705 = arith.constant true
            %reduce_sum3A_2706 = vector.broadcast %reduce_sum3A_2705 : i1 to vector<16xi1>
            %reduce_sum3A_2707 = tpu.scan <sum>, %add3A_2704 masked %reduce_sum3A_2706 : vector<16xf32>, vector<16xi1> -> vector<16xf32>
            %reduce_sum3A_2708 = vector.extract %reduce_sum3A_2707[15] : f32 from vector<16xf32>
            %eq3A_2709 = vector.broadcast %scan3A_2435 : i32 to vector<16xi32>
            %eq3A_2710 = arith.cmpi eq, %iota3A, %eq3A_2709 : vector<16xi32>
            %broadcast_in_dim3A_2711 = vector.broadcast %reduce_sum3A_2708 : f32 to vector<16xf32>
            %select_n3A_2712 = arith.select %eq3A_2710, %broadcast_in_dim3A_2711, %scan3A_2440 : vector<16xi1>, vector<16xf32>
            scf.yield %select_n3A_2516, %select_n3A_2565, %select_n3A_2614, %select_n3A_2663, %select_n3A_2712 : vector<16xf32>, vector<16xf32>, vector<16xf32>, vector<16xf32>, vector<16xf32>
          }
          %scan3A_2389 = arith.constant 16 : i32
          %mul3A_2390 = arith.constant 64 : i32
          %mul3A_2391 = arith.muli %scan3A_2282, %mul3A_2390 : i32
          %mul3A_2392 = arith.constant 16 : i32
          %mul3A_2393 = arith.muli %scan3A_2373, %mul3A_2392 : i32
          %add3A_2394 = arith.addi %mul3A_2391, %mul3A_2393 : i32
          %swap3A_2395 = arith.constant 0 : i32
          %swap3A_2396 = arith.index_cast %swap3A_2395 : i32 to index
          %swap3A_2397 = arith.index_cast %add3A_2394 : i32 to index
          %swap3A_2398 = tpu.vector_load %arg13[%swap3A_2396, %swap3A_2397] {strides = array<i32>} : memref<5x512xf32, #tpu.memory_space<vmem>>, vector<16xf32>,
          tpu.vector_store %arg13[%swap3A_2396, %swap3A_2397], %scan3A_2388#0 {strides = array<i32>} : memref<5x512xf32, #tpu.memory_space<vmem>>, vector<16xf32>,
          %mul3A_2399 = arith.constant 64 : i32
          %mul3A_2400 = arith.muli %scan3A_2282, %mul3A_2399 : i32
          %mul3A_2401 = arith.constant 16 : i32
          %mul3A_2402 = arith.muli %scan3A_2373, %mul3A_2401 : i32
          %add3A_2403 = arith.addi %mul3A_2400, %mul3A_2402 : i32
          %swap3A_2404 = arith.constant 1 : i32
          %swap3A_2405 = arith.index_cast %swap3A_2404 : i32 to index
          %swap3A_2406 = arith.index_cast %add3A_2403 : i32 to index
          %swap3A_2407 = tpu.vector_load %arg13[%swap3A_2405, %swap3A_2406] {strides = array<i32>} : memref<5x512xf32, #tpu.memory_space<vmem>>, vector<16xf32>,
          tpu.vector_store %arg13[%swap3A_2405, %swap3A_2406], %scan3A_2388#1 {strides = array<i32>} : memref<5x512xf32, #tpu.memory_space<vmem>>, vector<16xf32>,
          %mul3A_2408 = arith.constant 64 : i32
          %mul3A_2409 = arith.muli %scan3A_2282, %mul3A_2408 : i32
          %mul3A_2410 = arith.constant 16 : i32
          %mul3A_2411 = arith.muli %scan3A_2373, %mul3A_2410 : i32
          %add3A_2412 = arith.addi %mul3A_2409, %mul3A_2411 : i32
          %swap3A_2413 = arith.constant 2 : i32
          %swap3A_2414 = arith.index_cast %swap3A_2413 : i32 to index
          %swap3A_2415 = arith.index_cast %add3A_2412 : i32 to index
          %swap3A_2416 = tpu.vector_load %arg13[%swap3A_2414, %swap3A_2415] {strides = array<i32>} : memref<5x512xf32, #tpu.memory_space<vmem>>, vector<16xf32>,
          tpu.vector_store %arg13[%swap3A_2414, %swap3A_2415], %scan3A_2388#2 {strides = array<i32>} : memref<5x512xf32, #tpu.memory_space<vmem>>, vector<16xf32>,
          %mul3A_2417 = arith.constant 64 : i32
          %mul3A_2418 = arith.muli %scan3A_2282, %mul3A_2417 : i32
          %mul3A_2419 = arith.constant 16 : i32
          %mul3A_2420 = arith.muli %scan3A_2373, %mul3A_2419 : i32
          %add3A_2421 = arith.addi %mul3A_2418, %mul3A_2420 : i32
          %swap3A_2422 = arith.constant 3 : i32
          %swap3A_2423 = arith.index_cast %swap3A_2422 : i32 to index
          %swap3A_2424 = arith.index_cast %add3A_2421 : i32 to index
          %swap3A_2425 = tpu.vector_load %arg13[%swap3A_2423, %swap3A_2424] {strides = array<i32>} : memref<5x512xf32, #tpu.memory_space<vmem>>, vector<16xf32>,
          tpu.vector_store %arg13[%swap3A_2423, %swap3A_2424], %scan3A_2388#3 {strides = array<i32>} : memref<5x512xf32, #tpu.memory_space<vmem>>, vector<16xf32>,
          %mul3A_2426 = arith.constant 64 : i32
          %mul3A_2427 = arith.muli %scan3A_2282, %mul3A_2426 : i32
          %mul3A_2428 = arith.constant 16 : i32
          %mul3A_2429 = arith.muli %scan3A_2373, %mul3A_2428 : i32
          %add3A_2430 = arith.addi %mul3A_2427, %mul3A_2429 : i32
          %swap3A_2431 = arith.constant 4 : i32
          %swap3A_2432 = arith.index_cast %swap3A_2431 : i32 to index
          %swap3A_2433 = arith.index_cast %add3A_2430 : i32 to index
          %swap3A_2434 = tpu.vector_load %arg13[%swap3A_2432, %swap3A_2433] {strides = array<i32>} : memref<5x512xf32, #tpu.memory_space<vmem>>, vector<16xf32>,
          tpu.vector_store %arg13[%swap3A_2432, %swap3A_2433], %scan3A_2388#4 {strides = array<i32>} : memref<5x512xf32, #tpu.memory_space<vmem>>, vector<16xf32>,
        }
        %scan3A_2371 = arith.constant 4 : i32
        %cond3A_2372 = arith.constant 0 : i32
        scf.yield %cond3A_2372 : i32
      }
      scf.yield %cond3A_2298 : i32
    }
    %scan3A_62 = arith.constant 8 : i32
    %get3A = arith.constant 0 : i32
    %get3A_63 = arith.index_cast %get3A : i32 to index
    %get3A_64 = arith.constant 0 : index
    %get3A_65 = tpu.vector_load %arg13[%get3A_63, %get3A_64] {strides = array<i32>} : memref<5x512xf32, #tpu.memory_space<vmem>>, vector<16xf32>,
    %get3A_66 = arith.constant 0 : i32
    %get3A_67 = arith.index_cast %get3A_66 : i32 to index
    %get3A_68 = arith.constant 16 : index
    %get3A_69 = tpu.vector_load %arg13[%get3A_67, %get3A_68] {strides = array<i32>} : memref<5x512xf32, #tpu.memory_space<vmem>>, vector<16xf32>,
    %max3A = arith.maximumf %get3A_65, %get3A_69 : vector<16xf32>
    %get3A_70 = arith.constant 0 : i32
    %get3A_71 = arith.index_cast %get3A_70 : i32 to index
    %get3A_72 = arith.constant 32 : index
    %get3A_73 = tpu.vector_load %arg13[%get3A_71, %get3A_72] {strides = array<i32>} : memref<5x512xf32, #tpu.memory_space<vmem>>, vector<16xf32>,
    %max3A_74 = arith.maximumf %max3A, %get3A_73 : vector<16xf32>
    %get3A_75 = arith.constant 0 : i32
    %get3A_76 = arith.index_cast %get3A_75 : i32 to index
    %get3A_77 = arith.constant 48 : index
    %get3A_78 = tpu.vector_load %arg13[%get3A_76, %get3A_77] {strides = array<i32>} : memref<5x512xf32, #tpu.memory_space<vmem>>, vector<16xf32>,
    %max3A_79 = arith.maximumf %max3A_74, %get3A_78 : vector<16xf32>
    %get3A_80 = arith.constant 0 : i32
    %get3A_81 = arith.index_cast %get3A_80 : i32 to index
    %get3A_82 = arith.constant 64 : index
    %get3A_83 = tpu.vector_load %arg13[%get3A_81, %get3A_82] {strides = array<i32>} : memref<5x512xf32, #tpu.memory_space<vmem>>, vector<16xf32>,
    %max3A_84 = arith.maximumf %max3A_79, %get3A_83 : vector<16xf32>
    %get3A_85 = arith.constant 0 : i32
    %get3A_86 = arith.index_cast %get3A_85 : i32 to index
    %get3A_87 = arith.constant 80 : index
    %get3A_88 = tpu.vector_load %arg13[%get3A_86, %get3A_87] {strides = array<i32>} : memref<5x512xf32, #tpu.memory_space<vmem>>, vector<16xf32>,
    %max3A_89 = arith.maximumf %max3A_84, %get3A_88 : vector<16xf32>
    %get3A_90 = arith.constant 0 : i32
    %get3A_91 = arith.index_cast %get3A_90 : i32 to index
    %get3A_92 = arith.constant 96 : index
    %get3A_93 = tpu.vector_load %arg13[%get3A_91, %get3A_92] {strides = array<i32>} : memref<5x512xf32, #tpu.memory_space<vmem>>, vector<16xf32>,
    %max3A_94 = arith.maximumf %max3A_89, %get3A_93 : vector<16xf32>
    %get3A_95 = arith.constant 0 : i32
    %get3A_96 = arith.index_cast %get3A_95 : i32 to index
    %get3A_97 = arith.constant 112 : index
    %get3A_98 = tpu.vector_load %arg13[%get3A_96, %get3A_97] {strides = array<i32>} : memref<5x512xf32, #tpu.memory_space<vmem>>, vector<16xf32>,
    %max3A_99 = arith.maximumf %max3A_94, %get3A_98 : vector<16xf32>
    %get3A_100 = arith.constant 0 : i32
    %get3A_101 = arith.index_cast %get3A_100 : i32 to index
    %get3A_102 = arith.constant 128 : index
    %get3A_103 = tpu.vector_load %arg13[%get3A_101, %get3A_102] {strides = array<i32>} : memref<5x512xf32, #tpu.memory_space<vmem>>, vector<16xf32>,
    %max3A_104 = arith.maximumf %max3A_99, %get3A_103 : vector<16xf32>
    %get3A_105 = arith.constant 0 : i32
    %get3A_106 = arith.index_cast %get3A_105 : i32 to index
    %get3A_107 = arith.constant 144 : index
    %get3A_108 = tpu.vector_load %arg13[%get3A_106, %get3A_107] {strides = array<i32>} : memref<5x512xf32, #tpu.memory_space<vmem>>, vector<16xf32>,
    %max3A_109 = arith.maximumf %max3A_104, %get3A_108 : vector<16xf32>
    %get3A_110 = arith.constant 0 : i32
    %get3A_111 = arith.index_cast %get3A_110 : i32 to index
    %get3A_112 = arith.constant 160 : index
    %get3A_113 = tpu.vector_load %arg13[%get3A_111, %get3A_112] {strides = array<i32>} : memref<5x512xf32, #tpu.memory_space<vmem>>, vector<16xf32>,
    %max3A_114 = arith.maximumf %max3A_109, %get3A_113 : vector<16xf32>
    %get3A_115 = arith.constant 0 : i32
    %get3A_116 = arith.index_cast %get3A_115 : i32 to index
    %get3A_117 = arith.constant 176 : index
    %get3A_118 = tpu.vector_load %arg13[%get3A_116, %get3A_117] {strides = array<i32>} : memref<5x512xf32, #tpu.memory_space<vmem>>, vector<16xf32>,
    %max3A_119 = arith.maximumf %max3A_114, %get3A_118 : vector<16xf32>
    %get3A_120 = arith.constant 0 : i32
    %get3A_121 = arith.index_cast %get3A_120 : i32 to index
    %get3A_122 = arith.constant 192 : index
    %get3A_123 = tpu.vector_load %arg13[%get3A_121, %get3A_122] {strides = array<i32>} : memref<5x512xf32, #tpu.memory_space<vmem>>, vector<16xf32>,
    %max3A_124 = arith.maximumf %max3A_119, %get3A_123 : vector<16xf32>
    %get3A_125 = arith.constant 0 : i32
    %get3A_126 = arith.index_cast %get3A_125 : i32 to index
    %get3A_127 = arith.constant 208 : index
    %get3A_128 = tpu.vector_load %arg13[%get3A_126, %get3A_127] {strides = array<i32>} : memref<5x512xf32, #tpu.memory_space<vmem>>, vector<16xf32>,
    %max3A_129 = arith.maximumf %max3A_124, %get3A_128 : vector<16xf32>
    %get3A_130 = arith.constant 0 : i32
    %get3A_131 = arith.index_cast %get3A_130 : i32 to index
    %get3A_132 = arith.constant 224 : index
    %get3A_133 = tpu.vector_load %arg13[%get3A_131, %get3A_132] {strides = array<i32>} : memref<5x512xf32, #tpu.memory_space<vmem>>, vector<16xf32>,
    %max3A_134 = arith.maximumf %max3A_129, %get3A_133 : vector<16xf32>
    %get3A_135 = arith.constant 0 : i32
    %get3A_136 = arith.index_cast %get3A_135 : i32 to index
    %get3A_137 = arith.constant 240 : index
    %get3A_138 = tpu.vector_load %arg13[%get3A_136, %get3A_137] {strides = array<i32>} : memref<5x512xf32, #tpu.memory_space<vmem>>, vector<16xf32>,
    %max3A_139 = arith.maximumf %max3A_134, %get3A_138 : vector<16xf32>
    %get3A_140 = arith.constant 0 : i32
    %get3A_141 = arith.index_cast %get3A_140 : i32 to index
    %get3A_142 = arith.constant 256 : index
    %get3A_143 = tpu.vector_load %arg13[%get3A_141, %get3A_142] {strides = array<i32>} : memref<5x512xf32, #tpu.memory_space<vmem>>, vector<16xf32>,
    %max3A_144 = arith.maximumf %max3A_139, %get3A_143 : vector<16xf32>
    %get3A_145 = arith.constant 0 : i32
    %get3A_146 = arith.index_cast %get3A_145 : i32 to index
    %get3A_147 = arith.constant 272 : index
    %get3A_148 = tpu.vector_load %arg13[%get3A_146, %get3A_147] {strides = array<i32>} : memref<5x512xf32, #tpu.memory_space<vmem>>, vector<16xf32>,
    %max3A_149 = arith.maximumf %max3A_144, %get3A_148 : vector<16xf32>
    %get3A_150 = arith.constant 0 : i32
    %get3A_151 = arith.index_cast %get3A_150 : i32 to index
    %get3A_152 = arith.constant 288 : index
    %get3A_153 = tpu.vector_load %arg13[%get3A_151, %get3A_152] {strides = array<i32>} : memref<5x512xf32, #tpu.memory_space<vmem>>, vector<16xf32>,
    %max3A_154 = arith.maximumf %max3A_149, %get3A_153 : vector<16xf32>
    %get3A_155 = arith.constant 0 : i32
    %get3A_156 = arith.index_cast %get3A_155 : i32 to index
    %get3A_157 = arith.constant 304 : index
    %get3A_158 = tpu.vector_load %arg13[%get3A_156, %get3A_157] {strides = array<i32>} : memref<5x512xf32, #tpu.memory_space<vmem>>, vector<16xf32>,
    %max3A_159 = arith.maximumf %max3A_154, %get3A_158 : vector<16xf32>
    %get3A_160 = arith.constant 0 : i32
    %get3A_161 = arith.index_cast %get3A_160 : i32 to index
    %get3A_162 = arith.constant 320 : index
    %get3A_163 = tpu.vector_load %arg13[%get3A_161, %get3A_162] {strides = array<i32>} : memref<5x512xf32, #tpu.memory_space<vmem>>, vector<16xf32>,
    %max3A_164 = arith.maximumf %max3A_159, %get3A_163 : vector<16xf32>
    %get3A_165 = arith.constant 0 : i32
    %get3A_166 = arith.index_cast %get3A_165 : i32 to index
    %get3A_167 = arith.constant 336 : index
    %get3A_168 = tpu.vector_load %arg13[%get3A_166, %get3A_167] {strides = array<i32>} : memref<5x512xf32, #tpu.memory_space<vmem>>, vector<16xf32>,
    %max3A_169 = arith.maximumf %max3A_164, %get3A_168 : vector<16xf32>
    %get3A_170 = arith.constant 0 : i32
    %get3A_171 = arith.index_cast %get3A_170 : i32 to index
    %get3A_172 = arith.constant 352 : index
    %get3A_173 = tpu.vector_load %arg13[%get3A_171, %get3A_172] {strides = array<i32>} : memref<5x512xf32, #tpu.memory_space<vmem>>, vector<16xf32>,
    %max3A_174 = arith.maximumf %max3A_169, %get3A_173 : vector<16xf32>
    %get3A_175 = arith.constant 0 : i32
    %get3A_176 = arith.index_cast %get3A_175 : i32 to index
    %get3A_177 = arith.constant 368 : index
    %get3A_178 = tpu.vector_load %arg13[%get3A_176, %get3A_177] {strides = array<i32>} : memref<5x512xf32, #tpu.memory_space<vmem>>, vector<16xf32>,
    %max3A_179 = arith.maximumf %max3A_174, %get3A_178 : vector<16xf32>
    %get3A_180 = arith.constant 0 : i32
    %get3A_181 = arith.index_cast %get3A_180 : i32 to index
    %get3A_182 = arith.constant 384 : index
    %get3A_183 = tpu.vector_load %arg13[%get3A_181, %get3A_182] {strides = array<i32>} : memref<5x512xf32, #tpu.memory_space<vmem>>, vector<16xf32>,
    %max3A_184 = arith.maximumf %max3A_179, %get3A_183 : vector<16xf32>
    %get3A_185 = arith.constant 0 : i32
    %get3A_186 = arith.index_cast %get3A_185 : i32 to index
    %get3A_187 = arith.constant 400 : index
    %get3A_188 = tpu.vector_load %arg13[%get3A_186, %get3A_187] {strides = array<i32>} : memref<5x512xf32, #tpu.memory_space<vmem>>, vector<16xf32>,
    %max3A_189 = arith.maximumf %max3A_184, %get3A_188 : vector<16xf32>
    %get3A_190 = arith.constant 0 : i32
    %get3A_191 = arith.index_cast %get3A_190 : i32 to index
    %get3A_192 = arith.constant 416 : index
    %get3A_193 = tpu.vector_load %arg13[%get3A_191, %get3A_192] {strides = array<i32>} : memref<5x512xf32, #tpu.memory_space<vmem>>, vector<16xf32>,
    %max3A_194 = arith.maximumf %max3A_189, %get3A_193 : vector<16xf32>
    %get3A_195 = arith.constant 0 : i32
    %get3A_196 = arith.index_cast %get3A_195 : i32 to index
    %get3A_197 = arith.constant 432 : index
    %get3A_198 = tpu.vector_load %arg13[%get3A_196, %get3A_197] {strides = array<i32>} : memref<5x512xf32, #tpu.memory_space<vmem>>, vector<16xf32>,
    %max3A_199 = arith.maximumf %max3A_194, %get3A_198 : vector<16xf32>
    %get3A_200 = arith.constant 0 : i32
    %get3A_201 = arith.index_cast %get3A_200 : i32 to index
    %get3A_202 = arith.constant 448 : index
    %get3A_203 = tpu.vector_load %arg13[%get3A_201, %get3A_202] {strides = array<i32>} : memref<5x512xf32, #tpu.memory_space<vmem>>, vector<16xf32>,
    %max3A_204 = arith.maximumf %max3A_199, %get3A_203 : vector<16xf32>
    %get3A_205 = arith.constant 0 : i32
    %get3A_206 = arith.index_cast %get3A_205 : i32 to index
    %get3A_207 = arith.constant 464 : index
    %get3A_208 = tpu.vector_load %arg13[%get3A_206, %get3A_207] {strides = array<i32>} : memref<5x512xf32, #tpu.memory_space<vmem>>, vector<16xf32>,
    %max3A_209 = arith.maximumf %max3A_204, %get3A_208 : vector<16xf32>
    %get3A_210 = arith.constant 0 : i32
    %get3A_211 = arith.index_cast %get3A_210 : i32 to index
    %get3A_212 = arith.constant 480 : index
    %get3A_213 = tpu.vector_load %arg13[%get3A_211, %get3A_212] {strides = array<i32>} : memref<5x512xf32, #tpu.memory_space<vmem>>, vector<16xf32>,
    %max3A_214 = arith.maximumf %max3A_209, %get3A_213 : vector<16xf32>
    %get3A_215 = arith.constant 0 : i32
    %get3A_216 = arith.index_cast %get3A_215 : i32 to index
    %get3A_217 = arith.constant 496 : index
    %get3A_218 = tpu.vector_load %arg13[%get3A_216, %get3A_217] {strides = array<i32>} : memref<5x512xf32, #tpu.memory_space<vmem>>, vector<16xf32>,
    %max3A_219 = arith.maximumf %max3A_214, %get3A_218 : vector<16xf32>
    %reduce_max3A = arith.constant true
    %reduce_max3A_220 = vector.broadcast %reduce_max3A : i1 to vector<16xi1>
    %reduce_max3A_221 = tpu.scan <max>, %max3A_219 masked %reduce_max3A_220 : vector<16xf32>, vector<16xi1> -> vector<16xf32>
    %reduce_max3A_222 = vector.extract %reduce_max3A_221[15] : f32 from vector<16xf32>
    %broadcast_in_dim3A = arith.constant 0.000000e+00 : f32
    %broadcast_in_dim3A_223 = vector.broadcast %broadcast_in_dim3A : f32 to vector<16xf32>
    %get3A_224 = arith.constant 0 : i32
    %get3A_225 = arith.index_cast %get3A_224 : i32 to index
    %get3A_226 = arith.constant 0 : index
    %get3A_227 = tpu.vector_load %arg13[%get3A_225, %get3A_226] {strides = array<i32>} : memref<5x512xf32, #tpu.memory_space<vmem>>, vector<16xf32>,
    %sub3A = vector.broadcast %reduce_max3A_222 : f32 to vector<16xf32>
    %sub3A_228 = arith.subf %get3A_227, %sub3A : vector<16xf32>
    %exp3A = math.exp %sub3A_228 : vector<16xf32>
    %add3A_229 = arith.addf %broadcast_in_dim3A_223, %exp3A : vector<16xf32>
    %get3A_230 = arith.constant 0 : i32
    %get3A_231 = arith.index_cast %get3A_230 : i32 to index
    %get3A_232 = arith.constant 16 : index
    %get3A_233 = tpu.vector_load %arg13[%get3A_231, %get3A_232] {strides = array<i32>} : memref<5x512xf32, #tpu.memory_space<vmem>>, vector<16xf32>,
    %sub3A_234 = vector.broadcast %reduce_max3A_222 : f32 to vector<16xf32>
    %sub3A_235 = arith.subf %get3A_233, %sub3A_234 : vector<16xf32>
    %exp3A_236 = math.exp %sub3A_235 : vector<16xf32>
    %add3A_237 = arith.addf %add3A_229, %exp3A_236 : vector<16xf32>
    %get3A_238 = arith.constant 0 : i32
    %get3A_239 = arith.index_cast %get3A_238 : i32 to index
    %get3A_240 = arith.constant 32 : index
    %get3A_241 = tpu.vector_load %arg13[%get3A_239, %get3A_240] {strides = array<i32>} : memref<5x512xf32, #tpu.memory_space<vmem>>, vector<16xf32>,
    %sub3A_242 = vector.broadcast %reduce_max3A_222 : f32 to vector<16xf32>
    %sub3A_243 = arith.subf %get3A_241, %sub3A_242 : vector<16xf32>
    %exp3A_244 = math.exp %sub3A_243 : vector<16xf32>
    %add3A_245 = arith.addf %add3A_237, %exp3A_244 : vector<16xf32>
    %get3A_246 = arith.constant 0 : i32
    %get3A_247 = arith.index_cast %get3A_246 : i32 to index
    %get3A_248 = arith.constant 48 : index
    %get3A_249 = tpu.vector_load %arg13[%get3A_247, %get3A_248] {strides = array<i32>} : memref<5x512xf32, #tpu.memory_space<vmem>>, vector<16xf32>,
    %sub3A_250 = vector.broadcast %reduce_max3A_222 : f32 to vector<16xf32>
    %sub3A_251 = arith.subf %get3A_249, %sub3A_250 : vector<16xf32>
    %exp3A_252 = math.exp %sub3A_251 : vector<16xf32>
    %add3A_253 = arith.addf %add3A_245, %exp3A_252 : vector<16xf32>
    %get3A_254 = arith.constant 0 : i32
    %get3A_255 = arith.index_cast %get3A_254 : i32 to index
    %get3A_256 = arith.constant 64 : index
    %get3A_257 = tpu.vector_load %arg13[%get3A_255, %get3A_256] {strides = array<i32>} : memref<5x512xf32, #tpu.memory_space<vmem>>, vector<16xf32>,
    %sub3A_258 = vector.broadcast %reduce_max3A_222 : f32 to vector<16xf32>
    %sub3A_259 = arith.subf %get3A_257, %sub3A_258 : vector<16xf32>
    %exp3A_260 = math.exp %sub3A_259 : vector<16xf32>
    %add3A_261 = arith.addf %add3A_253, %exp3A_260 : vector<16xf32>
    %get3A_262 = arith.constant 0 : i32
    %get3A_263 = arith.index_cast %get3A_262 : i32 to index
    %get3A_264 = arith.constant 80 : index
    %get3A_265 = tpu.vector_load %arg13[%get3A_263, %get3A_264] {strides = array<i32>} : memref<5x512xf32, #tpu.memory_space<vmem>>, vector<16xf32>,
    %sub3A_266 = vector.broadcast %reduce_max3A_222 : f32 to vector<16xf32>
    %sub3A_267 = arith.subf %get3A_265, %sub3A_266 : vector<16xf32>
    %exp3A_268 = math.exp %sub3A_267 : vector<16xf32>
    %add3A_269 = arith.addf %add3A_261, %exp3A_268 : vector<16xf32>
    %get3A_270 = arith.constant 0 : i32
    %get3A_271 = arith.index_cast %get3A_270 : i32 to index
    %get3A_272 = arith.constant 96 : index
    %get3A_273 = tpu.vector_load %arg13[%get3A_271, %get3A_272] {strides = array<i32>} : memref<5x512xf32, #tpu.memory_space<vmem>>, vector<16xf32>,
    %sub3A_274 = vector.broadcast %reduce_max3A_222 : f32 to vector<16xf32>
    %sub3A_275 = arith.subf %get3A_273, %sub3A_274 : vector<16xf32>
    %exp3A_276 = math.exp %sub3A_275 : vector<16xf32>
    %add3A_277 = arith.addf %add3A_269, %exp3A_276 : vector<16xf32>
    %get3A_278 = arith.constant 0 : i32
    %get3A_279 = arith.index_cast %get3A_278 : i32 to index
    %get3A_280 = arith.constant 112 : index
    %get3A_281 = tpu.vector_load %arg13[%get3A_279, %get3A_280] {strides = array<i32>} : memref<5x512xf32, #tpu.memory_space<vmem>>, vector<16xf32>,
    %sub3A_282 = vector.broadcast %reduce_max3A_222 : f32 to vector<16xf32>
    %sub3A_283 = arith.subf %get3A_281, %sub3A_282 : vector<16xf32>
    %exp3A_284 = math.exp %sub3A_283 : vector<16xf32>
    %add3A_285 = arith.addf %add3A_277, %exp3A_284 : vector<16xf32>
    %get3A_286 = arith.constant 0 : i32
    %get3A_287 = arith.index_cast %get3A_286 : i32 to index
    %get3A_288 = arith.constant 128 : index
    %get3A_289 = tpu.vector_load %arg13[%get3A_287, %get3A_288] {strides = array<i32>} : memref<5x512xf32, #tpu.memory_space<vmem>>, vector<16xf32>,
    %sub3A_290 = vector.broadcast %reduce_max3A_222 : f32 to vector<16xf32>
    %sub3A_291 = arith.subf %get3A_289, %sub3A_290 : vector<16xf32>
    %exp3A_292 = math.exp %sub3A_291 : vector<16xf32>
    %add3A_293 = arith.addf %add3A_285, %exp3A_292 : vector<16xf32>
    %get3A_294 = arith.constant 0 : i32
    %get3A_295 = arith.index_cast %get3A_294 : i32 to index
    %get3A_296 = arith.constant 144 : index
    %get3A_297 = tpu.vector_load %arg13[%get3A_295, %get3A_296] {strides = array<i32>} : memref<5x512xf32, #tpu.memory_space<vmem>>, vector<16xf32>,
    %sub3A_298 = vector.broadcast %reduce_max3A_222 : f32 to vector<16xf32>
    %sub3A_299 = arith.subf %get3A_297, %sub3A_298 : vector<16xf32>
    %exp3A_300 = math.exp %sub3A_299 : vector<16xf32>
    %add3A_301 = arith.addf %add3A_293, %exp3A_300 : vector<16xf32>
    %get3A_302 = arith.constant 0 : i32
    %get3A_303 = arith.index_cast %get3A_302 : i32 to index
    %get3A_304 = arith.constant 160 : index
    %get3A_305 = tpu.vector_load %arg13[%get3A_303, %get3A_304] {strides = array<i32>} : memref<5x512xf32, #tpu.memory_space<vmem>>, vector<16xf32>,
    %sub3A_306 = vector.broadcast %reduce_max3A_222 : f32 to vector<16xf32>
    %sub3A_307 = arith.subf %get3A_305, %sub3A_306 : vector<16xf32>
    %exp3A_308 = math.exp %sub3A_307 : vector<16xf32>
    %add3A_309 = arith.addf %add3A_301, %exp3A_308 : vector<16xf32>
    %get3A_310 = arith.constant 0 : i32
    %get3A_311 = arith.index_cast %get3A_310 : i32 to index
    %get3A_312 = arith.constant 176 : index
    %get3A_313 = tpu.vector_load %arg13[%get3A_311, %get3A_312] {strides = array<i32>} : memref<5x512xf32, #tpu.memory_space<vmem>>, vector<16xf32>,
    %sub3A_314 = vector.broadcast %reduce_max3A_222 : f32 to vector<16xf32>
    %sub3A_315 = arith.subf %get3A_313, %sub3A_314 : vector<16xf32>
    %exp3A_316 = math.exp %sub3A_315 : vector<16xf32>
    %add3A_317 = arith.addf %add3A_309, %exp3A_316 : vector<16xf32>
    %get3A_318 = arith.constant 0 : i32
    %get3A_319 = arith.index_cast %get3A_318 : i32 to index
    %get3A_320 = arith.constant 192 : index
    %get3A_321 = tpu.vector_load %arg13[%get3A_319, %get3A_320] {strides = array<i32>} : memref<5x512xf32, #tpu.memory_space<vmem>>, vector<16xf32>,
    %sub3A_322 = vector.broadcast %reduce_max3A_222 : f32 to vector<16xf32>
    %sub3A_323 = arith.subf %get3A_321, %sub3A_322 : vector<16xf32>
    %exp3A_324 = math.exp %sub3A_323 : vector<16xf32>
    %add3A_325 = arith.addf %add3A_317, %exp3A_324 : vector<16xf32>
    %get3A_326 = arith.constant 0 : i32
    %get3A_327 = arith.index_cast %get3A_326 : i32 to index
    %get3A_328 = arith.constant 208 : index
    %get3A_329 = tpu.vector_load %arg13[%get3A_327, %get3A_328] {strides = array<i32>} : memref<5x512xf32, #tpu.memory_space<vmem>>, vector<16xf32>,
    %sub3A_330 = vector.broadcast %reduce_max3A_222 : f32 to vector<16xf32>
    %sub3A_331 = arith.subf %get3A_329, %sub3A_330 : vector<16xf32>
    %exp3A_332 = math.exp %sub3A_331 : vector<16xf32>
    %add3A_333 = arith.addf %add3A_325, %exp3A_332 : vector<16xf32>
    %get3A_334 = arith.constant 0 : i32
    %get3A_335 = arith.index_cast %get3A_334 : i32 to index
    %get3A_336 = arith.constant 224 : index
    %get3A_337 = tpu.vector_load %arg13[%get3A_335, %get3A_336] {strides = array<i32>} : memref<5x512xf32, #tpu.memory_space<vmem>>, vector<16xf32>,
    %sub3A_338 = vector.broadcast %reduce_max3A_222 : f32 to vector<16xf32>
    %sub3A_339 = arith.subf %get3A_337, %sub3A_338 : vector<16xf32>
    %exp3A_340 = math.exp %sub3A_339 : vector<16xf32>
    %add3A_341 = arith.addf %add3A_333, %exp3A_340 : vector<16xf32>
    %get3A_342 = arith.constant 0 : i32
    %get3A_343 = arith.index_cast %get3A_342 : i32 to index
    %get3A_344 = arith.constant 240 : index
    %get3A_345 = tpu.vector_load %arg13[%get3A_343, %get3A_344] {strides = array<i32>} : memref<5x512xf32, #tpu.memory_space<vmem>>, vector<16xf32>,
    %sub3A_346 = vector.broadcast %reduce_max3A_222 : f32 to vector<16xf32>
    %sub3A_347 = arith.subf %get3A_345, %sub3A_346 : vector<16xf32>
    %exp3A_348 = math.exp %sub3A_347 : vector<16xf32>
    %add3A_349 = arith.addf %add3A_341, %exp3A_348 : vector<16xf32>
    %get3A_350 = arith.constant 0 : i32
    %get3A_351 = arith.index_cast %get3A_350 : i32 to index
    %get3A_352 = arith.constant 256 : index
    %get3A_353 = tpu.vector_load %arg13[%get3A_351, %get3A_352] {strides = array<i32>} : memref<5x512xf32, #tpu.memory_space<vmem>>, vector<16xf32>,
    %sub3A_354 = vector.broadcast %reduce_max3A_222 : f32 to vector<16xf32>
    %sub3A_355 = arith.subf %get3A_353, %sub3A_354 : vector<16xf32>
    %exp3A_356 = math.exp %sub3A_355 : vector<16xf32>
    %add3A_357 = arith.addf %add3A_349, %exp3A_356 : vector<16xf32>
    %get3A_358 = arith.constant 0 : i32
    %get3A_359 = arith.index_cast %get3A_358 : i32 to index
    %get3A_360 = arith.constant 272 : index
    %get3A_361 = tpu.vector_load %arg13[%get3A_359, %get3A_360] {strides = array<i32>} : memref<5x512xf32, #tpu.memory_space<vmem>>, vector<16xf32>,
    %sub3A_362 = vector.broadcast %reduce_max3A_222 : f32 to vector<16xf32>
    %sub3A_363 = arith.subf %get3A_361, %sub3A_362 : vector<16xf32>
    %exp3A_364 = math.exp %sub3A_363 : vector<16xf32>
    %add3A_365 = arith.addf %add3A_357, %exp3A_364 : vector<16xf32>
    %get3A_366 = arith.constant 0 : i32
    %get3A_367 = arith.index_cast %get3A_366 : i32 to index
    %get3A_368 = arith.constant 288 : index
    %get3A_369 = tpu.vector_load %arg13[%get3A_367, %get3A_368] {strides = array<i32>} : memref<5x512xf32, #tpu.memory_space<vmem>>, vector<16xf32>,
    %sub3A_370 = vector.broadcast %reduce_max3A_222 : f32 to vector<16xf32>
    %sub3A_371 = arith.subf %get3A_369, %sub3A_370 : vector<16xf32>
    %exp3A_372 = math.exp %sub3A_371 : vector<16xf32>
    %add3A_373 = arith.addf %add3A_365, %exp3A_372 : vector<16xf32>
    %get3A_374 = arith.constant 0 : i32
    %get3A_375 = arith.index_cast %get3A_374 : i32 to index
    %get3A_376 = arith.constant 304 : index
    %get3A_377 = tpu.vector_load %arg13[%get3A_375, %get3A_376] {strides = array<i32>} : memref<5x512xf32, #tpu.memory_space<vmem>>, vector<16xf32>,
    %sub3A_378 = vector.broadcast %reduce_max3A_222 : f32 to vector<16xf32>
    %sub3A_379 = arith.subf %get3A_377, %sub3A_378 : vector<16xf32>
    %exp3A_380 = math.exp %sub3A_379 : vector<16xf32>
    %add3A_381 = arith.addf %add3A_373, %exp3A_380 : vector<16xf32>
    %get3A_382 = arith.constant 0 : i32
    %get3A_383 = arith.index_cast %get3A_382 : i32 to index
    %get3A_384 = arith.constant 320 : index
    %get3A_385 = tpu.vector_load %arg13[%get3A_383, %get3A_384] {strides = array<i32>} : memref<5x512xf32, #tpu.memory_space<vmem>>, vector<16xf32>,
    %sub3A_386 = vector.broadcast %reduce_max3A_222 : f32 to vector<16xf32>
    %sub3A_387 = arith.subf %get3A_385, %sub3A_386 : vector<16xf32>
    %exp3A_388 = math.exp %sub3A_387 : vector<16xf32>
    %add3A_389 = arith.addf %add3A_381, %exp3A_388 : vector<16xf32>
    %get3A_390 = arith.constant 0 : i32
    %get3A_391 = arith.index_cast %get3A_390 : i32 to index
    %get3A_392 = arith.constant 336 : index
    %get3A_393 = tpu.vector_load %arg13[%get3A_391, %get3A_392] {strides = array<i32>} : memref<5x512xf32, #tpu.memory_space<vmem>>, vector<16xf32>,
    %sub3A_394 = vector.broadcast %reduce_max3A_222 : f32 to vector<16xf32>
    %sub3A_395 = arith.subf %get3A_393, %sub3A_394 : vector<16xf32>
    %exp3A_396 = math.exp %sub3A_395 : vector<16xf32>
    %add3A_397 = arith.addf %add3A_389, %exp3A_396 : vector<16xf32>
    %get3A_398 = arith.constant 0 : i32
    %get3A_399 = arith.index_cast %get3A_398 : i32 to index
    %get3A_400 = arith.constant 352 : index
    %get3A_401 = tpu.vector_load %arg13[%get3A_399, %get3A_400] {strides = array<i32>} : memref<5x512xf32, #tpu.memory_space<vmem>>, vector<16xf32>,
    %sub3A_402 = vector.broadcast %reduce_max3A_222 : f32 to vector<16xf32>
    %sub3A_403 = arith.subf %get3A_401, %sub3A_402 : vector<16xf32>
    %exp3A_404 = math.exp %sub3A_403 : vector<16xf32>
    %add3A_405 = arith.addf %add3A_397, %exp3A_404 : vector<16xf32>
    %get3A_406 = arith.constant 0 : i32
    %get3A_407 = arith.index_cast %get3A_406 : i32 to index
    %get3A_408 = arith.constant 368 : index
    %get3A_409 = tpu.vector_load %arg13[%get3A_407, %get3A_408] {strides = array<i32>} : memref<5x512xf32, #tpu.memory_space<vmem>>, vector<16xf32>,
    %sub3A_410 = vector.broadcast %reduce_max3A_222 : f32 to vector<16xf32>
    %sub3A_411 = arith.subf %get3A_409, %sub3A_410 : vector<16xf32>
    %exp3A_412 = math.exp %sub3A_411 : vector<16xf32>
    %add3A_413 = arith.addf %add3A_405, %exp3A_412 : vector<16xf32>
    %get3A_414 = arith.constant 0 : i32
    %get3A_415 = arith.index_cast %get3A_414 : i32 to index
    %get3A_416 = arith.constant 384 : index
    %get3A_417 = tpu.vector_load %arg13[%get3A_415, %get3A_416] {strides = array<i32>} : memref<5x512xf32, #tpu.memory_space<vmem>>, vector<16xf32>,
    %sub3A_418 = vector.broadcast %reduce_max3A_222 : f32 to vector<16xf32>
    %sub3A_419 = arith.subf %get3A_417, %sub3A_418 : vector<16xf32>
    %exp3A_420 = math.exp %sub3A_419 : vector<16xf32>
    %add3A_421 = arith.addf %add3A_413, %exp3A_420 : vector<16xf32>
    %get3A_422 = arith.constant 0 : i32
    %get3A_423 = arith.index_cast %get3A_422 : i32 to index
    %get3A_424 = arith.constant 400 : index
    %get3A_425 = tpu.vector_load %arg13[%get3A_423, %get3A_424] {strides = array<i32>} : memref<5x512xf32, #tpu.memory_space<vmem>>, vector<16xf32>,
    %sub3A_426 = vector.broadcast %reduce_max3A_222 : f32 to vector<16xf32>
    %sub3A_427 = arith.subf %get3A_425, %sub3A_426 : vector<16xf32>
    %exp3A_428 = math.exp %sub3A_427 : vector<16xf32>
    %add3A_429 = arith.addf %add3A_421, %exp3A_428 : vector<16xf32>
    %get3A_430 = arith.constant 0 : i32
    %get3A_431 = arith.index_cast %get3A_430 : i32 to index
    %get3A_432 = arith.constant 416 : index
    %get3A_433 = tpu.vector_load %arg13[%get3A_431, %get3A_432] {strides = array<i32>} : memref<5x512xf32, #tpu.memory_space<vmem>>, vector<16xf32>,
    %sub3A_434 = vector.broadcast %reduce_max3A_222 : f32 to vector<16xf32>
    %sub3A_435 = arith.subf %get3A_433, %sub3A_434 : vector<16xf32>
    %exp3A_436 = math.exp %sub3A_435 : vector<16xf32>
    %add3A_437 = arith.addf %add3A_429, %exp3A_436 : vector<16xf32>
    %get3A_438 = arith.constant 0 : i32
    %get3A_439 = arith.index_cast %get3A_438 : i32 to index
    %get3A_440 = arith.constant 432 : index
    %get3A_441 = tpu.vector_load %arg13[%get3A_439, %get3A_440] {strides = array<i32>} : memref<5x512xf32, #tpu.memory_space<vmem>>, vector<16xf32>,
    %sub3A_442 = vector.broadcast %reduce_max3A_222 : f32 to vector<16xf32>
    %sub3A_443 = arith.subf %get3A_441, %sub3A_442 : vector<16xf32>
    %exp3A_444 = math.exp %sub3A_443 : vector<16xf32>
    %add3A_445 = arith.addf %add3A_437, %exp3A_444 : vector<16xf32>
    %get3A_446 = arith.constant 0 : i32
    %get3A_447 = arith.index_cast %get3A_446 : i32 to index
    %get3A_448 = arith.constant 448 : index
    %get3A_449 = tpu.vector_load %arg13[%get3A_447, %get3A_448] {strides = array<i32>} : memref<5x512xf32, #tpu.memory_space<vmem>>, vector<16xf32>,
    %sub3A_450 = vector.broadcast %reduce_max3A_222 : f32 to vector<16xf32>
    %sub3A_451 = arith.subf %get3A_449, %sub3A_450 : vector<16xf32>
    %exp3A_452 = math.exp %sub3A_451 : vector<16xf32>
    %add3A_453 = arith.addf %add3A_445, %exp3A_452 : vector<16xf32>
    %get3A_454 = arith.constant 0 : i32
    %get3A_455 = arith.index_cast %get3A_454 : i32 to index
    %get3A_456 = arith.constant 464 : index
    %get3A_457 = tpu.vector_load %arg13[%get3A_455, %get3A_456] {strides = array<i32>} : memref<5x512xf32, #tpu.memory_space<vmem>>, vector<16xf32>,
    %sub3A_458 = vector.broadcast %reduce_max3A_222 : f32 to vector<16xf32>
    %sub3A_459 = arith.subf %get3A_457, %sub3A_458 : vector<16xf32>
    %exp3A_460 = math.exp %sub3A_459 : vector<16xf32>
    %add3A_461 = arith.addf %add3A_453, %exp3A_460 : vector<16xf32>
    %get3A_462 = arith.constant 0 : i32
    %get3A_463 = arith.index_cast %get3A_462 : i32 to index
    %get3A_464 = arith.constant 480 : index
    %get3A_465 = tpu.vector_load %arg13[%get3A_463, %get3A_464] {strides = array<i32>} : memref<5x512xf32, #tpu.memory_space<vmem>>, vector<16xf32>,
    %sub3A_466 = vector.broadcast %reduce_max3A_222 : f32 to vector<16xf32>
    %sub3A_467 = arith.subf %get3A_465, %sub3A_466 : vector<16xf32>
    %exp3A_468 = math.exp %sub3A_467 : vector<16xf32>
    %add3A_469 = arith.addf %add3A_461, %exp3A_468 : vector<16xf32>
    %get3A_470 = arith.constant 0 : i32
    %get3A_471 = arith.index_cast %get3A_470 : i32 to index
    %get3A_472 = arith.constant 496 : index
    %get3A_473 = tpu.vector_load %arg13[%get3A_471, %get3A_472] {strides = array<i32>} : memref<5x512xf32, #tpu.memory_space<vmem>>, vector<16xf32>,
    %sub3A_474 = vector.broadcast %reduce_max3A_222 : f32 to vector<16xf32>
    %sub3A_475 = arith.subf %get3A_473, %sub3A_474 : vector<16xf32>
    %exp3A_476 = math.exp %sub3A_475 : vector<16xf32>
    %add3A_477 = arith.addf %add3A_469, %exp3A_476 : vector<16xf32>
    %reduce_sum3A = arith.constant true
    %reduce_sum3A_478 = vector.broadcast %reduce_sum3A : i1 to vector<16xi1>
    %reduce_sum3A_479 = tpu.scan <sum>, %add3A_477 masked %reduce_sum3A_478 : vector<16xf32>, vector<16xi1> -> vector<16xf32>
    %reduce_sum3A_480 = vector.extract %reduce_sum3A_479[15] : f32 from vector<16xf32>
    %get3A_481 = arith.constant 1 : i32
    %get3A_482 = arith.index_cast %get3A_481 : i32 to index
    %get3A_483 = arith.constant 0 : index
    %get3A_484 = tpu.vector_load %arg13[%get3A_482, %get3A_483] {strides = array<i32>} : memref<5x512xf32, #tpu.memory_space<vmem>>, vector<16xf32>,
    %get3A_485 = arith.constant 1 : i32
    %get3A_486 = arith.index_cast %get3A_485 : i32 to index
    %get3A_487 = arith.constant 16 : index
    %get3A_488 = tpu.vector_load %arg13[%get3A_486, %get3A_487] {strides = array<i32>} : memref<5x512xf32, #tpu.memory_space<vmem>>, vector<16xf32>,
    %max3A_489 = arith.maximumf %get3A_484, %get3A_488 : vector<16xf32>
    %get3A_490 = arith.constant 1 : i32
    %get3A_491 = arith.index_cast %get3A_490 : i32 to index
    %get3A_492 = arith.constant 32 : index
    %get3A_493 = tpu.vector_load %arg13[%get3A_491, %get3A_492] {strides = array<i32>} : memref<5x512xf32, #tpu.memory_space<vmem>>, vector<16xf32>,
    %max3A_494 = arith.maximumf %max3A_489, %get3A_493 : vector<16xf32>
    %get3A_495 = arith.constant 1 : i32
    %get3A_496 = arith.index_cast %get3A_495 : i32 to index
    %get3A_497 = arith.constant 48 : index
    %get3A_498 = tpu.vector_load %arg13[%get3A_496, %get3A_497] {strides = array<i32>} : memref<5x512xf32, #tpu.memory_space<vmem>>, vector<16xf32>,
    %max3A_499 = arith.maximumf %max3A_494, %get3A_498 : vector<16xf32>
    %get3A_500 = arith.constant 1 : i32
    %get3A_501 = arith.index_cast %get3A_500 : i32 to index
    %get3A_502 = arith.constant 64 : index
    %get3A_503 = tpu.vector_load %arg13[%get3A_501, %get3A_502] {strides = array<i32>} : memref<5x512xf32, #tpu.memory_space<vmem>>, vector<16xf32>,
    %max3A_504 = arith.maximumf %max3A_499, %get3A_503 : vector<16xf32>
    %get3A_505 = arith.constant 1 : i32
    %get3A_506 = arith.index_cast %get3A_505 : i32 to index
    %get3A_507 = arith.constant 80 : index
    %get3A_508 = tpu.vector_load %arg13[%get3A_506, %get3A_507] {strides = array<i32>} : memref<5x512xf32, #tpu.memory_space<vmem>>, vector<16xf32>,
    %max3A_509 = arith.maximumf %max3A_504, %get3A_508 : vector<16xf32>
    %get3A_510 = arith.constant 1 : i32
    %get3A_511 = arith.index_cast %get3A_510 : i32 to index
    %get3A_512 = arith.constant 96 : index
    %get3A_513 = tpu.vector_load %arg13[%get3A_511, %get3A_512] {strides = array<i32>} : memref<5x512xf32, #tpu.memory_space<vmem>>, vector<16xf32>,
    %max3A_514 = arith.maximumf %max3A_509, %get3A_513 : vector<16xf32>
    %get3A_515 = arith.constant 1 : i32
    %get3A_516 = arith.index_cast %get3A_515 : i32 to index
    %get3A_517 = arith.constant 112 : index
    %get3A_518 = tpu.vector_load %arg13[%get3A_516, %get3A_517] {strides = array<i32>} : memref<5x512xf32, #tpu.memory_space<vmem>>, vector<16xf32>,
    %max3A_519 = arith.maximumf %max3A_514, %get3A_518 : vector<16xf32>
    %get3A_520 = arith.constant 1 : i32
    %get3A_521 = arith.index_cast %get3A_520 : i32 to index
    %get3A_522 = arith.constant 128 : index
    %get3A_523 = tpu.vector_load %arg13[%get3A_521, %get3A_522] {strides = array<i32>} : memref<5x512xf32, #tpu.memory_space<vmem>>, vector<16xf32>,
    %max3A_524 = arith.maximumf %max3A_519, %get3A_523 : vector<16xf32>
    %get3A_525 = arith.constant 1 : i32
    %get3A_526 = arith.index_cast %get3A_525 : i32 to index
    %get3A_527 = arith.constant 144 : index
    %get3A_528 = tpu.vector_load %arg13[%get3A_526, %get3A_527] {strides = array<i32>} : memref<5x512xf32, #tpu.memory_space<vmem>>, vector<16xf32>,
    %max3A_529 = arith.maximumf %max3A_524, %get3A_528 : vector<16xf32>
    %get3A_530 = arith.constant 1 : i32
    %get3A_531 = arith.index_cast %get3A_530 : i32 to index
    %get3A_532 = arith.constant 160 : index
    %get3A_533 = tpu.vector_load %arg13[%get3A_531, %get3A_532] {strides = array<i32>} : memref<5x512xf32, #tpu.memory_space<vmem>>, vector<16xf32>,
    %max3A_534 = arith.maximumf %max3A_529, %get3A_533 : vector<16xf32>
    %get3A_535 = arith.constant 1 : i32
    %get3A_536 = arith.index_cast %get3A_535 : i32 to index
    %get3A_537 = arith.constant 176 : index
    %get3A_538 = tpu.vector_load %arg13[%get3A_536, %get3A_537] {strides = array<i32>} : memref<5x512xf32, #tpu.memory_space<vmem>>, vector<16xf32>,
    %max3A_539 = arith.maximumf %max3A_534, %get3A_538 : vector<16xf32>
    %get3A_540 = arith.constant 1 : i32
    %get3A_541 = arith.index_cast %get3A_540 : i32 to index
    %get3A_542 = arith.constant 192 : index
    %get3A_543 = tpu.vector_load %arg13[%get3A_541, %get3A_542] {strides = array<i32>} : memref<5x512xf32, #tpu.memory_space<vmem>>, vector<16xf32>,
    %max3A_544 = arith.maximumf %max3A_539, %get3A_543 : vector<16xf32>
    %get3A_545 = arith.constant 1 : i32
    %get3A_546 = arith.index_cast %get3A_545 : i32 to index
    %get3A_547 = arith.constant 208 : index
    %get3A_548 = tpu.vector_load %arg13[%get3A_546, %get3A_547] {strides = array<i32>} : memref<5x512xf32, #tpu.memory_space<vmem>>, vector<16xf32>,
    %max3A_549 = arith.maximumf %max3A_544, %get3A_548 : vector<16xf32>
    %get3A_550 = arith.constant 1 : i32
    %get3A_551 = arith.index_cast %get3A_550 : i32 to index
    %get3A_552 = arith.constant 224 : index
    %get3A_553 = tpu.vector_load %arg13[%get3A_551, %get3A_552] {strides = array<i32>} : memref<5x512xf32, #tpu.memory_space<vmem>>, vector<16xf32>,
    %max3A_554 = arith.maximumf %max3A_549, %get3A_553 : vector<16xf32>
    %get3A_555 = arith.constant 1 : i32
    %get3A_556 = arith.index_cast %get3A_555 : i32 to index
    %get3A_557 = arith.constant 240 : index
    %get3A_558 = tpu.vector_load %arg13[%get3A_556, %get3A_557] {strides = array<i32>} : memref<5x512xf32, #tpu.memory_space<vmem>>, vector<16xf32>,
    %max3A_559 = arith.maximumf %max3A_554, %get3A_558 : vector<16xf32>
    %get3A_560 = arith.constant 1 : i32
    %get3A_561 = arith.index_cast %get3A_560 : i32 to index
    %get3A_562 = arith.constant 256 : index
    %get3A_563 = tpu.vector_load %arg13[%get3A_561, %get3A_562] {strides = array<i32>} : memref<5x512xf32, #tpu.memory_space<vmem>>, vector<16xf32>,
    %max3A_564 = arith.maximumf %max3A_559, %get3A_563 : vector<16xf32>
    %get3A_565 = arith.constant 1 : i32
    %get3A_566 = arith.index_cast %get3A_565 : i32 to index
    %get3A_567 = arith.constant 272 : index
    %get3A_568 = tpu.vector_load %arg13[%get3A_566, %get3A_567] {strides = array<i32>} : memref<5x512xf32, #tpu.memory_space<vmem>>, vector<16xf32>,
    %max3A_569 = arith.maximumf %max3A_564, %get3A_568 : vector<16xf32>
    %get3A_570 = arith.constant 1 : i32
    %get3A_571 = arith.index_cast %get3A_570 : i32 to index
    %get3A_572 = arith.constant 288 : index
    %get3A_573 = tpu.vector_load %arg13[%get3A_571, %get3A_572] {strides = array<i32>} : memref<5x512xf32, #tpu.memory_space<vmem>>, vector<16xf32>,
    %max3A_574 = arith.maximumf %max3A_569, %get3A_573 : vector<16xf32>
    %get3A_575 = arith.constant 1 : i32
    %get3A_576 = arith.index_cast %get3A_575 : i32 to index
    %get3A_577 = arith.constant 304 : index
    %get3A_578 = tpu.vector_load %arg13[%get3A_576, %get3A_577] {strides = array<i32>} : memref<5x512xf32, #tpu.memory_space<vmem>>, vector<16xf32>,
    %max3A_579 = arith.maximumf %max3A_574, %get3A_578 : vector<16xf32>
    %get3A_580 = arith.constant 1 : i32
    %get3A_581 = arith.index_cast %get3A_580 : i32 to index
    %get3A_582 = arith.constant 320 : index
    %get3A_583 = tpu.vector_load %arg13[%get3A_581, %get3A_582] {strides = array<i32>} : memref<5x512xf32, #tpu.memory_space<vmem>>, vector<16xf32>,
    %max3A_584 = arith.maximumf %max3A_579, %get3A_583 : vector<16xf32>
    %get3A_585 = arith.constant 1 : i32
    %get3A_586 = arith.index_cast %get3A_585 : i32 to index
    %get3A_587 = arith.constant 336 : index
    %get3A_588 = tpu.vector_load %arg13[%get3A_586, %get3A_587] {strides = array<i32>} : memref<5x512xf32, #tpu.memory_space<vmem>>, vector<16xf32>,
    %max3A_589 = arith.maximumf %max3A_584, %get3A_588 : vector<16xf32>
    %get3A_590 = arith.constant 1 : i32
    %get3A_591 = arith.index_cast %get3A_590 : i32 to index
    %get3A_592 = arith.constant 352 : index
    %get3A_593 = tpu.vector_load %arg13[%get3A_591, %get3A_592] {strides = array<i32>} : memref<5x512xf32, #tpu.memory_space<vmem>>, vector<16xf32>,
    %max3A_594 = arith.maximumf %max3A_589, %get3A_593 : vector<16xf32>
    %get3A_595 = arith.constant 1 : i32
    %get3A_596 = arith.index_cast %get3A_595 : i32 to index
    %get3A_597 = arith.constant 368 : index
    %get3A_598 = tpu.vector_load %arg13[%get3A_596, %get3A_597] {strides = array<i32>} : memref<5x512xf32, #tpu.memory_space<vmem>>, vector<16xf32>,
    %max3A_599 = arith.maximumf %max3A_594, %get3A_598 : vector<16xf32>
    %get3A_600 = arith.constant 1 : i32
    %get3A_601 = arith.index_cast %get3A_600 : i32 to index
    %get3A_602 = arith.constant 384 : index
    %get3A_603 = tpu.vector_load %arg13[%get3A_601, %get3A_602] {strides = array<i32>} : memref<5x512xf32, #tpu.memory_space<vmem>>, vector<16xf32>,
    %max3A_604 = arith.maximumf %max3A_599, %get3A_603 : vector<16xf32>
    %get3A_605 = arith.constant 1 : i32
    %get3A_606 = arith.index_cast %get3A_605 : i32 to index
    %get3A_607 = arith.constant 400 : index
    %get3A_608 = tpu.vector_load %arg13[%get3A_606, %get3A_607] {strides = array<i32>} : memref<5x512xf32, #tpu.memory_space<vmem>>, vector<16xf32>,
    %max3A_609 = arith.maximumf %max3A_604, %get3A_608 : vector<16xf32>
    %get3A_610 = arith.constant 1 : i32
    %get3A_611 = arith.index_cast %get3A_610 : i32 to index
    %get3A_612 = arith.constant 416 : index
    %get3A_613 = tpu.vector_load %arg13[%get3A_611, %get3A_612] {strides = array<i32>} : memref<5x512xf32, #tpu.memory_space<vmem>>, vector<16xf32>,
    %max3A_614 = arith.maximumf %max3A_609, %get3A_613 : vector<16xf32>
    %get3A_615 = arith.constant 1 : i32
    %get3A_616 = arith.index_cast %get3A_615 : i32 to index
    %get3A_617 = arith.constant 432 : index
    %get3A_618 = tpu.vector_load %arg13[%get3A_616, %get3A_617] {strides = array<i32>} : memref<5x512xf32, #tpu.memory_space<vmem>>, vector<16xf32>,
    %max3A_619 = arith.maximumf %max3A_614, %get3A_618 : vector<16xf32>
    %get3A_620 = arith.constant 1 : i32
    %get3A_621 = arith.index_cast %get3A_620 : i32 to index
    %get3A_622 = arith.constant 448 : index
    %get3A_623 = tpu.vector_load %arg13[%get3A_621, %get3A_622] {strides = array<i32>} : memref<5x512xf32, #tpu.memory_space<vmem>>, vector<16xf32>,
    %max3A_624 = arith.maximumf %max3A_619, %get3A_623 : vector<16xf32>
    %get3A_625 = arith.constant 1 : i32
    %get3A_626 = arith.index_cast %get3A_625 : i32 to index
    %get3A_627 = arith.constant 464 : index
    %get3A_628 = tpu.vector_load %arg13[%get3A_626, %get3A_627] {strides = array<i32>} : memref<5x512xf32, #tpu.memory_space<vmem>>, vector<16xf32>,
    %max3A_629 = arith.maximumf %max3A_624, %get3A_628 : vector<16xf32>
    %get3A_630 = arith.constant 1 : i32
    %get3A_631 = arith.index_cast %get3A_630 : i32 to index
    %get3A_632 = arith.constant 480 : index
    %get3A_633 = tpu.vector_load %arg13[%get3A_631, %get3A_632] {strides = array<i32>} : memref<5x512xf32, #tpu.memory_space<vmem>>, vector<16xf32>,
    %max3A_634 = arith.maximumf %max3A_629, %get3A_633 : vector<16xf32>
    %get3A_635 = arith.constant 1 : i32
    %get3A_636 = arith.index_cast %get3A_635 : i32 to index
    %get3A_637 = arith.constant 496 : index
    %get3A_638 = tpu.vector_load %arg13[%get3A_636, %get3A_637] {strides = array<i32>} : memref<5x512xf32, #tpu.memory_space<vmem>>, vector<16xf32>,
    %max3A_639 = arith.maximumf %max3A_634, %get3A_638 : vector<16xf32>
    %reduce_max3A_640 = arith.constant true
    %reduce_max3A_641 = vector.broadcast %reduce_max3A_640 : i1 to vector<16xi1>
    %reduce_max3A_642 = tpu.scan <max>, %max3A_639 masked %reduce_max3A_641 : vector<16xf32>, vector<16xi1> -> vector<16xf32>
    %reduce_max3A_643 = vector.extract %reduce_max3A_642[15] : f32 from vector<16xf32>
    %broadcast_in_dim3A_644 = arith.constant 0.000000e+00 : f32
    %broadcast_in_dim3A_645 = vector.broadcast %broadcast_in_dim3A_644 : f32 to vector<16xf32>
    %get3A_646 = arith.constant 1 : i32
    %get3A_647 = arith.index_cast %get3A_646 : i32 to index
    %get3A_648 = arith.constant 0 : index
    %get3A_649 = tpu.vector_load %arg13[%get3A_647, %get3A_648] {strides = array<i32>} : memref<5x512xf32, #tpu.memory_space<vmem>>, vector<16xf32>,
    %sub3A_650 = vector.broadcast %reduce_max3A_643 : f32 to vector<16xf32>
    %sub3A_651 = arith.subf %get3A_649, %sub3A_650 : vector<16xf32>
    %exp3A_652 = math.exp %sub3A_651 : vector<16xf32>
    %add3A_653 = arith.addf %broadcast_in_dim3A_645, %exp3A_652 : vector<16xf32>
    %get3A_654 = arith.constant 1 : i32
    %get3A_655 = arith.index_cast %get3A_654 : i32 to index
    %get3A_656 = arith.constant 16 : index
    %get3A_657 = tpu.vector_load %arg13[%get3A_655, %get3A_656] {strides = array<i32>} : memref<5x512xf32, #tpu.memory_space<vmem>>, vector<16xf32>,
    %sub3A_658 = vector.broadcast %reduce_max3A_643 : f32 to vector<16xf32>
    %sub3A_659 = arith.subf %get3A_657, %sub3A_658 : vector<16xf32>
    %exp3A_660 = math.exp %sub3A_659 : vector<16xf32>
    %add3A_661 = arith.addf %add3A_653, %exp3A_660 : vector<16xf32>
    %get3A_662 = arith.constant 1 : i32
    %get3A_663 = arith.index_cast %get3A_662 : i32 to index
    %get3A_664 = arith.constant 32 : index
    %get3A_665 = tpu.vector_load %arg13[%get3A_663, %get3A_664] {strides = array<i32>} : memref<5x512xf32, #tpu.memory_space<vmem>>, vector<16xf32>,
    %sub3A_666 = vector.broadcast %reduce_max3A_643 : f32 to vector<16xf32>
    %sub3A_667 = arith.subf %get3A_665, %sub3A_666 : vector<16xf32>
    %exp3A_668 = math.exp %sub3A_667 : vector<16xf32>
    %add3A_669 = arith.addf %add3A_661, %exp3A_668 : vector<16xf32>
    %get3A_670 = arith.constant 1 : i32
    %get3A_671 = arith.index_cast %get3A_670 : i32 to index
    %get3A_672 = arith.constant 48 : index
    %get3A_673 = tpu.vector_load %arg13[%get3A_671, %get3A_672] {strides = array<i32>} : memref<5x512xf32, #tpu.memory_space<vmem>>, vector<16xf32>,
    %sub3A_674 = vector.broadcast %reduce_max3A_643 : f32 to vector<16xf32>
    %sub3A_675 = arith.subf %get3A_673, %sub3A_674 : vector<16xf32>
    %exp3A_676 = math.exp %sub3A_675 : vector<16xf32>
    %add3A_677 = arith.addf %add3A_669, %exp3A_676 : vector<16xf32>
    %get3A_678 = arith.constant 1 : i32
    %get3A_679 = arith.index_cast %get3A_678 : i32 to index
    %get3A_680 = arith.constant 64 : index
    %get3A_681 = tpu.vector_load %arg13[%get3A_679, %get3A_680] {strides = array<i32>} : memref<5x512xf32, #tpu.memory_space<vmem>>, vector<16xf32>,
    %sub3A_682 = vector.broadcast %reduce_max3A_643 : f32 to vector<16xf32>
    %sub3A_683 = arith.subf %get3A_681, %sub3A_682 : vector<16xf32>
    %exp3A_684 = math.exp %sub3A_683 : vector<16xf32>
    %add3A_685 = arith.addf %add3A_677, %exp3A_684 : vector<16xf32>
    %get3A_686 = arith.constant 1 : i32
    %get3A_687 = arith.index_cast %get3A_686 : i32 to index
    %get3A_688 = arith.constant 80 : index
    %get3A_689 = tpu.vector_load %arg13[%get3A_687, %get3A_688] {strides = array<i32>} : memref<5x512xf32, #tpu.memory_space<vmem>>, vector<16xf32>,
    %sub3A_690 = vector.broadcast %reduce_max3A_643 : f32 to vector<16xf32>
    %sub3A_691 = arith.subf %get3A_689, %sub3A_690 : vector<16xf32>
    %exp3A_692 = math.exp %sub3A_691 : vector<16xf32>
    %add3A_693 = arith.addf %add3A_685, %exp3A_692 : vector<16xf32>
    %get3A_694 = arith.constant 1 : i32
    %get3A_695 = arith.index_cast %get3A_694 : i32 to index
    %get3A_696 = arith.constant 96 : index
    %get3A_697 = tpu.vector_load %arg13[%get3A_695, %get3A_696] {strides = array<i32>} : memref<5x512xf32, #tpu.memory_space<vmem>>, vector<16xf32>,
    %sub3A_698 = vector.broadcast %reduce_max3A_643 : f32 to vector<16xf32>
    %sub3A_699 = arith.subf %get3A_697, %sub3A_698 : vector<16xf32>
    %exp3A_700 = math.exp %sub3A_699 : vector<16xf32>
    %add3A_701 = arith.addf %add3A_693, %exp3A_700 : vector<16xf32>
    %get3A_702 = arith.constant 1 : i32
    %get3A_703 = arith.index_cast %get3A_702 : i32 to index
    %get3A_704 = arith.constant 112 : index
    %get3A_705 = tpu.vector_load %arg13[%get3A_703, %get3A_704] {strides = array<i32>} : memref<5x512xf32, #tpu.memory_space<vmem>>, vector<16xf32>,
    %sub3A_706 = vector.broadcast %reduce_max3A_643 : f32 to vector<16xf32>
    %sub3A_707 = arith.subf %get3A_705, %sub3A_706 : vector<16xf32>
    %exp3A_708 = math.exp %sub3A_707 : vector<16xf32>
    %add3A_709 = arith.addf %add3A_701, %exp3A_708 : vector<16xf32>
    %get3A_710 = arith.constant 1 : i32
    %get3A_711 = arith.index_cast %get3A_710 : i32 to index
    %get3A_712 = arith.constant 128 : index
    %get3A_713 = tpu.vector_load %arg13[%get3A_711, %get3A_712] {strides = array<i32>} : memref<5x512xf32, #tpu.memory_space<vmem>>, vector<16xf32>,
    %sub3A_714 = vector.broadcast %reduce_max3A_643 : f32 to vector<16xf32>
    %sub3A_715 = arith.subf %get3A_713, %sub3A_714 : vector<16xf32>
    %exp3A_716 = math.exp %sub3A_715 : vector<16xf32>
    %add3A_717 = arith.addf %add3A_709, %exp3A_716 : vector<16xf32>
    %get3A_718 = arith.constant 1 : i32
    %get3A_719 = arith.index_cast %get3A_718 : i32 to index
    %get3A_720 = arith.constant 144 : index
    %get3A_721 = tpu.vector_load %arg13[%get3A_719, %get3A_720] {strides = array<i32>} : memref<5x512xf32, #tpu.memory_space<vmem>>, vector<16xf32>,
    %sub3A_722 = vector.broadcast %reduce_max3A_643 : f32 to vector<16xf32>
    %sub3A_723 = arith.subf %get3A_721, %sub3A_722 : vector<16xf32>
    %exp3A_724 = math.exp %sub3A_723 : vector<16xf32>
    %add3A_725 = arith.addf %add3A_717, %exp3A_724 : vector<16xf32>
    %get3A_726 = arith.constant 1 : i32
    %get3A_727 = arith.index_cast %get3A_726 : i32 to index
    %get3A_728 = arith.constant 160 : index
    %get3A_729 = tpu.vector_load %arg13[%get3A_727, %get3A_728] {strides = array<i32>} : memref<5x512xf32, #tpu.memory_space<vmem>>, vector<16xf32>,
    %sub3A_730 = vector.broadcast %reduce_max3A_643 : f32 to vector<16xf32>
    %sub3A_731 = arith.subf %get3A_729, %sub3A_730 : vector<16xf32>
    %exp3A_732 = math.exp %sub3A_731 : vector<16xf32>
    %add3A_733 = arith.addf %add3A_725, %exp3A_732 : vector<16xf32>
    %get3A_734 = arith.constant 1 : i32
    %get3A_735 = arith.index_cast %get3A_734 : i32 to index
    %get3A_736 = arith.constant 176 : index
    %get3A_737 = tpu.vector_load %arg13[%get3A_735, %get3A_736] {strides = array<i32>} : memref<5x512xf32, #tpu.memory_space<vmem>>, vector<16xf32>,
    %sub3A_738 = vector.broadcast %reduce_max3A_643 : f32 to vector<16xf32>
    %sub3A_739 = arith.subf %get3A_737, %sub3A_738 : vector<16xf32>
    %exp3A_740 = math.exp %sub3A_739 : vector<16xf32>
    %add3A_741 = arith.addf %add3A_733, %exp3A_740 : vector<16xf32>
    %get3A_742 = arith.constant 1 : i32
    %get3A_743 = arith.index_cast %get3A_742 : i32 to index
    %get3A_744 = arith.constant 192 : index
    %get3A_745 = tpu.vector_load %arg13[%get3A_743, %get3A_744] {strides = array<i32>} : memref<5x512xf32, #tpu.memory_space<vmem>>, vector<16xf32>,
    %sub3A_746 = vector.broadcast %reduce_max3A_643 : f32 to vector<16xf32>
    %sub3A_747 = arith.subf %get3A_745, %sub3A_746 : vector<16xf32>
    %exp3A_748 = math.exp %sub3A_747 : vector<16xf32>
    %add3A_749 = arith.addf %add3A_741, %exp3A_748 : vector<16xf32>
    %get3A_750 = arith.constant 1 : i32
    %get3A_751 = arith.index_cast %get3A_750 : i32 to index
    %get3A_752 = arith.constant 208 : index
    %get3A_753 = tpu.vector_load %arg13[%get3A_751, %get3A_752] {strides = array<i32>} : memref<5x512xf32, #tpu.memory_space<vmem>>, vector<16xf32>,
    %sub3A_754 = vector.broadcast %reduce_max3A_643 : f32 to vector<16xf32>
    %sub3A_755 = arith.subf %get3A_753, %sub3A_754 : vector<16xf32>
    %exp3A_756 = math.exp %sub3A_755 : vector<16xf32>
    %add3A_757 = arith.addf %add3A_749, %exp3A_756 : vector<16xf32>
    %get3A_758 = arith.constant 1 : i32
    %get3A_759 = arith.index_cast %get3A_758 : i32 to index
    %get3A_760 = arith.constant 224 : index
    %get3A_761 = tpu.vector_load %arg13[%get3A_759, %get3A_760] {strides = array<i32>} : memref<5x512xf32, #tpu.memory_space<vmem>>, vector<16xf32>,
    %sub3A_762 = vector.broadcast %reduce_max3A_643 : f32 to vector<16xf32>
    %sub3A_763 = arith.subf %get3A_761, %sub3A_762 : vector<16xf32>
    %exp3A_764 = math.exp %sub3A_763 : vector<16xf32>
    %add3A_765 = arith.addf %add3A_757, %exp3A_764 : vector<16xf32>
    %get3A_766 = arith.constant 1 : i32
    %get3A_767 = arith.index_cast %get3A_766 : i32 to index
    %get3A_768 = arith.constant 240 : index
    %get3A_769 = tpu.vector_load %arg13[%get3A_767, %get3A_768] {strides = array<i32>} : memref<5x512xf32, #tpu.memory_space<vmem>>, vector<16xf32>,
    %sub3A_770 = vector.broadcast %reduce_max3A_643 : f32 to vector<16xf32>
    %sub3A_771 = arith.subf %get3A_769, %sub3A_770 : vector<16xf32>
    %exp3A_772 = math.exp %sub3A_771 : vector<16xf32>
    %add3A_773 = arith.addf %add3A_765, %exp3A_772 : vector<16xf32>
    %get3A_774 = arith.constant 1 : i32
    %get3A_775 = arith.index_cast %get3A_774 : i32 to index
    %get3A_776 = arith.constant 256 : index
    %get3A_777 = tpu.vector_load %arg13[%get3A_775, %get3A_776] {strides = array<i32>} : memref<5x512xf32, #tpu.memory_space<vmem>>, vector<16xf32>,
    %sub3A_778 = vector.broadcast %reduce_max3A_643 : f32 to vector<16xf32>
    %sub3A_779 = arith.subf %get3A_777, %sub3A_778 : vector<16xf32>
    %exp3A_780 = math.exp %sub3A_779 : vector<16xf32>
    %add3A_781 = arith.addf %add3A_773, %exp3A_780 : vector<16xf32>
    %get3A_782 = arith.constant 1 : i32
    %get3A_783 = arith.index_cast %get3A_782 : i32 to index
    %get3A_784 = arith.constant 272 : index
    %get3A_785 = tpu.vector_load %arg13[%get3A_783, %get3A_784] {strides = array<i32>} : memref<5x512xf32, #tpu.memory_space<vmem>>, vector<16xf32>,
    %sub3A_786 = vector.broadcast %reduce_max3A_643 : f32 to vector<16xf32>
    %sub3A_787 = arith.subf %get3A_785, %sub3A_786 : vector<16xf32>
    %exp3A_788 = math.exp %sub3A_787 : vector<16xf32>
    %add3A_789 = arith.addf %add3A_781, %exp3A_788 : vector<16xf32>
    %get3A_790 = arith.constant 1 : i32
    %get3A_791 = arith.index_cast %get3A_790 : i32 to index
    %get3A_792 = arith.constant 288 : index
    %get3A_793 = tpu.vector_load %arg13[%get3A_791, %get3A_792] {strides = array<i32>} : memref<5x512xf32, #tpu.memory_space<vmem>>, vector<16xf32>,
    %sub3A_794 = vector.broadcast %reduce_max3A_643 : f32 to vector<16xf32>
    %sub3A_795 = arith.subf %get3A_793, %sub3A_794 : vector<16xf32>
    %exp3A_796 = math.exp %sub3A_795 : vector<16xf32>
    %add3A_797 = arith.addf %add3A_789, %exp3A_796 : vector<16xf32>
    %get3A_798 = arith.constant 1 : i32
    %get3A_799 = arith.index_cast %get3A_798 : i32 to index
    %get3A_800 = arith.constant 304 : index
    %get3A_801 = tpu.vector_load %arg13[%get3A_799, %get3A_800] {strides = array<i32>} : memref<5x512xf32, #tpu.memory_space<vmem>>, vector<16xf32>,
    %sub3A_802 = vector.broadcast %reduce_max3A_643 : f32 to vector<16xf32>
    %sub3A_803 = arith.subf %get3A_801, %sub3A_802 : vector<16xf32>
    %exp3A_804 = math.exp %sub3A_803 : vector<16xf32>
    %add3A_805 = arith.addf %add3A_797, %exp3A_804 : vector<16xf32>
    %get3A_806 = arith.constant 1 : i32
    %get3A_807 = arith.index_cast %get3A_806 : i32 to index
    %get3A_808 = arith.constant 320 : index
    %get3A_809 = tpu.vector_load %arg13[%get3A_807, %get3A_808] {strides = array<i32>} : memref<5x512xf32, #tpu.memory_space<vmem>>, vector<16xf32>,
    %sub3A_810 = vector.broadcast %reduce_max3A_643 : f32 to vector<16xf32>
    %sub3A_811 = arith.subf %get3A_809, %sub3A_810 : vector<16xf32>
    %exp3A_812 = math.exp %sub3A_811 : vector<16xf32>
    %add3A_813 = arith.addf %add3A_805, %exp3A_812 : vector<16xf32>
    %get3A_814 = arith.constant 1 : i32
    %get3A_815 = arith.index_cast %get3A_814 : i32 to index
    %get3A_816 = arith.constant 336 : index
    %get3A_817 = tpu.vector_load %arg13[%get3A_815, %get3A_816] {strides = array<i32>} : memref<5x512xf32, #tpu.memory_space<vmem>>, vector<16xf32>,
    %sub3A_818 = vector.broadcast %reduce_max3A_643 : f32 to vector<16xf32>
    %sub3A_819 = arith.subf %get3A_817, %sub3A_818 : vector<16xf32>
    %exp3A_820 = math.exp %sub3A_819 : vector<16xf32>
    %add3A_821 = arith.addf %add3A_813, %exp3A_820 : vector<16xf32>
    %get3A_822 = arith.constant 1 : i32
    %get3A_823 = arith.index_cast %get3A_822 : i32 to index
    %get3A_824 = arith.constant 352 : index
    %get3A_825 = tpu.vector_load %arg13[%get3A_823, %get3A_824] {strides = array<i32>} : memref<5x512xf32, #tpu.memory_space<vmem>>, vector<16xf32>,
    %sub3A_826 = vector.broadcast %reduce_max3A_643 : f32 to vector<16xf32>
    %sub3A_827 = arith.subf %get3A_825, %sub3A_826 : vector<16xf32>
    %exp3A_828 = math.exp %sub3A_827 : vector<16xf32>
    %add3A_829 = arith.addf %add3A_821, %exp3A_828 : vector<16xf32>
    %get3A_830 = arith.constant 1 : i32
    %get3A_831 = arith.index_cast %get3A_830 : i32 to index
    %get3A_832 = arith.constant 368 : index
    %get3A_833 = tpu.vector_load %arg13[%get3A_831, %get3A_832] {strides = array<i32>} : memref<5x512xf32, #tpu.memory_space<vmem>>, vector<16xf32>,
    %sub3A_834 = vector.broadcast %reduce_max3A_643 : f32 to vector<16xf32>
    %sub3A_835 = arith.subf %get3A_833, %sub3A_834 : vector<16xf32>
    %exp3A_836 = math.exp %sub3A_835 : vector<16xf32>
    %add3A_837 = arith.addf %add3A_829, %exp3A_836 : vector<16xf32>
    %get3A_838 = arith.constant 1 : i32
    %get3A_839 = arith.index_cast %get3A_838 : i32 to index
    %get3A_840 = arith.constant 384 : index
    %get3A_841 = tpu.vector_load %arg13[%get3A_839, %get3A_840] {strides = array<i32>} : memref<5x512xf32, #tpu.memory_space<vmem>>, vector<16xf32>,
    %sub3A_842 = vector.broadcast %reduce_max3A_643 : f32 to vector<16xf32>
    %sub3A_843 = arith.subf %get3A_841, %sub3A_842 : vector<16xf32>
    %exp3A_844 = math.exp %sub3A_843 : vector<16xf32>
    %add3A_845 = arith.addf %add3A_837, %exp3A_844 : vector<16xf32>
    %get3A_846 = arith.constant 1 : i32
    %get3A_847 = arith.index_cast %get3A_846 : i32 to index
    %get3A_848 = arith.constant 400 : index
    %get3A_849 = tpu.vector_load %arg13[%get3A_847, %get3A_848] {strides = array<i32>} : memref<5x512xf32, #tpu.memory_space<vmem>>, vector<16xf32>,
    %sub3A_850 = vector.broadcast %reduce_max3A_643 : f32 to vector<16xf32>
    %sub3A_851 = arith.subf %get3A_849, %sub3A_850 : vector<16xf32>
    %exp3A_852 = math.exp %sub3A_851 : vector<16xf32>
    %add3A_853 = arith.addf %add3A_845, %exp3A_852 : vector<16xf32>
    %get3A_854 = arith.constant 1 : i32
    %get3A_855 = arith.index_cast %get3A_854 : i32 to index
    %get3A_856 = arith.constant 416 : index
    %get3A_857 = tpu.vector_load %arg13[%get3A_855, %get3A_856] {strides = array<i32>} : memref<5x512xf32, #tpu.memory_space<vmem>>, vector<16xf32>,
    %sub3A_858 = vector.broadcast %reduce_max3A_643 : f32 to vector<16xf32>
    %sub3A_859 = arith.subf %get3A_857, %sub3A_858 : vector<16xf32>
    %exp3A_860 = math.exp %sub3A_859 : vector<16xf32>
    %add3A_861 = arith.addf %add3A_853, %exp3A_860 : vector<16xf32>
    %get3A_862 = arith.constant 1 : i32
    %get3A_863 = arith.index_cast %get3A_862 : i32 to index
    %get3A_864 = arith.constant 432 : index
    %get3A_865 = tpu.vector_load %arg13[%get3A_863, %get3A_864] {strides = array<i32>} : memref<5x512xf32, #tpu.memory_space<vmem>>, vector<16xf32>,
    %sub3A_866 = vector.broadcast %reduce_max3A_643 : f32 to vector<16xf32>
    %sub3A_867 = arith.subf %get3A_865, %sub3A_866 : vector<16xf32>
    %exp3A_868 = math.exp %sub3A_867 : vector<16xf32>
    %add3A_869 = arith.addf %add3A_861, %exp3A_868 : vector<16xf32>
    %get3A_870 = arith.constant 1 : i32
    %get3A_871 = arith.index_cast %get3A_870 : i32 to index
    %get3A_872 = arith.constant 448 : index
    %get3A_873 = tpu.vector_load %arg13[%get3A_871, %get3A_872] {strides = array<i32>} : memref<5x512xf32, #tpu.memory_space<vmem>>, vector<16xf32>,
    %sub3A_874 = vector.broadcast %reduce_max3A_643 : f32 to vector<16xf32>
    %sub3A_875 = arith.subf %get3A_873, %sub3A_874 : vector<16xf32>
    %exp3A_876 = math.exp %sub3A_875 : vector<16xf32>
    %add3A_877 = arith.addf %add3A_869, %exp3A_876 : vector<16xf32>
    %get3A_878 = arith.constant 1 : i32
    %get3A_879 = arith.index_cast %get3A_878 : i32 to index
    %get3A_880 = arith.constant 464 : index
    %get3A_881 = tpu.vector_load %arg13[%get3A_879, %get3A_880] {strides = array<i32>} : memref<5x512xf32, #tpu.memory_space<vmem>>, vector<16xf32>,
    %sub3A_882 = vector.broadcast %reduce_max3A_643 : f32 to vector<16xf32>
    %sub3A_883 = arith.subf %get3A_881, %sub3A_882 : vector<16xf32>
    %exp3A_884 = math.exp %sub3A_883 : vector<16xf32>
    %add3A_885 = arith.addf %add3A_877, %exp3A_884 : vector<16xf32>
    %get3A_886 = arith.constant 1 : i32
    %get3A_887 = arith.index_cast %get3A_886 : i32 to index
    %get3A_888 = arith.constant 480 : index
    %get3A_889 = tpu.vector_load %arg13[%get3A_887, %get3A_888] {strides = array<i32>} : memref<5x512xf32, #tpu.memory_space<vmem>>, vector<16xf32>,
    %sub3A_890 = vector.broadcast %reduce_max3A_643 : f32 to vector<16xf32>
    %sub3A_891 = arith.subf %get3A_889, %sub3A_890 : vector<16xf32>
    %exp3A_892 = math.exp %sub3A_891 : vector<16xf32>
    %add3A_893 = arith.addf %add3A_885, %exp3A_892 : vector<16xf32>
    %get3A_894 = arith.constant 1 : i32
    %get3A_895 = arith.index_cast %get3A_894 : i32 to index
    %get3A_896 = arith.constant 496 : index
    %get3A_897 = tpu.vector_load %arg13[%get3A_895, %get3A_896] {strides = array<i32>} : memref<5x512xf32, #tpu.memory_space<vmem>>, vector<16xf32>,
    %sub3A_898 = vector.broadcast %reduce_max3A_643 : f32 to vector<16xf32>
    %sub3A_899 = arith.subf %get3A_897, %sub3A_898 : vector<16xf32>
    %exp3A_900 = math.exp %sub3A_899 : vector<16xf32>
    %add3A_901 = arith.addf %add3A_893, %exp3A_900 : vector<16xf32>
    %reduce_sum3A_902 = arith.constant true
    %reduce_sum3A_903 = vector.broadcast %reduce_sum3A_902 : i1 to vector<16xi1>
    %reduce_sum3A_904 = tpu.scan <sum>, %add3A_901 masked %reduce_sum3A_903 : vector<16xf32>, vector<16xi1> -> vector<16xf32>
    %reduce_sum3A_905 = vector.extract %reduce_sum3A_904[15] : f32 from vector<16xf32>
    %get3A_906 = arith.constant 2 : i32
    %get3A_907 = arith.index_cast %get3A_906 : i32 to index
    %get3A_908 = arith.constant 0 : index
    %get3A_909 = tpu.vector_load %arg13[%get3A_907, %get3A_908] {strides = array<i32>} : memref<5x512xf32, #tpu.memory_space<vmem>>, vector<16xf32>,
    %get3A_910 = arith.constant 2 : i32
    %get3A_911 = arith.index_cast %get3A_910 : i32 to index
    %get3A_912 = arith.constant 16 : index
    %get3A_913 = tpu.vector_load %arg13[%get3A_911, %get3A_912] {strides = array<i32>} : memref<5x512xf32, #tpu.memory_space<vmem>>, vector<16xf32>,
    %max3A_914 = arith.maximumf %get3A_909, %get3A_913 : vector<16xf32>
    %get3A_915 = arith.constant 2 : i32
    %get3A_916 = arith.index_cast %get3A_915 : i32 to index
    %get3A_917 = arith.constant 32 : index
    %get3A_918 = tpu.vector_load %arg13[%get3A_916, %get3A_917] {strides = array<i32>} : memref<5x512xf32, #tpu.memory_space<vmem>>, vector<16xf32>,
    %max3A_919 = arith.maximumf %max3A_914, %get3A_918 : vector<16xf32>
    %get3A_920 = arith.constant 2 : i32
    %get3A_921 = arith.index_cast %get3A_920 : i32 to index
    %get3A_922 = arith.constant 48 : index
    %get3A_923 = tpu.vector_load %arg13[%get3A_921, %get3A_922] {strides = array<i32>} : memref<5x512xf32, #tpu.memory_space<vmem>>, vector<16xf32>,
    %max3A_924 = arith.maximumf %max3A_919, %get3A_923 : vector<16xf32>
    %get3A_925 = arith.constant 2 : i32
    %get3A_926 = arith.index_cast %get3A_925 : i32 to index
    %get3A_927 = arith.constant 64 : index
    %get3A_928 = tpu.vector_load %arg13[%get3A_926, %get3A_927] {strides = array<i32>} : memref<5x512xf32, #tpu.memory_space<vmem>>, vector<16xf32>,
    %max3A_929 = arith.maximumf %max3A_924, %get3A_928 : vector<16xf32>
    %get3A_930 = arith.constant 2 : i32
    %get3A_931 = arith.index_cast %get3A_930 : i32 to index
    %get3A_932 = arith.constant 80 : index
    %get3A_933 = tpu.vector_load %arg13[%get3A_931, %get3A_932] {strides = array<i32>} : memref<5x512xf32, #tpu.memory_space<vmem>>, vector<16xf32>,
    %max3A_934 = arith.maximumf %max3A_929, %get3A_933 : vector<16xf32>
    %get3A_935 = arith.constant 2 : i32
    %get3A_936 = arith.index_cast %get3A_935 : i32 to index
    %get3A_937 = arith.constant 96 : index
    %get3A_938 = tpu.vector_load %arg13[%get3A_936, %get3A_937] {strides = array<i32>} : memref<5x512xf32, #tpu.memory_space<vmem>>, vector<16xf32>,
    %max3A_939 = arith.maximumf %max3A_934, %get3A_938 : vector<16xf32>
    %get3A_940 = arith.constant 2 : i32
    %get3A_941 = arith.index_cast %get3A_940 : i32 to index
    %get3A_942 = arith.constant 112 : index
    %get3A_943 = tpu.vector_load %arg13[%get3A_941, %get3A_942] {strides = array<i32>} : memref<5x512xf32, #tpu.memory_space<vmem>>, vector<16xf32>,
    %max3A_944 = arith.maximumf %max3A_939, %get3A_943 : vector<16xf32>
    %get3A_945 = arith.constant 2 : i32
    %get3A_946 = arith.index_cast %get3A_945 : i32 to index
    %get3A_947 = arith.constant 128 : index
    %get3A_948 = tpu.vector_load %arg13[%get3A_946, %get3A_947] {strides = array<i32>} : memref<5x512xf32, #tpu.memory_space<vmem>>, vector<16xf32>,
    %max3A_949 = arith.maximumf %max3A_944, %get3A_948 : vector<16xf32>
    %get3A_950 = arith.constant 2 : i32
    %get3A_951 = arith.index_cast %get3A_950 : i32 to index
    %get3A_952 = arith.constant 144 : index
    %get3A_953 = tpu.vector_load %arg13[%get3A_951, %get3A_952] {strides = array<i32>} : memref<5x512xf32, #tpu.memory_space<vmem>>, vector<16xf32>,
    %max3A_954 = arith.maximumf %max3A_949, %get3A_953 : vector<16xf32>
    %get3A_955 = arith.constant 2 : i32
    %get3A_956 = arith.index_cast %get3A_955 : i32 to index
    %get3A_957 = arith.constant 160 : index
    %get3A_958 = tpu.vector_load %arg13[%get3A_956, %get3A_957] {strides = array<i32>} : memref<5x512xf32, #tpu.memory_space<vmem>>, vector<16xf32>,
    %max3A_959 = arith.maximumf %max3A_954, %get3A_958 : vector<16xf32>
    %get3A_960 = arith.constant 2 : i32
    %get3A_961 = arith.index_cast %get3A_960 : i32 to index
    %get3A_962 = arith.constant 176 : index
    %get3A_963 = tpu.vector_load %arg13[%get3A_961, %get3A_962] {strides = array<i32>} : memref<5x512xf32, #tpu.memory_space<vmem>>, vector<16xf32>,
    %max3A_964 = arith.maximumf %max3A_959, %get3A_963 : vector<16xf32>
    %get3A_965 = arith.constant 2 : i32
    %get3A_966 = arith.index_cast %get3A_965 : i32 to index
    %get3A_967 = arith.constant 192 : index
    %get3A_968 = tpu.vector_load %arg13[%get3A_966, %get3A_967] {strides = array<i32>} : memref<5x512xf32, #tpu.memory_space<vmem>>, vector<16xf32>,
    %max3A_969 = arith.maximumf %max3A_964, %get3A_968 : vector<16xf32>
    %get3A_970 = arith.constant 2 : i32
    %get3A_971 = arith.index_cast %get3A_970 : i32 to index
    %get3A_972 = arith.constant 208 : index
    %get3A_973 = tpu.vector_load %arg13[%get3A_971, %get3A_972] {strides = array<i32>} : memref<5x512xf32, #tpu.memory_space<vmem>>, vector<16xf32>,
    %max3A_974 = arith.maximumf %max3A_969, %get3A_973 : vector<16xf32>
    %get3A_975 = arith.constant 2 : i32
    %get3A_976 = arith.index_cast %get3A_975 : i32 to index
    %get3A_977 = arith.constant 224 : index
    %get3A_978 = tpu.vector_load %arg13[%get3A_976, %get3A_977] {strides = array<i32>} : memref<5x512xf32, #tpu.memory_space<vmem>>, vector<16xf32>,
    %max3A_979 = arith.maximumf %max3A_974, %get3A_978 : vector<16xf32>
    %get3A_980 = arith.constant 2 : i32
    %get3A_981 = arith.index_cast %get3A_980 : i32 to index
    %get3A_982 = arith.constant 240 : index
    %get3A_983 = tpu.vector_load %arg13[%get3A_981, %get3A_982] {strides = array<i32>} : memref<5x512xf32, #tpu.memory_space<vmem>>, vector<16xf32>,
    %max3A_984 = arith.maximumf %max3A_979, %get3A_983 : vector<16xf32>
    %get3A_985 = arith.constant 2 : i32
    %get3A_986 = arith.index_cast %get3A_985 : i32 to index
    %get3A_987 = arith.constant 256 : index
    %get3A_988 = tpu.vector_load %arg13[%get3A_986, %get3A_987] {strides = array<i32>} : memref<5x512xf32, #tpu.memory_space<vmem>>, vector<16xf32>,
    %max3A_989 = arith.maximumf %max3A_984, %get3A_988 : vector<16xf32>
    %get3A_990 = arith.constant 2 : i32
    %get3A_991 = arith.index_cast %get3A_990 : i32 to index
    %get3A_992 = arith.constant 272 : index
    %get3A_993 = tpu.vector_load %arg13[%get3A_991, %get3A_992] {strides = array<i32>} : memref<5x512xf32, #tpu.memory_space<vmem>>, vector<16xf32>,
    %max3A_994 = arith.maximumf %max3A_989, %get3A_993 : vector<16xf32>
    %get3A_995 = arith.constant 2 : i32
    %get3A_996 = arith.index_cast %get3A_995 : i32 to index
    %get3A_997 = arith.constant 288 : index
    %get3A_998 = tpu.vector_load %arg13[%get3A_996, %get3A_997] {strides = array<i32>} : memref<5x512xf32, #tpu.memory_space<vmem>>, vector<16xf32>,
    %max3A_999 = arith.maximumf %max3A_994, %get3A_998 : vector<16xf32>
    %get3A_1000 = arith.constant 2 : i32
    %get3A_1001 = arith.index_cast %get3A_1000 : i32 to index
    %get3A_1002 = arith.constant 304 : index
    %get3A_1003 = tpu.vector_load %arg13[%get3A_1001, %get3A_1002] {strides = array<i32>} : memref<5x512xf32, #tpu.memory_space<vmem>>, vector<16xf32>,
    %max3A_1004 = arith.maximumf %max3A_999, %get3A_1003 : vector<16xf32>
    %get3A_1005 = arith.constant 2 : i32
    %get3A_1006 = arith.index_cast %get3A_1005 : i32 to index
    %get3A_1007 = arith.constant 320 : index
    %get3A_1008 = tpu.vector_load %arg13[%get3A_1006, %get3A_1007] {strides = array<i32>} : memref<5x512xf32, #tpu.memory_space<vmem>>, vector<16xf32>,
    %max3A_1009 = arith.maximumf %max3A_1004, %get3A_1008 : vector<16xf32>
    %get3A_1010 = arith.constant 2 : i32
    %get3A_1011 = arith.index_cast %get3A_1010 : i32 to index
    %get3A_1012 = arith.constant 336 : index
    %get3A_1013 = tpu.vector_load %arg13[%get3A_1011, %get3A_1012] {strides = array<i32>} : memref<5x512xf32, #tpu.memory_space<vmem>>, vector<16xf32>,
    %max3A_1014 = arith.maximumf %max3A_1009, %get3A_1013 : vector<16xf32>
    %get3A_1015 = arith.constant 2 : i32
    %get3A_1016 = arith.index_cast %get3A_1015 : i32 to index
    %get3A_1017 = arith.constant 352 : index
    %get3A_1018 = tpu.vector_load %arg13[%get3A_1016, %get3A_1017] {strides = array<i32>} : memref<5x512xf32, #tpu.memory_space<vmem>>, vector<16xf32>,
    %max3A_1019 = arith.maximumf %max3A_1014, %get3A_1018 : vector<16xf32>
    %get3A_1020 = arith.constant 2 : i32
    %get3A_1021 = arith.index_cast %get3A_1020 : i32 to index
    %get3A_1022 = arith.constant 368 : index
    %get3A_1023 = tpu.vector_load %arg13[%get3A_1021, %get3A_1022] {strides = array<i32>} : memref<5x512xf32, #tpu.memory_space<vmem>>, vector<16xf32>,
    %max3A_1024 = arith.maximumf %max3A_1019, %get3A_1023 : vector<16xf32>
    %get3A_1025 = arith.constant 2 : i32
    %get3A_1026 = arith.index_cast %get3A_1025 : i32 to index
    %get3A_1027 = arith.constant 384 : index
    %get3A_1028 = tpu.vector_load %arg13[%get3A_1026, %get3A_1027] {strides = array<i32>} : memref<5x512xf32, #tpu.memory_space<vmem>>, vector<16xf32>,
    %max3A_1029 = arith.maximumf %max3A_1024, %get3A_1028 : vector<16xf32>
    %get3A_1030 = arith.constant 2 : i32
    %get3A_1031 = arith.index_cast %get3A_1030 : i32 to index
    %get3A_1032 = arith.constant 400 : index
    %get3A_1033 = tpu.vector_load %arg13[%get3A_1031, %get3A_1032] {strides = array<i32>} : memref<5x512xf32, #tpu.memory_space<vmem>>, vector<16xf32>,
    %max3A_1034 = arith.maximumf %max3A_1029, %get3A_1033 : vector<16xf32>
    %get3A_1035 = arith.constant 2 : i32
    %get3A_1036 = arith.index_cast %get3A_1035 : i32 to index
    %get3A_1037 = arith.constant 416 : index
    %get3A_1038 = tpu.vector_load %arg13[%get3A_1036, %get3A_1037] {strides = array<i32>} : memref<5x512xf32, #tpu.memory_space<vmem>>, vector<16xf32>,
    %max3A_1039 = arith.maximumf %max3A_1034, %get3A_1038 : vector<16xf32>
    %get3A_1040 = arith.constant 2 : i32
    %get3A_1041 = arith.index_cast %get3A_1040 : i32 to index
    %get3A_1042 = arith.constant 432 : index
    %get3A_1043 = tpu.vector_load %arg13[%get3A_1041, %get3A_1042] {strides = array<i32>} : memref<5x512xf32, #tpu.memory_space<vmem>>, vector<16xf32>,
    %max3A_1044 = arith.maximumf %max3A_1039, %get3A_1043 : vector<16xf32>
    %get3A_1045 = arith.constant 2 : i32
    %get3A_1046 = arith.index_cast %get3A_1045 : i32 to index
    %get3A_1047 = arith.constant 448 : index
    %get3A_1048 = tpu.vector_load %arg13[%get3A_1046, %get3A_1047] {strides = array<i32>} : memref<5x512xf32, #tpu.memory_space<vmem>>, vector<16xf32>,
    %max3A_1049 = arith.maximumf %max3A_1044, %get3A_1048 : vector<16xf32>
    %get3A_1050 = arith.constant 2 : i32
    %get3A_1051 = arith.index_cast %get3A_1050 : i32 to index
    %get3A_1052 = arith.constant 464 : index
    %get3A_1053 = tpu.vector_load %arg13[%get3A_1051, %get3A_1052] {strides = array<i32>} : memref<5x512xf32, #tpu.memory_space<vmem>>, vector<16xf32>,
    %max3A_1054 = arith.maximumf %max3A_1049, %get3A_1053 : vector<16xf32>
    %get3A_1055 = arith.constant 2 : i32
    %get3A_1056 = arith.index_cast %get3A_1055 : i32 to index
    %get3A_1057 = arith.constant 480 : index
    %get3A_1058 = tpu.vector_load %arg13[%get3A_1056, %get3A_1057] {strides = array<i32>} : memref<5x512xf32, #tpu.memory_space<vmem>>, vector<16xf32>,
    %max3A_1059 = arith.maximumf %max3A_1054, %get3A_1058 : vector<16xf32>
    %get3A_1060 = arith.constant 2 : i32
    %get3A_1061 = arith.index_cast %get3A_1060 : i32 to index
    %get3A_1062 = arith.constant 496 : index
    %get3A_1063 = tpu.vector_load %arg13[%get3A_1061, %get3A_1062] {strides = array<i32>} : memref<5x512xf32, #tpu.memory_space<vmem>>, vector<16xf32>,
    %max3A_1064 = arith.maximumf %max3A_1059, %get3A_1063 : vector<16xf32>
    %reduce_max3A_1065 = arith.constant true
    %reduce_max3A_1066 = vector.broadcast %reduce_max3A_1065 : i1 to vector<16xi1>
    %reduce_max3A_1067 = tpu.scan <max>, %max3A_1064 masked %reduce_max3A_1066 : vector<16xf32>, vector<16xi1> -> vector<16xf32>
    %reduce_max3A_1068 = vector.extract %reduce_max3A_1067[15] : f32 from vector<16xf32>
    %broadcast_in_dim3A_1069 = arith.constant 0.000000e+00 : f32
    %broadcast_in_dim3A_1070 = vector.broadcast %broadcast_in_dim3A_1069 : f32 to vector<16xf32>
    %get3A_1071 = arith.constant 2 : i32
    %get3A_1072 = arith.index_cast %get3A_1071 : i32 to index
    %get3A_1073 = arith.constant 0 : index
    %get3A_1074 = tpu.vector_load %arg13[%get3A_1072, %get3A_1073] {strides = array<i32>} : memref<5x512xf32, #tpu.memory_space<vmem>>, vector<16xf32>,
    %sub3A_1075 = vector.broadcast %reduce_max3A_1068 : f32 to vector<16xf32>
    %sub3A_1076 = arith.subf %get3A_1074, %sub3A_1075 : vector<16xf32>
    %exp3A_1077 = math.exp %sub3A_1076 : vector<16xf32>
    %add3A_1078 = arith.addf %broadcast_in_dim3A_1070, %exp3A_1077 : vector<16xf32>
    %get3A_1079 = arith.constant 2 : i32
    %get3A_1080 = arith.index_cast %get3A_1079 : i32 to index
    %get3A_1081 = arith.constant 16 : index
    %get3A_1082 = tpu.vector_load %arg13[%get3A_1080, %get3A_1081] {strides = array<i32>} : memref<5x512xf32, #tpu.memory_space<vmem>>, vector<16xf32>,
    %sub3A_1083 = vector.broadcast %reduce_max3A_1068 : f32 to vector<16xf32>
    %sub3A_1084 = arith.subf %get3A_1082, %sub3A_1083 : vector<16xf32>
    %exp3A_1085 = math.exp %sub3A_1084 : vector<16xf32>
    %add3A_1086 = arith.addf %add3A_1078, %exp3A_1085 : vector<16xf32>
    %get3A_1087 = arith.constant 2 : i32
    %get3A_1088 = arith.index_cast %get3A_1087 : i32 to index
    %get3A_1089 = arith.constant 32 : index
    %get3A_1090 = tpu.vector_load %arg13[%get3A_1088, %get3A_1089] {strides = array<i32>} : memref<5x512xf32, #tpu.memory_space<vmem>>, vector<16xf32>,
    %sub3A_1091 = vector.broadcast %reduce_max3A_1068 : f32 to vector<16xf32>
    %sub3A_1092 = arith.subf %get3A_1090, %sub3A_1091 : vector<16xf32>
    %exp3A_1093 = math.exp %sub3A_1092 : vector<16xf32>
    %add3A_1094 = arith.addf %add3A_1086, %exp3A_1093 : vector<16xf32>
    %get3A_1095 = arith.constant 2 : i32
    %get3A_1096 = arith.index_cast %get3A_1095 : i32 to index
    %get3A_1097 = arith.constant 48 : index
    %get3A_1098 = tpu.vector_load %arg13[%get3A_1096, %get3A_1097] {strides = array<i32>} : memref<5x512xf32, #tpu.memory_space<vmem>>, vector<16xf32>,
    %sub3A_1099 = vector.broadcast %reduce_max3A_1068 : f32 to vector<16xf32>
    %sub3A_1100 = arith.subf %get3A_1098, %sub3A_1099 : vector<16xf32>
    %exp3A_1101 = math.exp %sub3A_1100 : vector<16xf32>
    %add3A_1102 = arith.addf %add3A_1094, %exp3A_1101 : vector<16xf32>
    %get3A_1103 = arith.constant 2 : i32
    %get3A_1104 = arith.index_cast %get3A_1103 : i32 to index
    %get3A_1105 = arith.constant 64 : index
    %get3A_1106 = tpu.vector_load %arg13[%get3A_1104, %get3A_1105] {strides = array<i32>} : memref<5x512xf32, #tpu.memory_space<vmem>>, vector<16xf32>,
    %sub3A_1107 = vector.broadcast %reduce_max3A_1068 : f32 to vector<16xf32>
    %sub3A_1108 = arith.subf %get3A_1106, %sub3A_1107 : vector<16xf32>
    %exp3A_1109 = math.exp %sub3A_1108 : vector<16xf32>
    %add3A_1110 = arith.addf %add3A_1102, %exp3A_1109 : vector<16xf32>
    %get3A_1111 = arith.constant 2 : i32
    %get3A_1112 = arith.index_cast %get3A_1111 : i32 to index
    %get3A_1113 = arith.constant 80 : index
    %get3A_1114 = tpu.vector_load %arg13[%get3A_1112, %get3A_1113] {strides = array<i32>} : memref<5x512xf32, #tpu.memory_space<vmem>>, vector<16xf32>,
    %sub3A_1115 = vector.broadcast %reduce_max3A_1068 : f32 to vector<16xf32>
    %sub3A_1116 = arith.subf %get3A_1114, %sub3A_1115 : vector<16xf32>
    %exp3A_1117 = math.exp %sub3A_1116 : vector<16xf32>
    %add3A_1118 = arith.addf %add3A_1110, %exp3A_1117 : vector<16xf32>
    %get3A_1119 = arith.constant 2 : i32
    %get3A_1120 = arith.index_cast %get3A_1119 : i32 to index
    %get3A_1121 = arith.constant 96 : index
    %get3A_1122 = tpu.vector_load %arg13[%get3A_1120, %get3A_1121] {strides = array<i32>} : memref<5x512xf32, #tpu.memory_space<vmem>>, vector<16xf32>,
    %sub3A_1123 = vector.broadcast %reduce_max3A_1068 : f32 to vector<16xf32>
    %sub3A_1124 = arith.subf %get3A_1122, %sub3A_1123 : vector<16xf32>
    %exp3A_1125 = math.exp %sub3A_1124 : vector<16xf32>
    %add3A_1126 = arith.addf %add3A_1118, %exp3A_1125 : vector<16xf32>
    %get3A_1127 = arith.constant 2 : i32
    %get3A_1128 = arith.index_cast %get3A_1127 : i32 to index
    %get3A_1129 = arith.constant 112 : index
    %get3A_1130 = tpu.vector_load %arg13[%get3A_1128, %get3A_1129] {strides = array<i32>} : memref<5x512xf32, #tpu.memory_space<vmem>>, vector<16xf32>,
    %sub3A_1131 = vector.broadcast %reduce_max3A_1068 : f32 to vector<16xf32>
    %sub3A_1132 = arith.subf %get3A_1130, %sub3A_1131 : vector<16xf32>
    %exp3A_1133 = math.exp %sub3A_1132 : vector<16xf32>
    %add3A_1134 = arith.addf %add3A_1126, %exp3A_1133 : vector<16xf32>
    %get3A_1135 = arith.constant 2 : i32
    %get3A_1136 = arith.index_cast %get3A_1135 : i32 to index
    %get3A_1137 = arith.constant 128 : index
    %get3A_1138 = tpu.vector_load %arg13[%get3A_1136, %get3A_1137] {strides = array<i32>} : memref<5x512xf32, #tpu.memory_space<vmem>>, vector<16xf32>,
    %sub3A_1139 = vector.broadcast %reduce_max3A_1068 : f32 to vector<16xf32>
    %sub3A_1140 = arith.subf %get3A_1138, %sub3A_1139 : vector<16xf32>
    %exp3A_1141 = math.exp %sub3A_1140 : vector<16xf32>
    %add3A_1142 = arith.addf %add3A_1134, %exp3A_1141 : vector<16xf32>
    %get3A_1143 = arith.constant 2 : i32
    %get3A_1144 = arith.index_cast %get3A_1143 : i32 to index
    %get3A_1145 = arith.constant 144 : index
    %get3A_1146 = tpu.vector_load %arg13[%get3A_1144, %get3A_1145] {strides = array<i32>} : memref<5x512xf32, #tpu.memory_space<vmem>>, vector<16xf32>,
    %sub3A_1147 = vector.broadcast %reduce_max3A_1068 : f32 to vector<16xf32>
    %sub3A_1148 = arith.subf %get3A_1146, %sub3A_1147 : vector<16xf32>
    %exp3A_1149 = math.exp %sub3A_1148 : vector<16xf32>
    %add3A_1150 = arith.addf %add3A_1142, %exp3A_1149 : vector<16xf32>
    %get3A_1151 = arith.constant 2 : i32
    %get3A_1152 = arith.index_cast %get3A_1151 : i32 to index
    %get3A_1153 = arith.constant 160 : index
    %get3A_1154 = tpu.vector_load %arg13[%get3A_1152, %get3A_1153] {strides = array<i32>} : memref<5x512xf32, #tpu.memory_space<vmem>>, vector<16xf32>,
    %sub3A_1155 = vector.broadcast %reduce_max3A_1068 : f32 to vector<16xf32>
    %sub3A_1156 = arith.subf %get3A_1154, %sub3A_1155 : vector<16xf32>
    %exp3A_1157 = math.exp %sub3A_1156 : vector<16xf32>
    %add3A_1158 = arith.addf %add3A_1150, %exp3A_1157 : vector<16xf32>
    %get3A_1159 = arith.constant 2 : i32
    %get3A_1160 = arith.index_cast %get3A_1159 : i32 to index
    %get3A_1161 = arith.constant 176 : index
    %get3A_1162 = tpu.vector_load %arg13[%get3A_1160, %get3A_1161] {strides = array<i32>} : memref<5x512xf32, #tpu.memory_space<vmem>>, vector<16xf32>,
    %sub3A_1163 = vector.broadcast %reduce_max3A_1068 : f32 to vector<16xf32>
    %sub3A_1164 = arith.subf %get3A_1162, %sub3A_1163 : vector<16xf32>
    %exp3A_1165 = math.exp %sub3A_1164 : vector<16xf32>
    %add3A_1166 = arith.addf %add3A_1158, %exp3A_1165 : vector<16xf32>
    %get3A_1167 = arith.constant 2 : i32
    %get3A_1168 = arith.index_cast %get3A_1167 : i32 to index
    %get3A_1169 = arith.constant 192 : index
    %get3A_1170 = tpu.vector_load %arg13[%get3A_1168, %get3A_1169] {strides = array<i32>} : memref<5x512xf32, #tpu.memory_space<vmem>>, vector<16xf32>,
    %sub3A_1171 = vector.broadcast %reduce_max3A_1068 : f32 to vector<16xf32>
    %sub3A_1172 = arith.subf %get3A_1170, %sub3A_1171 : vector<16xf32>
    %exp3A_1173 = math.exp %sub3A_1172 : vector<16xf32>
    %add3A_1174 = arith.addf %add3A_1166, %exp3A_1173 : vector<16xf32>
    %get3A_1175 = arith.constant 2 : i32
    %get3A_1176 = arith.index_cast %get3A_1175 : i32 to index
    %get3A_1177 = arith.constant 208 : index
    %get3A_1178 = tpu.vector_load %arg13[%get3A_1176, %get3A_1177] {strides = array<i32>} : memref<5x512xf32, #tpu.memory_space<vmem>>, vector<16xf32>,
    %sub3A_1179 = vector.broadcast %reduce_max3A_1068 : f32 to vector<16xf32>
    %sub3A_1180 = arith.subf %get3A_1178, %sub3A_1179 : vector<16xf32>
    %exp3A_1181 = math.exp %sub3A_1180 : vector<16xf32>
    %add3A_1182 = arith.addf %add3A_1174, %exp3A_1181 : vector<16xf32>
    %get3A_1183 = arith.constant 2 : i32
    %get3A_1184 = arith.index_cast %get3A_1183 : i32 to index
    %get3A_1185 = arith.constant 224 : index
    %get3A_1186 = tpu.vector_load %arg13[%get3A_1184, %get3A_1185] {strides = array<i32>} : memref<5x512xf32, #tpu.memory_space<vmem>>, vector<16xf32>,
    %sub3A_1187 = vector.broadcast %reduce_max3A_1068 : f32 to vector<16xf32>
    %sub3A_1188 = arith.subf %get3A_1186, %sub3A_1187 : vector<16xf32>
    %exp3A_1189 = math.exp %sub3A_1188 : vector<16xf32>
    %add3A_1190 = arith.addf %add3A_1182, %exp3A_1189 : vector<16xf32>
    %get3A_1191 = arith.constant 2 : i32
    %get3A_1192 = arith.index_cast %get3A_1191 : i32 to index
    %get3A_1193 = arith.constant 240 : index
    %get3A_1194 = tpu.vector_load %arg13[%get3A_1192, %get3A_1193] {strides = array<i32>} : memref<5x512xf32, #tpu.memory_space<vmem>>, vector<16xf32>,
    %sub3A_1195 = vector.broadcast %reduce_max3A_1068 : f32 to vector<16xf32>
    %sub3A_1196 = arith.subf %get3A_1194, %sub3A_1195 : vector<16xf32>
    %exp3A_1197 = math.exp %sub3A_1196 : vector<16xf32>
    %add3A_1198 = arith.addf %add3A_1190, %exp3A_1197 : vector<16xf32>
    %get3A_1199 = arith.constant 2 : i32
    %get3A_1200 = arith.index_cast %get3A_1199 : i32 to index
    %get3A_1201 = arith.constant 256 : index
    %get3A_1202 = tpu.vector_load %arg13[%get3A_1200, %get3A_1201] {strides = array<i32>} : memref<5x512xf32, #tpu.memory_space<vmem>>, vector<16xf32>,
    %sub3A_1203 = vector.broadcast %reduce_max3A_1068 : f32 to vector<16xf32>
    %sub3A_1204 = arith.subf %get3A_1202, %sub3A_1203 : vector<16xf32>
    %exp3A_1205 = math.exp %sub3A_1204 : vector<16xf32>
    %add3A_1206 = arith.addf %add3A_1198, %exp3A_1205 : vector<16xf32>
    %get3A_1207 = arith.constant 2 : i32
    %get3A_1208 = arith.index_cast %get3A_1207 : i32 to index
    %get3A_1209 = arith.constant 272 : index
    %get3A_1210 = tpu.vector_load %arg13[%get3A_1208, %get3A_1209] {strides = array<i32>} : memref<5x512xf32, #tpu.memory_space<vmem>>, vector<16xf32>,
    %sub3A_1211 = vector.broadcast %reduce_max3A_1068 : f32 to vector<16xf32>
    %sub3A_1212 = arith.subf %get3A_1210, %sub3A_1211 : vector<16xf32>
    %exp3A_1213 = math.exp %sub3A_1212 : vector<16xf32>
    %add3A_1214 = arith.addf %add3A_1206, %exp3A_1213 : vector<16xf32>
    %get3A_1215 = arith.constant 2 : i32
    %get3A_1216 = arith.index_cast %get3A_1215 : i32 to index
    %get3A_1217 = arith.constant 288 : index
    %get3A_1218 = tpu.vector_load %arg13[%get3A_1216, %get3A_1217] {strides = array<i32>} : memref<5x512xf32, #tpu.memory_space<vmem>>, vector<16xf32>,
    %sub3A_1219 = vector.broadcast %reduce_max3A_1068 : f32 to vector<16xf32>
    %sub3A_1220 = arith.subf %get3A_1218, %sub3A_1219 : vector<16xf32>
    %exp3A_1221 = math.exp %sub3A_1220 : vector<16xf32>
    %add3A_1222 = arith.addf %add3A_1214, %exp3A_1221 : vector<16xf32>
    %get3A_1223 = arith.constant 2 : i32
    %get3A_1224 = arith.index_cast %get3A_1223 : i32 to index
    %get3A_1225 = arith.constant 304 : index
    %get3A_1226 = tpu.vector_load %arg13[%get3A_1224, %get3A_1225] {strides = array<i32>} : memref<5x512xf32, #tpu.memory_space<vmem>>, vector<16xf32>,
    %sub3A_1227 = vector.broadcast %reduce_max3A_1068 : f32 to vector<16xf32>
    %sub3A_1228 = arith.subf %get3A_1226, %sub3A_1227 : vector<16xf32>
    %exp3A_1229 = math.exp %sub3A_1228 : vector<16xf32>
    %add3A_1230 = arith.addf %add3A_1222, %exp3A_1229 : vector<16xf32>
    %get3A_1231 = arith.constant 2 : i32
    %get3A_1232 = arith.index_cast %get3A_1231 : i32 to index
    %get3A_1233 = arith.constant 320 : index
    %get3A_1234 = tpu.vector_load %arg13[%get3A_1232, %get3A_1233] {strides = array<i32>} : memref<5x512xf32, #tpu.memory_space<vmem>>, vector<16xf32>,
    %sub3A_1235 = vector.broadcast %reduce_max3A_1068 : f32 to vector<16xf32>
    %sub3A_1236 = arith.subf %get3A_1234, %sub3A_1235 : vector<16xf32>
    %exp3A_1237 = math.exp %sub3A_1236 : vector<16xf32>
    %add3A_1238 = arith.addf %add3A_1230, %exp3A_1237 : vector<16xf32>
    %get3A_1239 = arith.constant 2 : i32
    %get3A_1240 = arith.index_cast %get3A_1239 : i32 to index
    %get3A_1241 = arith.constant 336 : index
    %get3A_1242 = tpu.vector_load %arg13[%get3A_1240, %get3A_1241] {strides = array<i32>} : memref<5x512xf32, #tpu.memory_space<vmem>>, vector<16xf32>,
    %sub3A_1243 = vector.broadcast %reduce_max3A_1068 : f32 to vector<16xf32>
    %sub3A_1244 = arith.subf %get3A_1242, %sub3A_1243 : vector<16xf32>
    %exp3A_1245 = math.exp %sub3A_1244 : vector<16xf32>
    %add3A_1246 = arith.addf %add3A_1238, %exp3A_1245 : vector<16xf32>
    %get3A_1247 = arith.constant 2 : i32
    %get3A_1248 = arith.index_cast %get3A_1247 : i32 to index
    %get3A_1249 = arith.constant 352 : index
    %get3A_1250 = tpu.vector_load %arg13[%get3A_1248, %get3A_1249] {strides = array<i32>} : memref<5x512xf32, #tpu.memory_space<vmem>>, vector<16xf32>,
    %sub3A_1251 = vector.broadcast %reduce_max3A_1068 : f32 to vector<16xf32>
    %sub3A_1252 = arith.subf %get3A_1250, %sub3A_1251 : vector<16xf32>
    %exp3A_1253 = math.exp %sub3A_1252 : vector<16xf32>
    %add3A_1254 = arith.addf %add3A_1246, %exp3A_1253 : vector<16xf32>
    %get3A_1255 = arith.constant 2 : i32
    %get3A_1256 = arith.index_cast %get3A_1255 : i32 to index
    %get3A_1257 = arith.constant 368 : index
    %get3A_1258 = tpu.vector_load %arg13[%get3A_1256, %get3A_1257] {strides = array<i32>} : memref<5x512xf32, #tpu.memory_space<vmem>>, vector<16xf32>,
    %sub3A_1259 = vector.broadcast %reduce_max3A_1068 : f32 to vector<16xf32>
    %sub3A_1260 = arith.subf %get3A_1258, %sub3A_1259 : vector<16xf32>
    %exp3A_1261 = math.exp %sub3A_1260 : vector<16xf32>
    %add3A_1262 = arith.addf %add3A_1254, %exp3A_1261 : vector<16xf32>
    %get3A_1263 = arith.constant 2 : i32
    %get3A_1264 = arith.index_cast %get3A_1263 : i32 to index
    %get3A_1265 = arith.constant 384 : index
    %get3A_1266 = tpu.vector_load %arg13[%get3A_1264, %get3A_1265] {strides = array<i32>} : memref<5x512xf32, #tpu.memory_space<vmem>>, vector<16xf32>,
    %sub3A_1267 = vector.broadcast %reduce_max3A_1068 : f32 to vector<16xf32>
    %sub3A_1268 = arith.subf %get3A_1266, %sub3A_1267 : vector<16xf32>
    %exp3A_1269 = math.exp %sub3A_1268 : vector<16xf32>
    %add3A_1270 = arith.addf %add3A_1262, %exp3A_1269 : vector<16xf32>
    %get3A_1271 = arith.constant 2 : i32
    %get3A_1272 = arith.index_cast %get3A_1271 : i32 to index
    %get3A_1273 = arith.constant 400 : index
    %get3A_1274 = tpu.vector_load %arg13[%get3A_1272, %get3A_1273] {strides = array<i32>} : memref<5x512xf32, #tpu.memory_space<vmem>>, vector<16xf32>,
    %sub3A_1275 = vector.broadcast %reduce_max3A_1068 : f32 to vector<16xf32>
    %sub3A_1276 = arith.subf %get3A_1274, %sub3A_1275 : vector<16xf32>
    %exp3A_1277 = math.exp %sub3A_1276 : vector<16xf32>
    %add3A_1278 = arith.addf %add3A_1270, %exp3A_1277 : vector<16xf32>
    %get3A_1279 = arith.constant 2 : i32
    %get3A_1280 = arith.index_cast %get3A_1279 : i32 to index
    %get3A_1281 = arith.constant 416 : index
    %get3A_1282 = tpu.vector_load %arg13[%get3A_1280, %get3A_1281] {strides = array<i32>} : memref<5x512xf32, #tpu.memory_space<vmem>>, vector<16xf32>,
    %sub3A_1283 = vector.broadcast %reduce_max3A_1068 : f32 to vector<16xf32>
    %sub3A_1284 = arith.subf %get3A_1282, %sub3A_1283 : vector<16xf32>
    %exp3A_1285 = math.exp %sub3A_1284 : vector<16xf32>
    %add3A_1286 = arith.addf %add3A_1278, %exp3A_1285 : vector<16xf32>
    %get3A_1287 = arith.constant 2 : i32
    %get3A_1288 = arith.index_cast %get3A_1287 : i32 to index
    %get3A_1289 = arith.constant 432 : index
    %get3A_1290 = tpu.vector_load %arg13[%get3A_1288, %get3A_1289] {strides = array<i32>} : memref<5x512xf32, #tpu.memory_space<vmem>>, vector<16xf32>,
    %sub3A_1291 = vector.broadcast %reduce_max3A_1068 : f32 to vector<16xf32>
    %sub3A_1292 = arith.subf %get3A_1290, %sub3A_1291 : vector<16xf32>
    %exp3A_1293 = math.exp %sub3A_1292 : vector<16xf32>
    %add3A_1294 = arith.addf %add3A_1286, %exp3A_1293 : vector<16xf32>
    %get3A_1295 = arith.constant 2 : i32
    %get3A_1296 = arith.index_cast %get3A_1295 : i32 to index
    %get3A_1297 = arith.constant 448 : index
    %get3A_1298 = tpu.vector_load %arg13[%get3A_1296, %get3A_1297] {strides = array<i32>} : memref<5x512xf32, #tpu.memory_space<vmem>>, vector<16xf32>,
    %sub3A_1299 = vector.broadcast %reduce_max3A_1068 : f32 to vector<16xf32>
    %sub3A_1300 = arith.subf %get3A_1298, %sub3A_1299 : vector<16xf32>
    %exp3A_1301 = math.exp %sub3A_1300 : vector<16xf32>
    %add3A_1302 = arith.addf %add3A_1294, %exp3A_1301 : vector<16xf32>
    %get3A_1303 = arith.constant 2 : i32
    %get3A_1304 = arith.index_cast %get3A_1303 : i32 to index
    %get3A_1305 = arith.constant 464 : index
    %get3A_1306 = tpu.vector_load %arg13[%get3A_1304, %get3A_1305] {strides = array<i32>} : memref<5x512xf32, #tpu.memory_space<vmem>>, vector<16xf32>,
    %sub3A_1307 = vector.broadcast %reduce_max3A_1068 : f32 to vector<16xf32>
    %sub3A_1308 = arith.subf %get3A_1306, %sub3A_1307 : vector<16xf32>
    %exp3A_1309 = math.exp %sub3A_1308 : vector<16xf32>
    %add3A_1310 = arith.addf %add3A_1302, %exp3A_1309 : vector<16xf32>
    %get3A_1311 = arith.constant 2 : i32
    %get3A_1312 = arith.index_cast %get3A_1311 : i32 to index
    %get3A_1313 = arith.constant 480 : index
    %get3A_1314 = tpu.vector_load %arg13[%get3A_1312, %get3A_1313] {strides = array<i32>} : memref<5x512xf32, #tpu.memory_space<vmem>>, vector<16xf32>,
    %sub3A_1315 = vector.broadcast %reduce_max3A_1068 : f32 to vector<16xf32>
    %sub3A_1316 = arith.subf %get3A_1314, %sub3A_1315 : vector<16xf32>
    %exp3A_1317 = math.exp %sub3A_1316 : vector<16xf32>
    %add3A_1318 = arith.addf %add3A_1310, %exp3A_1317 : vector<16xf32>
    %get3A_1319 = arith.constant 2 : i32
    %get3A_1320 = arith.index_cast %get3A_1319 : i32 to index
    %get3A_1321 = arith.constant 496 : index
    %get3A_1322 = tpu.vector_load %arg13[%get3A_1320, %get3A_1321] {strides = array<i32>} : memref<5x512xf32, #tpu.memory_space<vmem>>, vector<16xf32>,
    %sub3A_1323 = vector.broadcast %reduce_max3A_1068 : f32 to vector<16xf32>
    %sub3A_1324 = arith.subf %get3A_1322, %sub3A_1323 : vector<16xf32>
    %exp3A_1325 = math.exp %sub3A_1324 : vector<16xf32>
    %add3A_1326 = arith.addf %add3A_1318, %exp3A_1325 : vector<16xf32>
    %reduce_sum3A_1327 = arith.constant true
    %reduce_sum3A_1328 = vector.broadcast %reduce_sum3A_1327 : i1 to vector<16xi1>
    %reduce_sum3A_1329 = tpu.scan <sum>, %add3A_1326 masked %reduce_sum3A_1328 : vector<16xf32>, vector<16xi1> -> vector<16xf32>
    %reduce_sum3A_1330 = vector.extract %reduce_sum3A_1329[15] : f32 from vector<16xf32>
    %get3A_1331 = arith.constant 3 : i32
    %get3A_1332 = arith.index_cast %get3A_1331 : i32 to index
    %get3A_1333 = arith.constant 0 : index
    %get3A_1334 = tpu.vector_load %arg13[%get3A_1332, %get3A_1333] {strides = array<i32>} : memref<5x512xf32, #tpu.memory_space<vmem>>, vector<16xf32>,
    %get3A_1335 = arith.constant 3 : i32
    %get3A_1336 = arith.index_cast %get3A_1335 : i32 to index
    %get3A_1337 = arith.constant 16 : index
    %get3A_1338 = tpu.vector_load %arg13[%get3A_1336, %get3A_1337] {strides = array<i32>} : memref<5x512xf32, #tpu.memory_space<vmem>>, vector<16xf32>,
    %max3A_1339 = arith.maximumf %get3A_1334, %get3A_1338 : vector<16xf32>
    %get3A_1340 = arith.constant 3 : i32
    %get3A_1341 = arith.index_cast %get3A_1340 : i32 to index
    %get3A_1342 = arith.constant 32 : index
    %get3A_1343 = tpu.vector_load %arg13[%get3A_1341, %get3A_1342] {strides = array<i32>} : memref<5x512xf32, #tpu.memory_space<vmem>>, vector<16xf32>,
    %max3A_1344 = arith.maximumf %max3A_1339, %get3A_1343 : vector<16xf32>
    %get3A_1345 = arith.constant 3 : i32
    %get3A_1346 = arith.index_cast %get3A_1345 : i32 to index
    %get3A_1347 = arith.constant 48 : index
    %get3A_1348 = tpu.vector_load %arg13[%get3A_1346, %get3A_1347] {strides = array<i32>} : memref<5x512xf32, #tpu.memory_space<vmem>>, vector<16xf32>,
    %max3A_1349 = arith.maximumf %max3A_1344, %get3A_1348 : vector<16xf32>
    %get3A_1350 = arith.constant 3 : i32
    %get3A_1351 = arith.index_cast %get3A_1350 : i32 to index
    %get3A_1352 = arith.constant 64 : index
    %get3A_1353 = tpu.vector_load %arg13[%get3A_1351, %get3A_1352] {strides = array<i32>} : memref<5x512xf32, #tpu.memory_space<vmem>>, vector<16xf32>,
    %max3A_1354 = arith.maximumf %max3A_1349, %get3A_1353 : vector<16xf32>
    %get3A_1355 = arith.constant 3 : i32
    %get3A_1356 = arith.index_cast %get3A_1355 : i32 to index
    %get3A_1357 = arith.constant 80 : index
    %get3A_1358 = tpu.vector_load %arg13[%get3A_1356, %get3A_1357] {strides = array<i32>} : memref<5x512xf32, #tpu.memory_space<vmem>>, vector<16xf32>,
    %max3A_1359 = arith.maximumf %max3A_1354, %get3A_1358 : vector<16xf32>
    %get3A_1360 = arith.constant 3 : i32
    %get3A_1361 = arith.index_cast %get3A_1360 : i32 to index
    %get3A_1362 = arith.constant 96 : index
    %get3A_1363 = tpu.vector_load %arg13[%get3A_1361, %get3A_1362] {strides = array<i32>} : memref<5x512xf32, #tpu.memory_space<vmem>>, vector<16xf32>,
    %max3A_1364 = arith.maximumf %max3A_1359, %get3A_1363 : vector<16xf32>
    %get3A_1365 = arith.constant 3 : i32
    %get3A_1366 = arith.index_cast %get3A_1365 : i32 to index
    %get3A_1367 = arith.constant 112 : index
    %get3A_1368 = tpu.vector_load %arg13[%get3A_1366, %get3A_1367] {strides = array<i32>} : memref<5x512xf32, #tpu.memory_space<vmem>>, vector<16xf32>,
    %max3A_1369 = arith.maximumf %max3A_1364, %get3A_1368 : vector<16xf32>
    %get3A_1370 = arith.constant 3 : i32
    %get3A_1371 = arith.index_cast %get3A_1370 : i32 to index
    %get3A_1372 = arith.constant 128 : index
    %get3A_1373 = tpu.vector_load %arg13[%get3A_1371, %get3A_1372] {strides = array<i32>} : memref<5x512xf32, #tpu.memory_space<vmem>>, vector<16xf32>,
    %max3A_1374 = arith.maximumf %max3A_1369, %get3A_1373 : vector<16xf32>
    %get3A_1375 = arith.constant 3 : i32
    %get3A_1376 = arith.index_cast %get3A_1375 : i32 to index
    %get3A_1377 = arith.constant 144 : index
    %get3A_1378 = tpu.vector_load %arg13[%get3A_1376, %get3A_1377] {strides = array<i32>} : memref<5x512xf32, #tpu.memory_space<vmem>>, vector<16xf32>,
    %max3A_1379 = arith.maximumf %max3A_1374, %get3A_1378 : vector<16xf32>
    %get3A_1380 = arith.constant 3 : i32
    %get3A_1381 = arith.index_cast %get3A_1380 : i32 to index
    %get3A_1382 = arith.constant 160 : index
    %get3A_1383 = tpu.vector_load %arg13[%get3A_1381, %get3A_1382] {strides = array<i32>} : memref<5x512xf32, #tpu.memory_space<vmem>>, vector<16xf32>,
    %max3A_1384 = arith.maximumf %max3A_1379, %get3A_1383 : vector<16xf32>
    %get3A_1385 = arith.constant 3 : i32
    %get3A_1386 = arith.index_cast %get3A_1385 : i32 to index
    %get3A_1387 = arith.constant 176 : index
    %get3A_1388 = tpu.vector_load %arg13[%get3A_1386, %get3A_1387] {strides = array<i32>} : memref<5x512xf32, #tpu.memory_space<vmem>>, vector<16xf32>,
    %max3A_1389 = arith.maximumf %max3A_1384, %get3A_1388 : vector<16xf32>
    %get3A_1390 = arith.constant 3 : i32
    %get3A_1391 = arith.index_cast %get3A_1390 : i32 to index
    %get3A_1392 = arith.constant 192 : index
    %get3A_1393 = tpu.vector_load %arg13[%get3A_1391, %get3A_1392] {strides = array<i32>} : memref<5x512xf32, #tpu.memory_space<vmem>>, vector<16xf32>,
    %max3A_1394 = arith.maximumf %max3A_1389, %get3A_1393 : vector<16xf32>
    %get3A_1395 = arith.constant 3 : i32
    %get3A_1396 = arith.index_cast %get3A_1395 : i32 to index
    %get3A_1397 = arith.constant 208 : index
    %get3A_1398 = tpu.vector_load %arg13[%get3A_1396, %get3A_1397] {strides = array<i32>} : memref<5x512xf32, #tpu.memory_space<vmem>>, vector<16xf32>,
    %max3A_1399 = arith.maximumf %max3A_1394, %get3A_1398 : vector<16xf32>
    %get3A_1400 = arith.constant 3 : i32
    %get3A_1401 = arith.index_cast %get3A_1400 : i32 to index
    %get3A_1402 = arith.constant 224 : index
    %get3A_1403 = tpu.vector_load %arg13[%get3A_1401, %get3A_1402] {strides = array<i32>} : memref<5x512xf32, #tpu.memory_space<vmem>>, vector<16xf32>,
    %max3A_1404 = arith.maximumf %max3A_1399, %get3A_1403 : vector<16xf32>
    %get3A_1405 = arith.constant 3 : i32
    %get3A_1406 = arith.index_cast %get3A_1405 : i32 to index
    %get3A_1407 = arith.constant 240 : index
    %get3A_1408 = tpu.vector_load %arg13[%get3A_1406, %get3A_1407] {strides = array<i32>} : memref<5x512xf32, #tpu.memory_space<vmem>>, vector<16xf32>,
    %max3A_1409 = arith.maximumf %max3A_1404, %get3A_1408 : vector<16xf32>
    %get3A_1410 = arith.constant 3 : i32
    %get3A_1411 = arith.index_cast %get3A_1410 : i32 to index
    %get3A_1412 = arith.constant 256 : index
    %get3A_1413 = tpu.vector_load %arg13[%get3A_1411, %get3A_1412] {strides = array<i32>} : memref<5x512xf32, #tpu.memory_space<vmem>>, vector<16xf32>,
    %max3A_1414 = arith.maximumf %max3A_1409, %get3A_1413 : vector<16xf32>
    %get3A_1415 = arith.constant 3 : i32
    %get3A_1416 = arith.index_cast %get3A_1415 : i32 to index
    %get3A_1417 = arith.constant 272 : index
    %get3A_1418 = tpu.vector_load %arg13[%get3A_1416, %get3A_1417] {strides = array<i32>} : memref<5x512xf32, #tpu.memory_space<vmem>>, vector<16xf32>,
    %max3A_1419 = arith.maximumf %max3A_1414, %get3A_1418 : vector<16xf32>
    %get3A_1420 = arith.constant 3 : i32
    %get3A_1421 = arith.index_cast %get3A_1420 : i32 to index
    %get3A_1422 = arith.constant 288 : index
    %get3A_1423 = tpu.vector_load %arg13[%get3A_1421, %get3A_1422] {strides = array<i32>} : memref<5x512xf32, #tpu.memory_space<vmem>>, vector<16xf32>,
    %max3A_1424 = arith.maximumf %max3A_1419, %get3A_1423 : vector<16xf32>
    %get3A_1425 = arith.constant 3 : i32
    %get3A_1426 = arith.index_cast %get3A_1425 : i32 to index
    %get3A_1427 = arith.constant 304 : index
    %get3A_1428 = tpu.vector_load %arg13[%get3A_1426, %get3A_1427] {strides = array<i32>} : memref<5x512xf32, #tpu.memory_space<vmem>>, vector<16xf32>,
    %max3A_1429 = arith.maximumf %max3A_1424, %get3A_1428 : vector<16xf32>
    %get3A_1430 = arith.constant 3 : i32
    %get3A_1431 = arith.index_cast %get3A_1430 : i32 to index
    %get3A_1432 = arith.constant 320 : index
    %get3A_1433 = tpu.vector_load %arg13[%get3A_1431, %get3A_1432] {strides = array<i32>} : memref<5x512xf32, #tpu.memory_space<vmem>>, vector<16xf32>,
    %max3A_1434 = arith.maximumf %max3A_1429, %get3A_1433 : vector<16xf32>
    %get3A_1435 = arith.constant 3 : i32
    %get3A_1436 = arith.index_cast %get3A_1435 : i32 to index
    %get3A_1437 = arith.constant 336 : index
    %get3A_1438 = tpu.vector_load %arg13[%get3A_1436, %get3A_1437] {strides = array<i32>} : memref<5x512xf32, #tpu.memory_space<vmem>>, vector<16xf32>,
    %max3A_1439 = arith.maximumf %max3A_1434, %get3A_1438 : vector<16xf32>
    %get3A_1440 = arith.constant 3 : i32
    %get3A_1441 = arith.index_cast %get3A_1440 : i32 to index
    %get3A_1442 = arith.constant 352 : index
    %get3A_1443 = tpu.vector_load %arg13[%get3A_1441, %get3A_1442] {strides = array<i32>} : memref<5x512xf32, #tpu.memory_space<vmem>>, vector<16xf32>,
    %max3A_1444 = arith.maximumf %max3A_1439, %get3A_1443 : vector<16xf32>
    %get3A_1445 = arith.constant 3 : i32
    %get3A_1446 = arith.index_cast %get3A_1445 : i32 to index
    %get3A_1447 = arith.constant 368 : index
    %get3A_1448 = tpu.vector_load %arg13[%get3A_1446, %get3A_1447] {strides = array<i32>} : memref<5x512xf32, #tpu.memory_space<vmem>>, vector<16xf32>,
    %max3A_1449 = arith.maximumf %max3A_1444, %get3A_1448 : vector<16xf32>
    %get3A_1450 = arith.constant 3 : i32
    %get3A_1451 = arith.index_cast %get3A_1450 : i32 to index
    %get3A_1452 = arith.constant 384 : index
    %get3A_1453 = tpu.vector_load %arg13[%get3A_1451, %get3A_1452] {strides = array<i32>} : memref<5x512xf32, #tpu.memory_space<vmem>>, vector<16xf32>,
    %max3A_1454 = arith.maximumf %max3A_1449, %get3A_1453 : vector<16xf32>
    %get3A_1455 = arith.constant 3 : i32
    %get3A_1456 = arith.index_cast %get3A_1455 : i32 to index
    %get3A_1457 = arith.constant 400 : index
    %get3A_1458 = tpu.vector_load %arg13[%get3A_1456, %get3A_1457] {strides = array<i32>} : memref<5x512xf32, #tpu.memory_space<vmem>>, vector<16xf32>,
    %max3A_1459 = arith.maximumf %max3A_1454, %get3A_1458 : vector<16xf32>
    %get3A_1460 = arith.constant 3 : i32
    %get3A_1461 = arith.index_cast %get3A_1460 : i32 to index
    %get3A_1462 = arith.constant 416 : index
    %get3A_1463 = tpu.vector_load %arg13[%get3A_1461, %get3A_1462] {strides = array<i32>} : memref<5x512xf32, #tpu.memory_space<vmem>>, vector<16xf32>,
    %max3A_1464 = arith.maximumf %max3A_1459, %get3A_1463 : vector<16xf32>
    %get3A_1465 = arith.constant 3 : i32
    %get3A_1466 = arith.index_cast %get3A_1465 : i32 to index
    %get3A_1467 = arith.constant 432 : index
    %get3A_1468 = tpu.vector_load %arg13[%get3A_1466, %get3A_1467] {strides = array<i32>} : memref<5x512xf32, #tpu.memory_space<vmem>>, vector<16xf32>,
    %max3A_1469 = arith.maximumf %max3A_1464, %get3A_1468 : vector<16xf32>
    %get3A_1470 = arith.constant 3 : i32
    %get3A_1471 = arith.index_cast %get3A_1470 : i32 to index
    %get3A_1472 = arith.constant 448 : index
    %get3A_1473 = tpu.vector_load %arg13[%get3A_1471, %get3A_1472] {strides = array<i32>} : memref<5x512xf32, #tpu.memory_space<vmem>>, vector<16xf32>,
    %max3A_1474 = arith.maximumf %max3A_1469, %get3A_1473 : vector<16xf32>
    %get3A_1475 = arith.constant 3 : i32
    %get3A_1476 = arith.index_cast %get3A_1475 : i32 to index
    %get3A_1477 = arith.constant 464 : index
    %get3A_1478 = tpu.vector_load %arg13[%get3A_1476, %get3A_1477] {strides = array<i32>} : memref<5x512xf32, #tpu.memory_space<vmem>>, vector<16xf32>,
    %max3A_1479 = arith.maximumf %max3A_1474, %get3A_1478 : vector<16xf32>
    %get3A_1480 = arith.constant 3 : i32
    %get3A_1481 = arith.index_cast %get3A_1480 : i32 to index
    %get3A_1482 = arith.constant 480 : index
    %get3A_1483 = tpu.vector_load %arg13[%get3A_1481, %get3A_1482] {strides = array<i32>} : memref<5x512xf32, #tpu.memory_space<vmem>>, vector<16xf32>,
    %max3A_1484 = arith.maximumf %max3A_1479, %get3A_1483 : vector<16xf32>
    %get3A_1485 = arith.constant 3 : i32
    %get3A_1486 = arith.index_cast %get3A_1485 : i32 to index
    %get3A_1487 = arith.constant 496 : index
    %get3A_1488 = tpu.vector_load %arg13[%get3A_1486, %get3A_1487] {strides = array<i32>} : memref<5x512xf32, #tpu.memory_space<vmem>>, vector<16xf32>,
    %max3A_1489 = arith.maximumf %max3A_1484, %get3A_1488 : vector<16xf32>
    %reduce_max3A_1490 = arith.constant true
    %reduce_max3A_1491 = vector.broadcast %reduce_max3A_1490 : i1 to vector<16xi1>
    %reduce_max3A_1492 = tpu.scan <max>, %max3A_1489 masked %reduce_max3A_1491 : vector<16xf32>, vector<16xi1> -> vector<16xf32>
    %reduce_max3A_1493 = vector.extract %reduce_max3A_1492[15] : f32 from vector<16xf32>
    %broadcast_in_dim3A_1494 = arith.constant 0.000000e+00 : f32
    %broadcast_in_dim3A_1495 = vector.broadcast %broadcast_in_dim3A_1494 : f32 to vector<16xf32>
    %get3A_1496 = arith.constant 3 : i32
    %get3A_1497 = arith.index_cast %get3A_1496 : i32 to index
    %get3A_1498 = arith.constant 0 : index
    %get3A_1499 = tpu.vector_load %arg13[%get3A_1497, %get3A_1498] {strides = array<i32>} : memref<5x512xf32, #tpu.memory_space<vmem>>, vector<16xf32>,
    %sub3A_1500 = vector.broadcast %reduce_max3A_1493 : f32 to vector<16xf32>
    %sub3A_1501 = arith.subf %get3A_1499, %sub3A_1500 : vector<16xf32>
    %exp3A_1502 = math.exp %sub3A_1501 : vector<16xf32>
    %add3A_1503 = arith.addf %broadcast_in_dim3A_1495, %exp3A_1502 : vector<16xf32>
    %get3A_1504 = arith.constant 3 : i32
    %get3A_1505 = arith.index_cast %get3A_1504 : i32 to index
    %get3A_1506 = arith.constant 16 : index
    %get3A_1507 = tpu.vector_load %arg13[%get3A_1505, %get3A_1506] {strides = array<i32>} : memref<5x512xf32, #tpu.memory_space<vmem>>, vector<16xf32>,
    %sub3A_1508 = vector.broadcast %reduce_max3A_1493 : f32 to vector<16xf32>
    %sub3A_1509 = arith.subf %get3A_1507, %sub3A_1508 : vector<16xf32>
    %exp3A_1510 = math.exp %sub3A_1509 : vector<16xf32>
    %add3A_1511 = arith.addf %add3A_1503, %exp3A_1510 : vector<16xf32>
    %get3A_1512 = arith.constant 3 : i32
    %get3A_1513 = arith.index_cast %get3A_1512 : i32 to index
    %get3A_1514 = arith.constant 32 : index
    %get3A_1515 = tpu.vector_load %arg13[%get3A_1513, %get3A_1514] {strides = array<i32>} : memref<5x512xf32, #tpu.memory_space<vmem>>, vector<16xf32>,
    %sub3A_1516 = vector.broadcast %reduce_max3A_1493 : f32 to vector<16xf32>
    %sub3A_1517 = arith.subf %get3A_1515, %sub3A_1516 : vector<16xf32>
    %exp3A_1518 = math.exp %sub3A_1517 : vector<16xf32>
    %add3A_1519 = arith.addf %add3A_1511, %exp3A_1518 : vector<16xf32>
    %get3A_1520 = arith.constant 3 : i32
    %get3A_1521 = arith.index_cast %get3A_1520 : i32 to index
    %get3A_1522 = arith.constant 48 : index
    %get3A_1523 = tpu.vector_load %arg13[%get3A_1521, %get3A_1522] {strides = array<i32>} : memref<5x512xf32, #tpu.memory_space<vmem>>, vector<16xf32>,
    %sub3A_1524 = vector.broadcast %reduce_max3A_1493 : f32 to vector<16xf32>
    %sub3A_1525 = arith.subf %get3A_1523, %sub3A_1524 : vector<16xf32>
    %exp3A_1526 = math.exp %sub3A_1525 : vector<16xf32>
    %add3A_1527 = arith.addf %add3A_1519, %exp3A_1526 : vector<16xf32>
    %get3A_1528 = arith.constant 3 : i32
    %get3A_1529 = arith.index_cast %get3A_1528 : i32 to index
    %get3A_1530 = arith.constant 64 : index
    %get3A_1531 = tpu.vector_load %arg13[%get3A_1529, %get3A_1530] {strides = array<i32>} : memref<5x512xf32, #tpu.memory_space<vmem>>, vector<16xf32>,
    %sub3A_1532 = vector.broadcast %reduce_max3A_1493 : f32 to vector<16xf32>
    %sub3A_1533 = arith.subf %get3A_1531, %sub3A_1532 : vector<16xf32>
    %exp3A_1534 = math.exp %sub3A_1533 : vector<16xf32>
    %add3A_1535 = arith.addf %add3A_1527, %exp3A_1534 : vector<16xf32>
    %get3A_1536 = arith.constant 3 : i32
    %get3A_1537 = arith.index_cast %get3A_1536 : i32 to index
    %get3A_1538 = arith.constant 80 : index
    %get3A_1539 = tpu.vector_load %arg13[%get3A_1537, %get3A_1538] {strides = array<i32>} : memref<5x512xf32, #tpu.memory_space<vmem>>, vector<16xf32>,
    %sub3A_1540 = vector.broadcast %reduce_max3A_1493 : f32 to vector<16xf32>
    %sub3A_1541 = arith.subf %get3A_1539, %sub3A_1540 : vector<16xf32>
    %exp3A_1542 = math.exp %sub3A_1541 : vector<16xf32>
    %add3A_1543 = arith.addf %add3A_1535, %exp3A_1542 : vector<16xf32>
    %get3A_1544 = arith.constant 3 : i32
    %get3A_1545 = arith.index_cast %get3A_1544 : i32 to index
    %get3A_1546 = arith.constant 96 : index
    %get3A_1547 = tpu.vector_load %arg13[%get3A_1545, %get3A_1546] {strides = array<i32>} : memref<5x512xf32, #tpu.memory_space<vmem>>, vector<16xf32>,
    %sub3A_1548 = vector.broadcast %reduce_max3A_1493 : f32 to vector<16xf32>
    %sub3A_1549 = arith.subf %get3A_1547, %sub3A_1548 : vector<16xf32>
    %exp3A_1550 = math.exp %sub3A_1549 : vector<16xf32>
    %add3A_1551 = arith.addf %add3A_1543, %exp3A_1550 : vector<16xf32>
    %get3A_1552 = arith.constant 3 : i32
    %get3A_1553 = arith.index_cast %get3A_1552 : i32 to index
    %get3A_1554 = arith.constant 112 : index
    %get3A_1555 = tpu.vector_load %arg13[%get3A_1553, %get3A_1554] {strides = array<i32>} : memref<5x512xf32, #tpu.memory_space<vmem>>, vector<16xf32>,
    %sub3A_1556 = vector.broadcast %reduce_max3A_1493 : f32 to vector<16xf32>
    %sub3A_1557 = arith.subf %get3A_1555, %sub3A_1556 : vector<16xf32>
    %exp3A_1558 = math.exp %sub3A_1557 : vector<16xf32>
    %add3A_1559 = arith.addf %add3A_1551, %exp3A_1558 : vector<16xf32>
    %get3A_1560 = arith.constant 3 : i32
    %get3A_1561 = arith.index_cast %get3A_1560 : i32 to index
    %get3A_1562 = arith.constant 128 : index
    %get3A_1563 = tpu.vector_load %arg13[%get3A_1561, %get3A_1562] {strides = array<i32>} : memref<5x512xf32, #tpu.memory_space<vmem>>, vector<16xf32>,
    %sub3A_1564 = vector.broadcast %reduce_max3A_1493 : f32 to vector<16xf32>
    %sub3A_1565 = arith.subf %get3A_1563, %sub3A_1564 : vector<16xf32>
    %exp3A_1566 = math.exp %sub3A_1565 : vector<16xf32>
    %add3A_1567 = arith.addf %add3A_1559, %exp3A_1566 : vector<16xf32>
    %get3A_1568 = arith.constant 3 : i32
    %get3A_1569 = arith.index_cast %get3A_1568 : i32 to index
    %get3A_1570 = arith.constant 144 : index
    %get3A_1571 = tpu.vector_load %arg13[%get3A_1569, %get3A_1570] {strides = array<i32>} : memref<5x512xf32, #tpu.memory_space<vmem>>, vector<16xf32>,
    %sub3A_1572 = vector.broadcast %reduce_max3A_1493 : f32 to vector<16xf32>
    %sub3A_1573 = arith.subf %get3A_1571, %sub3A_1572 : vector<16xf32>
    %exp3A_1574 = math.exp %sub3A_1573 : vector<16xf32>
    %add3A_1575 = arith.addf %add3A_1567, %exp3A_1574 : vector<16xf32>
    %get3A_1576 = arith.constant 3 : i32
    %get3A_1577 = arith.index_cast %get3A_1576 : i32 to index
    %get3A_1578 = arith.constant 160 : index
    %get3A_1579 = tpu.vector_load %arg13[%get3A_1577, %get3A_1578] {strides = array<i32>} : memref<5x512xf32, #tpu.memory_space<vmem>>, vector<16xf32>,
    %sub3A_1580 = vector.broadcast %reduce_max3A_1493 : f32 to vector<16xf32>
    %sub3A_1581 = arith.subf %get3A_1579, %sub3A_1580 : vector<16xf32>
    %exp3A_1582 = math.exp %sub3A_1581 : vector<16xf32>
    %add3A_1583 = arith.addf %add3A_1575, %exp3A_1582 : vector<16xf32>
    %get3A_1584 = arith.constant 3 : i32
    %get3A_1585 = arith.index_cast %get3A_1584 : i32 to index
    %get3A_1586 = arith.constant 176 : index
    %get3A_1587 = tpu.vector_load %arg13[%get3A_1585, %get3A_1586] {strides = array<i32>} : memref<5x512xf32, #tpu.memory_space<vmem>>, vector<16xf32>,
    %sub3A_1588 = vector.broadcast %reduce_max3A_1493 : f32 to vector<16xf32>
    %sub3A_1589 = arith.subf %get3A_1587, %sub3A_1588 : vector<16xf32>
    %exp3A_1590 = math.exp %sub3A_1589 : vector<16xf32>
    %add3A_1591 = arith.addf %add3A_1583, %exp3A_1590 : vector<16xf32>
    %get3A_1592 = arith.constant 3 : i32
    %get3A_1593 = arith.index_cast %get3A_1592 : i32 to index
    %get3A_1594 = arith.constant 192 : index
    %get3A_1595 = tpu.vector_load %arg13[%get3A_1593, %get3A_1594] {strides = array<i32>} : memref<5x512xf32, #tpu.memory_space<vmem>>, vector<16xf32>,
    %sub3A_1596 = vector.broadcast %reduce_max3A_1493 : f32 to vector<16xf32>
    %sub3A_1597 = arith.subf %get3A_1595, %sub3A_1596 : vector<16xf32>
    %exp3A_1598 = math.exp %sub3A_1597 : vector<16xf32>
    %add3A_1599 = arith.addf %add3A_1591, %exp3A_1598 : vector<16xf32>
    %get3A_1600 = arith.constant 3 : i32
    %get3A_1601 = arith.index_cast %get3A_1600 : i32 to index
    %get3A_1602 = arith.constant 208 : index
    %get3A_1603 = tpu.vector_load %arg13[%get3A_1601, %get3A_1602] {strides = array<i32>} : memref<5x512xf32, #tpu.memory_space<vmem>>, vector<16xf32>,
    %sub3A_1604 = vector.broadcast %reduce_max3A_1493 : f32 to vector<16xf32>
    %sub3A_1605 = arith.subf %get3A_1603, %sub3A_1604 : vector<16xf32>
    %exp3A_1606 = math.exp %sub3A_1605 : vector<16xf32>
    %add3A_1607 = arith.addf %add3A_1599, %exp3A_1606 : vector<16xf32>
    %get3A_1608 = arith.constant 3 : i32
    %get3A_1609 = arith.index_cast %get3A_1608 : i32 to index
    %get3A_1610 = arith.constant 224 : index
    %get3A_1611 = tpu.vector_load %arg13[%get3A_1609, %get3A_1610] {strides = array<i32>} : memref<5x512xf32, #tpu.memory_space<vmem>>, vector<16xf32>,
    %sub3A_1612 = vector.broadcast %reduce_max3A_1493 : f32 to vector<16xf32>
    %sub3A_1613 = arith.subf %get3A_1611, %sub3A_1612 : vector<16xf32>
    %exp3A_1614 = math.exp %sub3A_1613 : vector<16xf32>
    %add3A_1615 = arith.addf %add3A_1607, %exp3A_1614 : vector<16xf32>
    %get3A_1616 = arith.constant 3 : i32
    %get3A_1617 = arith.index_cast %get3A_1616 : i32 to index
    %get3A_1618 = arith.constant 240 : index
    %get3A_1619 = tpu.vector_load %arg13[%get3A_1617, %get3A_1618] {strides = array<i32>} : memref<5x512xf32, #tpu.memory_space<vmem>>, vector<16xf32>,
    %sub3A_1620 = vector.broadcast %reduce_max3A_1493 : f32 to vector<16xf32>
    %sub3A_1621 = arith.subf %get3A_1619, %sub3A_1620 : vector<16xf32>
    %exp3A_1622 = math.exp %sub3A_1621 : vector<16xf32>
    %add3A_1623 = arith.addf %add3A_1615, %exp3A_1622 : vector<16xf32>
    %get3A_1624 = arith.constant 3 : i32
    %get3A_1625 = arith.index_cast %get3A_1624 : i32 to index
    %get3A_1626 = arith.constant 256 : index
    %get3A_1627 = tpu.vector_load %arg13[%get3A_1625, %get3A_1626] {strides = array<i32>} : memref<5x512xf32, #tpu.memory_space<vmem>>, vector<16xf32>,
    %sub3A_1628 = vector.broadcast %reduce_max3A_1493 : f32 to vector<16xf32>
    %sub3A_1629 = arith.subf %get3A_1627, %sub3A_1628 : vector<16xf32>
    %exp3A_1630 = math.exp %sub3A_1629 : vector<16xf32>
    %add3A_1631 = arith.addf %add3A_1623, %exp3A_1630 : vector<16xf32>
    %get3A_1632 = arith.constant 3 : i32
    %get3A_1633 = arith.index_cast %get3A_1632 : i32 to index
    %get3A_1634 = arith.constant 272 : index
    %get3A_1635 = tpu.vector_load %arg13[%get3A_1633, %get3A_1634] {strides = array<i32>} : memref<5x512xf32, #tpu.memory_space<vmem>>, vector<16xf32>,
    %sub3A_1636 = vector.broadcast %reduce_max3A_1493 : f32 to vector<16xf32>
    %sub3A_1637 = arith.subf %get3A_1635, %sub3A_1636 : vector<16xf32>
    %exp3A_1638 = math.exp %sub3A_1637 : vector<16xf32>
    %add3A_1639 = arith.addf %add3A_1631, %exp3A_1638 : vector<16xf32>
    %get3A_1640 = arith.constant 3 : i32
    %get3A_1641 = arith.index_cast %get3A_1640 : i32 to index
    %get3A_1642 = arith.constant 288 : index
    %get3A_1643 = tpu.vector_load %arg13[%get3A_1641, %get3A_1642] {strides = array<i32>} : memref<5x512xf32, #tpu.memory_space<vmem>>, vector<16xf32>,
    %sub3A_1644 = vector.broadcast %reduce_max3A_1493 : f32 to vector<16xf32>
    %sub3A_1645 = arith.subf %get3A_1643, %sub3A_1644 : vector<16xf32>
    %exp3A_1646 = math.exp %sub3A_1645 : vector<16xf32>
    %add3A_1647 = arith.addf %add3A_1639, %exp3A_1646 : vector<16xf32>
    %get3A_1648 = arith.constant 3 : i32
    %get3A_1649 = arith.index_cast %get3A_1648 : i32 to index
    %get3A_1650 = arith.constant 304 : index
    %get3A_1651 = tpu.vector_load %arg13[%get3A_1649, %get3A_1650] {strides = array<i32>} : memref<5x512xf32, #tpu.memory_space<vmem>>, vector<16xf32>,
    %sub3A_1652 = vector.broadcast %reduce_max3A_1493 : f32 to vector<16xf32>
    %sub3A_1653 = arith.subf %get3A_1651, %sub3A_1652 : vector<16xf32>
    %exp3A_1654 = math.exp %sub3A_1653 : vector<16xf32>
    %add3A_1655 = arith.addf %add3A_1647, %exp3A_1654 : vector<16xf32>
    %get3A_1656 = arith.constant 3 : i32
    %get3A_1657 = arith.index_cast %get3A_1656 : i32 to index
    %get3A_1658 = arith.constant 320 : index
    %get3A_1659 = tpu.vector_load %arg13[%get3A_1657, %get3A_1658] {strides = array<i32>} : memref<5x512xf32, #tpu.memory_space<vmem>>, vector<16xf32>,
    %sub3A_1660 = vector.broadcast %reduce_max3A_1493 : f32 to vector<16xf32>
    %sub3A_1661 = arith.subf %get3A_1659, %sub3A_1660 : vector<16xf32>
    %exp3A_1662 = math.exp %sub3A_1661 : vector<16xf32>
    %add3A_1663 = arith.addf %add3A_1655, %exp3A_1662 : vector<16xf32>
    %get3A_1664 = arith.constant 3 : i32
    %get3A_1665 = arith.index_cast %get3A_1664 : i32 to index
    %get3A_1666 = arith.constant 336 : index
    %get3A_1667 = tpu.vector_load %arg13[%get3A_1665, %get3A_1666] {strides = array<i32>} : memref<5x512xf32, #tpu.memory_space<vmem>>, vector<16xf32>,
    %sub3A_1668 = vector.broadcast %reduce_max3A_1493 : f32 to vector<16xf32>
    %sub3A_1669 = arith.subf %get3A_1667, %sub3A_1668 : vector<16xf32>
    %exp3A_1670 = math.exp %sub3A_1669 : vector<16xf32>
    %add3A_1671 = arith.addf %add3A_1663, %exp3A_1670 : vector<16xf32>
    %get3A_1672 = arith.constant 3 : i32
    %get3A_1673 = arith.index_cast %get3A_1672 : i32 to index
    %get3A_1674 = arith.constant 352 : index
    %get3A_1675 = tpu.vector_load %arg13[%get3A_1673, %get3A_1674] {strides = array<i32>} : memref<5x512xf32, #tpu.memory_space<vmem>>, vector<16xf32>,
    %sub3A_1676 = vector.broadcast %reduce_max3A_1493 : f32 to vector<16xf32>
    %sub3A_1677 = arith.subf %get3A_1675, %sub3A_1676 : vector<16xf32>
    %exp3A_1678 = math.exp %sub3A_1677 : vector<16xf32>
    %add3A_1679 = arith.addf %add3A_1671, %exp3A_1678 : vector<16xf32>
    %get3A_1680 = arith.constant 3 : i32
    %get3A_1681 = arith.index_cast %get3A_1680 : i32 to index
    %get3A_1682 = arith.constant 368 : index
    %get3A_1683 = tpu.vector_load %arg13[%get3A_1681, %get3A_1682] {strides = array<i32>} : memref<5x512xf32, #tpu.memory_space<vmem>>, vector<16xf32>,
    %sub3A_1684 = vector.broadcast %reduce_max3A_1493 : f32 to vector<16xf32>
    %sub3A_1685 = arith.subf %get3A_1683, %sub3A_1684 : vector<16xf32>
    %exp3A_1686 = math.exp %sub3A_1685 : vector<16xf32>
    %add3A_1687 = arith.addf %add3A_1679, %exp3A_1686 : vector<16xf32>
    %get3A_1688 = arith.constant 3 : i32
    %get3A_1689 = arith.index_cast %get3A_1688 : i32 to index
    %get3A_1690 = arith.constant 384 : index
    %get3A_1691 = tpu.vector_load %arg13[%get3A_1689, %get3A_1690] {strides = array<i32>} : memref<5x512xf32, #tpu.memory_space<vmem>>, vector<16xf32>,
    %sub3A_1692 = vector.broadcast %reduce_max3A_1493 : f32 to vector<16xf32>
    %sub3A_1693 = arith.subf %get3A_1691, %sub3A_1692 : vector<16xf32>
    %exp3A_1694 = math.exp %sub3A_1693 : vector<16xf32>
    %add3A_1695 = arith.addf %add3A_1687, %exp3A_1694 : vector<16xf32>
    %get3A_1696 = arith.constant 3 : i32
    %get3A_1697 = arith.index_cast %get3A_1696 : i32 to index
    %get3A_1698 = arith.constant 400 : index
    %get3A_1699 = tpu.vector_load %arg13[%get3A_1697, %get3A_1698] {strides = array<i32>} : memref<5x512xf32, #tpu.memory_space<vmem>>, vector<16xf32>,
    %sub3A_1700 = vector.broadcast %reduce_max3A_1493 : f32 to vector<16xf32>
    %sub3A_1701 = arith.subf %get3A_1699, %sub3A_1700 : vector<16xf32>
    %exp3A_1702 = math.exp %sub3A_1701 : vector<16xf32>
    %add3A_1703 = arith.addf %add3A_1695, %exp3A_1702 : vector<16xf32>
    %get3A_1704 = arith.constant 3 : i32
    %get3A_1705 = arith.index_cast %get3A_1704 : i32 to index
    %get3A_1706 = arith.constant 416 : index
    %get3A_1707 = tpu.vector_load %arg13[%get3A_1705, %get3A_1706] {strides = array<i32>} : memref<5x512xf32, #tpu.memory_space<vmem>>, vector<16xf32>,
    %sub3A_1708 = vector.broadcast %reduce_max3A_1493 : f32 to vector<16xf32>
    %sub3A_1709 = arith.subf %get3A_1707, %sub3A_1708 : vector<16xf32>
    %exp3A_1710 = math.exp %sub3A_1709 : vector<16xf32>
    %add3A_1711 = arith.addf %add3A_1703, %exp3A_1710 : vector<16xf32>
    %get3A_1712 = arith.constant 3 : i32
    %get3A_1713 = arith.index_cast %get3A_1712 : i32 to index
    %get3A_1714 = arith.constant 432 : index
    %get3A_1715 = tpu.vector_load %arg13[%get3A_1713, %get3A_1714] {strides = array<i32>} : memref<5x512xf32, #tpu.memory_space<vmem>>, vector<16xf32>,
    %sub3A_1716 = vector.broadcast %reduce_max3A_1493 : f32 to vector<16xf32>
    %sub3A_1717 = arith.subf %get3A_1715, %sub3A_1716 : vector<16xf32>
    %exp3A_1718 = math.exp %sub3A_1717 : vector<16xf32>
    %add3A_1719 = arith.addf %add3A_1711, %exp3A_1718 : vector<16xf32>
    %get3A_1720 = arith.constant 3 : i32
    %get3A_1721 = arith.index_cast %get3A_1720 : i32 to index
    %get3A_1722 = arith.constant 448 : index
    %get3A_1723 = tpu.vector_load %arg13[%get3A_1721, %get3A_1722] {strides = array<i32>} : memref<5x512xf32, #tpu.memory_space<vmem>>, vector<16xf32>,
    %sub3A_1724 = vector.broadcast %reduce_max3A_1493 : f32 to vector<16xf32>
    %sub3A_1725 = arith.subf %get3A_1723, %sub3A_1724 : vector<16xf32>
    %exp3A_1726 = math.exp %sub3A_1725 : vector<16xf32>
    %add3A_1727 = arith.addf %add3A_1719, %exp3A_1726 : vector<16xf32>
    %get3A_1728 = arith.constant 3 : i32
    %get3A_1729 = arith.index_cast %get3A_1728 : i32 to index
    %get3A_1730 = arith.constant 464 : index
    %get3A_1731 = tpu.vector_load %arg13[%get3A_1729, %get3A_1730] {strides = array<i32>} : memref<5x512xf32, #tpu.memory_space<vmem>>, vector<16xf32>,
    %sub3A_1732 = vector.broadcast %reduce_max3A_1493 : f32 to vector<16xf32>
    %sub3A_1733 = arith.subf %get3A_1731, %sub3A_1732 : vector<16xf32>
    %exp3A_1734 = math.exp %sub3A_1733 : vector<16xf32>
    %add3A_1735 = arith.addf %add3A_1727, %exp3A_1734 : vector<16xf32>
    %get3A_1736 = arith.constant 3 : i32
    %get3A_1737 = arith.index_cast %get3A_1736 : i32 to index
    %get3A_1738 = arith.constant 480 : index
    %get3A_1739 = tpu.vector_load %arg13[%get3A_1737, %get3A_1738] {strides = array<i32>} : memref<5x512xf32, #tpu.memory_space<vmem>>, vector<16xf32>,
    %sub3A_1740 = vector.broadcast %reduce_max3A_1493 : f32 to vector<16xf32>
    %sub3A_1741 = arith.subf %get3A_1739, %sub3A_1740 : vector<16xf32>
    %exp3A_1742 = math.exp %sub3A_1741 : vector<16xf32>
    %add3A_1743 = arith.addf %add3A_1735, %exp3A_1742 : vector<16xf32>
    %get3A_1744 = arith.constant 3 : i32
    %get3A_1745 = arith.index_cast %get3A_1744 : i32 to index
    %get3A_1746 = arith.constant 496 : index
    %get3A_1747 = tpu.vector_load %arg13[%get3A_1745, %get3A_1746] {strides = array<i32>} : memref<5x512xf32, #tpu.memory_space<vmem>>, vector<16xf32>,
    %sub3A_1748 = vector.broadcast %reduce_max3A_1493 : f32 to vector<16xf32>
    %sub3A_1749 = arith.subf %get3A_1747, %sub3A_1748 : vector<16xf32>
    %exp3A_1750 = math.exp %sub3A_1749 : vector<16xf32>
    %add3A_1751 = arith.addf %add3A_1743, %exp3A_1750 : vector<16xf32>
    %reduce_sum3A_1752 = arith.constant true
    %reduce_sum3A_1753 = vector.broadcast %reduce_sum3A_1752 : i1 to vector<16xi1>
    %reduce_sum3A_1754 = tpu.scan <sum>, %add3A_1751 masked %reduce_sum3A_1753 : vector<16xf32>, vector<16xi1> -> vector<16xf32>
    %reduce_sum3A_1755 = vector.extract %reduce_sum3A_1754[15] : f32 from vector<16xf32>
    %get3A_1756 = arith.constant 4 : i32
    %get3A_1757 = arith.index_cast %get3A_1756 : i32 to index
    %get3A_1758 = arith.constant 0 : index
    %get3A_1759 = tpu.vector_load %arg13[%get3A_1757, %get3A_1758] {strides = array<i32>} : memref<5x512xf32, #tpu.memory_space<vmem>>, vector<16xf32>,
    %get3A_1760 = arith.constant 4 : i32
    %get3A_1761 = arith.index_cast %get3A_1760 : i32 to index
    %get3A_1762 = arith.constant 16 : index
    %get3A_1763 = tpu.vector_load %arg13[%get3A_1761, %get3A_1762] {strides = array<i32>} : memref<5x512xf32, #tpu.memory_space<vmem>>, vector<16xf32>,
    %max3A_1764 = arith.maximumf %get3A_1759, %get3A_1763 : vector<16xf32>
    %get3A_1765 = arith.constant 4 : i32
    %get3A_1766 = arith.index_cast %get3A_1765 : i32 to index
    %get3A_1767 = arith.constant 32 : index
    %get3A_1768 = tpu.vector_load %arg13[%get3A_1766, %get3A_1767] {strides = array<i32>} : memref<5x512xf32, #tpu.memory_space<vmem>>, vector<16xf32>,
    %max3A_1769 = arith.maximumf %max3A_1764, %get3A_1768 : vector<16xf32>
    %get3A_1770 = arith.constant 4 : i32
    %get3A_1771 = arith.index_cast %get3A_1770 : i32 to index
    %get3A_1772 = arith.constant 48 : index
    %get3A_1773 = tpu.vector_load %arg13[%get3A_1771, %get3A_1772] {strides = array<i32>} : memref<5x512xf32, #tpu.memory_space<vmem>>, vector<16xf32>,
    %max3A_1774 = arith.maximumf %max3A_1769, %get3A_1773 : vector<16xf32>
    %get3A_1775 = arith.constant 4 : i32
    %get3A_1776 = arith.index_cast %get3A_1775 : i32 to index
    %get3A_1777 = arith.constant 64 : index
    %get3A_1778 = tpu.vector_load %arg13[%get3A_1776, %get3A_1777] {strides = array<i32>} : memref<5x512xf32, #tpu.memory_space<vmem>>, vector<16xf32>,
    %max3A_1779 = arith.maximumf %max3A_1774, %get3A_1778 : vector<16xf32>
    %get3A_1780 = arith.constant 4 : i32
    %get3A_1781 = arith.index_cast %get3A_1780 : i32 to index
    %get3A_1782 = arith.constant 80 : index
    %get3A_1783 = tpu.vector_load %arg13[%get3A_1781, %get3A_1782] {strides = array<i32>} : memref<5x512xf32, #tpu.memory_space<vmem>>, vector<16xf32>,
    %max3A_1784 = arith.maximumf %max3A_1779, %get3A_1783 : vector<16xf32>
    %get3A_1785 = arith.constant 4 : i32
    %get3A_1786 = arith.index_cast %get3A_1785 : i32 to index
    %get3A_1787 = arith.constant 96 : index
    %get3A_1788 = tpu.vector_load %arg13[%get3A_1786, %get3A_1787] {strides = array<i32>} : memref<5x512xf32, #tpu.memory_space<vmem>>, vector<16xf32>,
    %max3A_1789 = arith.maximumf %max3A_1784, %get3A_1788 : vector<16xf32>
    %get3A_1790 = arith.constant 4 : i32
    %get3A_1791 = arith.index_cast %get3A_1790 : i32 to index
    %get3A_1792 = arith.constant 112 : index
    %get3A_1793 = tpu.vector_load %arg13[%get3A_1791, %get3A_1792] {strides = array<i32>} : memref<5x512xf32, #tpu.memory_space<vmem>>, vector<16xf32>,
    %max3A_1794 = arith.maximumf %max3A_1789, %get3A_1793 : vector<16xf32>
    %get3A_1795 = arith.constant 4 : i32
    %get3A_1796 = arith.index_cast %get3A_1795 : i32 to index
    %get3A_1797 = arith.constant 128 : index
    %get3A_1798 = tpu.vector_load %arg13[%get3A_1796, %get3A_1797] {strides = array<i32>} : memref<5x512xf32, #tpu.memory_space<vmem>>, vector<16xf32>,
    %max3A_1799 = arith.maximumf %max3A_1794, %get3A_1798 : vector<16xf32>
    %get3A_1800 = arith.constant 4 : i32
    %get3A_1801 = arith.index_cast %get3A_1800 : i32 to index
    %get3A_1802 = arith.constant 144 : index
    %get3A_1803 = tpu.vector_load %arg13[%get3A_1801, %get3A_1802] {strides = array<i32>} : memref<5x512xf32, #tpu.memory_space<vmem>>, vector<16xf32>,
    %max3A_1804 = arith.maximumf %max3A_1799, %get3A_1803 : vector<16xf32>
    %get3A_1805 = arith.constant 4 : i32
    %get3A_1806 = arith.index_cast %get3A_1805 : i32 to index
    %get3A_1807 = arith.constant 160 : index
    %get3A_1808 = tpu.vector_load %arg13[%get3A_1806, %get3A_1807] {strides = array<i32>} : memref<5x512xf32, #tpu.memory_space<vmem>>, vector<16xf32>,
    %max3A_1809 = arith.maximumf %max3A_1804, %get3A_1808 : vector<16xf32>
    %get3A_1810 = arith.constant 4 : i32
    %get3A_1811 = arith.index_cast %get3A_1810 : i32 to index
    %get3A_1812 = arith.constant 176 : index
    %get3A_1813 = tpu.vector_load %arg13[%get3A_1811, %get3A_1812] {strides = array<i32>} : memref<5x512xf32, #tpu.memory_space<vmem>>, vector<16xf32>,
    %max3A_1814 = arith.maximumf %max3A_1809, %get3A_1813 : vector<16xf32>
    %get3A_1815 = arith.constant 4 : i32
    %get3A_1816 = arith.index_cast %get3A_1815 : i32 to index
    %get3A_1817 = arith.constant 192 : index
    %get3A_1818 = tpu.vector_load %arg13[%get3A_1816, %get3A_1817] {strides = array<i32>} : memref<5x512xf32, #tpu.memory_space<vmem>>, vector<16xf32>,
    %max3A_1819 = arith.maximumf %max3A_1814, %get3A_1818 : vector<16xf32>
    %get3A_1820 = arith.constant 4 : i32
    %get3A_1821 = arith.index_cast %get3A_1820 : i32 to index
    %get3A_1822 = arith.constant 208 : index
    %get3A_1823 = tpu.vector_load %arg13[%get3A_1821, %get3A_1822] {strides = array<i32>} : memref<5x512xf32, #tpu.memory_space<vmem>>, vector<16xf32>,
    %max3A_1824 = arith.maximumf %max3A_1819, %get3A_1823 : vector<16xf32>
    %get3A_1825 = arith.constant 4 : i32
    %get3A_1826 = arith.index_cast %get3A_1825 : i32 to index
    %get3A_1827 = arith.constant 224 : index
    %get3A_1828 = tpu.vector_load %arg13[%get3A_1826, %get3A_1827] {strides = array<i32>} : memref<5x512xf32, #tpu.memory_space<vmem>>, vector<16xf32>,
    %max3A_1829 = arith.maximumf %max3A_1824, %get3A_1828 : vector<16xf32>
    %get3A_1830 = arith.constant 4 : i32
    %get3A_1831 = arith.index_cast %get3A_1830 : i32 to index
    %get3A_1832 = arith.constant 240 : index
    %get3A_1833 = tpu.vector_load %arg13[%get3A_1831, %get3A_1832] {strides = array<i32>} : memref<5x512xf32, #tpu.memory_space<vmem>>, vector<16xf32>,
    %max3A_1834 = arith.maximumf %max3A_1829, %get3A_1833 : vector<16xf32>
    %get3A_1835 = arith.constant 4 : i32
    %get3A_1836 = arith.index_cast %get3A_1835 : i32 to index
    %get3A_1837 = arith.constant 256 : index
    %get3A_1838 = tpu.vector_load %arg13[%get3A_1836, %get3A_1837] {strides = array<i32>} : memref<5x512xf32, #tpu.memory_space<vmem>>, vector<16xf32>,
    %max3A_1839 = arith.maximumf %max3A_1834, %get3A_1838 : vector<16xf32>
    %get3A_1840 = arith.constant 4 : i32
    %get3A_1841 = arith.index_cast %get3A_1840 : i32 to index
    %get3A_1842 = arith.constant 272 : index
    %get3A_1843 = tpu.vector_load %arg13[%get3A_1841, %get3A_1842] {strides = array<i32>} : memref<5x512xf32, #tpu.memory_space<vmem>>, vector<16xf32>,
    %max3A_1844 = arith.maximumf %max3A_1839, %get3A_1843 : vector<16xf32>
    %get3A_1845 = arith.constant 4 : i32
    %get3A_1846 = arith.index_cast %get3A_1845 : i32 to index
    %get3A_1847 = arith.constant 288 : index
    %get3A_1848 = tpu.vector_load %arg13[%get3A_1846, %get3A_1847] {strides = array<i32>} : memref<5x512xf32, #tpu.memory_space<vmem>>, vector<16xf32>,
    %max3A_1849 = arith.maximumf %max3A_1844, %get3A_1848 : vector<16xf32>
    %get3A_1850 = arith.constant 4 : i32
    %get3A_1851 = arith.index_cast %get3A_1850 : i32 to index
    %get3A_1852 = arith.constant 304 : index
    %get3A_1853 = tpu.vector_load %arg13[%get3A_1851, %get3A_1852] {strides = array<i32>} : memref<5x512xf32, #tpu.memory_space<vmem>>, vector<16xf32>,
    %max3A_1854 = arith.maximumf %max3A_1849, %get3A_1853 : vector<16xf32>
    %get3A_1855 = arith.constant 4 : i32
    %get3A_1856 = arith.index_cast %get3A_1855 : i32 to index
    %get3A_1857 = arith.constant 320 : index
    %get3A_1858 = tpu.vector_load %arg13[%get3A_1856, %get3A_1857] {strides = array<i32>} : memref<5x512xf32, #tpu.memory_space<vmem>>, vector<16xf32>,
    %max3A_1859 = arith.maximumf %max3A_1854, %get3A_1858 : vector<16xf32>
    %get3A_1860 = arith.constant 4 : i32
    %get3A_1861 = arith.index_cast %get3A_1860 : i32 to index
    %get3A_1862 = arith.constant 336 : index
    %get3A_1863 = tpu.vector_load %arg13[%get3A_1861, %get3A_1862] {strides = array<i32>} : memref<5x512xf32, #tpu.memory_space<vmem>>, vector<16xf32>,
    %max3A_1864 = arith.maximumf %max3A_1859, %get3A_1863 : vector<16xf32>
    %get3A_1865 = arith.constant 4 : i32
    %get3A_1866 = arith.index_cast %get3A_1865 : i32 to index
    %get3A_1867 = arith.constant 352 : index
    %get3A_1868 = tpu.vector_load %arg13[%get3A_1866, %get3A_1867] {strides = array<i32>} : memref<5x512xf32, #tpu.memory_space<vmem>>, vector<16xf32>,
    %max3A_1869 = arith.maximumf %max3A_1864, %get3A_1868 : vector<16xf32>
    %get3A_1870 = arith.constant 4 : i32
    %get3A_1871 = arith.index_cast %get3A_1870 : i32 to index
    %get3A_1872 = arith.constant 368 : index
    %get3A_1873 = tpu.vector_load %arg13[%get3A_1871, %get3A_1872] {strides = array<i32>} : memref<5x512xf32, #tpu.memory_space<vmem>>, vector<16xf32>,
    %max3A_1874 = arith.maximumf %max3A_1869, %get3A_1873 : vector<16xf32>
    %get3A_1875 = arith.constant 4 : i32
    %get3A_1876 = arith.index_cast %get3A_1875 : i32 to index
    %get3A_1877 = arith.constant 384 : index
    %get3A_1878 = tpu.vector_load %arg13[%get3A_1876, %get3A_1877] {strides = array<i32>} : memref<5x512xf32, #tpu.memory_space<vmem>>, vector<16xf32>,
    %max3A_1879 = arith.maximumf %max3A_1874, %get3A_1878 : vector<16xf32>
    %get3A_1880 = arith.constant 4 : i32
    %get3A_1881 = arith.index_cast %get3A_1880 : i32 to index
    %get3A_1882 = arith.constant 400 : index
    %get3A_1883 = tpu.vector_load %arg13[%get3A_1881, %get3A_1882] {strides = array<i32>} : memref<5x512xf32, #tpu.memory_space<vmem>>, vector<16xf32>,
    %max3A_1884 = arith.maximumf %max3A_1879, %get3A_1883 : vector<16xf32>
    %get3A_1885 = arith.constant 4 : i32
    %get3A_1886 = arith.index_cast %get3A_1885 : i32 to index
    %get3A_1887 = arith.constant 416 : index
    %get3A_1888 = tpu.vector_load %arg13[%get3A_1886, %get3A_1887] {strides = array<i32>} : memref<5x512xf32, #tpu.memory_space<vmem>>, vector<16xf32>,
    %max3A_1889 = arith.maximumf %max3A_1884, %get3A_1888 : vector<16xf32>
    %get3A_1890 = arith.constant 4 : i32
    %get3A_1891 = arith.index_cast %get3A_1890 : i32 to index
    %get3A_1892 = arith.constant 432 : index
    %get3A_1893 = tpu.vector_load %arg13[%get3A_1891, %get3A_1892] {strides = array<i32>} : memref<5x512xf32, #tpu.memory_space<vmem>>, vector<16xf32>,
    %max3A_1894 = arith.maximumf %max3A_1889, %get3A_1893 : vector<16xf32>
    %get3A_1895 = arith.constant 4 : i32
    %get3A_1896 = arith.index_cast %get3A_1895 : i32 to index
    %get3A_1897 = arith.constant 448 : index
    %get3A_1898 = tpu.vector_load %arg13[%get3A_1896, %get3A_1897] {strides = array<i32>} : memref<5x512xf32, #tpu.memory_space<vmem>>, vector<16xf32>,
    %max3A_1899 = arith.maximumf %max3A_1894, %get3A_1898 : vector<16xf32>
    %get3A_1900 = arith.constant 4 : i32
    %get3A_1901 = arith.index_cast %get3A_1900 : i32 to index
    %get3A_1902 = arith.constant 464 : index
    %get3A_1903 = tpu.vector_load %arg13[%get3A_1901, %get3A_1902] {strides = array<i32>} : memref<5x512xf32, #tpu.memory_space<vmem>>, vector<16xf32>,
    %max3A_1904 = arith.maximumf %max3A_1899, %get3A_1903 : vector<16xf32>
    %get3A_1905 = arith.constant 4 : i32
    %get3A_1906 = arith.index_cast %get3A_1905 : i32 to index
    %get3A_1907 = arith.constant 480 : index
    %get3A_1908 = tpu.vector_load %arg13[%get3A_1906, %get3A_1907] {strides = array<i32>} : memref<5x512xf32, #tpu.memory_space<vmem>>, vector<16xf32>,
    %max3A_1909 = arith.maximumf %max3A_1904, %get3A_1908 : vector<16xf32>
    %get3A_1910 = arith.constant 4 : i32
    %get3A_1911 = arith.index_cast %get3A_1910 : i32 to index
    %get3A_1912 = arith.constant 496 : index
    %get3A_1913 = tpu.vector_load %arg13[%get3A_1911, %get3A_1912] {strides = array<i32>} : memref<5x512xf32, #tpu.memory_space<vmem>>, vector<16xf32>,
    %max3A_1914 = arith.maximumf %max3A_1909, %get3A_1913 : vector<16xf32>
    %reduce_max3A_1915 = arith.constant true
    %reduce_max3A_1916 = vector.broadcast %reduce_max3A_1915 : i1 to vector<16xi1>
    %reduce_max3A_1917 = tpu.scan <max>, %max3A_1914 masked %reduce_max3A_1916 : vector<16xf32>, vector<16xi1> -> vector<16xf32>
    %reduce_max3A_1918 = vector.extract %reduce_max3A_1917[15] : f32 from vector<16xf32>
    %broadcast_in_dim3A_1919 = arith.constant 0.000000e+00 : f32
    %broadcast_in_dim3A_1920 = vector.broadcast %broadcast_in_dim3A_1919 : f32 to vector<16xf32>
    %get3A_1921 = arith.constant 4 : i32
    %get3A_1922 = arith.index_cast %get3A_1921 : i32 to index
    %get3A_1923 = arith.constant 0 : index
    %get3A_1924 = tpu.vector_load %arg13[%get3A_1922, %get3A_1923] {strides = array<i32>} : memref<5x512xf32, #tpu.memory_space<vmem>>, vector<16xf32>,
    %sub3A_1925 = vector.broadcast %reduce_max3A_1918 : f32 to vector<16xf32>
    %sub3A_1926 = arith.subf %get3A_1924, %sub3A_1925 : vector<16xf32>
    %exp3A_1927 = math.exp %sub3A_1926 : vector<16xf32>
    %add3A_1928 = arith.addf %broadcast_in_dim3A_1920, %exp3A_1927 : vector<16xf32>
    %get3A_1929 = arith.constant 4 : i32
    %get3A_1930 = arith.index_cast %get3A_1929 : i32 to index
    %get3A_1931 = arith.constant 16 : index
    %get3A_1932 = tpu.vector_load %arg13[%get3A_1930, %get3A_1931] {strides = array<i32>} : memref<5x512xf32, #tpu.memory_space<vmem>>, vector<16xf32>,
    %sub3A_1933 = vector.broadcast %reduce_max3A_1918 : f32 to vector<16xf32>
    %sub3A_1934 = arith.subf %get3A_1932, %sub3A_1933 : vector<16xf32>
    %exp3A_1935 = math.exp %sub3A_1934 : vector<16xf32>
    %add3A_1936 = arith.addf %add3A_1928, %exp3A_1935 : vector<16xf32>
    %get3A_1937 = arith.constant 4 : i32
    %get3A_1938 = arith.index_cast %get3A_1937 : i32 to index
    %get3A_1939 = arith.constant 32 : index
    %get3A_1940 = tpu.vector_load %arg13[%get3A_1938, %get3A_1939] {strides = array<i32>} : memref<5x512xf32, #tpu.memory_space<vmem>>, vector<16xf32>,
    %sub3A_1941 = vector.broadcast %reduce_max3A_1918 : f32 to vector<16xf32>
    %sub3A_1942 = arith.subf %get3A_1940, %sub3A_1941 : vector<16xf32>
    %exp3A_1943 = math.exp %sub3A_1942 : vector<16xf32>
    %add3A_1944 = arith.addf %add3A_1936, %exp3A_1943 : vector<16xf32>
    %get3A_1945 = arith.constant 4 : i32
    %get3A_1946 = arith.index_cast %get3A_1945 : i32 to index
    %get3A_1947 = arith.constant 48 : index
    %get3A_1948 = tpu.vector_load %arg13[%get3A_1946, %get3A_1947] {strides = array<i32>} : memref<5x512xf32, #tpu.memory_space<vmem>>, vector<16xf32>,
    %sub3A_1949 = vector.broadcast %reduce_max3A_1918 : f32 to vector<16xf32>
    %sub3A_1950 = arith.subf %get3A_1948, %sub3A_1949 : vector<16xf32>
    %exp3A_1951 = math.exp %sub3A_1950 : vector<16xf32>
    %add3A_1952 = arith.addf %add3A_1944, %exp3A_1951 : vector<16xf32>
    %get3A_1953 = arith.constant 4 : i32
    %get3A_1954 = arith.index_cast %get3A_1953 : i32 to index
    %get3A_1955 = arith.constant 64 : index
    %get3A_1956 = tpu.vector_load %arg13[%get3A_1954, %get3A_1955] {strides = array<i32>} : memref<5x512xf32, #tpu.memory_space<vmem>>, vector<16xf32>,
    %sub3A_1957 = vector.broadcast %reduce_max3A_1918 : f32 to vector<16xf32>
    %sub3A_1958 = arith.subf %get3A_1956, %sub3A_1957 : vector<16xf32>
    %exp3A_1959 = math.exp %sub3A_1958 : vector<16xf32>
    %add3A_1960 = arith.addf %add3A_1952, %exp3A_1959 : vector<16xf32>
    %get3A_1961 = arith.constant 4 : i32
    %get3A_1962 = arith.index_cast %get3A_1961 : i32 to index
    %get3A_1963 = arith.constant 80 : index
    %get3A_1964 = tpu.vector_load %arg13[%get3A_1962, %get3A_1963] {strides = array<i32>} : memref<5x512xf32, #tpu.memory_space<vmem>>, vector<16xf32>,
    %sub3A_1965 = vector.broadcast %reduce_max3A_1918 : f32 to vector<16xf32>
    %sub3A_1966 = arith.subf %get3A_1964, %sub3A_1965 : vector<16xf32>
    %exp3A_1967 = math.exp %sub3A_1966 : vector<16xf32>
    %add3A_1968 = arith.addf %add3A_1960, %exp3A_1967 : vector<16xf32>
    %get3A_1969 = arith.constant 4 : i32
    %get3A_1970 = arith.index_cast %get3A_1969 : i32 to index
    %get3A_1971 = arith.constant 96 : index
    %get3A_1972 = tpu.vector_load %arg13[%get3A_1970, %get3A_1971] {strides = array<i32>} : memref<5x512xf32, #tpu.memory_space<vmem>>, vector<16xf32>,
    %sub3A_1973 = vector.broadcast %reduce_max3A_1918 : f32 to vector<16xf32>
    %sub3A_1974 = arith.subf %get3A_1972, %sub3A_1973 : vector<16xf32>
    %exp3A_1975 = math.exp %sub3A_1974 : vector<16xf32>
    %add3A_1976 = arith.addf %add3A_1968, %exp3A_1975 : vector<16xf32>
    %get3A_1977 = arith.constant 4 : i32
    %get3A_1978 = arith.index_cast %get3A_1977 : i32 to index
    %get3A_1979 = arith.constant 112 : index
    %get3A_1980 = tpu.vector_load %arg13[%get3A_1978, %get3A_1979] {strides = array<i32>} : memref<5x512xf32, #tpu.memory_space<vmem>>, vector<16xf32>,
    %sub3A_1981 = vector.broadcast %reduce_max3A_1918 : f32 to vector<16xf32>
    %sub3A_1982 = arith.subf %get3A_1980, %sub3A_1981 : vector<16xf32>
    %exp3A_1983 = math.exp %sub3A_1982 : vector<16xf32>
    %add3A_1984 = arith.addf %add3A_1976, %exp3A_1983 : vector<16xf32>
    %get3A_1985 = arith.constant 4 : i32
    %get3A_1986 = arith.index_cast %get3A_1985 : i32 to index
    %get3A_1987 = arith.constant 128 : index
    %get3A_1988 = tpu.vector_load %arg13[%get3A_1986, %get3A_1987] {strides = array<i32>} : memref<5x512xf32, #tpu.memory_space<vmem>>, vector<16xf32>,
    %sub3A_1989 = vector.broadcast %reduce_max3A_1918 : f32 to vector<16xf32>
    %sub3A_1990 = arith.subf %get3A_1988, %sub3A_1989 : vector<16xf32>
    %exp3A_1991 = math.exp %sub3A_1990 : vector<16xf32>
    %add3A_1992 = arith.addf %add3A_1984, %exp3A_1991 : vector<16xf32>
    %get3A_1993 = arith.constant 4 : i32
    %get3A_1994 = arith.index_cast %get3A_1993 : i32 to index
    %get3A_1995 = arith.constant 144 : index
    %get3A_1996 = tpu.vector_load %arg13[%get3A_1994, %get3A_1995] {strides = array<i32>} : memref<5x512xf32, #tpu.memory_space<vmem>>, vector<16xf32>,
    %sub3A_1997 = vector.broadcast %reduce_max3A_1918 : f32 to vector<16xf32>
    %sub3A_1998 = arith.subf %get3A_1996, %sub3A_1997 : vector<16xf32>
    %exp3A_1999 = math.exp %sub3A_1998 : vector<16xf32>
    %add3A_2000 = arith.addf %add3A_1992, %exp3A_1999 : vector<16xf32>
    %get3A_2001 = arith.constant 4 : i32
    %get3A_2002 = arith.index_cast %get3A_2001 : i32 to index
    %get3A_2003 = arith.constant 160 : index
    %get3A_2004 = tpu.vector_load %arg13[%get3A_2002, %get3A_2003] {strides = array<i32>} : memref<5x512xf32, #tpu.memory_space<vmem>>, vector<16xf32>,
    %sub3A_2005 = vector.broadcast %reduce_max3A_1918 : f32 to vector<16xf32>
    %sub3A_2006 = arith.subf %get3A_2004, %sub3A_2005 : vector<16xf32>
    %exp3A_2007 = math.exp %sub3A_2006 : vector<16xf32>
    %add3A_2008 = arith.addf %add3A_2000, %exp3A_2007 : vector<16xf32>
    %get3A_2009 = arith.constant 4 : i32
    %get3A_2010 = arith.index_cast %get3A_2009 : i32 to index
    %get3A_2011 = arith.constant 176 : index
    %get3A_2012 = tpu.vector_load %arg13[%get3A_2010, %get3A_2011] {strides = array<i32>} : memref<5x512xf32, #tpu.memory_space<vmem>>, vector<16xf32>,
    %sub3A_2013 = vector.broadcast %reduce_max3A_1918 : f32 to vector<16xf32>
    %sub3A_2014 = arith.subf %get3A_2012, %sub3A_2013 : vector<16xf32>
    %exp3A_2015 = math.exp %sub3A_2014 : vector<16xf32>
    %add3A_2016 = arith.addf %add3A_2008, %exp3A_2015 : vector<16xf32>
    %get3A_2017 = arith.constant 4 : i32
    %get3A_2018 = arith.index_cast %get3A_2017 : i32 to index
    %get3A_2019 = arith.constant 192 : index
    %get3A_2020 = tpu.vector_load %arg13[%get3A_2018, %get3A_2019] {strides = array<i32>} : memref<5x512xf32, #tpu.memory_space<vmem>>, vector<16xf32>,
    %sub3A_2021 = vector.broadcast %reduce_max3A_1918 : f32 to vector<16xf32>
    %sub3A_2022 = arith.subf %get3A_2020, %sub3A_2021 : vector<16xf32>
    %exp3A_2023 = math.exp %sub3A_2022 : vector<16xf32>
    %add3A_2024 = arith.addf %add3A_2016, %exp3A_2023 : vector<16xf32>
    %get3A_2025 = arith.constant 4 : i32
    %get3A_2026 = arith.index_cast %get3A_2025 : i32 to index
    %get3A_2027 = arith.constant 208 : index
    %get3A_2028 = tpu.vector_load %arg13[%get3A_2026, %get3A_2027] {strides = array<i32>} : memref<5x512xf32, #tpu.memory_space<vmem>>, vector<16xf32>,
    %sub3A_2029 = vector.broadcast %reduce_max3A_1918 : f32 to vector<16xf32>
    %sub3A_2030 = arith.subf %get3A_2028, %sub3A_2029 : vector<16xf32>
    %exp3A_2031 = math.exp %sub3A_2030 : vector<16xf32>
    %add3A_2032 = arith.addf %add3A_2024, %exp3A_2031 : vector<16xf32>
    %get3A_2033 = arith.constant 4 : i32
    %get3A_2034 = arith.index_cast %get3A_2033 : i32 to index
    %get3A_2035 = arith.constant 224 : index
    %get3A_2036 = tpu.vector_load %arg13[%get3A_2034, %get3A_2035] {strides = array<i32>} : memref<5x512xf32, #tpu.memory_space<vmem>>, vector<16xf32>,
    %sub3A_2037 = vector.broadcast %reduce_max3A_1918 : f32 to vector<16xf32>
    %sub3A_2038 = arith.subf %get3A_2036, %sub3A_2037 : vector<16xf32>
    %exp3A_2039 = math.exp %sub3A_2038 : vector<16xf32>
    %add3A_2040 = arith.addf %add3A_2032, %exp3A_2039 : vector<16xf32>
    %get3A_2041 = arith.constant 4 : i32
    %get3A_2042 = arith.index_cast %get3A_2041 : i32 to index
    %get3A_2043 = arith.constant 240 : index
    %get3A_2044 = tpu.vector_load %arg13[%get3A_2042, %get3A_2043] {strides = array<i32>} : memref<5x512xf32, #tpu.memory_space<vmem>>, vector<16xf32>,
    %sub3A_2045 = vector.broadcast %reduce_max3A_1918 : f32 to vector<16xf32>
    %sub3A_2046 = arith.subf %get3A_2044, %sub3A_2045 : vector<16xf32>
    %exp3A_2047 = math.exp %sub3A_2046 : vector<16xf32>
    %add3A_2048 = arith.addf %add3A_2040, %exp3A_2047 : vector<16xf32>
    %get3A_2049 = arith.constant 4 : i32
    %get3A_2050 = arith.index_cast %get3A_2049 : i32 to index
    %get3A_2051 = arith.constant 256 : index
    %get3A_2052 = tpu.vector_load %arg13[%get3A_2050, %get3A_2051] {strides = array<i32>} : memref<5x512xf32, #tpu.memory_space<vmem>>, vector<16xf32>,
    %sub3A_2053 = vector.broadcast %reduce_max3A_1918 : f32 to vector<16xf32>
    %sub3A_2054 = arith.subf %get3A_2052, %sub3A_2053 : vector<16xf32>
    %exp3A_2055 = math.exp %sub3A_2054 : vector<16xf32>
    %add3A_2056 = arith.addf %add3A_2048, %exp3A_2055 : vector<16xf32>
    %get3A_2057 = arith.constant 4 : i32
    %get3A_2058 = arith.index_cast %get3A_2057 : i32 to index
    %get3A_2059 = arith.constant 272 : index
    %get3A_2060 = tpu.vector_load %arg13[%get3A_2058, %get3A_2059] {strides = array<i32>} : memref<5x512xf32, #tpu.memory_space<vmem>>, vector<16xf32>,
    %sub3A_2061 = vector.broadcast %reduce_max3A_1918 : f32 to vector<16xf32>
    %sub3A_2062 = arith.subf %get3A_2060, %sub3A_2061 : vector<16xf32>
    %exp3A_2063 = math.exp %sub3A_2062 : vector<16xf32>
    %add3A_2064 = arith.addf %add3A_2056, %exp3A_2063 : vector<16xf32>
    %get3A_2065 = arith.constant 4 : i32
    %get3A_2066 = arith.index_cast %get3A_2065 : i32 to index
    %get3A_2067 = arith.constant 288 : index
    %get3A_2068 = tpu.vector_load %arg13[%get3A_2066, %get3A_2067] {strides = array<i32>} : memref<5x512xf32, #tpu.memory_space<vmem>>, vector<16xf32>,
    %sub3A_2069 = vector.broadcast %reduce_max3A_1918 : f32 to vector<16xf32>
    %sub3A_2070 = arith.subf %get3A_2068, %sub3A_2069 : vector<16xf32>
    %exp3A_2071 = math.exp %sub3A_2070 : vector<16xf32>
    %add3A_2072 = arith.addf %add3A_2064, %exp3A_2071 : vector<16xf32>
    %get3A_2073 = arith.constant 4 : i32
    %get3A_2074 = arith.index_cast %get3A_2073 : i32 to index
    %get3A_2075 = arith.constant 304 : index
    %get3A_2076 = tpu.vector_load %arg13[%get3A_2074, %get3A_2075] {strides = array<i32>} : memref<5x512xf32, #tpu.memory_space<vmem>>, vector<16xf32>,
    %sub3A_2077 = vector.broadcast %reduce_max3A_1918 : f32 to vector<16xf32>
    %sub3A_2078 = arith.subf %get3A_2076, %sub3A_2077 : vector<16xf32>
    %exp3A_2079 = math.exp %sub3A_2078 : vector<16xf32>
    %add3A_2080 = arith.addf %add3A_2072, %exp3A_2079 : vector<16xf32>
    %get3A_2081 = arith.constant 4 : i32
    %get3A_2082 = arith.index_cast %get3A_2081 : i32 to index
    %get3A_2083 = arith.constant 320 : index
    %get3A_2084 = tpu.vector_load %arg13[%get3A_2082, %get3A_2083] {strides = array<i32>} : memref<5x512xf32, #tpu.memory_space<vmem>>, vector<16xf32>,
    %sub3A_2085 = vector.broadcast %reduce_max3A_1918 : f32 to vector<16xf32>
    %sub3A_2086 = arith.subf %get3A_2084, %sub3A_2085 : vector<16xf32>
    %exp3A_2087 = math.exp %sub3A_2086 : vector<16xf32>
    %add3A_2088 = arith.addf %add3A_2080, %exp3A_2087 : vector<16xf32>
    %get3A_2089 = arith.constant 4 : i32
    %get3A_2090 = arith.index_cast %get3A_2089 : i32 to index
    %get3A_2091 = arith.constant 336 : index
    %get3A_2092 = tpu.vector_load %arg13[%get3A_2090, %get3A_2091] {strides = array<i32>} : memref<5x512xf32, #tpu.memory_space<vmem>>, vector<16xf32>,
    %sub3A_2093 = vector.broadcast %reduce_max3A_1918 : f32 to vector<16xf32>
    %sub3A_2094 = arith.subf %get3A_2092, %sub3A_2093 : vector<16xf32>
    %exp3A_2095 = math.exp %sub3A_2094 : vector<16xf32>
    %add3A_2096 = arith.addf %add3A_2088, %exp3A_2095 : vector<16xf32>
    %get3A_2097 = arith.constant 4 : i32
    %get3A_2098 = arith.index_cast %get3A_2097 : i32 to index
    %get3A_2099 = arith.constant 352 : index
    %get3A_2100 = tpu.vector_load %arg13[%get3A_2098, %get3A_2099] {strides = array<i32>} : memref<5x512xf32, #tpu.memory_space<vmem>>, vector<16xf32>,
    %sub3A_2101 = vector.broadcast %reduce_max3A_1918 : f32 to vector<16xf32>
    %sub3A_2102 = arith.subf %get3A_2100, %sub3A_2101 : vector<16xf32>
    %exp3A_2103 = math.exp %sub3A_2102 : vector<16xf32>
    %add3A_2104 = arith.addf %add3A_2096, %exp3A_2103 : vector<16xf32>
    %get3A_2105 = arith.constant 4 : i32
    %get3A_2106 = arith.index_cast %get3A_2105 : i32 to index
    %get3A_2107 = arith.constant 368 : index
    %get3A_2108 = tpu.vector_load %arg13[%get3A_2106, %get3A_2107] {strides = array<i32>} : memref<5x512xf32, #tpu.memory_space<vmem>>, vector<16xf32>,
    %sub3A_2109 = vector.broadcast %reduce_max3A_1918 : f32 to vector<16xf32>
    %sub3A_2110 = arith.subf %get3A_2108, %sub3A_2109 : vector<16xf32>
    %exp3A_2111 = math.exp %sub3A_2110 : vector<16xf32>
    %add3A_2112 = arith.addf %add3A_2104, %exp3A_2111 : vector<16xf32>
    %get3A_2113 = arith.constant 4 : i32
    %get3A_2114 = arith.index_cast %get3A_2113 : i32 to index
    %get3A_2115 = arith.constant 384 : index
    %get3A_2116 = tpu.vector_load %arg13[%get3A_2114, %get3A_2115] {strides = array<i32>} : memref<5x512xf32, #tpu.memory_space<vmem>>, vector<16xf32>,
    %sub3A_2117 = vector.broadcast %reduce_max3A_1918 : f32 to vector<16xf32>
    %sub3A_2118 = arith.subf %get3A_2116, %sub3A_2117 : vector<16xf32>
    %exp3A_2119 = math.exp %sub3A_2118 : vector<16xf32>
    %add3A_2120 = arith.addf %add3A_2112, %exp3A_2119 : vector<16xf32>
    %get3A_2121 = arith.constant 4 : i32
    %get3A_2122 = arith.index_cast %get3A_2121 : i32 to index
    %get3A_2123 = arith.constant 400 : index
    %get3A_2124 = tpu.vector_load %arg13[%get3A_2122, %get3A_2123] {strides = array<i32>} : memref<5x512xf32, #tpu.memory_space<vmem>>, vector<16xf32>,
    %sub3A_2125 = vector.broadcast %reduce_max3A_1918 : f32 to vector<16xf32>
    %sub3A_2126 = arith.subf %get3A_2124, %sub3A_2125 : vector<16xf32>
    %exp3A_2127 = math.exp %sub3A_2126 : vector<16xf32>
    %add3A_2128 = arith.addf %add3A_2120, %exp3A_2127 : vector<16xf32>
    %get3A_2129 = arith.constant 4 : i32
    %get3A_2130 = arith.index_cast %get3A_2129 : i32 to index
    %get3A_2131 = arith.constant 416 : index
    %get3A_2132 = tpu.vector_load %arg13[%get3A_2130, %get3A_2131] {strides = array<i32>} : memref<5x512xf32, #tpu.memory_space<vmem>>, vector<16xf32>,
    %sub3A_2133 = vector.broadcast %reduce_max3A_1918 : f32 to vector<16xf32>
    %sub3A_2134 = arith.subf %get3A_2132, %sub3A_2133 : vector<16xf32>
    %exp3A_2135 = math.exp %sub3A_2134 : vector<16xf32>
    %add3A_2136 = arith.addf %add3A_2128, %exp3A_2135 : vector<16xf32>
    %get3A_2137 = arith.constant 4 : i32
    %get3A_2138 = arith.index_cast %get3A_2137 : i32 to index
    %get3A_2139 = arith.constant 432 : index
    %get3A_2140 = tpu.vector_load %arg13[%get3A_2138, %get3A_2139] {strides = array<i32>} : memref<5x512xf32, #tpu.memory_space<vmem>>, vector<16xf32>,
    %sub3A_2141 = vector.broadcast %reduce_max3A_1918 : f32 to vector<16xf32>
    %sub3A_2142 = arith.subf %get3A_2140, %sub3A_2141 : vector<16xf32>
    %exp3A_2143 = math.exp %sub3A_2142 : vector<16xf32>
    %add3A_2144 = arith.addf %add3A_2136, %exp3A_2143 : vector<16xf32>
    %get3A_2145 = arith.constant 4 : i32
    %get3A_2146 = arith.index_cast %get3A_2145 : i32 to index
    %get3A_2147 = arith.constant 448 : index
    %get3A_2148 = tpu.vector_load %arg13[%get3A_2146, %get3A_2147] {strides = array<i32>} : memref<5x512xf32, #tpu.memory_space<vmem>>, vector<16xf32>,
    %sub3A_2149 = vector.broadcast %reduce_max3A_1918 : f32 to vector<16xf32>
    %sub3A_2150 = arith.subf %get3A_2148, %sub3A_2149 : vector<16xf32>
    %exp3A_2151 = math.exp %sub3A_2150 : vector<16xf32>
    %add3A_2152 = arith.addf %add3A_2144, %exp3A_2151 : vector<16xf32>
    %get3A_2153 = arith.constant 4 : i32
    %get3A_2154 = arith.index_cast %get3A_2153 : i32 to index
    %get3A_2155 = arith.constant 464 : index
    %get3A_2156 = tpu.vector_load %arg13[%get3A_2154, %get3A_2155] {strides = array<i32>} : memref<5x512xf32, #tpu.memory_space<vmem>>, vector<16xf32>,
    %sub3A_2157 = vector.broadcast %reduce_max3A_1918 : f32 to vector<16xf32>
    %sub3A_2158 = arith.subf %get3A_2156, %sub3A_2157 : vector<16xf32>
    %exp3A_2159 = math.exp %sub3A_2158 : vector<16xf32>
    %add3A_2160 = arith.addf %add3A_2152, %exp3A_2159 : vector<16xf32>
    %get3A_2161 = arith.constant 4 : i32
    %get3A_2162 = arith.index_cast %get3A_2161 : i32 to index
    %get3A_2163 = arith.constant 480 : index
    %get3A_2164 = tpu.vector_load %arg13[%get3A_2162, %get3A_2163] {strides = array<i32>} : memref<5x512xf32, #tpu.memory_space<vmem>>, vector<16xf32>,
    %sub3A_2165 = vector.broadcast %reduce_max3A_1918 : f32 to vector<16xf32>
    %sub3A_2166 = arith.subf %get3A_2164, %sub3A_2165 : vector<16xf32>
    %exp3A_2167 = math.exp %sub3A_2166 : vector<16xf32>
    %add3A_2168 = arith.addf %add3A_2160, %exp3A_2167 : vector<16xf32>
    %get3A_2169 = arith.constant 4 : i32
    %get3A_2170 = arith.index_cast %get3A_2169 : i32 to index
    %get3A_2171 = arith.constant 496 : index
    %get3A_2172 = tpu.vector_load %arg13[%get3A_2170, %get3A_2171] {strides = array<i32>} : memref<5x512xf32, #tpu.memory_space<vmem>>, vector<16xf32>,
    %sub3A_2173 = vector.broadcast %reduce_max3A_1918 : f32 to vector<16xf32>
    %sub3A_2174 = arith.subf %get3A_2172, %sub3A_2173 : vector<16xf32>
    %exp3A_2175 = math.exp %sub3A_2174 : vector<16xf32>
    %add3A_2176 = arith.addf %add3A_2168, %exp3A_2175 : vector<16xf32>
    %reduce_sum3A_2177 = arith.constant true
    %reduce_sum3A_2178 = vector.broadcast %reduce_sum3A_2177 : i1 to vector<16xi1>
    %reduce_sum3A_2179 = tpu.scan <sum>, %add3A_2176 masked %reduce_sum3A_2178 : vector<16xf32>, vector<16xi1> -> vector<16xf32>
    %reduce_sum3A_2180 = vector.extract %reduce_sum3A_2179[15] : f32 from vector<16xf32>
    %scan3A_2181 = arith.constant 0 : i32
    %scan3A_2182 = arith.constant 0 : i32
    %scan3A_2183 = arith.constant 32 : i32
    %scan3A_2184 = arith.addi %scan3A_2182, %scan3A_2183 : i32
    %scan3A_2185 = arith.constant 1 : i32
    scf.for %scan3A_2282 = %scan3A_2182 to %scan3A_2184 step %scan3A_2185  : i32 {
      %mul3A_2283 = arith.constant 16 : i32
      %mul3A_2284 = arith.muli %scan3A_2282, %mul3A_2283 : i32
      %get3A_2285 = arith.constant 0 : i32
      %get3A_2286 = arith.index_cast %get3A_2285 : i32 to index
      %get3A_2287 = arith.index_cast %mul3A_2284 : i32 to index
      %get3A_2288 = tpu.vector_load %arg13[%get3A_2286, %get3A_2287] {strides = array<i32>} : memref<5x512xf32, #tpu.memory_space<vmem>>, vector<16xf32>,
      %mul3A_2289 = arith.constant 16 : i32
      %mul3A_2290 = arith.muli %scan3A_2282, %mul3A_2289 : i32
      %get3A_2291 = arith.constant 1 : i32
      %get3A_2292 = arith.index_cast %get3A_2291 : i32 to index
      %get3A_2293 = arith.index_cast %mul3A_2290 : i32 to index
      %get3A_2294 = tpu.vector_load %arg13[%get3A_2292, %get3A_2293] {strides = array<i32>} : memref<5x512xf32, #tpu.memory_space<vmem>>, vector<16xf32>,
      %add3A_2295 = arith.addf %get3A_2288, %get3A_2294 : vector<16xf32>
      %mul3A_2296 = arith.constant 16 : i32
      %mul3A_2297 = arith.muli %scan3A_2282, %mul3A_2296 : i32
      %get3A_2298 = arith.constant 2 : i32
      %get3A_2299 = arith.index_cast %get3A_2298 : i32 to index
      %get3A_2300 = arith.index_cast %mul3A_2297 : i32 to index
      %get3A_2301 = tpu.vector_load %arg13[%get3A_2299, %get3A_2300] {strides = array<i32>} : memref<5x512xf32, #tpu.memory_space<vmem>>, vector<16xf32>,
      %add3A_2302 = arith.addf %add3A_2295, %get3A_2301 : vector<16xf32>
      %mul3A_2303 = arith.constant 16 : i32
      %mul3A_2304 = arith.muli %scan3A_2282, %mul3A_2303 : i32
      %get3A_2305 = arith.constant 3 : i32
      %get3A_2306 = arith.index_cast %get3A_2305 : i32 to index
      %get3A_2307 = arith.index_cast %mul3A_2304 : i32 to index
      %get3A_2308 = tpu.vector_load %arg13[%get3A_2306, %get3A_2307] {strides = array<i32>} : memref<5x512xf32, #tpu.memory_space<vmem>>, vector<16xf32>,
      %add3A_2309 = arith.addf %add3A_2302, %get3A_2308 : vector<16xf32>
      %mul3A_2310 = arith.constant 16 : i32
      %mul3A_2311 = arith.muli %scan3A_2282, %mul3A_2310 : i32
      %get3A_2312 = arith.constant 4 : i32
      %get3A_2313 = arith.index_cast %get3A_2312 : i32 to index
      %get3A_2314 = arith.index_cast %mul3A_2311 : i32 to index
      %get3A_2315 = tpu.vector_load %arg13[%get3A_2313, %get3A_2314] {strides = array<i32>} : memref<5x512xf32, #tpu.memory_space<vmem>>, vector<16xf32>,
      %add3A_2316 = arith.addf %add3A_2309, %get3A_2315 : vector<16xf32>
      %mul3A_2317 = arith.constant 16 : i32
      %mul3A_2318 = arith.muli %scan3A_2282, %mul3A_2317 : i32
      %swap3A_2319 = arith.index_cast %mul3A_2318 : i32 to index
      %swap3A_2320 = tpu.vector_load %arg14[%swap3A_2319] {strides = array<i32>} : memref<512xf32, #tpu.memory_space<vmem>>, vector<16xf32>,
      tpu.vector_store %arg14[%swap3A_2319], %add3A_2316 {strides = array<i32>} : memref<512xf32, #tpu.memory_space<vmem>>, vector<16xf32>,
    }
    %scan3A_2186 = arith.constant 32 : i32
    %run_scoped3A = arith.constant 0 : i32
    "tpu.region"() ({
      %run_scoped3A_2282 = tpu.sem_alloc : memref<!tpu.dma_semaphore, #tpu.memory_space<semaphore_mem>>
      %dma_start3A_2283 = tpu.memref_slice %arg5[%run_scoped3A, %mul3A_2] : memref<1x16384xf32, #tpu.memory_space<hbm>> -> memref<1x512xf32, #tpu.memory_space<hbm>>
      %dma_start3A_2284 = tpu.memref_squeeze %dma_start3A_2283 : memref<1x512xf32, #tpu.memory_space<hbm>> -> memref<512xf32, #tpu.memory_space<hbm>>
      %dma_start3A_2285 = tpu.memref_slice %arg5[%run_scoped3A, %mul3A_2] : memref<1x16384xf32, #tpu.memory_space<hbm>> -> memref<1x512xf32, #tpu.memory_space<hbm>>
      %dma_start3A_2286 = tpu.memref_squeeze %dma_start3A_2285 : memref<1x512xf32, #tpu.memory_space<hbm>> -> memref<512xf32, #tpu.memory_space<hbm>>
      tpu.enqueue_dma source(%arg14 : memref<512xf32, #tpu.memory_space<vmem>>) target(%dma_start3A_2286 : memref<512xf32, #tpu.memory_space<hbm>>) target_semaphore(%run_scoped3A_2282 : memref<!tpu.dma_semaphore, #tpu.memory_space<semaphore_mem>>)
      %dma_wait3A = tpu.memref_slice %arg5[%run_scoped3A, %mul3A_2] : memref<1x16384xf32, #tpu.memory_space<hbm>> -> memref<1x512xf32, #tpu.memory_space<hbm>>
      %dma_wait3A_2287 = tpu.memref_squeeze %dma_wait3A : memref<1x512xf32, #tpu.memory_space<hbm>> -> memref<512xf32, #tpu.memory_space<hbm>>
      %dma_wait3A_2288 = tpu.memref_slice %arg5[%run_scoped3A, %mul3A_2] : memref<1x16384xf32, #tpu.memory_space<hbm>> -> memref<1x512xf32, #tpu.memory_space<hbm>>
      %dma_wait3A_2289 = tpu.memref_squeeze %dma_wait3A_2288 : memref<1x512xf32, #tpu.memory_space<hbm>> -> memref<512xf32, #tpu.memory_space<hbm>>
      tpu.wait_dma2 semaphore(%run_scoped3A_2282 : memref<!tpu.dma_semaphore, #tpu.memory_space<semaphore_mem>>) src(%arg14 : memref<512xf32, #tpu.memory_space<vmem>>) dst(%dma_wait3A_2289 : memref<512xf32, #tpu.memory_space<hbm>>)
      tpu.yield
    }) : () -> ()
    %broadcast_in_dim3A_2187 = arith.constant 0.000000e+00 : f32
    %broadcast_in_dim3A_2188 = vector.broadcast %broadcast_in_dim3A_2187 : f32 to vector<16xf32>
    %eq3A = arith.constant 0 : i32
    %eq3A_2189 = vector.broadcast %eq3A : i32 to vector<16xi32>
    %eq3A_2190 = arith.cmpi eq, %iota3A, %eq3A_2189 : vector<16xi32>
    %broadcast_in_dim3A_2191 = vector.broadcast %reduce_max3A_222 : f32 to vector<16xf32>
    %select_n3A = arith.select %eq3A_2190, %broadcast_in_dim3A_2191, %broadcast_in_dim3A_2188 : vector<16xi1>, vector<16xf32>
    %eq3A_2192 = arith.constant 8 : i32
    %eq3A_2193 = vector.broadcast %eq3A_2192 : i32 to vector<16xi32>
    %eq3A_2194 = arith.cmpi eq, %iota3A, %eq3A_2193 : vector<16xi32>
    %broadcast_in_dim3A_2195 = vector.broadcast %reduce_sum3A_480 : f32 to vector<16xf32>
    %select_n3A_2196 = arith.select %eq3A_2194, %broadcast_in_dim3A_2195, %select_n3A : vector<16xi1>, vector<16xf32>
    %eq3A_2197 = arith.constant 1 : i32
    %eq3A_2198 = vector.broadcast %eq3A_2197 : i32 to vector<16xi32>
    %eq3A_2199 = arith.cmpi eq, %iota3A, %eq3A_2198 : vector<16xi32>
    %broadcast_in_dim3A_2200 = vector.broadcast %reduce_max3A_643 : f32 to vector<16xf32>
    %select_n3A_2201 = arith.select %eq3A_2199, %broadcast_in_dim3A_2200, %select_n3A_2196 : vector<16xi1>, vector<16xf32>
    %eq3A_2202 = arith.constant 9 : i32
    %eq3A_2203 = vector.broadcast %eq3A_2202 : i32 to vector<16xi32>
    %eq3A_2204 = arith.cmpi eq, %iota3A, %eq3A_2203 : vector<16xi32>
    %broadcast_in_dim3A_2205 = vector.broadcast %reduce_sum3A_905 : f32 to vector<16xf32>
    %select_n3A_2206 = arith.select %eq3A_2204, %broadcast_in_dim3A_2205, %select_n3A_2201 : vector<16xi1>, vector<16xf32>
    %eq3A_2207 = arith.constant 2 : i32
    %eq3A_2208 = vector.broadcast %eq3A_2207 : i32 to vector<16xi32>
    %eq3A_2209 = arith.cmpi eq, %iota3A, %eq3A_2208 : vector<16xi32>
    %broadcast_in_dim3A_2210 = vector.broadcast %reduce_max3A_1068 : f32 to vector<16xf32>
    %select_n3A_2211 = arith.select %eq3A_2209, %broadcast_in_dim3A_2210, %select_n3A_2206 : vector<16xi1>, vector<16xf32>
    %eq3A_2212 = arith.constant 10 : i32
    %eq3A_2213 = vector.broadcast %eq3A_2212 : i32 to vector<16xi32>
    %eq3A_2214 = arith.cmpi eq, %iota3A, %eq3A_2213 : vector<16xi32>
    %broadcast_in_dim3A_2215 = vector.broadcast %reduce_sum3A_1330 : f32 to vector<16xf32>
    %select_n3A_2216 = arith.select %eq3A_2214, %broadcast_in_dim3A_2215, %select_n3A_2211 : vector<16xi1>, vector<16xf32>
    %eq3A_2217 = arith.constant 3 : i32
    %eq3A_2218 = vector.broadcast %eq3A_2217 : i32 to vector<16xi32>
    %eq3A_2219 = arith.cmpi eq, %iota3A, %eq3A_2218 : vector<16xi32>
    %broadcast_in_dim3A_2220 = vector.broadcast %reduce_max3A_1493 : f32 to vector<16xf32>
    %select_n3A_2221 = arith.select %eq3A_2219, %broadcast_in_dim3A_2220, %select_n3A_2216 : vector<16xi1>, vector<16xf32>
    %eq3A_2222 = arith.constant 11 : i32
    %eq3A_2223 = vector.broadcast %eq3A_2222 : i32 to vector<16xi32>
    %eq3A_2224 = arith.cmpi eq, %iota3A, %eq3A_2223 : vector<16xi32>
    %broadcast_in_dim3A_2225 = vector.broadcast %reduce_sum3A_1755 : f32 to vector<16xf32>
    %select_n3A_2226 = arith.select %eq3A_2224, %broadcast_in_dim3A_2225, %select_n3A_2221 : vector<16xi1>, vector<16xf32>
    %eq3A_2227 = arith.constant 4 : i32
    %eq3A_2228 = vector.broadcast %eq3A_2227 : i32 to vector<16xi32>
    %eq3A_2229 = arith.cmpi eq, %iota3A, %eq3A_2228 : vector<16xi32>
    %broadcast_in_dim3A_2230 = vector.broadcast %reduce_max3A_1918 : f32 to vector<16xf32>
    %select_n3A_2231 = arith.select %eq3A_2229, %broadcast_in_dim3A_2230, %select_n3A_2226 : vector<16xi1>, vector<16xf32>
    %eq3A_2232 = arith.constant 12 : i32
    %eq3A_2233 = vector.broadcast %eq3A_2232 : i32 to vector<16xi32>
    %eq3A_2234 = arith.cmpi eq, %iota3A, %eq3A_2233 : vector<16xi32>
    %broadcast_in_dim3A_2235 = vector.broadcast %reduce_sum3A_2180 : f32 to vector<16xf32>
    %select_n3A_2236 = arith.select %eq3A_2234, %broadcast_in_dim3A_2235, %select_n3A_2231 : vector<16xi1>, vector<16xf32>
    %swap3A = arith.constant 0 : i32
    %swap3A_2237 = arith.index_cast %swap3A : i32 to index
    %swap3A_2238 = arith.constant 0 : index
    %swap3A_2239 = tpu.vector_load %arg15[%swap3A_2237, %swap3A_2238] {strides = array<i32>} : memref<1x128xf32, #tpu.memory_space<vmem>>, vector<16xf32>,
    tpu.vector_store %arg15[%swap3A_2237, %swap3A_2238], %select_n3A_2236 {strides = array<i32>} : memref<1x128xf32, #tpu.memory_space<vmem>>, vector<16xf32>,
    %broadcast_in_dim3A_2240 = arith.constant 0.000000e+00 : f32
    %broadcast_in_dim3A_2241 = vector.broadcast %broadcast_in_dim3A_2240 : f32 to vector<16xf32>
    %swap3A_2242 = arith.constant 0 : i32
    %swap3A_2243 = arith.index_cast %swap3A_2242 : i32 to index
    %swap3A_2244 = arith.constant 16 : index
    %swap3A_2245 = tpu.vector_load %arg15[%swap3A_2243, %swap3A_2244] {strides = array<i32>} : memref<1x128xf32, #tpu.memory_space<vmem>>, vector<16xf32>,
    tpu.vector_store %arg15[%swap3A_2243, %swap3A_2244], %broadcast_in_dim3A_2241 {strides = array<i32>} : memref<1x128xf32, #tpu.memory_space<vmem>>, vector<16xf32>,
    %broadcast_in_dim3A_2246 = arith.constant 0.000000e+00 : f32
    %broadcast_in_dim3A_2247 = vector.broadcast %broadcast_in_dim3A_2246 : f32 to vector<16xf32>
    %swap3A_2248 = arith.constant 0 : i32
    %swap3A_2249 = arith.index_cast %swap3A_2248 : i32 to index
    %swap3A_2250 = arith.constant 32 : index
    %swap3A_2251 = tpu.vector_load %arg15[%swap3A_2249, %swap3A_2250] {strides = array<i32>} : memref<1x128xf32, #tpu.memory_space<vmem>>, vector<16xf32>,
    tpu.vector_store %arg15[%swap3A_2249, %swap3A_2250], %broadcast_in_dim3A_2247 {strides = array<i32>} : memref<1x128xf32, #tpu.memory_space<vmem>>, vector<16xf32>,
    %broadcast_in_dim3A_2252 = arith.constant 0.000000e+00 : f32
    %broadcast_in_dim3A_2253 = vector.broadcast %broadcast_in_dim3A_2252 : f32 to vector<16xf32>
    %swap3A_2254 = arith.constant 0 : i32
    %swap3A_2255 = arith.index_cast %swap3A_2254 : i32 to index
    %swap3A_2256 = arith.constant 48 : index
    %swap3A_2257 = tpu.vector_load %arg15[%swap3A_2255, %swap3A_2256] {strides = array<i32>} : memref<1x128xf32, #tpu.memory_space<vmem>>, vector<16xf32>,
    tpu.vector_store %arg15[%swap3A_2255, %swap3A_2256], %broadcast_in_dim3A_2253 {strides = array<i32>} : memref<1x128xf32, #tpu.memory_space<vmem>>, vector<16xf32>,
    %broadcast_in_dim3A_2258 = arith.constant 0.000000e+00 : f32
    %broadcast_in_dim3A_2259 = vector.broadcast %broadcast_in_dim3A_2258 : f32 to vector<16xf32>
    %swap3A_2260 = arith.constant 0 : i32
    %swap3A_2261 = arith.index_cast %swap3A_2260 : i32 to index
    %swap3A_2262 = arith.constant 64 : index
    %swap3A_2263 = tpu.vector_load %arg15[%swap3A_2261, %swap3A_2262] {strides = array<i32>} : memref<1x128xf32, #tpu.memory_space<vmem>>, vector<16xf32>,
    tpu.vector_store %arg15[%swap3A_2261, %swap3A_2262], %broadcast_in_dim3A_2259 {strides = array<i32>} : memref<1x128xf32, #tpu.memory_space<vmem>>, vector<16xf32>,
    %broadcast_in_dim3A_2264 = arith.constant 0.000000e+00 : f32
    %broadcast_in_dim3A_2265 = vector.broadcast %broadcast_in_dim3A_2264 : f32 to vector<16xf32>
    %swap3A_2266 = arith.constant 0 : i32
    %swap3A_2267 = arith.index_cast %swap3A_2266 : i32 to index
    %swap3A_2268 = arith.constant 80 : index
    %swap3A_2269 = tpu.vector_load %arg15[%swap3A_2267, %swap3A_2268] {strides = array<i32>} : memref<1x128xf32, #tpu.memory_space<vmem>>, vector<16xf32>,
    tpu.vector_store %arg15[%swap3A_2267, %swap3A_2268], %broadcast_in_dim3A_2265 {strides = array<i32>} : memref<1x128xf32, #tpu.memory_space<vmem>>, vector<16xf32>,
    %broadcast_in_dim3A_2270 = arith.constant 0.000000e+00 : f32
    %broadcast_in_dim3A_2271 = vector.broadcast %broadcast_in_dim3A_2270 : f32 to vector<16xf32>
    %swap3A_2272 = arith.constant 0 : i32
    %swap3A_2273 = arith.index_cast %swap3A_2272 : i32 to index
    %swap3A_2274 = arith.constant 96 : index
    %swap3A_2275 = tpu.vector_load %arg15[%swap3A_2273, %swap3A_2274] {strides = array<i32>} : memref<1x128xf32, #tpu.memory_space<vmem>>, vector<16xf32>,
    tpu.vector_store %arg15[%swap3A_2273, %swap3A_2274], %broadcast_in_dim3A_2271 {strides = array<i32>} : memref<1x128xf32, #tpu.memory_space<vmem>>, vector<16xf32>,
    %broadcast_in_dim3A_2276 = arith.constant 0.000000e+00 : f32
    %broadcast_in_dim3A_2277 = vector.broadcast %broadcast_in_dim3A_2276 : f32 to vector<16xf32>
    %swap3A_2278 = arith.constant 0 : i32
    %swap3A_2279 = arith.index_cast %swap3A_2278 : i32 to index
    %swap3A_2280 = arith.constant 112 : index
    %swap3A_2281 = tpu.vector_load %arg15[%swap3A_2279, %swap3A_2280] {strides = array<i32>} : memref<1x128xf32, #tpu.memory_space<vmem>>, vector<16xf32>,
    tpu.vector_store %arg15[%swap3A_2279, %swap3A_2280], %broadcast_in_dim3A_2277 {strides = array<i32>} : memref<1x128xf32, #tpu.memory_space<vmem>>, vector<16xf32>,
    "tpu.region"() ({
      %run_scoped3A_2282 = tpu.sem_alloc : memref<!tpu.dma_semaphore, #tpu.memory_space<semaphore_mem>>
      %dma_start3A_2283 = arith.constant 0 : i32
      %dma_start3A_2284 = arith.constant 0 : i32
      %dma_start3A_2285 = tpu.memref_slice %arg6[%add3A, %dma_start3A_2283, %dma_start3A_2284] : memref<32x1x128xf32, #tpu.memory_space<hbm>> -> memref<1x1x128xf32, #tpu.memory_space<hbm>>
      %dma_start3A_2286 = tpu.memref_squeeze %dma_start3A_2285 : memref<1x1x128xf32, #tpu.memory_space<hbm>> -> memref<1x128xf32, #tpu.memory_space<hbm>>
      %dma_start3A_2287 = arith.constant 0 : i32
      %dma_start3A_2288 = arith.constant 0 : i32
      %dma_start3A_2289 = tpu.memref_slice %arg6[%add3A, %dma_start3A_2287, %dma_start3A_2288] : memref<32x1x128xf32, #tpu.memory_space<hbm>> -> memref<1x1x128xf32, #tpu.memory_space<hbm>>
      %dma_start3A_2290 = tpu.memref_squeeze %dma_start3A_2289 : memref<1x1x128xf32, #tpu.memory_space<hbm>> -> memref<1x128xf32, #tpu.memory_space<hbm>>
      tpu.enqueue_dma source(%arg15 : memref<1x128xf32, #tpu.memory_space<vmem>>) target(%dma_start3A_2290 : memref<1x128xf32, #tpu.memory_space<hbm>>) target_semaphore(%run_scoped3A_2282 : memref<!tpu.dma_semaphore, #tpu.memory_space<semaphore_mem>>)
      %dma_wait3A = arith.constant 0 : i32
      %dma_wait3A_2291 = arith.constant 0 : i32
      %dma_wait3A_2292 = tpu.memref_slice %arg6[%add3A, %dma_wait3A, %dma_wait3A_2291] : memref<32x1x128xf32, #tpu.memory_space<hbm>> -> memref<1x1x128xf32, #tpu.memory_space<hbm>>
      %dma_wait3A_2293 = tpu.memref_squeeze %dma_wait3A_2292 : memref<1x1x128xf32, #tpu.memory_space<hbm>> -> memref<1x128xf32, #tpu.memory_space<hbm>>
      %dma_wait3A_2294 = arith.constant 0 : i32
      %dma_wait3A_2295 = arith.constant 0 : i32
      %dma_wait3A_2296 = tpu.memref_slice %arg6[%add3A, %dma_wait3A_2294, %dma_wait3A_2295] : memref<32x1x128xf32, #tpu.memory_space<hbm>> -> memref<1x1x128xf32, #tpu.memory_space<hbm>>
      %dma_wait3A_2297 = tpu.memref_squeeze %dma_wait3A_2296 : memref<1x1x128xf32, #tpu.memory_space<hbm>> -> memref<1x128xf32, #tpu.memory_space<hbm>>
      tpu.wait_dma2 semaphore(%run_scoped3A_2282 : memref<!tpu.dma_semaphore, #tpu.memory_space<semaphore_mem>>) src(%arg15 : memref<1x128xf32, #tpu.memory_space<vmem>>) dst(%dma_wait3A_2297 : memref<1x128xf32, #tpu.memory_space<hbm>>)
      tpu.yield
    }) : () -> ()
    return
  }
}

module attributes {stable_mosaic.version = 14 : i64} {
  func.func @_tc_body(%arg0: memref<1x16384xf32, #tpu.memory_space<vmem>>, %arg1: memref<32x1x128xf32, #tpu.memory_space<vmem>>, %arg2: memref<16384xf32, #tpu.memory_space<vmem>>) attributes {dimension_semantics = [], scalar_prefetch = 0 : i64, scratch_operands = 0 : i64, tpu.core_type = #tpu.core_type<tc>} {
    %get3A = arith.constant 0 : index
    %get3A_0 = arith.constant 0 : index
    %get3A_1 = arith.constant 0 : index
    %get3A_2 = vector.load %arg1[%get3A, %get3A_0, %get3A_1] : memref<32x1x128xf32, #tpu.memory_space<vmem>>, vector<32x1x128xf32>
    %squeeze3A = vector.shape_cast %get3A_2 : vector<32x1x128xf32> to vector<32x128xf32>
    %slice3A = vector.extract_strided_slice %squeeze3A {offsets = [0, 0], sizes = [32, 5], strides = [1, 1]} : vector<32x128xf32> to vector<32x5xf32>
    %slice3A_3 = vector.extract_strided_slice %squeeze3A {offsets = [0, 8], sizes = [32, 5], strides = [1, 1]} : vector<32x128xf32> to vector<32x5xf32>
    %reduce_max3A = arith.constant dense<0xFF800000> : vector<5xf32>
    %reduce_max3A_4 = vector.multi_reduction <maximumf>, %slice3A, %reduce_max3A [0] : vector<32x5xf32> to vector<5xf32>
    %broadcast_in_dim3A = vector.shape_cast %reduce_max3A_4 : vector<5xf32> to vector<1x5xf32>
    %sub3A = vector.broadcast %broadcast_in_dim3A : vector<1x5xf32> to vector<32x5xf32>
    %sub3A_5 = arith.subf %slice3A, %sub3A : vector<32x5xf32>
    %exp3A = math.exp %sub3A_5 : vector<32x5xf32>
    %mul3A = arith.mulf %slice3A_3, %exp3A : vector<32x5xf32>
    %reduce_sum3A = arith.constant dense<0.000000e+00> : vector<5xf32>
    %reduce_sum3A_6 = vector.multi_reduction <add>, %mul3A, %reduce_sum3A [0] : vector<32x5xf32> to vector<5xf32>
    %broadcast_in_dim3A_7 = vector.shape_cast %reduce_sum3A_6 : vector<5xf32> to vector<1x5xf32>
    %log3A = math.log %broadcast_in_dim3A_7 : vector<1x5xf32>
    %add3A = arith.addf %broadcast_in_dim3A, %log3A : vector<1x5xf32>
    %reduce_sum3A_8 = vector.shape_cast %add3A : vector<1x5xf32> to vector<1x1x5xf32>
    %reduce_sum3A_9 = arith.constant dense<0.000000e+00> : vector<1xf32>
    %reduce_sum3A_10 = vector.multi_reduction <add>, %reduce_sum3A_8, %reduce_sum3A_9 [1, 2] : vector<1x1x5xf32> to vector<1xf32>
    %reduce_sum3A_11 = vector.shape_cast %reduce_sum3A_10 : vector<1xf32> to vector<1x1x1xf32>
    %reduce_sum3A_12 = vector.extract %reduce_sum3A_11[0, 0, 0] : f32 from vector<1x1x1xf32>
    %get3A_13 = arith.constant 0 : index
    %get3A_14 = arith.constant 0 : index
    %get3A_15 = vector.load %arg0[%get3A_13, %get3A_14] : memref<1x16384xf32, #tpu.memory_space<vmem>>, vector<1x16384xf32>
    %get3A_16 = vector.shape_cast %get3A_15 : vector<1x16384xf32> to vector<16384xf32>
    %sub3A_17 = vector.broadcast %reduce_sum3A_12 : f32 to vector<16384xf32>
    %sub3A_18 = arith.subf %sub3A_17, %get3A_16 : vector<16384xf32>
    %swap3A = arith.constant 0 : index
    %swap3A_19 = vector.load %arg2[%swap3A] : memref<16384xf32, #tpu.memory_space<vmem>>, vector<16384xf32>
    tpu.vector_store %arg2[%swap3A], %sub3A_18 {strides = array<i32>} : memref<16384xf32, #tpu.memory_space<vmem>>, vector<16384xf32>,
    return
  }
}

</mosaic_0001>

<sc_bundles>
// kernel: kernel.4.cloned.1.call-start
scs
__scs_entry_jumppad:
0x0: {  	(pc) =	sbr.rel $0x88, $3  }
0x1: {  	(tag) =	ssettag $0x0;
	lr =	simm.s32 $0x1  }
0x2: {  	[smem:$0x3F9E] =	sst lr;
	_ =	strace $0xD0000000  }
0x3: {  	_ = 	snop  }
0x4: {  	_ = 	snop  }
0x5: {  	_ = 	snop  }
0x6: {  	_ = 	snop  }
0x7: {  	_ = 	snop  }
__scs_overlays_trampoline_lowered:
0x8: {  	[smem:$0x3FAD] =	sst s0  }
0x9: {  	[smem:$0x3FAE] =	sst s1  }
0xa: {  	[smem:$0x3FAF] =	sst s2  }
0xb: {  	[smem:$0x3FB0] =	sst s3  }
0xc: {  	[smem:$0x3FB1] =	sst s4  }
0xd: {  	[smem:$0x3FB2] =	sst s5  }
0xe: {  	[smem:$0x3FB3] =	sst s6  }
0xf: {  	[smem:$0x3FB4] =	sst s7  }
0x10: {  	[smem:$0x3FB5] =	sst s8  }
0x11: {  	[smem:$0x3FB6] =	sst s9;
	s0 =	simm.s32 @!p0 $0x0  }
0x12: {  	s1 =	sld [smem:$0x3F9C];
	s0 =	simm.s32 @p0 $0x1  }
0x13: {  	[smem:$0x3FB7] =	sst s0;
	s0 =	simm.s32 @!p1 $0x0  }
0x14: {  	s2 =	sld [smem:$0x3F9B];
	s0 =	simm.s32 @p1 $0x1  }
0x15: {  	[smem:$0x3FB8] =	sst s0;
	s0 =	simm.s32 @!p2 $0x0  }
0x16: {  	s3 =	sld [smem:$0x3FDB];
	s0 =	simm.s32 @p2 $0x1  }
0x17: {  	s4 =	simm.s32 $0x1BF5;
	[smem:$0x3FBA] =	sst s0  }
0x18: {  	s0 =	sld [smem:$0x3F9D];
	_ =	swait.ge [sflag:s4], $0x0  }
0x19: {  	s7 =	sld [smem:$0x3F9E]  }
0x1a: {  	s8 =	sadd.s32 $0xFFFFE003, lr  }
0x1b: {  	s9 =	sadd.s32 $0xFFFFFEF7, lr;
	s5 =	simm.s32 $0xFFFFFFFF;
	p2 =	slt.u32 s8, $0xFFFFF086  }
0x1c: {  	p1 =	slt.u32 s9, $0xF7A;
	s5 =	simm.s32 @!p2 $0x0  }
0x1d: {  	s5 =	simm.s32 @p1 $0x1;
	p0 =	seq.s32 s7, s2  }
0x1e: {  	s7 =	smul.u32 @!p0 $0xF7A, s2;
	p2 =	seq.s32 @!p0 s5, $0x0  }
0x1f: {  	s9 =	smul.u32 $0xF7A, s1;
	s8 =	simm.s32 @!p0 $0x1BF5;
	p2 =	por !p2, p0  }
0x20: {  	[sflag:s8] =	ssyncset.s32 @!p0 $0xFFFFF086;
	s6 =	sadd.s32 @!p0 s3, s7;
	s7 =	simm.s32 @!p0 $0x108  }
0x21: {  	s3 =	sadd.s32 s3, s9;
	s6 =	sadd.s32 @!p0 $0x88, s6;
	s7 =	simm.s32 @p2 $0x1082  }
0x22: {  	[simem:s7], [sflag:s8] =	dma.local @!p0 [hbm:s6], $0xF7A  }
0x23: {  	s9 =	sor.u32 $0xD0000000, s2;
	s6 =	simm.s32 $0x108;
	_ =	swait.ge @!p0 [sflag:s8], $0x0  }
0x24: {  	s3 =	sadd.s32 $0x88, s3;
	s6 =	simm.s32 @!p1 $0x1082;
	[sflag:s4] =	ssyncset.s32 $0xFFFFF086  }
0x25: {  	[simem:s6], [sflag:s4] =	dma.local [hbm:s3], $0xF7A  }
0x26: {  	[smem:$0x3F9E] =	sst s1;
	(tag) =	ssettag s2;
	_ =	strace s9  }
0x27: {  	s1 =	sld [smem:$0x3FAE]  }
0x28: {  	s2 =	sld [smem:$0x3FAF]  }
0x29: {  	s4 =	sld [smem:$0x3FB1]  }
0x2a: {  	p0 =	seq.s32 s5, $0x0;
	s5 =	sld [smem:$0x3FB2]  }
0x2b: {  	s6 =	sld [smem:$0x3FB3]  }
0x2c: {  	s7 =	sld [smem:$0x3FB4]  }
0x2d: {  	s3 =	simm.s32 $0x108;
	s8 =	sld [smem:$0x3FB5]  }
0x2e: {  	s3 =	simm.s32 @!p0 $0x1082;
	s9 =	sld [smem:$0x3FB6]  }
0x2f: {  	lr =	sadd.s32 s0, s3;
	s0 =	sld [smem:$0x3FAD]  }
0x30: {  	s3 =	sld [smem:$0x3FB0]  }
0x31: {  	[smem:$0x3FB9] =	sst s10  }
0x32: {  	s10 =	sld [smem:$0x3FB7];
	_ =	sdelay $0x3  }
0x33: {  	p0 =	seq.s32 s10, $0x1;
	s10 =	sld [smem:$0x3FB9];
	_ =	sdelay $0x3  }
0x34: {  	[smem:$0x3FB9] =	sst s10  }
0x35: {  	s10 =	sld [smem:$0x3FB8];
	_ =	sdelay $0x3  }
0x36: {  	p1 =	seq.s32 s10, $0x1;
	s10 =	sld [smem:$0x3FB9];
	_ =	sdelay $0x3  }
0x37: {  	[smem:$0x3FB9] =	sst s10  }
0x38: {  	s10 =	sld [smem:$0x3FBA]  }
0x39: {  	_ = 	snop;
	(pc) =	sbr.ind lr, $3  }
0x3a: {  	_ = 	snop  }
0x3b: {  	_ = 	snop  }
0x3c: {  	p2 =	seq.s32 s10, $0x1;
	s10 =	sld [smem:$0x3FB9]  }
0x3d: {  	_ =	shalt  }
0x3e: {  	_ =	shalt  }
0x3f: {  	_ =	shalt  }
0x40: {  	_ =	shalt  }
0x41: {  	_ =	shalt  }
0x42: {  	_ =	shalt  }
0x43: {  	_ =	shalt  }
0x44: {  	_ =	shalt  }
0x45: {  	_ =	shalt  }
0x46: {  	_ =	shalt  }
0x47: {  	_ =	shalt  }
0x48: {  	_ =	shalt  }
0x49: {  	_ =	shalt  }
0x4a: {  	_ =	shalt  }
0x4b: {  	_ =	shalt  }
0x4c: {  	_ =	shalt  }
0x4d: {  	_ =	shalt  }
0x4e: {  	_ =	shalt  }
0x4f: {  	_ =	shalt  }
0x50: {  	_ =	shalt  }
0x51: {  	_ =	shalt  }
0x52: {  	_ =	shalt  }
0x53: {  	_ =	shalt  }
0x54: {  	_ =	shalt  }
0x55: {  	_ =	shalt  }
0x56: {  	_ =	shalt  }
0x57: {  	_ =	shalt  }
0x58: {  	_ =	shalt  }
0x59: {  	_ =	shalt  }
0x5a: {  	_ =	shalt  }
0x5b: {  	_ =	shalt  }
0x5c: {  	_ =	shalt  }
0x5d: {  	_ =	shalt  }
0x5e: {  	_ =	shalt  }
0x5f: {  	_ =	shalt  }
0x60: {  	_ =	shalt  }
0x61: {  	_ =	shalt  }
0x62: {  	_ =	shalt  }
0x63: {  	_ =	shalt  }
0x64: {  	_ =	shalt  }
0x65: {  	_ =	shalt  }
0x66: {  	_ =	shalt  }
0x67: {  	_ =	shalt  }
0x68: {  	_ =	shalt  }
0x69: {  	_ =	shalt  }
0x6a: {  	_ =	shalt  }
0x6b: {  	_ =	shalt  }
0x6c: {  	_ =	shalt  }
0x6d: {  	_ =	shalt  }
0x6e: {  	_ =	shalt  }
0x6f: {  	_ =	shalt  }
0x70: {  	_ =	shalt  }
0x71: {  	_ =	shalt  }
0x72: {  	_ =	shalt  }
0x73: {  	_ =	shalt  }
0x74: {  	_ =	shalt  }
0x75: {  	_ =	shalt  }
0x76: {  	_ =	shalt  }
0x77: {  	_ =	shalt  }
0x78: {  	_ =	shalt  }
0x79: {  	_ =	shalt  }
0x7a: {  	_ =	shalt  }
0x7b: {  	_ =	shalt  }
0x7c: {  	_ =	shalt  }
0x7d: {  	_ =	shalt  }
0x7e: {  	_ =	shalt  }
0x7f: {  	_ =	shalt  }
0x80: {  	_ =	shalt  }
0x81: {  	_ =	shalt  }
0x82: {  	_ =	shalt  }
0x83: {  	_ =	shalt  }
0x84: {  	_ =	shalt  }
0x85: {  	_ =	shalt  }
0x86: {  	_ =	shalt  }
0x87: {  	_ =	shalt  }
.Lfunc_end0:
.L_simem_size_0:
called_computation_lowered:
.L_overlay_start_0:
0x88: {  	s2 =	sld [smem:$0x3FD9]  }
0x89: {  	s3 =	sld [smem:$0x3FFE];
	_ =	sdelay $0x1  }
0x8a: {  	s1 =	srdreg.scid  }
0x8b: {  	s0 =	sand.u32 $0x1, s1  }
0x8c: {  	s17 =	sshll.u32 s0, $0xA;
	s2 =	sadd.s32 s3, s2  }
0x8d: {  	s2 =	sadd.s32 s2, s17  }
0x8e: {  	[smem:$0x3FC5] =	sst s2  }
0x8f: {  	_ = 	snop  }
0x90: {  	s2 =	sld [smem:$0x3FC9]  }
0x91: {  	s18 =	sld [smem:$0x3FC8]  }
0x92: {  	s4 =	sld [smem:$0x3FC7]  }
0x93: {  	s5 =	sld [smem:$0x3FD0];
	(tm) =	ssettm $0x1  }
0x94: {  	s6 =	sld [smem:$0x3FFB];
	_ =	sdelay $0x3  }
0x95: {  	_ =	strace s6  }
0x96: {  	s6 =	sld [smem:$0x3FFC];
	_ =	sdelay $0x3  }
0x97: {  	_ =	strace s6  }
0x98: {  	s6 =	sld [smem:$0x3FFD];
	_ =	sdelay $0x3  }
0x99: {  	_ =	strace s6  }
0x9a: {  	_ =	strace $0x8FFFFFFF  }
0x9b: {  	s19 =	sld [smem:$0x3FDB];
	_ =	sdelay $0x1  }
0x9c: {  	s7 =	simm.s32 $_scs_section_size  }
0x9d: {  	s8 =	simm.s32 $_size__tile_overlayer_lowered;
	s9 =	simm.s32 $_tile_overlayer_lowered  }
0x9e: {  	s22 =	simm.s32 $0x1BFF;
	s21 =	sshll.u32 s9, $0x1;
	s6 =	sadd.s32 s7, s19  }
0x9f: {  	s10 =	simm.s32 $0x0;
	s20 =	sshll.u32 s8, $0x1;
	s8 =	sadd.s32 s21, s6  }
0xa0: {  	[timem:s10], [sflag:s22] =	dma.local [hbm:s8], s20  }
0xa1: {  	_ =	swait.ge [sflag:s22], s20  }
0xa2: {  	s7 =	ssub.s32 $0x0, s20;
	[sflag:s22] =	ssyncset.done $0x0  }
0xa3: {  	[sflag:s22] =	ssyncadd.s32 s7;
	_ =	sdelay $0x1  }
0xa4: {  	s23 =	simm.s32 $0x1B8B  }
0xa5: {  	_ =	swait.ge [sflag:s23], $0x1  }
0xa6: {  	[sflag:s23] =	ssyncset.done $0x0  }
0xa7: {  	s25 =	simm.s32 $0x1B8E;
	s24 =	sld [smem:$0x3FFE];
	[sflag:s23] =	ssyncadd.s32 $0xFFFFFFFF  }
0xa8: {  	s26 =	simm.s32 $execute0_lowered;
	[smem:$0x3FD2] =	sst s25  }
0xa9: {  	s8 =	sshll.u32 s26, $0x1;
	_ =	strace $0x80000046;
	[dreg:$0x1] =	wrdreg $0xFFFFFFFF  }
0xaa: {  	s28 =	simm.s32 $_size_execute0_lowered;
	s6 =	sadd.s32 s6, s8;
	[dreg:$0x0] =	wrdreg $0x0  }
0xab: {  	s8 =	sshll.u32 s28, $0x1;
	[dreg:$0x2] =	wrdreg s6  }
0xac: {  	[dreg:$0x3] =	wrdreg s8  }
0xad: {  	[dreg:$0x4] =	wrdreg $0xC0  }
0xae: {  	_ =	task [dreg:s10], $0x5FFFF  }
0xaf: {  	[dreg:$0x1] =	wrdreg $0xFFFFFFFF  }
0xb0: {  	[dreg:$0x0] =	wrdreg $0x60  }
0xb1: {  	[dreg:$0x2] =	wrdreg s2  }
0xb2: {  	[dreg:$0x3] =	wrdreg s18  }
0xb3: {  	[dreg:$0x4] =	wrdreg s4  }
0xb4: {  	[dreg:$0x5] =	wrdreg s5  }
0xb5: {  	[dreg:$0x6] =	wrdreg s24  }
0xb6: {  	[dreg:$0x7] =	wrdreg $0x9  }
0xb7: {  	_ =	task.clear_ibuf [dreg:s10], $0x8FFFF;
	_ =	strace $0x90000046  }
0xb8: {  	s29 =	simm.s32 $0x9;
	_ =	strace $0x80000048  }
0xb9: {  	_ =	swait.ge [sflag:s29], $0x1  }
0xba: {  	[sflag:s29] =	ssyncadd.s32 $0xFFFFFFFF  }
0xbb: {  	_ =	strace $0x90000048  }
0xbc: {  	_ =	sfence  }
0xbd: {  	s30 =	sld [smem:$0x0];
	_ =	sdelay $0x2  }
0xbe: {  	s31 =	sshll.u32 s1, $0xD;
	s1 =	sshrl.u32 s1, $0x2  }
0xbf: {  	s3 =	sand.u32 $0x4000, s31;
	s1 =	sadd.s32 s1, s30  }
0xc0: {  	s0 =	sor.u32 s3, s0;
	s1 =	sshll.u32 s1, $0x11  }
0xc1: {  	s0 =	sor.u32 s1, s0  }
0xc2: {  	s0 =	sadd.s32 $0x8F2B, s0  }
0xc3: {  	[sflag:s0] =	ssyncadd.remote.s32 $0x1  }
0xc4: {  	_ =	sfence.sel $0xFFFF  }
0xc5: {  	[dreg:$0x0] =	wrdreg $0xFFFFFFFF;
	(pc) =	sbr.abs _section_cstart, $3  }
0xc6: {  	[dreg:$0x1] =	wrdreg $0xFFFFFFFF  }
0xc7: {  	_ =	task.clear_ibuf [dreg:s10], $0x2FFFF;
	_ =	strace $0x9FFFFFFF  }
0xc8: {  	(tm) =	ssettm $0x7FFFFFFF  }
0xc9: {  	_ =	shalt  }
tec
execute0_lowered:
.L_overlay_start_1:
0x0: {  	(tag) =	ssettag $0x1  }
0x1: {  	s0 =	rddreg [dreg:$0x0]  }
0x2: {  	s2 =	rddreg [dreg:$0x1]  }
0x3: {  	s1 =	rddreg [dreg:$0x2]  }
0x4: {  	s6 =	rddreg [dreg:$0x3];
	s3 =	srdreg.scid  }
0x5: {  	s7 =	stileid.u32;
	s4 =	rddreg [dreg:$0x4];
	s11 =	simm.s32 $0x40  }
0x6: {  	s20 =	simm.s32 $0x400;
	s21 =	simm.s32 $0xD200;
	s22 =	simm.s32 $0x1  }
0x7: {  	s23 =	simm.s32 $0x3200;
	s24 =	simm.s32 $0xF200;
	s25 =	simm.s32 $0x11200  }
0x8: {  	s28 =	simm.s32 $0x15200;
	s29 =	simm.s32 $0x17200;
	s30 =	simm.s32 $0x1A200  }
0x9: {  	s5 =	sand.u32 $0x1, s3;
	s7 =	sshll.u32 s7, $0x1;
	s3 =	simm.s32 $0x0  }
0xa: {  	s31 =	simm.s32 $0x1A400;
	s7 =	sor.u32 s5, s7;
	[smem:$0x7FF] =	sst s3  }
0xb: {  	s26 =	ssub.s32 $0x2, s5;
	s8 =	sshll.u32 s7, $0x4;
	_ =	strace $0x80000047  }
0xc: {  	vm1 =	vcmask $0x1F14;
	s5 =	sshrl.u32 s26, $0x1;
	s9 =	sshll.u32 s7, $0x9;
	s7 =	sshll.u32 s7, $0x6  }
0xd: {  	vm0 =	vcmask $0x334;
	v0 =	vlaneseq.u32;
	vm2 =	vcmask $0x2314;
	s8 =	sadd.s32 s8, s4;
	s10 =	ssub.s32 s26, s5;
	s4 =	sadd.s32 s0, s7  }
0xe: {  	vm3 =	vcmask $0x734;
	vm4 =	vcmask $0x2714;
	vm5 =	vcmask $0xB34;
	s5 =	sadd.s32 s2, s9;
	s6 =	sadd.s32 s6, s7;
	s9 =	simm.s32 $0x3  }
0xf: {  	vm6 =	vcmask $0xF34;
	vm8 =	vcmask $0x2F14;
	vm7 =	vcmask $0x2B14;
	s26 =	simm.s32 $0x13200;
	s2 =	simm.s32 $0x2;
	s0 =	simm.s32 $0x0  }
0x10: {  	vm9 =	vcmask $0x2F34;
	vm1 =	vmor vm0, vm1;
	vm8 =	vmor vm6, vm8;
	s7 =	sadd.s32 $0xC00, s8;
	s8 =	smax.u32 s10, $0x1;
	s10 =	simm.s32 $0x200  }
.LBB2_1:
0x11: {  	[tilespmem:s3], [sflag:$0x3] =	stream.linear.gather [hbm4b:s4+s3], $0x200, $0x38;
	[tilespmem:$0x1A480] =	vst v63  }
0x12: {  	_ =	swait.ge [sflag:s9], $0x200  }
0x13: {  	[sflag:s9] =	ssyncset.done $0x0  }
0x14: {  	[sflag:s9] =	ssyncadd.s32 $0xFFFFFE00  }
0x15: {  	[tilespmem:s10], [sflag:$0x3] =	stream.linear.gather [hbm4b:s5+s3], $0x1000, $0x38;
	[tilespmem:$0x1A480] =	vst v63  }
0x16: {  	_ =	swait.ge [sflag:s9], $0x1000  }
0x17: {  	[sflag:s9] =	ssyncset.done $0x0  }
0x18: {  	s12 =	simm.s32 $0x1200;
	[sflag:s9] =	ssyncadd.s32 $0xFFFFF000  }
0x19: {  	[tilespmem:s12], [sflag:$0x1] =	stream.indirect.gather [hbm4b:s1+s11], $0x80, s3, s11, $0xb8;
	[tilespmem:$0x1A480] =	vst v63  }
0x1a: {  	s14 =	simm.s32 $0x5200  }
0x1b: {  	[tilespmem:s14], [sflag:$0x1] =	stream.indirect.gather [hbm4b:s1+s11], $0x80, s10, s11, $0xb8;
	[tilespmem:$0x1A480] =	vst v63  }
0x1c: {  	s15 =	simm.s32 $0x280;
	s13 =	simm.s32 $0x7200  }
0x1d: {  	[tilespmem:s13], [sflag:$0x1] =	stream.indirect.gather [hbm4b:s1+s11], $0x80, s15, s11, $0xb8;
	[tilespmem:$0x1A480] =	vst v63  }
0x1e: {  	s16 =	simm.s32 $0x300;
	s17 =	simm.s32 $0x9200  }
0x1f: {  	[tilespmem:s17], [sflag:$0x1] =	stream.indirect.gather [hbm4b:s1+s11], $0x80, s16, s11, $0xb8;
	[tilespmem:$0x1A480] =	vst v63  }
.Ltmp0:
0x20: {  	_ = 	snop;
	(pc) =	sbr.rel .LBB2_2-.Ltmp0, $4  }
0x21: {  	s18 =	simm.s32 $0x380;
	s19 =	simm.s32 $0xB200  }
0x22: {  	[tilespmem:s19], [sflag:$0x1] =	stream.indirect.gather [hbm4b:s1+s11], $0x80, s18, s11, $0xb8;
	[tilespmem:$0x1A480] =	vst v63  }
0x23: {  	s12 =	simm.s32 $0x0  }
0x24: {  	[tilespmem:s21], [sflag:$0x1] =	stream.indirect.gather [hbm4b:s1+s11], $0x80, s20, s11, $0xb8;
	[tilespmem:$0x1A480] =	vst v63  }
.LBB2_11:
0x25: {  	s12 =	sadd.s32 $0x1, s12  }
0x26: {  	p0 =	sne.s32 s12, $0x8  }
.Ltmp1:
0x27: {  	_ = 	snop;
	(pc) =	sbr.rel @!p0 .LBB2_12-.Ltmp1, $1  }
0x28: {  	_ =	sdelay $0x3  }
.LBB2_2:
0x29: {  	s13 =	sand.u32 $0x1, s12  }
0x2a: {  	p0 =	seq.s32 s13, $0x1  }
.Ltmp2:
0x2b: {  	_ = 	snop;
	(pc) =	sbr.rel @p0 .LBB2_7-.Ltmp2, $1  }
0x2c: {  	_ =	sdelay $0x3  }
0x2d: {  	_ =	swait.ge [sflag:s22], $0x2000  }
0x2e: {  	[sflag:s22] =	ssyncset.done $0x0  }
0x2f: {  	[sflag:s22] =	ssyncadd.s32 $0xFFFFE000  }
0x30: {  	_ =	swait.ge [sflag:s22], $0x2000  }
0x31: {  	[sflag:s22] =	ssyncset.done $0x0  }
0x32: {  	[sflag:s22] =	ssyncadd.s32 $0xFFFFE000  }
0x33: {  	_ =	swait.ge [sflag:s22], $0x2000  }
0x34: {  	[sflag:s22] =	ssyncset.done $0x0  }
0x35: {  	[sflag:s22] =	ssyncadd.s32 $0xFFFFE000  }
0x36: {  	_ =	swait.ge [sflag:s22], $0x2000  }
0x37: {  	[sflag:s22] =	ssyncset.done $0x0  }
0x38: {  	[sflag:s22] =	ssyncadd.s32 $0xFFFFE000  }
0x39: {  	_ =	swait.ge [sflag:s22], $0x2000  }
0x3a: {  	[sflag:s22] =	ssyncset.done $0x0  }
0x3b: {  	[sflag:s22] =	ssyncadd.s32 $0xFFFFE000  }
0x3c: {  	s13 =	sshll.u32 s12, $0x6;
	_ =	swait.ge [sflag:s22], $0x2000  }
0x3d: {  	s13 =	sand.u32 $0x3FFFFFC0, s13;
	[sflag:s22] =	ssyncset.done $0x0  }
0x3e: {  	s15 =	sshll.u32 s12, $0x9;
	s13 =	sadd.s32 $0x40, s13;
	[sflag:s22] =	ssyncadd.s32 $0xFFFFE000  }
0x3f: {  	[tilespmem:s23], [sflag:$0x2] =	stream.indirect.gather [hbm4b:s1+s11], $0x80, s13, s11, $0xb8;
	[tilespmem:$0x1A480] =	vst v63  }
0x40: {  	s14 =	sadd.s32 $0x240, s15  }
0x41: {  	[tilespmem:s24], [sflag:$0x2] =	stream.indirect.gather [hbm4b:s1+s11], $0x80, s14, s11, $0xb8;
	[tilespmem:$0x1A480] =	vst v63  }
0x42: {  	s16 =	sadd.s32 $0x2C0, s15  }
0x43: {  	[tilespmem:s25], [sflag:$0x2] =	stream.indirect.gather [hbm4b:s1+s11], $0x80, s16, s11, $0xb8;
	[tilespmem:$0x1A480] =	vst v63  }
0x44: {  	s17 =	sadd.s32 $0x340, s15;
	s18 =	sadd.s32 $0x3C0, s15  }
0x45: {  	[tilespmem:s26], [sflag:$0x2] =	stream.indirect.gather [hbm4b:s1+s11], $0x80, s17, s11, $0xb8;
	[tilespmem:$0x1A480] =	vst v63  }
0x46: {  	s19 =	sadd.s32 $0x440, s15;
	s13 =	simm.s32 $0x0;
	s16 =	sadd.s32 $0x19200, s15  }
0x47: {  	[tilespmem:s28], [sflag:$0x2] =	stream.indirect.gather [hbm4b:s1+s11], $0x80, s18, s11, $0xb8;
	[tilespmem:$0x1A480] =	vst v63  }
0x48: {  	s14 =	simm.s32 $0x5200;
	s15 =	simm.s32 $0x1200;
	v1 =	vmov s16;
	s16 =	simm.s32 $0x0  }
0x49: {  	[tilespmem:s29], [sflag:$0x2] =	stream.indirect.gather [hbm4b:s1+s11], $0x80, s19, s11, $0xb8;
	[tilespmem:$0x1A480] =	vst v63  }
.LBB2_4:
0x4a: {  	v8 =	vmov s15;
	_ =	sdelay $0x1  }
0x4b: {  	v2 =	vmov s14;
	_ =	sdelay $0x1  }
0x4c: {  	s17 =	simm.s32 $0x0  }
0x4d: {  	v3 =	vld.idx.msk [tilespmem:v8+s17+$0x0 ss:$0x1], $0xffff  }
0x4e: {  	v4 =	vld.idx.msk [tilespmem:v8+s17+$0x10 ss:$0x1], $0xffff  }
0x4f: {  	v5 =	vld.idx.msk [tilespmem:v2+s17+$0x8000 ss:$0x1], $0xffff  }
0x50: {  	v6 =	vld.idx.msk [tilespmem:v2+s17+$0x8010 ss:$0x1], $0xffff  }
0x51: {  	v7 =	vld.idx.msk [tilespmem:v8+s17+$0x20 ss:$0x1], $0xffff  }
0x52: {  	v10 =	vld.idx.msk [tilespmem:v2+s17+$0x8020 ss:$0x1], $0xffff  }
0x53: {  	v11 =	vld.idx.msk [tilespmem:v8+s17+$0x30 ss:$0x1], $0xffff  }
0x54: {  	v12 =	vld.idx.msk [tilespmem:v2+s17+$0x8030 ss:$0x1], $0xffff  }
0x55: {  	v13 =	vld.idx.msk [tilespmem:v8+s17+$0x40 ss:$0x1], $0xffff  }
0x56: {  	v14 =	vld.idx.msk [tilespmem:v2+s17+$0x8040 ss:$0x1], $0xffff  }
0x57: {  	v15 =	vld.idx.msk [tilespmem:v8+s17+$0x50 ss:$0x1], $0xffff  }
0x58: {  	v16 =	vld.idx.msk [tilespmem:v2+s17+$0x8050 ss:$0x1], $0xffff  }
0x59: {  	v19 =	vld.idx.msk [tilespmem:v8+s17+$0x60 ss:$0x1], $0xffff  }
0x5a: {  	v17 =	vld.idx.msk [tilespmem:v2+s17+$0x8060 ss:$0x1], $0xffff  }
0x5b: {  	v9 =	vld.idx.msk [tilespmem:v8+s17+$0x70 ss:$0x1], $0xffff  }
0x5c: {  	v18 =	vld.idx.msk [tilespmem:v2+s17+$0x0 ss:$0x1], $0xffff;
	v5 =	vmul.f32 v5, v3;
	v6 =	vmul.f32 v6, v4  }
0x5d: {  	v20 =	vld.idx.msk [tilespmem:v2+s17+$0x2000 ss:$0x1], $0xffff  }
0x5e: {  	v21 =	vld.idx.msk [tilespmem:v2+s17+$0x4000 ss:$0x1], $0xffff;
	v5 =	vadd.f32 v6, v5;
	v6 =	vmul.f32 v10, v7  }
0x5f: {  	v22 =	vld.idx.msk [tilespmem:v2+s17+$0x6000 ss:$0x1], $0xffff  }
0x60: {  	v23 =	vld.idx.msk [tilespmem:v2+s17+$0x20 ss:$0x1], $0xffff;
	v5 =	vadd.f32 v6, v5;
	v6 =	vmul.f32 v12, v11  }
0x61: {  	v24 =	vld.idx.msk [tilespmem:v2+s17+$0x4020 ss:$0x1], $0xffff  }
0x62: {  	v25 =	vld.idx.msk [tilespmem:v2+s17+$0x30 ss:$0x1], $0xffff;
	v5 =	vadd.f32 v6, v5;
	v6 =	vmul.f32 v14, v13  }
0x63: {  	v10 =	vld.idx.msk [tilespmem:v2+s17+$0x8070 ss:$0x1], $0xffff  }
0x64: {  	v26 =	vld.idx.msk [tilespmem:v2+s17+$0x4030 ss:$0x1], $0xffff;
	v18 =	vmul.f32 v18, v3;
	v5 =	vadd.f32 v6, v5;
	v6 =	vmul.f32 v16, v15  }
0x65: {  	v27 =	vld.idx.msk [tilespmem:v2+s17+$0x6030 ss:$0x1], $0xffff;
	v20 =	vmul.f32 v20, v3;
	v21 =	vmul.f32 v21, v3  }
0x66: {  	v3 =	vmul.f32 v22, v3;
	v22 =	vld.idx.msk [tilespmem:v2+s17+$0x40 ss:$0x1], $0xffff;
	v5 =	vadd.f32 v6, v5;
	v6 =	vmul.f32 v17, v19  }
0x67: {  	v12 =	vld.idx.msk [tilespmem:v2+s17+$0x10 ss:$0x1], $0xffff  }
0x68: {  	v14 =	vld.idx.msk [tilespmem:v2+s17+$0x2010 ss:$0x1], $0xffff;
	v5 =	vadd.f32 v6, v5;
	v6 =	vmul.f32 v10, v9  }
0x69: {  	v16 =	vld.idx.msk [tilespmem:v2+s17+$0x4010 ss:$0x1], $0xffff  }
0x6a: {  	v17 =	vld.idx.msk [tilespmem:v2+s17+$0x6010 ss:$0x1], $0xffff;
	v5 =	vadd.f32 v6, v5  }
0x6b: {  	v10 =	vld.idx.msk [tilespmem:v2+s17+$0x2020 ss:$0x1], $0xffff  }
0x6c: {  	v12 =	vmul.f32 v12, v4;
	v6 =	vld.idx.msk [tilespmem:v2+s17+$0x6020 ss:$0x1], $0xffff;
	(xrf2) =	vadd.scan.msk.f32 $0xffff, v5  }
0x6d: {  	v14 =	vmul.f32 v14, v4;
	v5 =	vld.idx.msk [tilespmem:v2+s17+$0x2030 ss:$0x1], $0xffff  }
0x6e: {  	v12 =	vadd.f32 v12, v18;
	v18 =	vmul.f32 v23, v7;
	v23 =	vld.idx.msk [tilespmem:v2+s17+$0x4050 ss:$0x1], $0xffff;
	v16 =	vmul.f32 v16, v4  }
0x6f: {  	v61 =	vmov s13;
	v14 =	vadd.f32 v14, v20;
	v4 =	vmul.f32 v17, v4;
	v17 =	vld.idx.msk [tilespmem:v2+s17+$0x2040 ss:$0x1], $0xffff  }
0x70: {  	v20 =	vld.idx.msk [tilespmem:v2+s17+$0x4040 ss:$0x1], $0xffff;
	v12 =	vadd.f32 v18, v12;
	v16 =	vadd.f32 v16, v21;
	v10 =	vmul.f32 v10, v7  }
0x71: {  	v18 =	vld.idx.msk [tilespmem:v2+s17+$0x2050 ss:$0x1], $0xffff;
	v4 =	vadd.f32 v4, v3;
	v3 =	vmul.f32 v24, v7;
	v6 =	vmul.f32 v6, v7  }
0x72: {  	v21 =	vld.idx.msk [tilespmem:v2+s17+$0x6040 ss:$0x1], $0xffff;
	v10 =	vadd.f32 v10, v14;
	v14 =	vmul.f32 v25, v11;
	v5 =	vmul.f32 v5, v11  }
0x73: {  	v7 =	vld.idx.msk [tilespmem:v2+s17+$0x50 ss:$0x1], $0xffff;
	v4 =	vadd.f32 v6, v4;
	v6 =	vmul.f32 v26, v11;
	v11 =	vmul.f32 v27, v11  }
0x74: {  	v16 =	vadd.f32 v3, v16;
	v17 =	vmul.f32 v17, v13;
	v5 =	vadd.f32 v5, v10;
	v10 =	vld.idx.msk [tilespmem:v2+s17+$0x6050 ss:$0x1], $0xffff  }
0x75: {  	v20 =	vmul.f32 v20, v13;
	v12 =	vadd.f32 v14, v12;
	v4 =	vadd.f32 v11, v4;
	v11 =	vld.idx.msk [tilespmem:v2+s17+$0x2060 ss:$0x1], $0xffff  }
0x76: {  	v6 =	vadd.f32 v6, v16;
	v16 =	vld.idx.msk [tilespmem:v2+s17+$0x60 ss:$0x1], $0xffff;
	v5 =	vadd.f32 v17, v5;
	v17 =	vmul.f32 v18, v15;
	v14, _, _ =	vpop (xrf2)  }
0x77: {  	vm10 =	veq.s32 v61, v0;
	v63 =	vld.idx.msk [tilespmem:v2+s17+$0x70 ss:$0x1], $0xffff;
	v62 =	vbroadcast v14, $0xF;
	v14 =	vmul.f32 v22, v13  }
0x78: {  	v3 =	vimm.f32 $0.0e+00;
	v6 =	vadd.f32 v20, v6;
	v13 =	vmul.f32 v21, v13;
	v21 =	vld.idx.msk [tilespmem:v2+s17+$0x4060 ss:$0x1], $0xffff  }
0x79: {  	v7 =	vmul.f32 v7, v15;
	v22 =	vld.idx.msk [tilespmem:v2+s17+$0x6060 ss:$0x1], $0xffff;
	v5 =	vadd.f32 v17, v5;
	v12 =	vadd.f32 v14, v12  }
0x7a: {  	v10 =	vmul.f32 v10, v15;
	v11 =	vmul.f32 v11, v19;
	v4 =	vadd.f32 v13, v4;
	v14 =	vld.idx.msk [tilespmem:v2+s17+$0x2070 ss:$0x1], $0xffff  }
0x7b: {  	v17 =	vmul.f32 v16, v19;
	v13 =	vld.idx.msk [tilespmem:v2+s17+$0x6070 ss:$0x1], $0xffff;
	v7 =	vadd.f32 v7, v12;
	v12 =	vmul.f32 v23, v15  }
0x7c: {  	s18 =	simm.s32 $0x80;
	v18 =	vadd.f32 v11, v5;
	v5 =	vimm.f32 $0.0e+00;
	v15 =	vld.idx.msk [tilespmem:v2+s17+$0x4070 ss:$0x1], $0xffff;
	v16 =	vadd.f32 v10, v4  }
0x7d: {  	v11 =	vld.idx.msk [tilespmem:v8+s18+$0x10 ss:$0x1], $0xffff;
	v4 =	vsel vm10, v62, v3;
	v6 =	vadd.f32 v12, v6;
	v12 =	vmul.f32 v21, v19  }
0x7e: {  	v10 =	vld.idx.msk [tilespmem:v8+s18+$0x0 ss:$0x1], $0xffff;
	v20 =	vmul.f32 v22, v19;
	v17 =	vadd.f32 v17, v7;
	v19 =	vmul.f32 v63, v9  }
0x7f: {  	s19 =	simm.s32 $0x400;
	s17 =	simm.s32 $0x0;
	v21 =	vld.idx.msk [tilespmem:v2+s18+$0x8000 ss:$0x1], $0xffff;
	v7 =	vimm.f32 $0.0e+00;
	v12 =	vadd.f32 v12, v6;
	v6 =	vimm.f32 $0.0e+00  }
.LBB2_5:
0x80: {  	p0 =	sne.s32 s19, $0x1E00;
	v22 =	vld.idx.msk [tilespmem:v2+s18+$0x8010 ss:$0x1], $0xffff;
	v14 =	vmul.f32 v14, v9;
	v16 =	vadd.f32 v20, v16  }
0x81: {  	v15 =	vmul.f32 v15, v9;
	v20 =	vld.idx.msk [tilespmem:v8+s18+$0x20 ss:$0x1], $0xffff;
	v17 =	vadd.f32 v19, v17  }
0x82: {  	v9 =	vmul.f32 v13, v9;
	v19 =	vld.idx.msk [tilespmem:v2+s18+$0x8020 ss:$0x1], $0xffff;
	v18 =	vadd.f32 v14, v18  }
0x83: {  	v15 =	vadd.f32 v15, v12;
	v23 =	vld.idx.msk [tilespmem:v8+s18+$0x30 ss:$0x1], $0xffff;
	(xrf2) =	vadd.scan.msk.f32 $0xffff, v17  }
0x84: {  	v16 =	vadd.f32 v9, v16;
	v17 =	vld.idx.msk [tilespmem:v2+s18+$0x8030 ss:$0x1], $0xffff  }
0x85: {  	v14 =	vld.idx.msk [tilespmem:v8+s18+$0x40 ss:$0x1], $0xffff  }
0x86: {  	v9 =	vmul.f32 v21, v10;
	v12 =	vmul.f32 v22, v11;
	v21 =	vld.idx.msk [tilespmem:v2+s18+$0x8040 ss:$0x1], $0xffff;
	(xrf2) =	vadd.scan.msk.f32 $0xffff, v18  }
0x87: {  	v13 =	vld.idx.msk [tilespmem:v8+s18+$0x50 ss:$0x1], $0xffff  }
0x88: {  	v9 =	vadd.f32 v12, v9;
	v18 =	vmul.f32 v19, v20;
	v19 =	vld.idx.msk [tilespmem:v2+s18+$0x8050 ss:$0x1], $0xffff  }
0x89: {  	v12 =	vld.idx.msk [tilespmem:v8+s18+$0x60 ss:$0x1], $0xffff;
	(xrf2) =	vadd.scan.msk.f32 $0xffff, v15  }
0x8a: {  	v15 =	vadd.f32 v18, v9;
	v17 =	vmul.f32 v17, v23;
	v18 =	vld.idx.msk [tilespmem:v2+s18+$0x8060 ss:$0x1], $0xffff  }
0x8b: {  	v9 =	vld.idx.msk [tilespmem:v8+s18+$0x70 ss:$0x1], $0xffff  }
0x8c: {  	v15 =	vadd.f32 v17, v15;
	v17 =	vmul.f32 v21, v14;
	v21 =	vld.idx.msk [tilespmem:v2+s18+$0x8070 ss:$0x1], $0xffff;
	(xrf2) =	vadd.scan.msk.f32 $0xffff, v16  }
0x8d: {  	v16 =	vld.idx.msk [tilespmem:v2+s18+$0x0 ss:$0x1], $0xffff;
	v22, _, _ =	vpop (xrf2)  }
0x8e: {  	v15 =	vadd.f32 v17, v15;
	v17 =	vmul.f32 v19, v13;
	v24 =	vld.idx.msk [tilespmem:v2+s18+$0x10 ss:$0x1], $0xffff;
	v19 =	vbroadcast v22, $0xF  }
0x8f: {  	v22 =	vld.idx.msk [tilespmem:v2+s18+$0x2000 ss:$0x1], $0xffff  }
0x90: {  	v15 =	vadd.f32 v17, v15;
	v17 =	vmul.f32 v18, v12;
	v25 =	vld.idx.msk [tilespmem:v2+s18+$0x2010 ss:$0x1], $0xffff;
	v3 =	vsel vm10, v19, v3;
	v18, _, _ =	vpop (xrf2)  }
0x91: {  	v19 =	vld.idx.msk [tilespmem:v2+s18+$0x4000 ss:$0x1], $0xffff;
	v27 =	vbroadcast v18, $0xF  }
0x92: {  	v15 =	vadd.f32 v17, v15;
	v17 =	vmul.f32 v21, v9;
	v26 =	vld.idx.msk [tilespmem:v2+s18+$0x4010 ss:$0x1], $0xffff  }
0x93: {  	v16 =	vmul.f32 v16, v10;
	v21 =	vld.idx.msk [tilespmem:v2+s18+$0x6000 ss:$0x1], $0xffff;
	v7 =	vsel vm10, v27, v7;
	v18, _, _ =	vpop (xrf2)  }
0x94: {  	v24 =	vmul.f32 v24, v11;
	v28 =	vadd.f32 v17, v15;
	v27 =	vld.idx.msk [tilespmem:v2+s18+$0x6010 ss:$0x1], $0xffff;
	v17 =	vbroadcast v18, $0xF  }
0x95: {  	v22 =	vmul.f32 v22, v10;
	v18 =	vld.idx.msk [tilespmem:v2+s18+$0x20 ss:$0x1], $0xffff  }
0x96: {  	v16 =	vadd.f32 v24, v16;
	v24 =	vmul.f32 v25, v11;
	v25 =	vld.idx.msk [tilespmem:v2+s18+$0x2020 ss:$0x1], $0xffff;
	(xrf2) =	vadd.scan.msk.f32 $0xffff, v28;
	v15, _, _ =	vpop (xrf2)  }
0x97: {  	v19 =	vmul.f32 v19, v10;
	v6 =	vsel vm10, v17, v6;
	v28 =	vld.idx.msk [tilespmem:v2+s18+$0x4020 ss:$0x1], $0xffff;
	v15 =	vbroadcast v15, $0xF  }
0x98: {  	v17 =	vadd.f32 v24, v22;
	v22 =	vmul.f32 v26, v11;
	v24 =	vld.idx.msk [tilespmem:v2+s18+$0x6020 ss:$0x1], $0xffff  }
0x99: {  	v10 =	vmul.f32 v21, v10;
	v26 =	vld.idx.msk [tilespmem:v2+s18+$0x30 ss:$0x1], $0xffff;
	v5 =	vsel vm10, v15, v5  }
0x9a: {  	v19 =	vadd.f32 v22, v19;
	v11 =	vmul.f32 v27, v11;
	v15 =	vld.idx.msk [tilespmem:v2+s18+$0x2030 ss:$0x1], $0xffff  }
0x9b: {  	v18 =	vmul.f32 v18, v20;
	v21 =	vld.idx.msk [tilespmem:v2+s18+$0x4030 ss:$0x1], $0xffff  }
0x9c: {  	v22 =	vmul.f32 v25, v20;
	v10 =	vadd.f32 v11, v10;
	v11 =	vld.idx.msk [tilespmem:v2+s18+$0x6030 ss:$0x1], $0xffff  }
0x9d: {  	v16 =	vadd.f32 v18, v16;
	v25 =	vmul.f32 v28, v20;
	v18 =	vld.idx.msk [tilespmem:v2+s18+$0x40 ss:$0x1], $0xffff  }
0x9e: {  	v17 =	vadd.f32 v22, v17;
	v20 =	vmul.f32 v24, v20;
	v22 =	vld.idx.msk [tilespmem:v2+s18+$0x2040 ss:$0x1], $0xffff  }
0x9f: {  	v24 =	vmul.f32 v26, v23;
	v19 =	vadd.f32 v25, v19;
	v25 =	vld.idx.msk [tilespmem:v2+s18+$0x4040 ss:$0x1], $0xffff  }
0xa0: {  	s17 =	sadd.s32 $0x1, s17;
	v15 =	vmul.f32 v15, v23;
	v10 =	vadd.f32 v20, v10;
	v20 =	vld.idx.msk [tilespmem:v2+s18+$0x6040 ss:$0x1], $0xffff;
	v26, _, _ =	vpop (xrf2)  }
0xa1: {  	v28 =	vmov s17;
	v21 =	vmul.f32 v21, v23;
	v27 =	vld.idx.msk [tilespmem:v2+s18+$0x50 ss:$0x1], $0xffff;
	v26 =	vbroadcast v26, $0xF  }
0xa2: {  	vm10 =	veq.s32 v28, v0;
	v16 =	vadd.f32 v24, v16;
	v11 =	vmul.f32 v11, v23;
	v24 =	vld.idx.msk [tilespmem:v2+s18+$0x2050 ss:$0x1], $0xffff  }
0xa3: {  	v15 =	vadd.f32 v15, v17;
	v17 =	vadd.f32 v21, v19;
	v19 =	vld.idx.msk [tilespmem:v2+s18+$0x4050 ss:$0x1], $0xffff;
	v4 =	vsel vm10, v26, v4  }
0xa4: {  	v18 =	vmul.f32 v18, v14;
	v21 =	vmul.f32 v22, v14;
	v10 =	vadd.f32 v11, v10;
	v11 =	vld.idx.msk [tilespmem:v2+s18+$0x6050 ss:$0x1], $0xffff  }
0xa5: {  	v23 =	vmul.f32 v25, v14;
	v22 =	vld.idx.msk [tilespmem:v2+s18+$0x60 ss:$0x1], $0xffff  }
0xa6: {  	v16 =	vadd.f32 v18, v16;
	v15 =	vadd.f32 v21, v15;
	v14 =	vmul.f32 v20, v14;
	v18 =	vld.idx.msk [tilespmem:v2+s18+$0x2060 ss:$0x1], $0xffff  }
0xa7: {  	v20 =	vmul.f32 v27, v13;
	v17 =	vadd.f32 v23, v17;
	v21 =	vld.idx.msk [tilespmem:v2+s18+$0x4060 ss:$0x1], $0xffff  }
0xa8: {  	v23 =	vmul.f32 v24, v13;
	v10 =	vadd.f32 v14, v10;
	v24 =	vld.idx.msk [tilespmem:v2+s18+$0x6060 ss:$0x1], $0xffff  }
0xa9: {  	v20 =	vadd.f32 v20, v16;
	v16 =	vmul.f32 v19, v13;
	v25 =	vld.idx.msk [tilespmem:v2+s18+$0x70 ss:$0x1], $0xffff  }
0xaa: {  	v19 =	vadd.f32 v23, v15;
	v11 =	vmul.f32 v11, v13;
	v14 =	vld.idx.msk [tilespmem:v2+s18+$0x2070 ss:$0x1], $0xffff  }
.Ltmp3:
0xab: {  	v22 =	vmul.f32 v22, v12;
	v23 =	vadd.f32 v16, v17;
	v15 =	vld.idx.msk [tilespmem:v2+s18+$0x4070 ss:$0x1], $0xffff;
	(pc) =	sbr.rel @p0 .LBB2_5-.Ltmp3, $4  }
0xac: {  	v18 =	vmul.f32 v18, v12;
	v16 =	vadd.f32 v11, v10;
	v13 =	vld.idx.msk [tilespmem:v2+s18+$0x6070 ss:$0x1], $0xffff;
	s18 =	sshra.s32 s19, $0x2  }
0xad: {  	v17 =	vadd.f32 v22, v20;
	v22 =	vmul.f32 v21, v12;
	v10 =	vld.idx.msk [tilespmem:v8+s18+$0x0 ss:$0x1], $0xffff  }
0xae: {  	v18 =	vadd.f32 v18, v19;
	v20 =	vmul.f32 v24, v12;
	v11 =	vld.idx.msk [tilespmem:v8+s18+$0x10 ss:$0x1], $0xffff  }
0xaf: {  	s19 =	sadd.s32 $0x200, s19;
	v19 =	vmul.f32 v25, v9;
	v12 =	vadd.f32 v22, v23;
	v21 =	vld.idx.msk [tilespmem:v2+s18+$0x8000 ss:$0x1], $0xffff  }
0xb0: {  	_ =	sdelay $0x3  }
0xb1: {  	v22 =	vld.idx.msk [tilespmem:v2+s18+$0x8010 ss:$0x1], $0xffff  }
0xb2: {  	v23 =	vld.idx.msk [tilespmem:v8+s18+$0x20 ss:$0x1], $0xffff  }
0xb3: {  	v24 =	vld.idx.msk [tilespmem:v2+s18+$0x8020 ss:$0x1], $0xffff  }
0xb4: {  	v25 =	vld.idx.msk [tilespmem:v8+s18+$0x30 ss:$0x1], $0xffff  }
0xb5: {  	v26 =	vld.idx.msk [tilespmem:v2+s18+$0x8030 ss:$0x1], $0xffff  }
0xb6: {  	v27 =	vld.idx.msk [tilespmem:v8+s18+$0x40 ss:$0x1], $0xffff  }
0xb7: {  	v28 =	vld.idx.msk [tilespmem:v2+s18+$0x8040 ss:$0x1], $0xffff  }
0xb8: {  	v29 =	vld.idx.msk [tilespmem:v8+s18+$0x50 ss:$0x1], $0xffff  }
0xb9: {  	v30 =	vld.idx.msk [tilespmem:v2+s18+$0x8050 ss:$0x1], $0xffff  }
0xba: {  	v31 =	vld.idx.msk [tilespmem:v8+s18+$0x60 ss:$0x1], $0xffff  }
0xbb: {  	v32 =	vld.idx.msk [tilespmem:v2+s18+$0x8060 ss:$0x1], $0xffff  }
0xbc: {  	v8 =	vld.idx.msk [tilespmem:v8+s18+$0x70 ss:$0x1], $0xffff  }
0xbd: {  	v33 =	vld.idx.msk [tilespmem:v2+s18+$0x8070 ss:$0x1], $0xffff  }
0xbe: {  	v34 =	vld.idx.msk [tilespmem:v2+s18+$0x0 ss:$0x1], $0xffff  }
0xbf: {  	v35 =	vld.idx.msk [tilespmem:v2+s18+$0x10 ss:$0x1], $0xffff  }
0xc0: {  	v36 =	vld.idx.msk [tilespmem:v2+s18+$0x2000 ss:$0x1], $0xffff  }
0xc1: {  	v37 =	vld.idx.msk [tilespmem:v2+s18+$0x2010 ss:$0x1], $0xffff  }
0xc2: {  	v38 =	vld.idx.msk [tilespmem:v2+s18+$0x4000 ss:$0x1], $0xffff  }
0xc3: {  	v39 =	vld.idx.msk [tilespmem:v2+s18+$0x4010 ss:$0x1], $0xffff  }
0xc4: {  	v51 =	vld.idx.msk [tilespmem:v2+s18+$0x6000 ss:$0x1], $0xffff  }
0xc5: {  	v40 =	vld.idx.msk [tilespmem:v2+s18+$0x6010 ss:$0x1], $0xffff  }
0xc6: {  	v53 =	vld.idx.msk [tilespmem:v2+s18+$0x20 ss:$0x1], $0xffff  }
0xc7: {  	v41 =	vld.idx.msk [tilespmem:v2+s18+$0x2020 ss:$0x1], $0xffff;
	v14 =	vmul.f32 v14, v9;
	v15 =	vmul.f32 v15, v9  }
0xc8: {  	v55 =	vld.idx.msk [tilespmem:v2+s18+$0x4020 ss:$0x1], $0xffff;
	v59 =	vmul.f32 v13, v9;
	v21 =	vmul.f32 v21, v10  }
0xc9: {  	v42 =	vld.idx.msk [tilespmem:v2+s18+$0x6020 ss:$0x1], $0xffff;
	v22 =	vmul.f32 v22, v11;
	v50 =	vmul.f32 v24, v23  }
0xca: {  	v57 =	vld.idx.msk [tilespmem:v2+s18+$0x30 ss:$0x1], $0xffff;
	v16 =	vadd.f32 v20, v16;
	v52 =	vmul.f32 v26, v25;
	v54 =	vmul.f32 v28, v27  }
0xcb: {  	v20 =	vld.idx.msk [tilespmem:v2+s18+$0x2030 ss:$0x1], $0xffff;
	v17 =	vadd.f32 v19, v17;
	v56 =	vmul.f32 v30, v29;
	v58 =	vmul.f32 v32, v31  }
0xcc: {  	v43 =	vld.idx.msk [tilespmem:v2+s18+$0x2040 ss:$0x1], $0xffff;
	v14 =	vadd.f32 v14, v18;
	v61 =	vmul.f32 v33, v8;
	v62 =	vmul.f32 v34, v10  }
0xcd: {  	v49 =	vld.idx.msk [tilespmem:v2+s18+$0x6040 ss:$0x1], $0xffff;
	v63 =	vmul.f32 v35, v11;
	v44 =	vmul.f32 v36, v10;
	v21 =	vadd.f32 v22, v21  }
0xce: {  	v13 =	vld.idx.msk [tilespmem:v2+s18+$0x6030 ss:$0x1], $0xffff;
	v12 =	vadd.f32 v15, v12;
	v45 =	vmul.f32 v37, v11;
	v47 =	vmul.f32 v38, v10  }
0xcf: {  	v46 =	vld.idx.msk [tilespmem:v2+s18+$0x4040 ss:$0x1], $0xffff;
	v48 =	vmul.f32 v39, v11;
	v26 =	vmul.f32 v53, v23;
	v21 =	vadd.f32 v50, v21  }
0xd0: {  	v19 =	vld.idx.msk [tilespmem:v2+s18+$0x40 ss:$0x1], $0xffff;
	v9 =	vadd.f32 v59, v16;
	v53 =	vmul.f32 v41, v23;
	v55 =	vmul.f32 v55, v23  }
0xd1: {  	v59 =	vld.idx.msk [tilespmem:v2+s18+$0x60 ss:$0x1], $0xffff;
	v23 =	vmul.f32 v42, v23;
	v57 =	vmul.f32 v57, v25;
	v21 =	vadd.f32 v52, v21  }
0xd2: {  	v32 =	vld.idx.msk [tilespmem:v2+s18+$0x4030 ss:$0x1], $0xffff;
	v20 =	vmul.f32 v20, v25;
	v34 =	vmul.f32 v49, v27;
	v16 =	vadd.f32 v63, v62  }
0xd3: {  	v38 =	vld.idx.msk [tilespmem:v2+s18+$0x2070 ss:$0x1], $0xffff;
	v13 =	vmul.f32 v13, v25;
	v18 =	vadd.f32 v45, v44;
	v21 =	vadd.f32 v54, v21  }
0xd4: {  	v63 =	vld.idx.msk [tilespmem:v2+s18+$0x4060 ss:$0x1], $0xffff;
	v50 =	vmul.f32 v51, v10;
	v51 =	vmul.f32 v40, v11;
	v16 =	vadd.f32 v26, v16  }
0xd5: {  	v19 =	vmul.f32 v19, v27;
	v18 =	vadd.f32 v53, v18;
	v52 =	vld.idx.msk [tilespmem:v2+s18+$0x50 ss:$0x1], $0xffff;
	v21 =	vadd.f32 v56, v21  }
0xd6: {  	v62 =	vmul.f32 v43, v27;
	v10 =	vadd.f32 v51, v50;
	v16 =	vadd.f32 v57, v16;
	v54 =	vld.idx.msk [tilespmem:v2+s18+$0x2050 ss:$0x1], $0xffff  }
0xd7: {  	v42 =	vmul.f32 v59, v31;
	v56 =	vld.idx.msk [tilespmem:v2+s18+$0x4050 ss:$0x1], $0xffff;
	v60 =	vadd.f32 v58, v21;
	v21 =	vadd.f32 v48, v47  }
0xd8: {  	v49 =	vmul.f32 v38, v8;
	v18 =	vadd.f32 v20, v18;
	v10 =	vadd.f32 v23, v10;
	v58 =	vld.idx.msk [tilespmem:v2+s18+$0x6050 ss:$0x1], $0xffff  }
0xd9: {  	v15 =	vadd.f32 v61, v60;
	v11 =	vadd.f32 v55, v21;
	v60 =	vmul.f32 v32, v25;
	v61 =	vld.idx.msk [tilespmem:v2+s18+$0x2060 ss:$0x1], $0xffff  }
0xda: {  	v36 =	vld.idx.msk [tilespmem:v2+s18+$0x70 ss:$0x1], $0xffff;
	v45 =	vmul.f32 v63, v31;
	v16 =	vadd.f32 v19, v16;
	v10 =	vadd.f32 v13, v10  }
0xdb: {  	v33 =	vld.idx.msk [tilespmem:v2+s18+$0x6060 ss:$0x1], $0xffff;
	v24 =	vmul.f32 v52, v29;
	v32 =	vmul.f32 v46, v27;
	v11 =	vadd.f32 v60, v11  }
0xdc: {  	v41 =	vld.idx.msk [tilespmem:v2+s18+$0x4070 ss:$0x1], $0xffff;
	v18 =	vadd.f32 v62, v18;
	v10 =	vadd.f32 v34, v10;
	v37 =	vmul.f32 v54, v29  }
0xdd: {  	v16 =	vadd.f32 v24, v16;
	v2 =	vld.idx.msk [tilespmem:v2+s18+$0x6070 ss:$0x1], $0xffff;
	v39 =	vmul.f32 v56, v29;
	v11 =	vadd.f32 v32, v11  }
0xde: {  	(xrf2) =	vadd.scan.msk.f32 $0xffff, v17;
	v13 =	vadd.f32 v37, v18;
	v40 =	vmul.f32 v58, v29;
	v43 =	vmul.f32 v61, v31  }
0xdf: {  	(xrf2) =	vadd.scan.msk.f32 $0xffff, v14;
	v46 =	vmul.f32 v36, v8;
	v44 =	vadd.f32 v42, v16;
	v11 =	vadd.f32 v39, v11  }
0xe0: {  	(xrf2) =	vadd.scan.msk.f32 $0xffff, v12;
	v48 =	vmul.f32 v33, v31;
	v10 =	vadd.f32 v40, v10;
	v47 =	vadd.f32 v43, v13  }
0xe1: {  	(xrf2) =	vadd.scan.msk.f32 $0xffff, v9;
	v52 =	vmul.f32 v41, v8;
	v51 =	vadd.f32 v46, v44;
	v50 =	vadd.f32 v45, v11  }
0xe2: {  	(xrf2) =	vadd.scan.msk.f32 $0xffff, v15;
	v2 =	vmul.f32 v2, v8;
	v10 =	vadd.f32 v48, v10;
	v12 =	vadd.f32 v49, v47  }
0xe3: {  	(xrf2) =	vadd.scan.msk.f32 $0xffff, v51;
	v53 =	vadd.f32 v52, v50  }
0xe4: {  	v2 =	vadd.f32 v2, v10;
	(xrf2) =	vadd.scan.msk.f32 $0xffff, v12  }
0xe5: {  	(xrf2) =	vadd.scan.msk.f32 $0xffff, v53  }
0xe6: {  	(xrf2) =	vadd.scan.msk.f32 $0xffff, v2;
	_ =	sdelay $0x1  }
0xe7: {  	v2, _, _ =	vpop (xrf2)  }
0xe8: {  	v54, _, _ =	vpop (xrf2)  }
0xe9: {  	v55, _, _ =	vpop (xrf2)  }
0xea: {  	v2 =	vbroadcast v2, $0xF;
	v56, _, _ =	vpop (xrf2)  }
0xeb: {  	s17 =	sadd.s32 $0x1, s17;
	v57, _, _ =	vpop (xrf2)  }
0xec: {  	v58 =	vmov s17;
	v8 =	vbroadcast v54, $0xF;
	v2 =	vsel vm10, v2, v3;
	v3, _, _ =	vpop (xrf2)  }
0xed: {  	vm11 =	veq.s32 v58, v0;
	v3 =	vbroadcast v3, $0xF;
	v12, _, _ =	vpop (xrf2)  }
0xee: {  	s19 =	sshll.u32 s16, $0x4;
	s16 =	sadd.s32 $0x1, s16;
	v9 =	vbroadcast v55, $0xF;
	v7 =	vsel vm10, v8, v7;
	v59 =	vbroadcast v12, $0xF;
	v60, _, _ =	vpop (xrf2)  }
0xef: {  	p0 =	seq.s32 s16, $0x4;
	s17 =	sand.u32 $0x3FFFFFF0, s19;
	v10 =	vbroadcast v56, $0xF;
	v2 =	vsel vm11, v3, v2;
	v3 =	vbroadcast v60, $0xF;
	v61, _, _ =	vpop (xrf2)  }
.Ltmp4:
0xf0: {  	v6 =	vsel vm10, v9, v6;
	[tilespmem:v1+s17+$0x0 ss:$0x1] =	vst.idx.msk $0xffff, v2;
	v7 =	vsel vm11, v59, v7;
	v62 =	vbroadcast v61, $0xF;
	(pc) =	sbr.rel @!p0 .LBB2_4-.Ltmp4, $4  }
.Ltmp5:
0xf1: {  	v63 =	vbroadcast v57, $0xF;
	v2 =	vsel vm10, v10, v5;
	v3 =	vsel vm11, v3, v6;
	[tilespmem:v1+s17+$0x80 ss:$0x1] =	vst.idx.msk $0xffff, v7;
	(pc) =	sbr.rel @p0 .LBB2_11-.Ltmp5, $4  }
0xf2: {  	v2 =	vsel vm11, v62, v2;
	[tilespmem:v1+s17+$0x100 ss:$0x1] =	vst.idx.msk $0xffff, v3  }
0xf3: {  	v3 =	vsel vm11, v63, v4;
	[tilespmem:v1+s17+$0x180 ss:$0x1] =	vst.idx.msk $0xffff, v2  }
0xf4: {  	s14 =	sadd.s32 $0x800, s14;
	s15 =	sadd.s32 $0x800, s15;
	[tilespmem:v1+s17+$0x200 ss:$0x1] =	vst.idx.msk $0xffff, v3  }
0xf5: {  	_ = 	snop  }
.LBB2_7:
0xf6: {  	_ =	swait.ge [sflag:s2], $0x2000  }
0xf7: {  	[sflag:s2] =	ssyncset.done $0x0  }
0xf8: {  	[sflag:s2] =	ssyncadd.s32 $0xFFFFE000  }
0xf9: {  	_ =	swait.ge [sflag:s2], $0x2000  }
0xfa: {  	[sflag:s2] =	ssyncset.done $0x0  }
0xfb: {  	[sflag:s2] =	ssyncadd.s32 $0xFFFFE000  }
0xfc: {  	_ =	swait.ge [sflag:s2], $0x2000  }
0xfd: {  	[sflag:s2] =	ssyncset.done $0x0  }
0xfe: {  	[sflag:s2] =	ssyncadd.s32 $0xFFFFE000  }
0xff: {  	_ =	swait.ge [sflag:s2], $0x2000  }
0x100: {  	[sflag:s2] =	ssyncset.done $0x0  }
0x101: {  	[sflag:s2] =	ssyncadd.s32 $0xFFFFE000  }
0x102: {  	_ =	swait.ge [sflag:s2], $0x2000  }
0x103: {  	p0 =	seq.s32 s12, $0x7;
	[sflag:s2] =	ssyncset.done $0x0  }
0x104: {  	s13 =	sadd.s32 @!p0 $0x1, s12;
	[sflag:s2] =	ssyncadd.s32 $0xFFFFE000  }
0x105: {  	s15 =	simm.s32 @!p0 $0x40;
	s14 =	sshll.u32 @!p0 s13, $0x6;
	_ =	swait.ge [sflag:s2], $0x2000  }
0x106: {  	s13 =	sshll.u32 @!p0 s13, $0x9;
	s14 =	sand.u32 @!p0 $0x3FFFFFC0, s14;
	[sflag:s2] =	ssyncset.done $0x0  }
0x107: {  	s16 =	simm.s32 @!p0 $0x1200;
	s13 =	sand.u32 @!p0 $0x3FFFFE00, s13;
	[sflag:s2] =	ssyncadd.s32 $0xFFFFE000  }
0x108: {  	[tilespmem:s16], [sflag:$0x1] =	stream.indirect.gather @!p0 [hbm4b:s1+s15], $0x80, s14, s15, $0xb8;
	[tilespmem:$0x1A480] =	vst v63  }
0x109: {  	s14 =	sadd.s32 @!p0 $0x200, s13;
	s16 =	simm.s32 @!p0 $0x5200  }
0x10a: {  	[tilespmem:s16], [sflag:$0x1] =	stream.indirect.gather @!p0 [hbm4b:s1+s15], $0x80, s14, s15, $0xb8;
	[tilespmem:$0x1A480] =	vst v63  }
0x10b: {  	s14 =	sadd.s32 @!p0 $0x280, s13;
	s16 =	simm.s32 @!p0 $0x7200  }
0x10c: {  	[tilespmem:s16], [sflag:$0x1] =	stream.indirect.gather @!p0 [hbm4b:s1+s15], $0x80, s14, s15, $0xb8;
	[tilespmem:$0x1A480] =	vst v63  }
0x10d: {  	s14 =	sadd.s32 @!p0 $0x300, s13;
	s16 =	simm.s32 @!p0 $0x9200  }
0x10e: {  	[tilespmem:s16], [sflag:$0x1] =	stream.indirect.gather @!p0 [hbm4b:s1+s15], $0x80, s14, s15, $0xb8;
	[tilespmem:$0x1A480] =	vst v63  }
0x10f: {  	s14 =	sadd.s32 @!p0 $0x380, s13;
	s16 =	simm.s32 @!p0 $0xB200  }
0x110: {  	[tilespmem:s16], [sflag:$0x1] =	stream.indirect.gather @!p0 [hbm4b:s1+s15], $0x80, s14, s15, $0xb8;
	[tilespmem:$0x1A480] =	vst v63  }
0x111: {  	s18 =	sshll.u32 s12, $0x9;
	s13 =	sadd.s32 @!p0 $0x400, s13;
	s14 =	simm.s32 @!p0 $0xD200  }
0x112: {  	[tilespmem:s14], [sflag:$0x1] =	stream.indirect.gather @!p0 [hbm4b:s1+s15], $0x80, s13, s15, $0xb8;
	[tilespmem:$0x1A480] =	vst v63  }
0x113: {  	s13 =	sand.u32 $0xC00, s18  }
0x114: {  	s16 =	simm.s32 $0x0;
	s19 =	sor.u32 $0x19200, s13  }
0x115: {  	s14 =	simm.s32 $0xF200;
	s15 =	simm.s32 $0x3200;
	s13 =	simm.s32 $0x0;
	v1 =	vmov s19  }
.LBB2_8:
0x116: {  	v8 =	vmov s15;
	_ =	sdelay $0x1  }
0x117: {  	v2 =	vmov s14;
	_ =	sdelay $0x1  }
0x118: {  	s17 =	simm.s32 $0x0  }
0x119: {  	v3 =	vld.idx.msk [tilespmem:v8+s17+$0x0 ss:$0x1], $0xffff  }
0x11a: {  	v4 =	vld.idx.msk [tilespmem:v8+s17+$0x10 ss:$0x1], $0xffff  }
0x11b: {  	v5 =	vld.idx.msk [tilespmem:v2+s17+$0x8000 ss:$0x1], $0xffff  }
0x11c: {  	v6 =	vld.idx.msk [tilespmem:v2+s17+$0x8010 ss:$0x1], $0xffff  }
0x11d: {  	v7 =	vld.idx.msk [tilespmem:v8+s17+$0x20 ss:$0x1], $0xffff  }
0x11e: {  	v10 =	vld.idx.msk [tilespmem:v2+s17+$0x8020 ss:$0x1], $0xffff  }
0x11f: {  	v11 =	vld.idx.msk [tilespmem:v8+s17+$0x30 ss:$0x1], $0xffff  }
0x120: {  	v12 =	vld.idx.msk [tilespmem:v2+s17+$0x8030 ss:$0x1], $0xffff  }
0x121: {  	v13 =	vld.idx.msk [tilespmem:v8+s17+$0x40 ss:$0x1], $0xffff  }
0x122: {  	v14 =	vld.idx.msk [tilespmem:v2+s17+$0x8040 ss:$0x1], $0xffff  }
0x123: {  	v15 =	vld.idx.msk [tilespmem:v8+s17+$0x50 ss:$0x1], $0xffff  }
0x124: {  	v16 =	vld.idx.msk [tilespmem:v2+s17+$0x8050 ss:$0x1], $0xffff  }
0x125: {  	v19 =	vld.idx.msk [tilespmem:v8+s17+$0x60 ss:$0x1], $0xffff  }
0x126: {  	v17 =	vld.idx.msk [tilespmem:v2+s17+$0x8060 ss:$0x1], $0xffff  }
0x127: {  	v9 =	vld.idx.msk [tilespmem:v8+s17+$0x70 ss:$0x1], $0xffff  }
0x128: {  	v18 =	vld.idx.msk [tilespmem:v2+s17+$0x0 ss:$0x1], $0xffff;
	v5 =	vmul.f32 v5, v3;
	v6 =	vmul.f32 v6, v4  }
0x129: {  	v20 =	vld.idx.msk [tilespmem:v2+s17+$0x2000 ss:$0x1], $0xffff  }
0x12a: {  	v21 =	vld.idx.msk [tilespmem:v2+s17+$0x4000 ss:$0x1], $0xffff;
	v5 =	vadd.f32 v6, v5;
	v6 =	vmul.f32 v10, v7  }
0x12b: {  	v22 =	vld.idx.msk [tilespmem:v2+s17+$0x6000 ss:$0x1], $0xffff  }
0x12c: {  	v23 =	vld.idx.msk [tilespmem:v2+s17+$0x20 ss:$0x1], $0xffff;
	v5 =	vadd.f32 v6, v5;
	v6 =	vmul.f32 v12, v11  }
0x12d: {  	v24 =	vld.idx.msk [tilespmem:v2+s17+$0x4020 ss:$0x1], $0xffff  }
0x12e: {  	v25 =	vld.idx.msk [tilespmem:v2+s17+$0x30 ss:$0x1], $0xffff;
	v5 =	vadd.f32 v6, v5;
	v6 =	vmul.f32 v14, v13  }
0x12f: {  	v10 =	vld.idx.msk [tilespmem:v2+s17+$0x8070 ss:$0x1], $0xffff  }
0x130: {  	v26 =	vld.idx.msk [tilespmem:v2+s17+$0x4030 ss:$0x1], $0xffff;
	v18 =	vmul.f32 v18, v3;
	v5 =	vadd.f32 v6, v5;
	v6 =	vmul.f32 v16, v15  }
0x131: {  	v27 =	vld.idx.msk [tilespmem:v2+s17+$0x6030 ss:$0x1], $0xffff;
	v20 =	vmul.f32 v20, v3;
	v21 =	vmul.f32 v21, v3  }
0x132: {  	v3 =	vmul.f32 v22, v3;
	v22 =	vld.idx.msk [tilespmem:v2+s17+$0x40 ss:$0x1], $0xffff;
	v5 =	vadd.f32 v6, v5;
	v6 =	vmul.f32 v17, v19  }
0x133: {  	v12 =	vld.idx.msk [tilespmem:v2+s17+$0x10 ss:$0x1], $0xffff  }
0x134: {  	v14 =	vld.idx.msk [tilespmem:v2+s17+$0x2010 ss:$0x1], $0xffff;
	v5 =	vadd.f32 v6, v5;
	v6 =	vmul.f32 v10, v9  }
0x135: {  	v16 =	vld.idx.msk [tilespmem:v2+s17+$0x4010 ss:$0x1], $0xffff  }
0x136: {  	v17 =	vld.idx.msk [tilespmem:v2+s17+$0x6010 ss:$0x1], $0xffff;
	v5 =	vadd.f32 v6, v5  }
0x137: {  	v10 =	vld.idx.msk [tilespmem:v2+s17+$0x2020 ss:$0x1], $0xffff  }
0x138: {  	v12 =	vmul.f32 v12, v4;
	v6 =	vld.idx.msk [tilespmem:v2+s17+$0x6020 ss:$0x1], $0xffff;
	(xrf2) =	vadd.scan.msk.f32 $0xffff, v5  }
0x139: {  	v14 =	vmul.f32 v14, v4;
	v5 =	vld.idx.msk [tilespmem:v2+s17+$0x2030 ss:$0x1], $0xffff  }
0x13a: {  	v12 =	vadd.f32 v12, v18;
	v18 =	vmul.f32 v23, v7;
	v23 =	vld.idx.msk [tilespmem:v2+s17+$0x4050 ss:$0x1], $0xffff;
	v16 =	vmul.f32 v16, v4  }
0x13b: {  	v61 =	vmov s13;
	v14 =	vadd.f32 v14, v20;
	v4 =	vmul.f32 v17, v4;
	v17 =	vld.idx.msk [tilespmem:v2+s17+$0x2040 ss:$0x1], $0xffff  }
0x13c: {  	v20 =	vld.idx.msk [tilespmem:v2+s17+$0x4040 ss:$0x1], $0xffff;
	v12 =	vadd.f32 v18, v12;
	v16 =	vadd.f32 v16, v21;
	v10 =	vmul.f32 v10, v7  }
0x13d: {  	v18 =	vld.idx.msk [tilespmem:v2+s17+$0x2050 ss:$0x1], $0xffff;
	v4 =	vadd.f32 v4, v3;
	v3 =	vmul.f32 v24, v7;
	v6 =	vmul.f32 v6, v7  }
0x13e: {  	v21 =	vld.idx.msk [tilespmem:v2+s17+$0x6040 ss:$0x1], $0xffff;
	v10 =	vadd.f32 v10, v14;
	v14 =	vmul.f32 v25, v11;
	v5 =	vmul.f32 v5, v11  }
0x13f: {  	v7 =	vld.idx.msk [tilespmem:v2+s17+$0x50 ss:$0x1], $0xffff;
	v4 =	vadd.f32 v6, v4;
	v6 =	vmul.f32 v26, v11;
	v11 =	vmul.f32 v27, v11  }
0x140: {  	v16 =	vadd.f32 v3, v16;
	v17 =	vmul.f32 v17, v13;
	v5 =	vadd.f32 v5, v10;
	v10 =	vld.idx.msk [tilespmem:v2+s17+$0x6050 ss:$0x1], $0xffff  }
0x141: {  	v20 =	vmul.f32 v20, v13;
	v12 =	vadd.f32 v14, v12;
	v4 =	vadd.f32 v11, v4;
	v11 =	vld.idx.msk [tilespmem:v2+s17+$0x2060 ss:$0x1], $0xffff  }
0x142: {  	v6 =	vadd.f32 v6, v16;
	v16 =	vld.idx.msk [tilespmem:v2+s17+$0x60 ss:$0x1], $0xffff;
	v5 =	vadd.f32 v17, v5;
	v17 =	vmul.f32 v18, v15;
	v14, _, _ =	vpop (xrf2)  }
0x143: {  	vm10 =	veq.s32 v61, v0;
	v63 =	vld.idx.msk [tilespmem:v2+s17+$0x70 ss:$0x1], $0xffff;
	v62 =	vbroadcast v14, $0xF;
	v14 =	vmul.f32 v22, v13  }
0x144: {  	v3 =	vimm.f32 $0.0e+00;
	v6 =	vadd.f32 v20, v6;
	v13 =	vmul.f32 v21, v13;
	v21 =	vld.idx.msk [tilespmem:v2+s17+$0x4060 ss:$0x1], $0xffff  }
0x145: {  	v7 =	vmul.f32 v7, v15;
	v22 =	vld.idx.msk [tilespmem:v2+s17+$0x6060 ss:$0x1], $0xffff;
	v5 =	vadd.f32 v17, v5;
	v12 =	vadd.f32 v14, v12  }
0x146: {  	v10 =	vmul.f32 v10, v15;
	v11 =	vmul.f32 v11, v19;
	v4 =	vadd.f32 v13, v4;
	v14 =	vld.idx.msk [tilespmem:v2+s17+$0x2070 ss:$0x1], $0xffff  }
0x147: {  	v17 =	vmul.f32 v16, v19;
	v13 =	vld.idx.msk [tilespmem:v2+s17+$0x6070 ss:$0x1], $0xffff;
	v7 =	vadd.f32 v7, v12;
	v12 =	vmul.f32 v23, v15  }
0x148: {  	s18 =	simm.s32 $0x80;
	v18 =	vadd.f32 v11, v5;
	v5 =	vimm.f32 $0.0e+00;
	v15 =	vld.idx.msk [tilespmem:v2+s17+$0x4070 ss:$0x1], $0xffff;
	v16 =	vadd.f32 v10, v4  }
0x149: {  	v11 =	vld.idx.msk [tilespmem:v8+s18+$0x10 ss:$0x1], $0xffff;
	v4 =	vsel vm10, v62, v3;
	v6 =	vadd.f32 v12, v6;
	v12 =	vmul.f32 v21, v19  }
0x14a: {  	v10 =	vld.idx.msk [tilespmem:v8+s18+$0x0 ss:$0x1], $0xffff;
	v20 =	vmul.f32 v22, v19;
	v17 =	vadd.f32 v17, v7;
	v19 =	vmul.f32 v63, v9  }
0x14b: {  	s19 =	simm.s32 $0x400;
	s17 =	simm.s32 $0x0;
	v21 =	vld.idx.msk [tilespmem:v2+s18+$0x8000 ss:$0x1], $0xffff;
	v7 =	vimm.f32 $0.0e+00;
	v12 =	vadd.f32 v12, v6;
	v6 =	vimm.f32 $0.0e+00  }
.LBB2_9:
0x14c: {  	p0 =	sne.s32 s19, $0x1E00;
	v22 =	vld.idx.msk [tilespmem:v2+s18+$0x8010 ss:$0x1], $0xffff;
	v14 =	vmul.f32 v14, v9;
	v16 =	vadd.f32 v20, v16  }
0x14d: {  	v15 =	vmul.f32 v15, v9;
	v20 =	vld.idx.msk [tilespmem:v8+s18+$0x20 ss:$0x1], $0xffff;
	v17 =	vadd.f32 v19, v17  }
0x14e: {  	v9 =	vmul.f32 v13, v9;
	v19 =	vld.idx.msk [tilespmem:v2+s18+$0x8020 ss:$0x1], $0xffff;
	v18 =	vadd.f32 v14, v18  }
0x14f: {  	v15 =	vadd.f32 v15, v12;
	v23 =	vld.idx.msk [tilespmem:v8+s18+$0x30 ss:$0x1], $0xffff;
	(xrf2) =	vadd.scan.msk.f32 $0xffff, v17  }
0x150: {  	v16 =	vadd.f32 v9, v16;
	v17 =	vld.idx.msk [tilespmem:v2+s18+$0x8030 ss:$0x1], $0xffff  }
0x151: {  	v14 =	vld.idx.msk [tilespmem:v8+s18+$0x40 ss:$0x1], $0xffff  }
0x152: {  	v9 =	vmul.f32 v21, v10;
	v12 =	vmul.f32 v22, v11;
	v21 =	vld.idx.msk [tilespmem:v2+s18+$0x8040 ss:$0x1], $0xffff;
	(xrf2) =	vadd.scan.msk.f32 $0xffff, v18  }
0x153: {  	v13 =	vld.idx.msk [tilespmem:v8+s18+$0x50 ss:$0x1], $0xffff  }
0x154: {  	v9 =	vadd.f32 v12, v9;
	v18 =	vmul.f32 v19, v20;
	v19 =	vld.idx.msk [tilespmem:v2+s18+$0x8050 ss:$0x1], $0xffff  }
0x155: {  	v12 =	vld.idx.msk [tilespmem:v8+s18+$0x60 ss:$0x1], $0xffff;
	(xrf2) =	vadd.scan.msk.f32 $0xffff, v15  }
0x156: {  	v15 =	vadd.f32 v18, v9;
	v17 =	vmul.f32 v17, v23;
	v18 =	vld.idx.msk [tilespmem:v2+s18+$0x8060 ss:$0x1], $0xffff  }
0x157: {  	v9 =	vld.idx.msk [tilespmem:v8+s18+$0x70 ss:$0x1], $0xffff  }
0x158: {  	v15 =	vadd.f32 v17, v15;
	v17 =	vmul.f32 v21, v14;
	v21 =	vld.idx.msk [tilespmem:v2+s18+$0x8070 ss:$0x1], $0xffff;
	(xrf2) =	vadd.scan.msk.f32 $0xffff, v16  }
0x159: {  	v16 =	vld.idx.msk [tilespmem:v2+s18+$0x0 ss:$0x1], $0xffff;
	v22, _, _ =	vpop (xrf2)  }
0x15a: {  	v15 =	vadd.f32 v17, v15;
	v17 =	vmul.f32 v19, v13;
	v24 =	vld.idx.msk [tilespmem:v2+s18+$0x10 ss:$0x1], $0xffff;
	v19 =	vbroadcast v22, $0xF  }
0x15b: {  	v22 =	vld.idx.msk [tilespmem:v2+s18+$0x2000 ss:$0x1], $0xffff  }
0x15c: {  	v15 =	vadd.f32 v17, v15;
	v17 =	vmul.f32 v18, v12;
	v25 =	vld.idx.msk [tilespmem:v2+s18+$0x2010 ss:$0x1], $0xffff;
	v3 =	vsel vm10, v19, v3;
	v18, _, _ =	vpop (xrf2)  }
0x15d: {  	v19 =	vld.idx.msk [tilespmem:v2+s18+$0x4000 ss:$0x1], $0xffff;
	v27 =	vbroadcast v18, $0xF  }
0x15e: {  	v15 =	vadd.f32 v17, v15;
	v17 =	vmul.f32 v21, v9;
	v26 =	vld.idx.msk [tilespmem:v2+s18+$0x4010 ss:$0x1], $0xffff  }
0x15f: {  	v16 =	vmul.f32 v16, v10;
	v21 =	vld.idx.msk [tilespmem:v2+s18+$0x6000 ss:$0x1], $0xffff;
	v7 =	vsel vm10, v27, v7;
	v18, _, _ =	vpop (xrf2)  }
0x160: {  	v24 =	vmul.f32 v24, v11;
	v28 =	vadd.f32 v17, v15;
	v27 =	vld.idx.msk [tilespmem:v2+s18+$0x6010 ss:$0x1], $0xffff;
	v17 =	vbroadcast v18, $0xF  }
0x161: {  	v22 =	vmul.f32 v22, v10;
	v18 =	vld.idx.msk [tilespmem:v2+s18+$0x20 ss:$0x1], $0xffff  }
0x162: {  	v16 =	vadd.f32 v24, v16;
	v24 =	vmul.f32 v25, v11;
	v25 =	vld.idx.msk [tilespmem:v2+s18+$0x2020 ss:$0x1], $0xffff;
	(xrf2) =	vadd.scan.msk.f32 $0xffff, v28;
	v15, _, _ =	vpop (xrf2)  }
0x163: {  	v19 =	vmul.f32 v19, v10;
	v6 =	vsel vm10, v17, v6;
	v28 =	vld.idx.msk [tilespmem:v2+s18+$0x4020 ss:$0x1], $0xffff;
	v15 =	vbroadcast v15, $0xF  }
0x164: {  	v17 =	vadd.f32 v24, v22;
	v22 =	vmul.f32 v26, v11;
	v24 =	vld.idx.msk [tilespmem:v2+s18+$0x6020 ss:$0x1], $0xffff  }
0x165: {  	v10 =	vmul.f32 v21, v10;
	v26 =	vld.idx.msk [tilespmem:v2+s18+$0x30 ss:$0x1], $0xffff;
	v5 =	vsel vm10, v15, v5  }
0x166: {  	v19 =	vadd.f32 v22, v19;
	v11 =	vmul.f32 v27, v11;
	v15 =	vld.idx.msk [tilespmem:v2+s18+$0x2030 ss:$0x1], $0xffff  }
0x167: {  	v18 =	vmul.f32 v18, v20;
	v21 =	vld.idx.msk [tilespmem:v2+s18+$0x4030 ss:$0x1], $0xffff  }
0x168: {  	v22 =	vmul.f32 v25, v20;
	v10 =	vadd.f32 v11, v10;
	v11 =	vld.idx.msk [tilespmem:v2+s18+$0x6030 ss:$0x1], $0xffff  }
0x169: {  	v16 =	vadd.f32 v18, v16;
	v25 =	vmul.f32 v28, v20;
	v18 =	vld.idx.msk [tilespmem:v2+s18+$0x40 ss:$0x1], $0xffff  }
0x16a: {  	v17 =	vadd.f32 v22, v17;
	v20 =	vmul.f32 v24, v20;
	v22 =	vld.idx.msk [tilespmem:v2+s18+$0x2040 ss:$0x1], $0xffff  }
0x16b: {  	v24 =	vmul.f32 v26, v23;
	v19 =	vadd.f32 v25, v19;
	v25 =	vld.idx.msk [tilespmem:v2+s18+$0x4040 ss:$0x1], $0xffff  }
0x16c: {  	s17 =	sadd.s32 $0x1, s17;
	v15 =	vmul.f32 v15, v23;
	v10 =	vadd.f32 v20, v10;
	v20 =	vld.idx.msk [tilespmem:v2+s18+$0x6040 ss:$0x1], $0xffff;
	v26, _, _ =	vpop (xrf2)  }
0x16d: {  	v28 =	vmov s17;
	v21 =	vmul.f32 v21, v23;
	v27 =	vld.idx.msk [tilespmem:v2+s18+$0x50 ss:$0x1], $0xffff;
	v26 =	vbroadcast v26, $0xF  }
0x16e: {  	vm10 =	veq.s32 v28, v0;
	v16 =	vadd.f32 v24, v16;
	v11 =	vmul.f32 v11, v23;
	v24 =	vld.idx.msk [tilespmem:v2+s18+$0x2050 ss:$0x1], $0xffff  }
0x16f: {  	v15 =	vadd.f32 v15, v17;
	v17 =	vadd.f32 v21, v19;
	v19 =	vld.idx.msk [tilespmem:v2+s18+$0x4050 ss:$0x1], $0xffff;
	v4 =	vsel vm10, v26, v4  }
0x170: {  	v18 =	vmul.f32 v18, v14;
	v21 =	vmul.f32 v22, v14;
	v10 =	vadd.f32 v11, v10;
	v11 =	vld.idx.msk [tilespmem:v2+s18+$0x6050 ss:$0x1], $0xffff  }
0x171: {  	v23 =	vmul.f32 v25, v14;
	v22 =	vld.idx.msk [tilespmem:v2+s18+$0x60 ss:$0x1], $0xffff  }
0x172: {  	v16 =	vadd.f32 v18, v16;
	v15 =	vadd.f32 v21, v15;
	v14 =	vmul.f32 v20, v14;
	v18 =	vld.idx.msk [tilespmem:v2+s18+$0x2060 ss:$0x1], $0xffff  }
0x173: {  	v20 =	vmul.f32 v27, v13;
	v17 =	vadd.f32 v23, v17;
	v21 =	vld.idx.msk [tilespmem:v2+s18+$0x4060 ss:$0x1], $0xffff  }
0x174: {  	v23 =	vmul.f32 v24, v13;
	v10 =	vadd.f32 v14, v10;
	v24 =	vld.idx.msk [tilespmem:v2+s18+$0x6060 ss:$0x1], $0xffff  }
0x175: {  	v20 =	vadd.f32 v20, v16;
	v16 =	vmul.f32 v19, v13;
	v25 =	vld.idx.msk [tilespmem:v2+s18+$0x70 ss:$0x1], $0xffff  }
0x176: {  	v19 =	vadd.f32 v23, v15;
	v11 =	vmul.f32 v11, v13;
	v14 =	vld.idx.msk [tilespmem:v2+s18+$0x2070 ss:$0x1], $0xffff  }
.Ltmp6:
0x177: {  	v22 =	vmul.f32 v22, v12;
	v23 =	vadd.f32 v16, v17;
	v15 =	vld.idx.msk [tilespmem:v2+s18+$0x4070 ss:$0x1], $0xffff;
	(pc) =	sbr.rel @p0 .LBB2_9-.Ltmp6, $4  }
0x178: {  	v18 =	vmul.f32 v18, v12;
	v16 =	vadd.f32 v11, v10;
	v13 =	vld.idx.msk [tilespmem:v2+s18+$0x6070 ss:$0x1], $0xffff;
	s18 =	sshra.s32 s19, $0x2  }
0x179: {  	v17 =	vadd.f32 v22, v20;
	v22 =	vmul.f32 v21, v12;
	v10 =	vld.idx.msk [tilespmem:v8+s18+$0x0 ss:$0x1], $0xffff  }
0x17a: {  	v18 =	vadd.f32 v18, v19;
	v20 =	vmul.f32 v24, v12;
	v11 =	vld.idx.msk [tilespmem:v8+s18+$0x10 ss:$0x1], $0xffff  }
0x17b: {  	s19 =	sadd.s32 $0x200, s19;
	v19 =	vmul.f32 v25, v9;
	v12 =	vadd.f32 v22, v23;
	v21 =	vld.idx.msk [tilespmem:v2+s18+$0x8000 ss:$0x1], $0xffff  }
0x17c: {  	_ =	sdelay $0x3  }
0x17d: {  	v22 =	vld.idx.msk [tilespmem:v2+s18+$0x8010 ss:$0x1], $0xffff  }
0x17e: {  	v23 =	vld.idx.msk [tilespmem:v8+s18+$0x20 ss:$0x1], $0xffff  }
0x17f: {  	v24 =	vld.idx.msk [tilespmem:v2+s18+$0x8020 ss:$0x1], $0xffff  }
0x180: {  	v25 =	vld.idx.msk [tilespmem:v8+s18+$0x30 ss:$0x1], $0xffff  }
0x181: {  	v26 =	vld.idx.msk [tilespmem:v2+s18+$0x8030 ss:$0x1], $0xffff  }
0x182: {  	v27 =	vld.idx.msk [tilespmem:v8+s18+$0x40 ss:$0x1], $0xffff  }
0x183: {  	v28 =	vld.idx.msk [tilespmem:v2+s18+$0x8040 ss:$0x1], $0xffff  }
0x184: {  	v29 =	vld.idx.msk [tilespmem:v8+s18+$0x50 ss:$0x1], $0xffff  }
0x185: {  	v30 =	vld.idx.msk [tilespmem:v2+s18+$0x8050 ss:$0x1], $0xffff  }
0x186: {  	v31 =	vld.idx.msk [tilespmem:v8+s18+$0x60 ss:$0x1], $0xffff  }
0x187: {  	v32 =	vld.idx.msk [tilespmem:v2+s18+$0x8060 ss:$0x1], $0xffff  }
0x188: {  	v8 =	vld.idx.msk [tilespmem:v8+s18+$0x70 ss:$0x1], $0xffff  }
0x189: {  	v33 =	vld.idx.msk [tilespmem:v2+s18+$0x8070 ss:$0x1], $0xffff  }
0x18a: {  	v34 =	vld.idx.msk [tilespmem:v2+s18+$0x0 ss:$0x1], $0xffff  }
0x18b: {  	v35 =	vld.idx.msk [tilespmem:v2+s18+$0x10 ss:$0x1], $0xffff  }
0x18c: {  	v36 =	vld.idx.msk [tilespmem:v2+s18+$0x2000 ss:$0x1], $0xffff  }
0x18d: {  	v37 =	vld.idx.msk [tilespmem:v2+s18+$0x2010 ss:$0x1], $0xffff  }
0x18e: {  	v38 =	vld.idx.msk [tilespmem:v2+s18+$0x4000 ss:$0x1], $0xffff  }
0x18f: {  	v39 =	vld.idx.msk [tilespmem:v2+s18+$0x4010 ss:$0x1], $0xffff  }
0x190: {  	v51 =	vld.idx.msk [tilespmem:v2+s18+$0x6000 ss:$0x1], $0xffff  }
0x191: {  	v40 =	vld.idx.msk [tilespmem:v2+s18+$0x6010 ss:$0x1], $0xffff  }
0x192: {  	v53 =	vld.idx.msk [tilespmem:v2+s18+$0x20 ss:$0x1], $0xffff  }
0x193: {  	v41 =	vld.idx.msk [tilespmem:v2+s18+$0x2020 ss:$0x1], $0xffff;
	v14 =	vmul.f32 v14, v9;
	v15 =	vmul.f32 v15, v9  }
0x194: {  	v55 =	vld.idx.msk [tilespmem:v2+s18+$0x4020 ss:$0x1], $0xffff;
	v59 =	vmul.f32 v13, v9;
	v21 =	vmul.f32 v21, v10  }
0x195: {  	v42 =	vld.idx.msk [tilespmem:v2+s18+$0x6020 ss:$0x1], $0xffff;
	v22 =	vmul.f32 v22, v11;
	v50 =	vmul.f32 v24, v23  }
0x196: {  	v57 =	vld.idx.msk [tilespmem:v2+s18+$0x30 ss:$0x1], $0xffff;
	v16 =	vadd.f32 v20, v16;
	v52 =	vmul.f32 v26, v25;
	v54 =	vmul.f32 v28, v27  }
0x197: {  	v20 =	vld.idx.msk [tilespmem:v2+s18+$0x2030 ss:$0x1], $0xffff;
	v17 =	vadd.f32 v19, v17;
	v56 =	vmul.f32 v30, v29;
	v58 =	vmul.f32 v32, v31  }
0x198: {  	v43 =	vld.idx.msk [tilespmem:v2+s18+$0x2040 ss:$0x1], $0xffff;
	v14 =	vadd.f32 v14, v18;
	v61 =	vmul.f32 v33, v8;
	v62 =	vmul.f32 v34, v10  }
0x199: {  	v49 =	vld.idx.msk [tilespmem:v2+s18+$0x6040 ss:$0x1], $0xffff;
	v63 =	vmul.f32 v35, v11;
	v44 =	vmul.f32 v36, v10;
	v21 =	vadd.f32 v22, v21  }
0x19a: {  	v13 =	vld.idx.msk [tilespmem:v2+s18+$0x6030 ss:$0x1], $0xffff;
	v12 =	vadd.f32 v15, v12;
	v45 =	vmul.f32 v37, v11;
	v47 =	vmul.f32 v38, v10  }
0x19b: {  	v46 =	vld.idx.msk [tilespmem:v2+s18+$0x4040 ss:$0x1], $0xffff;
	v48 =	vmul.f32 v39, v11;
	v26 =	vmul.f32 v53, v23;
	v21 =	vadd.f32 v50, v21  }
0x19c: {  	v19 =	vld.idx.msk [tilespmem:v2+s18+$0x40 ss:$0x1], $0xffff;
	v9 =	vadd.f32 v59, v16;
	v53 =	vmul.f32 v41, v23;
	v55 =	vmul.f32 v55, v23  }
0x19d: {  	v59 =	vld.idx.msk [tilespmem:v2+s18+$0x60 ss:$0x1], $0xffff;
	v23 =	vmul.f32 v42, v23;
	v57 =	vmul.f32 v57, v25;
	v21 =	vadd.f32 v52, v21  }
0x19e: {  	v32 =	vld.idx.msk [tilespmem:v2+s18+$0x4030 ss:$0x1], $0xffff;
	v20 =	vmul.f32 v20, v25;
	v34 =	vmul.f32 v49, v27;
	v16 =	vadd.f32 v63, v62  }
0x19f: {  	v38 =	vld.idx.msk [tilespmem:v2+s18+$0x2070 ss:$0x1], $0xffff;
	v13 =	vmul.f32 v13, v25;
	v18 =	vadd.f32 v45, v44;
	v21 =	vadd.f32 v54, v21  }
0x1a0: {  	v63 =	vld.idx.msk [tilespmem:v2+s18+$0x4060 ss:$0x1], $0xffff;
	v50 =	vmul.f32 v51, v10;
	v51 =	vmul.f32 v40, v11;
	v16 =	vadd.f32 v26, v16  }
0x1a1: {  	v19 =	vmul.f32 v19, v27;
	v18 =	vadd.f32 v53, v18;
	v52 =	vld.idx.msk [tilespmem:v2+s18+$0x50 ss:$0x1], $0xffff;
	v21 =	vadd.f32 v56, v21  }
0x1a2: {  	v62 =	vmul.f32 v43, v27;
	v10 =	vadd.f32 v51, v50;
	v16 =	vadd.f32 v57, v16;
	v54 =	vld.idx.msk [tilespmem:v2+s18+$0x2050 ss:$0x1], $0xffff  }
0x1a3: {  	v42 =	vmul.f32 v59, v31;
	v56 =	vld.idx.msk [tilespmem:v2+s18+$0x4050 ss:$0x1], $0xffff;
	v60 =	vadd.f32 v58, v21;
	v21 =	vadd.f32 v48, v47  }
0x1a4: {  	v49 =	vmul.f32 v38, v8;
	v18 =	vadd.f32 v20, v18;
	v10 =	vadd.f32 v23, v10;
	v58 =	vld.idx.msk [tilespmem:v2+s18+$0x6050 ss:$0x1], $0xffff  }
0x1a5: {  	v15 =	vadd.f32 v61, v60;
	v11 =	vadd.f32 v55, v21;
	v60 =	vmul.f32 v32, v25;
	v61 =	vld.idx.msk [tilespmem:v2+s18+$0x2060 ss:$0x1], $0xffff  }
0x1a6: {  	v36 =	vld.idx.msk [tilespmem:v2+s18+$0x70 ss:$0x1], $0xffff;
	v45 =	vmul.f32 v63, v31;
	v16 =	vadd.f32 v19, v16;
	v10 =	vadd.f32 v13, v10  }
0x1a7: {  	v33 =	vld.idx.msk [tilespmem:v2+s18+$0x6060 ss:$0x1], $0xffff;
	v24 =	vmul.f32 v52, v29;
	v32 =	vmul.f32 v46, v27;
	v11 =	vadd.f32 v60, v11  }
0x1a8: {  	v41 =	vld.idx.msk [tilespmem:v2+s18+$0x4070 ss:$0x1], $0xffff;
	v18 =	vadd.f32 v62, v18;
	v10 =	vadd.f32 v34, v10;
	v37 =	vmul.f32 v54, v29  }
0x1a9: {  	v16 =	vadd.f32 v24, v16;
	v2 =	vld.idx.msk [tilespmem:v2+s18+$0x6070 ss:$0x1], $0xffff;
	v39 =	vmul.f32 v56, v29;
	v11 =	vadd.f32 v32, v11  }
0x1aa: {  	(xrf2) =	vadd.scan.msk.f32 $0xffff, v17;
	v13 =	vadd.f32 v37, v18;
	v40 =	vmul.f32 v58, v29;
	v43 =	vmul.f32 v61, v31  }
0x1ab: {  	(xrf2) =	vadd.scan.msk.f32 $0xffff, v14;
	v46 =	vmul.f32 v36, v8;
	v44 =	vadd.f32 v42, v16;
	v11 =	vadd.f32 v39, v11  }
0x1ac: {  	(xrf2) =	vadd.scan.msk.f32 $0xffff, v12;
	v48 =	vmul.f32 v33, v31;
	v10 =	vadd.f32 v40, v10;
	v47 =	vadd.f32 v43, v13  }
0x1ad: {  	(xrf2) =	vadd.scan.msk.f32 $0xffff, v9;
	v52 =	vmul.f32 v41, v8;
	v51 =	vadd.f32 v46, v44;
	v50 =	vadd.f32 v45, v11  }
0x1ae: {  	(xrf2) =	vadd.scan.msk.f32 $0xffff, v15;
	v2 =	vmul.f32 v2, v8;
	v10 =	vadd.f32 v48, v10;
	v12 =	vadd.f32 v49, v47  }
0x1af: {  	(xrf2) =	vadd.scan.msk.f32 $0xffff, v51;
	v53 =	vadd.f32 v52, v50  }
0x1b0: {  	v2 =	vadd.f32 v2, v10;
	(xrf2) =	vadd.scan.msk.f32 $0xffff, v12  }
0x1b1: {  	(xrf2) =	vadd.scan.msk.f32 $0xffff, v53  }
0x1b2: {  	(xrf2) =	vadd.scan.msk.f32 $0xffff, v2;
	_ =	sdelay $0x1  }
0x1b3: {  	v2, _, _ =	vpop (xrf2)  }
0x1b4: {  	v54, _, _ =	vpop (xrf2)  }
0x1b5: {  	v55, _, _ =	vpop (xrf2)  }
0x1b6: {  	v2 =	vbroadcast v2, $0xF;
	v56, _, _ =	vpop (xrf2)  }
0x1b7: {  	s17 =	sadd.s32 $0x1, s17;
	v57, _, _ =	vpop (xrf2)  }
0x1b8: {  	v58 =	vmov s17;
	v8 =	vbroadcast v54, $0xF;
	v2 =	vsel vm10, v2, v3;
	v3, _, _ =	vpop (xrf2)  }
0x1b9: {  	vm11 =	veq.s32 v58, v0;
	v3 =	vbroadcast v3, $0xF;
	v12, _, _ =	vpop (xrf2)  }
0x1ba: {  	s19 =	sshll.u32 s16, $0x4;
	s16 =	sadd.s32 $0x1, s16;
	v9 =	vbroadcast v55, $0xF;
	v7 =	vsel vm10, v8, v7;
	v59 =	vbroadcast v12, $0xF;
	v60, _, _ =	vpop (xrf2)  }
0x1bb: {  	p0 =	sne.s32 s16, $0x4;
	s17 =	sand.u32 $0x3FFFFFF0, s19;
	v10 =	vbroadcast v56, $0xF;
	v2 =	vsel vm11, v3, v2;
	v3 =	vbroadcast v60, $0xF;
	v61, _, _ =	vpop (xrf2)  }
.Ltmp7:
0x1bc: {  	v6 =	vsel vm10, v9, v6;
	[tilespmem:v1+s17+$0x40 ss:$0x1] =	vst.idx.msk $0xffff, v2;
	v7 =	vsel vm11, v59, v7;
	v62 =	vbroadcast v61, $0xF;
	(pc) =	sbr.rel @p0 .LBB2_8-.Ltmp7, $4  }
.Ltmp8:
0x1bd: {  	v63 =	vbroadcast v57, $0xF;
	v2 =	vsel vm10, v10, v5;
	v3 =	vsel vm11, v3, v6;
	[tilespmem:v1+s17+$0xC0 ss:$0x1] =	vst.idx.msk $0xffff, v7;
	(pc) =	sbr.rel @!p0 .LBB2_11-.Ltmp8, $4  }
0x1be: {  	v2 =	vsel vm11, v62, v2;
	[tilespmem:v1+s17+$0x140 ss:$0x1] =	vst.idx.msk $0xffff, v3  }
0x1bf: {  	v3 =	vsel vm11, v63, v4;
	[tilespmem:v1+s17+$0x1C0 ss:$0x1] =	vst.idx.msk $0xffff, v2  }
0x1c0: {  	s14 =	sadd.s32 $0x800, s14;
	s15 =	sadd.s32 $0x800, s15;
	[tilespmem:v1+s17+$0x240 ss:$0x1] =	vst.idx.msk $0xffff, v3  }
0x1c1: {  	_ = 	snop  }
.LBB2_12:
0x1c2: {  	v9 =	vld [tilespmem:$0x19E90];
	_ =	sdelay $0x4  }
0x1c3: {  	[tilespmem:$0x1F9B0] =	vst v9;
	v9 =	vld [tilespmem:$0x19EA0];
	_ =	sdelay $0x4  }
0x1c4: {  	[tilespmem:$0x1F9C0] =	vst v9;
	v9 =	vld [tilespmem:$0x19EB0];
	_ =	sdelay $0x4  }
0x1c5: {  	[tilespmem:$0x1F9D0] =	vst v9;
	v9 =	vld [tilespmem:$0x19EC0];
	_ =	sdelay $0x4  }
0x1c6: {  	[tilespmem:$0x1F9E0] =	vst v9;
	v9 =	vld [tilespmem:$0x19ED0];
	_ =	sdelay $0x4  }
0x1c7: {  	[tilespmem:$0x1F9F0] =	vst v9;
	v9 =	vld [tilespmem:$0x19EE0];
	_ =	sdelay $0x4  }
0x1c8: {  	[tilespmem:$0x1FA00] =	vst v9;
	v9 =	vld [tilespmem:$0x19300];
	_ =	sdelay $0x4  }
0x1c9: {  	[tilespmem:$0x1FA10] =	vst v9;
	v9 =	vld [tilespmem:$0x19310];
	_ =	sdelay $0x4  }
0x1ca: {  	[tilespmem:$0x1FA20] =	vst v9;
	v9 =	vld [tilespmem:$0x19320];
	_ =	sdelay $0x4  }
0x1cb: {  	[tilespmem:$0x1FA30] =	vst v9;
	v9 =	vld [tilespmem:$0x19330];
	_ =	sdelay $0x4  }
0x1cc: {  	[tilespmem:$0x1FA40] =	vst v9;
	v9 =	vld [tilespmem:$0x19340];
	_ =	sdelay $0x4  }
0x1cd: {  	[tilespmem:$0x1FA50] =	vst v9;
	v9 =	vld [tilespmem:$0x19350];
	_ =	sdelay $0x4  }
0x1ce: {  	[tilespmem:$0x1FA60] =	vst v9;
	v9 =	vld [tilespmem:$0x19360];
	_ =	sdelay $0x4  }
0x1cf: {  	[tilespmem:$0x1FA70] =	vst v9;
	v9 =	vld [tilespmem:$0x19370];
	_ =	sdelay $0x4  }
0x1d0: {  	[tilespmem:$0x1FA80] =	vst v9;
	v9 =	vld [tilespmem:$0x19700];
	_ =	sdelay $0x4  }
0x1d1: {  	[tilespmem:$0x1FA90] =	vst v9;
	v9 =	vld [tilespmem:$0x19710];
	_ =	sdelay $0x4  }
0x1d2: {  	[tilespmem:$0x1FAA0] =	vst v9;
	v9 =	vld [tilespmem:$0x19720];
	_ =	sdelay $0x4  }
0x1d3: {  	[tilespmem:$0x1FAB0] =	vst v9;
	v9 =	vld [tilespmem:$0x19730];
	_ =	sdelay $0x4  }
0x1d4: {  	[tilespmem:$0x1FAC0] =	vst v9;
	v9 =	vld [tilespmem:$0x19740];
	_ =	sdelay $0x4  }
0x1d5: {  	[tilespmem:$0x1FAD0] =	vst v9;
	v9 =	vld [tilespmem:$0x19760];
	_ =	sdelay $0x4  }
0x1d6: {  	[tilespmem:$0x1FAE0] =	vst v9;
	v9 =	vld [tilespmem:$0x19770];
	_ =	sdelay $0x4  }
0x1d7: {  	[tilespmem:$0x1FAF0] =	vst v9;
	v9 =	vld [tilespmem:$0x19B00];
	_ =	sdelay $0x4  }
0x1d8: {  	[tilespmem:$0x1FB00] =	vst v9;
	v9 =	vld [tilespmem:$0x19B10];
	_ =	sdelay $0x4  }
0x1d9: {  	[tilespmem:$0x1FB10] =	vst v9;
	v9 =	vld [tilespmem:$0x19B20];
	_ =	sdelay $0x4  }
0x1da: {  	[tilespmem:$0x1FB20] =	vst v9;
	v9 =	vld [tilespmem:$0x19B30];
	_ =	sdelay $0x4  }
0x1db: {  	[tilespmem:$0x1FB30] =	vst v9;
	v9 =	vld [tilespmem:$0x19B40];
	_ =	sdelay $0x4  }
0x1dc: {  	[tilespmem:$0x1FB40] =	vst v9;
	v9 =	vld [tilespmem:$0x19B50];
	_ =	sdelay $0x4  }
0x1dd: {  	[tilespmem:$0x1FB50] =	vst v9;
	v9 =	vld [tilespmem:$0x19B60];
	_ =	sdelay $0x4  }
0x1de: {  	[tilespmem:$0x1FB60] =	vst v9;
	v9 =	vld [tilespmem:$0x19B70];
	_ =	sdelay $0x4  }
0x1df: {  	[tilespmem:$0x1FB70] =	vst v9;
	v9 =	vld [tilespmem:$0x19F00];
	_ =	sdelay $0x4  }
0x1e0: {  	[tilespmem:$0x1FB80] =	vst v9;
	v9 =	vld [tilespmem:$0x19F10];
	_ =	sdelay $0x4  }
0x1e1: {  	[tilespmem:$0x1FB90] =	vst v9;
	v9 =	vld [tilespmem:$0x19F20];
	_ =	sdelay $0x4  }
0x1e2: {  	[tilespmem:$0x1FBA0] =	vst v9;
	v9 =	vld [tilespmem:$0x19F30];
	_ =	sdelay $0x4  }
0x1e3: {  	[tilespmem:$0x1FBB0] =	vst v9;
	v9 =	vld [tilespmem:$0x19F40];
	_ =	sdelay $0x4  }
0x1e4: {  	[tilespmem:$0x1FBC0] =	vst v9;
	v9 =	vld [tilespmem:$0x19F50];
	_ =	sdelay $0x4  }
0x1e5: {  	[tilespmem:$0x1FBD0] =	vst v9;
	v9 =	vld [tilespmem:$0x19F60];
	_ =	sdelay $0x4  }
0x1e6: {  	[tilespmem:$0x1FBE0] =	vst v9;
	v9 =	vld [tilespmem:$0x19F70];
	_ =	sdelay $0x4  }
0x1e7: {  	[tilespmem:$0x1FBF0] =	vst v9;
	v9 =	vld [tilespmem:$0x19380];
	_ =	sdelay $0x4  }
0x1e8: {  	[tilespmem:$0x1FC00] =	vst v9;
	v9 =	vld [tilespmem:$0x19390];
	_ =	sdelay $0x4  }
0x1e9: {  	[tilespmem:$0x1FC10] =	vst v9;
	v9 =	vld [tilespmem:$0x193A0];
	_ =	sdelay $0x4  }
0x1ea: {  	[tilespmem:$0x1FC20] =	vst v9;
	v9 =	vld [tilespmem:$0x193B0];
	_ =	sdelay $0x4  }
0x1eb: {  	[tilespmem:$0x1FC30] =	vst v9;
	v9 =	vld [tilespmem:$0x193C0];
	_ =	sdelay $0x4  }
0x1ec: {  	[tilespmem:$0x1FC40] =	vst v9;
	v9 =	vld [tilespmem:$0x193D0];
	_ =	sdelay $0x4  }
0x1ed: {  	[tilespmem:$0x1FC50] =	vst v9;
	v9 =	vld [tilespmem:$0x193E0];
	_ =	sdelay $0x4  }
0x1ee: {  	[tilespmem:$0x1FC60] =	vst v9;
	v9 =	vld [tilespmem:$0x193F0];
	_ =	sdelay $0x4  }
0x1ef: {  	[tilespmem:$0x1FC70] =	vst v9;
	v9 =	vld [tilespmem:$0x19780];
	_ =	sdelay $0x4  }
0x1f0: {  	[tilespmem:$0x1FC80] =	vst v9;
	v9 =	vld [tilespmem:$0x19790];
	_ =	sdelay $0x4  }
0x1f1: {  	[tilespmem:$0x1FC90] =	vst v9;
	v9 =	vld [tilespmem:$0x197A0];
	_ =	sdelay $0x4  }
0x1f2: {  	[tilespmem:$0x1FCA0] =	vst v9;
	v9 =	vld [tilespmem:$0x197B0];
	_ =	sdelay $0x4  }
0x1f3: {  	[tilespmem:$0x1FCB0] =	vst v9;
	v9 =	vld [tilespmem:$0x197C0];
	_ =	sdelay $0x4  }
0x1f4: {  	[tilespmem:$0x1FCC0] =	vst v9;
	v9 =	vld [tilespmem:$0x197D0];
	_ =	sdelay $0x4  }
0x1f5: {  	[tilespmem:$0x1FCD0] =	vst v9;
	v9 =	vld [tilespmem:$0x197E0];
	_ =	sdelay $0x4  }
0x1f6: {  	[tilespmem:$0x1FCE0] =	vst v9;
	v9 =	vld [tilespmem:$0x197F0];
	_ =	sdelay $0x4  }
0x1f7: {  	[tilespmem:$0x1FCF0] =	vst v9;
	v9 =	vld [tilespmem:$0x19B80];
	_ =	sdelay $0x4  }
0x1f8: {  	[tilespmem:$0x1FD00] =	vst v9;
	v9 =	vld [tilespmem:$0x19B90];
	_ =	sdelay $0x4  }
0x1f9: {  	[tilespmem:$0x1FD10] =	vst v9;
	v9 =	vld [tilespmem:$0x19BA0];
	_ =	sdelay $0x4  }
0x1fa: {  	[tilespmem:$0x1FD20] =	vst v9;
	v9 =	vld [tilespmem:$0x19BB0];
	_ =	sdelay $0x4  }
0x1fb: {  	[tilespmem:$0x1FD30] =	vst v9;
	v9 =	vld [tilespmem:$0x19BC0];
	_ =	sdelay $0x4  }
0x1fc: {  	[tilespmem:$0x1FD40] =	vst v9;
	v9 =	vld [tilespmem:$0x19BD0];
	_ =	sdelay $0x4  }
0x1fd: {  	[tilespmem:$0x1FD50] =	vst v9;
	v9 =	vld [tilespmem:$0x19BE0];
	_ =	sdelay $0x4  }
0x1fe: {  	[tilespmem:$0x1FD60] =	vst v9;
	v9 =	vld [tilespmem:$0x19BF0];
	_ =	sdelay $0x4  }
0x1ff: {  	[tilespmem:$0x1FD70] =	vst v9;
	v9 =	vld [tilespmem:$0x19F80];
	_ =	sdelay $0x4  }
0x200: {  	[tilespmem:$0x1FD80] =	vst v9;
	v9 =	vld [tilespmem:$0x19F90];
	_ =	sdelay $0x4  }
0x201: {  	[tilespmem:$0x1FD90] =	vst v9;
	v9 =	vld [tilespmem:$0x19FA0];
	_ =	sdelay $0x4  }
0x202: {  	[tilespmem:$0x1FDA0] =	vst v9;
	v9 =	vld [tilespmem:$0x19FB0];
	_ =	sdelay $0x4  }
0x203: {  	[tilespmem:$0x1FDB0] =	vst v9;
	v9 =	vld [tilespmem:$0x19FC0];
	_ =	sdelay $0x4  }
0x204: {  	[tilespmem:$0x1FDC0] =	vst v9;
	v9 =	vld [tilespmem:$0x19FD0];
	_ =	sdelay $0x4  }
0x205: {  	[tilespmem:$0x1FDD0] =	vst v9;
	v9 =	vld [tilespmem:$0x19FE0];
	_ =	sdelay $0x4  }
0x206: {  	[tilespmem:$0x1FDE0] =	vst v9;
	v9 =	vld [tilespmem:$0x19FF0];
	_ =	sdelay $0x4  }
0x207: {  	[tilespmem:$0x1FDF0] =	vst v9;
	v9 =	vld [tilespmem:$0x19400];
	_ =	sdelay $0x4  }
0x208: {  	[tilespmem:$0x1FE00] =	vst v9;
	v9 =	vld [tilespmem:$0x19410];
	_ =	sdelay $0x4  }
0x209: {  	[tilespmem:$0x1FE10] =	vst v9;
	v9 =	vld [tilespmem:$0x19420];
	_ =	sdelay $0x4  }
0x20a: {  	[tilespmem:$0x1FE20] =	vst v9;
	v9 =	vld [tilespmem:$0x19430];
	_ =	sdelay $0x4  }
0x20b: {  	[tilespmem:$0x1FE30] =	vst v9;
	v9 =	vld [tilespmem:$0x19440];
	_ =	sdelay $0x4  }
0x20c: {  	[tilespmem:$0x1FE40] =	vst v9;
	v9 =	vld [tilespmem:$0x19450];
	_ =	sdelay $0x4  }
0x20d: {  	[tilespmem:$0x1FE50] =	vst v9;
	v9 =	vld [tilespmem:$0x19460];
	_ =	sdelay $0x4  }
0x20e: {  	[tilespmem:$0x1FE60] =	vst v9;
	v9 =	vld [tilespmem:$0x19470];
	_ =	sdelay $0x4  }
0x20f: {  	[tilespmem:$0x1FE70] =	vst v9;
	v9 =	vld [tilespmem:$0x19800];
	_ =	sdelay $0x4  }
0x210: {  	[tilespmem:$0x1FE80] =	vst v9;
	v9 =	vld [tilespmem:$0x19810];
	_ =	sdelay $0x4  }
0x211: {  	[tilespmem:$0x1FE90] =	vst v9;
	v9 =	vld [tilespmem:$0x19820];
	_ =	sdelay $0x4  }
0x212: {  	[tilespmem:$0x1FEA0] =	vst v9;
	v9 =	vld [tilespmem:$0x19830];
	_ =	sdelay $0x1  }
0x213: {  	v21 =	vld [tilespmem:$0x19200]  }
0x214: {  	v40 =	vld [tilespmem:$0x19210]  }
0x215: {  	v39 =	vld [tilespmem:$0x19220]  }
0x216: {  	[tilespmem:$0x1FEB0] =	vst v9;
	v9 =	vld [tilespmem:$0x19840]  }
0x217: {  	v38 =	vld [tilespmem:$0x19230]  }
0x218: {  	v37 =	vld [tilespmem:$0x19240]  }
0x219: {  	v35 =	vld [tilespmem:$0x19250]  }
0x21a: {  	v34 =	vld [tilespmem:$0x19260]  }
0x21b: {  	[tilespmem:$0x1FEC0] =	vst v9;
	v9 =	vld [tilespmem:$0x19850]  }
0x21c: {  	v33 =	vld [tilespmem:$0x19270]  }
0x21d: {  	v32 =	vld [tilespmem:$0x19600]  }
0x21e: {  	v31 =	vld [tilespmem:$0x19610]  }
0x21f: {  	v30 =	vld [tilespmem:$0x19620]  }
0x220: {  	[tilespmem:$0x1FED0] =	vst v9;
	v9 =	vld [tilespmem:$0x19860]  }
0x221: {  	v29 =	vld [tilespmem:$0x19630]  }
0x222: {  	v28 =	vld [tilespmem:$0x19640]  }
0x223: {  	v27 =	vld [tilespmem:$0x19650]  }
0x224: {  	v26 =	vld [tilespmem:$0x19660]  }
0x225: {  	[tilespmem:$0x1FEE0] =	vst v9;
	v9 =	vld [tilespmem:$0x19870]  }
0x226: {  	v25 =	vld [tilespmem:$0x19670]  }
0x227: {  	v24 =	vld [tilespmem:$0x19A00]  }
0x228: {  	v23 =	vld [tilespmem:$0x19A10]  }
0x229: {  	v22 =	vld [tilespmem:$0x19A20]  }
0x22a: {  	[tilespmem:$0x1FEF0] =	vst v9;
	v9 =	vld [tilespmem:$0x19C00]  }
0x22b: {  	v20 =	vld [tilespmem:$0x19A30]  }
0x22c: {  	v19 =	vld [tilespmem:$0x19A40]  }
0x22d: {  	v18 =	vld [tilespmem:$0x19A50]  }
0x22e: {  	v17 =	vld [tilespmem:$0x19A60]  }
0x22f: {  	[tilespmem:$0x1FF00] =	vst v9;
	v9 =	vld [tilespmem:$0x19C10]  }
0x230: {  	v16 =	vld [tilespmem:$0x19A70]  }
0x231: {  	v15 =	vld [tilespmem:$0x19E00]  }
0x232: {  	v14 =	vld [tilespmem:$0x19E10]  }
0x233: {  	v13 =	vld [tilespmem:$0x19E20]  }
0x234: {  	[tilespmem:$0x1FF10] =	vst v9;
	v9 =	vld [tilespmem:$0x19C20]  }
0x235: {  	v12 =	vld [tilespmem:$0x19E30]  }
0x236: {  	v11 =	vld [tilespmem:$0x19E40]  }
0x237: {  	v10 =	vld [tilespmem:$0x19E50]  }
0x238: {  	v36 =	vld [tilespmem:$0x19E60]  }
0x239: {  	[tilespmem:$0x1FF20] =	vst v9;
	v9 =	vld [tilespmem:$0x19C30]  }
0x23a: {  	v8 =	vld [tilespmem:$0x19E70]  }
0x23b: {  	v7 =	vld [tilespmem:$0x19280]  }
0x23c: {  	v61 =	vld [tilespmem:$0x19290]  }
0x23d: {  	v5 =	vld [tilespmem:$0x192A0]  }
0x23e: {  	[tilespmem:$0x1FF30] =	vst v9;
	v9 =	vld [tilespmem:$0x19C40]  }
0x23f: {  	v4 =	vld [tilespmem:$0x192B0]  }
0x240: {  	v3 =	vld [tilespmem:$0x192C0]  }
0x241: {  	v2 =	vld [tilespmem:$0x192D0]  }
0x242: {  	v1 =	vld [tilespmem:$0x192E0]  }
0x243: {  	[tilespmem:$0x1FF40] =	vst v9;
	v9 =	vld [tilespmem:$0x19C50]  }
0x244: {  	v63 =	vld [tilespmem:$0x192F0]  }
0x245: {  	v62 =	vld [tilespmem:$0x19680]  }
0x246: {  	v45 =	vld [tilespmem:$0x19690]  }
0x247: {  	v51 =	vld [tilespmem:$0x196A0]  }
0x248: {  	[tilespmem:$0x1FF50] =	vst v9;
	v9 =	vld [tilespmem:$0x19C60]  }
0x249: {  	v50 =	vld [tilespmem:$0x196B0];
	s12 =	simm.s32 $0x0  }
0x24a: {  	v42 =	vld [tilespmem:$0x19C70];
	s13 =	sand.u32 $0x70, s12;
	s12 =	sand.u32 $0xC00, s12  }
0x24b: {  	v49 =	vld [tilespmem:$0x196C0];
	s12 =	sor.u32 s13, s12  }
0x24c: {  	v41 =	vld [tilespmem:s12+$0x19200]  }
0x24d: {  	[tilespmem:$0x1FF60] =	vst v9;
	v9 =	vld [tilespmem:s12+$0x19280]  }
0x24e: {  	v48 =	vld [tilespmem:$0x196D0]  }
0x24f: {  	[tilespmem:$0x1FF70] =	vst v42;
	v42 =	vld [tilespmem:s12+$0x19300]  }
0x250: {  	v54 =	vld [tilespmem:$0x196E0]  }
0x251: {  	v43 =	vld [tilespmem:$0x1A000]  }
0x252: {  	v55 =	vld [tilespmem:$0x196F0];
	v9 =	vadd.f32 v9, v41  }
0x253: {  	v41 =	vld [tilespmem:$0x1A010]  }
0x254: {  	v9 =	vadd.f32 v42, v9;
	v42 =	vld [tilespmem:$0x1A020]  }
0x255: {  	v53 =	vld [tilespmem:$0x19A80]  }
0x256: {  	[tilespmem:$0x1FF80] =	vst v43;
	v43 =	vld [tilespmem:s12+$0x19380]  }
0x257: {  	v60 =	vld [tilespmem:$0x19A90]  }
0x258: {  	[tilespmem:$0x1FF90] =	vst v41;
	v41 =	vld [tilespmem:s12+$0x19400]  }
0x259: {  	[tilespmem:$0x1FFA0] =	vst v42;
	v42 =	vld [tilespmem:$0x1A030]  }
0x25a: {  	v59 =	vld [tilespmem:$0x19AA0]  }
0x25b: {  	v58 =	vld [tilespmem:$0x19AB0];
	v9 =	vadd.f32 v43, v9  }
0x25c: {  	v6 =	vld [tilespmem:$0x19AC0]  }
0x25d: {  	v9 =	vadd.f32 v41, v9;
	v41 =	vld [tilespmem:$0x1A060]  }
0x25e: {  	[tilespmem:$0x1FFB0] =	vst v42;
	v42 =	vld [tilespmem:$0x1A040]  }
0x25f: {  	v56 =	vld [tilespmem:$0x19AD0]  }
0x260: {  	v47 =	vld [tilespmem:$0x19AE0]  }
0x261: {  	v57 =	vld [tilespmem:$0x19AF0]  }
0x262: {  	[tilespmem:$0x1FFE0] =	vst v41;
	v41 =	vld [tilespmem:$0x1A070]  }
0x263: {  	[tilespmem:$0x1FFC0] =	vst v42;
	v42 =	vld [tilespmem:$0x1A050]  }
0x264: {  	v52 =	vld [tilespmem:$0x19E80]  }
0x265: {  	v46 =	vld [tilespmem:$0x19EF0];
	s12 =	simm.s32 $0x1A200  }
0x266: {  	v44 =	vld [tilespmem:$0x19750];
	s19 =	simm.s32 $0x10;
	s14 =	simm.s32 $0x80;
	[tilespmem:s12+$0x0] =	vst v9  }
0x267: {  	s15 =	sand.u32 $0xC00, s14;
	s13 =	sand.u32 $0x70, s19;
	[tilespmem:$0x1FFF0] =	vst v41  }
0x268: {  	s13 =	sor.u32 s13, s15;
	s15 =	simm.s32 $0x20;
	[tilespmem:$0x1FFD0] =	vst v42  }
.LBB2_13:
0x269: {  	p0 =	sne.s32 s15, $0x1F0;
	v9 =	vld [tilespmem:s13+$0x19280]  }
0x26a: {  	v41 =	vld [tilespmem:s13+$0x19200];
	_ =	sdelay $0x1  }
0x26b: {  	v42 =	vld [tilespmem:s13+$0x19300];
	_ =	sdelay $0x1  }
0x26c: {  	v43 =	vld [tilespmem:s13+$0x19380]  }
0x26d: {  	v9 =	vadd.f32 v9, v41  }
0x26e: {  	v41 =	vld [tilespmem:s13+$0x19400]  }
0x26f: {  	v9 =	vadd.f32 v42, v9;
	_ =	sdelay $0x1  }
.Ltmp9:
0x270: {  	v9 =	vadd.f32 v43, v9;
	(pc) =	sbr.rel @p0 .LBB2_13-.Ltmp9, $4  }
0x271: {  	_ = 	snop  }
0x272: {  	s14 =	sadd.s32 $0x80, s14;
	v9 =	vadd.f32 v41, v9  }
0x273: {  	s12 =	sadd.s32 $0x10, s12;
	s16 =	sand.u32 $0xC00, s14;
	s13 =	sand.u32 $0x70, s15  }
0x274: {  	s15 =	sadd.s32 $0x10, s15;
	s13 =	sor.u32 s13, s16;
	[tilespmem:s12+$0x0] =	vst v9  }
0x275: {  	v9 =	vmax.f32 v21, v40  }
0x276: {  	v9 =	vmax.f32 v9, v39  }
0x277: {  	v9 =	vmax.f32 v9, v38  }
0x278: {  	v9 =	vmax.f32 v9, v37  }
0x279: {  	v9 =	vmax.f32 v9, v35  }
0x27a: {  	v9 =	vmax.f32 v9, v34  }
0x27b: {  	v9 =	vmax.f32 v9, v33  }
0x27c: {  	v9 =	vmax.f32 v9, v32  }
0x27d: {  	v9 =	vmax.f32 v9, v31  }
0x27e: {  	v9 =	vmax.f32 v9, v30  }
0x27f: {  	v9 =	vmax.f32 v9, v29  }
0x280: {  	v9 =	vmax.f32 v9, v28  }
0x281: {  	v9 =	vmax.f32 v9, v27  }
0x282: {  	v9 =	vmax.f32 v9, v26  }
0x283: {  	v9 =	vmax.f32 v9, v25  }
0x284: {  	v9 =	vmax.f32 v9, v24  }
0x285: {  	v9 =	vmax.f32 v9, v23  }
0x286: {  	v9 =	vmax.f32 v9, v22  }
0x287: {  	v9 =	vmax.f32 v9, v20  }
0x288: {  	v9 =	vmax.f32 v9, v19  }
0x289: {  	v9 =	vmax.f32 v9, v18  }
0x28a: {  	v9 =	vmax.f32 v9, v17  }
0x28b: {  	v9 =	vmax.f32 v9, v16  }
0x28c: {  	v9 =	vmax.f32 v9, v15  }
0x28d: {  	v9 =	vmax.f32 v9, v14  }
0x28e: {  	v9 =	vmax.f32 v9, v13  }
0x28f: {  	v9 =	vmax.f32 v9, v12  }
0x290: {  	v9 =	vmax.f32 v9, v11  }
0x291: {  	v9 =	vmax.f32 v9, v10  }
0x292: {  	v9 =	vmax.f32 v9, v36  }
0x293: {  	v9 =	vmax.f32 v9, v8  }
0x294: {  	(xrf0) =	vmax.scan.msk.f32 $0xffff, v9;
	_ =	sdelay $0x5  }
0x295: {  	v9, _, _ =	vpop (xrf0)  }
0x296: {  	v9 =	vbroadcast v9, $0xF;
	_ =	sdelay $0x1  }
0x297: {  	v41 =	vsub.f32 v21, v9;
	_ =	sdelay $0x1  }
0x298: {  	v40 =	vsub.f32 v40, v9;
	v21 =	vmul.f32 $1.442695020e+00, v41;
	_ =	sdelay $0x1  }
0x299: {  	v42 =	vmul.f32 $1.442695020e+00, v40;
	(erf) = vpow2.f32 v21;
	_ =	sdelay $0x1  }
0x29a: {  	(erf) = vpow2.f32 v42  }
0x29b: {  	v43 =	vsub.f32 v39, v9;
	_ =	sdelay $0x1  }
0x29c: {  	v40 =	vmul.f32 $1.442695020e+00, v43;
	_ =	sdelay $0x1  }
0x29d: {  	(erf) = vpow2.f32 v40;
	_ =	sdelay $0x1  }
0x29e: {  	v41 =	vpop (erf)  }
0x29f: {  	v40 =	vmax.f32 v7, v61;
	v21 =	vadd.f32 $0.0e+00, v41  }
0x2a0: {  	v38 =	vsub.f32 v38, v9;
	v42 =	vmax.f32 v40, v5;
	v39 =	vpop (erf)  }
0x2a1: {  	v21 =	vadd.f32 v21, v39;
	v39 =	vmax.f32 v42, v4  }
0x2a2: {  	v38 =	vmul.f32 $1.442695020e+00, v38;
	v43 =	vsub.f32 v37, v9;
	v39 =	vmax.f32 v39, v3  }
0x2a3: {  	v41 =	vsub.f32 v35, v9;
	v42 =	vmax.f32 v39, v2  }
0x2a4: {  	v37 =	vmul.f32 $1.442695020e+00, v43;
	(erf) = vpow2.f32 v38;
	v38 =	vmax.f32 v42, v1  }
0x2a5: {  	v43 =	vsub.f32 v34, v9;
	v40 =	vpop (erf);
	v35 =	vmul.f32 $1.442695020e+00, v41;
	v38 =	vmax.f32 v38, v63  }
0x2a6: {  	v21 =	vadd.f32 v21, v40;
	v40 =	vsub.f32 v33, v9;
	v41 =	vmax.f32 v38, v62  }
0x2a7: {  	v34 =	vmul.f32 $1.442695020e+00, v43;
	(erf) = vpow2.f32 v37;
	v42 =	vmax.f32 v41, v45  }
0x2a8: {  	(erf) = vpow2.f32 v35;
	v33 =	vmul.f32 $1.442695020e+00, v40;
	v39 =	vmax.f32 v42, v51  }
0x2a9: {  	v43 =	vsub.f32 v32, v9;
	(erf) = vpow2.f32 v34;
	v41 =	vmax.f32 v39, v50  }
0x2aa: {  	v40 =	vsub.f32 v31, v9;
	(erf) = vpow2.f32 v33;
	v33 =	vmax.f32 v41, v49  }
0x2ab: {  	v32 =	vmul.f32 $1.442695020e+00, v43;
	v42 =	vsub.f32 v30, v9;
	v33 =	vmax.f32 v33, v48  }
0x2ac: {  	v37 =	vmovc v51;
	v43 =	vsub.f32 v29, v9;
	v31 =	vmul.f32 $1.442695020e+00, v40;
	v51 =	vmax.f32 v33, v54  }
0x2ad: {  	(erf) = vpow2.f32 v32;
	v30 =	vmul.f32 $1.442695020e+00, v42;
	v35 =	vmax.f32 v51, v55  }
0x2ae: {  	v29 =	vmul.f32 $1.442695020e+00, v43;
	(erf) = vpow2.f32 v31;
	v39 =	vmax.f32 v35, v53  }
0x2af: {  	v38 =	vsub.f32 v28, v9;
	(erf) = vpow2.f32 v30;
	v41 =	vmax.f32 v39, v60  }
0x2b0: {  	v40 =	vsub.f32 v27, v9;
	(erf) = vpow2.f32 v29;
	v29 =	vmax.f32 v41, v59  }
0x2b1: {  	v28 =	vmul.f32 $1.442695020e+00, v38;
	v42 =	vsub.f32 v26, v9;
	v29 =	vmax.f32 v29, v58  }
0x2b2: {  	v43 =	vsub.f32 v25, v9;
	v27 =	vmul.f32 $1.442695020e+00, v40;
	v51 =	vmax.f32 v29, v6  }
0x2b3: {  	v31 =	vmovc v58;
	v26 =	vmul.f32 $1.442695020e+00, v42;
	(erf) = vpow2.f32 v28;
	v58 =	vmax.f32 v51, v56  }
0x2b4: {  	[tilespmem:$0x1F770] =	vst v53;
	v25 =	vmul.f32 $1.442695020e+00, v43;
	v53 =	vmovc v60;
	(erf) = vpow2.f32 v27;
	v60 =	vmax.f32 v58, v47  }
0x2b5: {  	(erf) = vpow2.f32 v26;
	v30 =	vmax.f32 v60, v57  }
0x2b6: {  	v34 =	vmov v52;
	v27 =	vpop (erf);
	(erf) = vpow2.f32 v25;
	v25 =	vmax.f32 v30, v52;
	v52 =	vld [tilespmem:$0x1F9B0];
	_ =	sdelay $0x1  }
0x2b7: {  	v51 =	vld [tilespmem:$0x1F9C0]  }
0x2b8: {  	v32 =	vmov v59;
	v42 =	vld [tilespmem:$0x1F9D0];
	v59 =	vsub.f32 v24, v9  }
0x2b9: {  	[tilespmem:$0x1F780] =	vst v6;
	v38 =	vsub.f32 v22, v9;
	v6 =	vmov v56;
	v29 =	vsub.f32 v23, v9;
	v56 =	vld [tilespmem:$0x1F9E0]  }
0x2ba: {  	v24 =	vmul.f32 $1.442695020e+00, v59;
	v25 =	vmax.f32 v25, v52  }
0x2bb: {  	v43 =	vmov v47;
	v22 =	vmul.f32 $1.442695020e+00, v38;
	v23 =	vmul.f32 $1.442695020e+00, v29  }
0x2bc: {  	v40 =	vpop (erf);
	(erf) = vpow2.f32 v24;
	v47 =	vsub.f32 v19, v9;
	v58 =	vld [tilespmem:$0x1F9F0];
	v41 =	vmax.f32 v25, v51  }
0x2bd: {  	v39 =	vsub.f32 v20, v9;
	v25 =	vpop (erf);
	(erf) = vpow2.f32 v23;
	v23 =	vmax.f32 v41, v42  }
0x2be: {  	v19 =	vmul.f32 $1.442695020e+00, v47;
	v47 =	vld [tilespmem:$0x1FA00];
	v24 =	vpop (erf);
	(erf) = vpow2.f32 v22;
	v22 =	vmax.f32 v23, v56  }
0x2bf: {  	v20 =	vmul.f32 $1.442695020e+00, v39  }
0x2c0: {  	[tilespmem:$0x1F790] =	vst v57;
	v57 =	vsub.f32 v18, v9;
	v23 =	vpop (erf)  }
0x2c1: {  	v59 =	vsub.f32 v17, v9;
	(erf) = vpow2.f32 v20;
	v20 =	vmax.f32 v22, v58;
	v22 =	vpop (erf)  }
0x2c2: {  	v60 =	vsub.f32 v16, v9;
	v18 =	vmul.f32 $1.442695020e+00, v57;
	v28 =	vpop (erf)  }
0x2c3: {  	v17 =	vmul.f32 $1.442695020e+00, v59;
	v30 =	vsub.f32 v15, v9;
	v20 =	vmax.f32 v20, v47;
	v29 =	vpop (erf)  }
0x2c4: {  	v16 =	vmul.f32 $1.442695020e+00, v60;
	v20 =	vmax.f32 v20, v46;
	(erf) = vpow2.f32 v19  }
0x2c5: {  	v15 =	vmul.f32 $1.442695020e+00, v30;
	(xrf0) =	vmax.scan.msk.f32 $0xffff, v20;
	v19 =	vpop (erf)  }
0x2c6: {  	v33 =	vsub.f32 v14, v9;
	(erf) = vpow2.f32 v18;
	v18 =	vpop (erf)  }
0x2c7: {  	v35 =	vsub.f32 v13, v9;
	v38 =	vadd.f32 v21, v27;
	(erf) = vpow2.f32 v17;
	v17 =	vpop (erf)  }
0x2c8: {  	v14 =	vmul.f32 $1.442695020e+00, v33;
	v39 =	vsub.f32 v12, v9;
	(erf) = vpow2.f32 v16;
	v16 =	vpop (erf)  }
0x2c9: {  	v20 =	vadd.f32 v38, v40;
	v40 =	vsub.f32 v11, v9;
	(erf) = vpow2.f32 v15;
	v15 =	vpop (erf)  }
0x2ca: {  	v13 =	vmul.f32 $1.442695020e+00, v35;
	v12 =	vmul.f32 $1.442695020e+00, v39;
	v21 =	vpop (erf)  }
0x2cb: {  	v41 =	vsub.f32 v10, v9;
	v11 =	vmul.f32 $1.442695020e+00, v40;
	(erf) = vpow2.f32 v14;
	v42, _, _ =	vpop (xrf0)  }
0x2cc: {  	v56 =	vsub.f32 v36, v9;
	(erf) = vpow2.f32 v13;
	v26 =	vpop (erf);
	v36 =	vbroadcast v42, $0xF  }
0x2cd: {  	v57 =	vsub.f32 v8, v9;
	v10 =	vmul.f32 $1.442695020e+00, v41;
	(erf) = vpow2.f32 v12;
	v27 =	vpop (erf)  }
0x2ce: {  	v58 =	vmul.f32 $1.442695020e+00, v56;
	(erf) = vpow2.f32 v11;
	v30 =	vpop (erf);
	v59 =	vsub.f32 v7, v36  }
0x2cf: {  	v8 =	vmul.f32 $1.442695020e+00, v57;
	v60 =	vadd.f32 v20, v25;
	(erf) = vpow2.f32 v10;
	v20 =	vpop (erf)  }
0x2d0: {  	(erf) = vpow2.f32 v58;
	v61 =	vsub.f32 v61, v36;
	v14 =	vpop (erf);
	v7 =	vmul.f32 $1.442695020e+00, v59  }
0x2d1: {  	v35 =	vsub.f32 v5, v36;
	(erf) = vpow2.f32 v8;
	v12 =	vpop (erf)  }
0x2d2: {  	v33 =	vmul.f32 $1.442695020e+00, v61;
	v13 =	vpop (erf);
	(erf) = vpow2.f32 v7  }
0x2d3: {  	v5 =	vmul.f32 $1.442695020e+00, v35;
	v10 =	vpop (erf)  }
0x2d4: {  	v3 =	vsub.f32 v3, v36;
	(erf) = vpow2.f32 v33;
	v11 =	vpop (erf)  }
0x2d5: {  	v25 =	vadd.f32 v60, v24;
	v39 =	vsub.f32 v4, v36;
	v7 =	vpop (erf)  }
0x2d6: {  	v3 =	vmul.f32 $1.442695020e+00, v3;
	(erf) = vpow2.f32 v5;
	v8 =	vpop (erf)  }
0x2d7: {  	v38 =	vadd.f32 v25, v23;
	v2 =	vsub.f32 v2, v36;
	v4 =	vmul.f32 $1.442695020e+00, v39;
	v5 =	vpop (erf)  }
0x2d8: {  	v40 =	vpop (erf)  }
0x2d9: {  	v22 =	vadd.f32 v38, v22;
	v2 =	vmul.f32 $1.442695020e+00, v2;
	(erf) = vpow2.f32 v4;
	v41 =	vpop (erf)  }
0x2da: {  	v1 =	vsub.f32 v1, v36;
	(erf) = vpow2.f32 v3;
	v3 =	vpop (erf)  }
0x2db: {  	v22 =	vadd.f32 v22, v28;
	(erf) = vpow2.f32 v2;
	v2 =	vsub.f32 v63, v36;
	[tilespmem:$0x1F810] =	vst v3;
	v3 =	vpop (erf)  }
0x2dc: {  	v24 =	vld [tilespmem:$0x1FA10];
	v3 =	vadd.f32 $0.0e+00, v3  }
0x2dd: {  	v23 =	vmov v46;
	v46 =	vld [tilespmem:$0x1FA20];
	v1 =	vmul.f32 $1.442695020e+00, v1;
	v42 =	vadd.f32 v22, v29;
	v56 =	vpop (erf)  }
0x2de: {  	v57 =	vsub.f32 v62, v36;
	v61 =	vld [tilespmem:$0x1FA30];
	v3 =	vadd.f32 v3, v56  }
0x2df: {  	v4 =	vadd.f32 v42, v19;
	v42 =	vld [tilespmem:$0x1FA40];
	(erf) = vpow2.f32 v1;
	v1 =	vmul.f32 $1.442695020e+00, v2;
	v2 =	vpop (erf)  }
0x2e0: {  	[tilespmem:$0x1F7D0] =	vst v41;
	v41 =	vld [tilespmem:$0x1FA50];
	v2 =	vadd.f32 v3, v2;
	v3 =	vmul.f32 $1.442695020e+00, v57  }
0x2e1: {  	v59 =	vsub.f32 v37, v36;
	v37 =	vld [tilespmem:$0x1FA60];
	(erf) = vpow2.f32 v1;
	v1 =	vsub.f32 v45, v36  }
0x2e2: {  	v39 =	vld [tilespmem:$0x1FA70];
	(erf) = vpow2.f32 v3;
	v3 =	vmax.f32 v24, v46  }
0x2e3: {  	v38 =	vld [tilespmem:$0x1FA80];
	v1 =	vmul.f32 $1.442695020e+00, v1;
	v3 =	vmax.f32 v3, v61  }
0x2e4: {  	v33 =	vld [tilespmem:$0x1FA90];
	v3 =	vmax.f32 v3, v42  }
0x2e5: {  	v29 =	vld [tilespmem:$0x1FAA0];
	(erf) = vpow2.f32 v1;
	v1 =	vmul.f32 $1.442695020e+00, v59;
	v3 =	vmax.f32 v3, v41  }
0x2e6: {  	[tilespmem:$0x1F7A0] =	vst v40;
	v40 =	vld [tilespmem:$0x1FAB0];
	v3 =	vmax.f32 v3, v37  }
0x2e7: {  	v35 =	vld [tilespmem:$0x1FAC0];
	v4 =	vadd.f32 v4, v18;
	(erf) = vpow2.f32 v1;
	v1 =	vmax.f32 v3, v39  }
0x2e8: {  	v45 =	vld [tilespmem:$0x1FAD0];
	v1 =	vmax.f32 v1, v38  }
0x2e9: {  	v4 =	vadd.f32 v4, v17;
	v58 =	vpop (erf);
	v1 =	vmax.f32 v1, v33  }
0x2ea: {  	v2 =	vadd.f32 v2, v58;
	v1 =	vmax.f32 v1, v29  }
0x2eb: {  	v4 =	vadd.f32 v4, v16;
	v62 =	vpop (erf);
	v1 =	vmax.f32 v1, v40  }
0x2ec: {  	v60 =	vld [tilespmem:$0x1FB10];
	v25 =	vsub.f32 v48, v36;
	v2 =	vadd.f32 v2, v62;
	v1 =	vmax.f32 v1, v35  }
0x2ed: {  	v48 =	vld [tilespmem:$0x1F770];
	v18 =	vsub.f32 v50, v36;
	v4 =	vadd.f32 v4, v15;
	v63 =	vpop (erf);
	v1 =	vmax.f32 v1, v45  }
0x2ee: {  	v50 =	vmov v44;
	v2 =	vadd.f32 v2, v63;
	v1 =	vmax.f32 v1, v44;
	v44 =	vld [tilespmem:$0x1FAE0]  }
0x2ef: {  	v22 =	vsub.f32 v49, v36;
	v15 =	vpop (erf);
	v63 =	vld [tilespmem:$0x1FAF0];
	v3 =	vadd.f32 v4, v21;
	v4 =	vmul.f32 $1.442695020e+00, v18  }
0x2f0: {  	v49 =	vsub.f32 v53, v36;
	v62 =	vld [tilespmem:$0x1FB00];
	v2 =	vadd.f32 v2, v15  }
0x2f1: {  	v53 =	vld [tilespmem:$0x1FB80];
	v16 =	vpop (erf);
	v15 =	vmul.f32 $1.442695020e+00, v22;
	v3 =	vadd.f32 v3, v26;
	(erf) = vpow2.f32 v4  }
0x2f2: {  	v59 =	vld [tilespmem:$0x1FB20];
	v26 =	vsub.f32 v54, v36;
	v4 =	vmul.f32 $1.442695020e+00, v25;
	v2 =	vadd.f32 v2, v16  }
0x2f3: {  	v58 =	vld [tilespmem:$0x1FB30];
	(erf) = vpow2.f32 v15;
	v15 =	vsub.f32 v48, v36;
	v1 =	vmax.f32 v1, v44  }
0x2f4: {  	v57 =	vld [tilespmem:$0x1FB40];
	v3 =	vadd.f32 v3, v27;
	v27 =	vsub.f32 v55, v36;
	v1 =	vmax.f32 v1, v63  }
0x2f5: {  	v56 =	vld [tilespmem:$0x1FB50];
	v17 =	vpop (erf);
	v28 =	vmul.f32 $1.442695020e+00, v26;
	(erf) = vpow2.f32 v4;
	v1 =	vmax.f32 v1, v62  }
0x2f6: {  	v55 =	vld [tilespmem:$0x1FB60];
	v2 =	vadd.f32 v2, v17;
	v15 =	vmul.f32 $1.442695020e+00, v15;
	v1 =	vmax.f32 v1, v60  }
0x2f7: {  	v54 =	vld [tilespmem:$0x1FB70];
	v19 =	vpop (erf);
	v3 =	vadd.f32 v3, v30;
	v30 =	vmul.f32 $1.442695020e+00, v27;
	v1 =	vmax.f32 v1, v59  }
0x2f8: {  	v25 =	vld [tilespmem:$0x1FBB0];
	(erf) = vpow2.f32 v28;
	v2 =	vadd.f32 v2, v19;
	v1 =	vmax.f32 v1, v58  }
0x2f9: {  	v21 =	vpop (erf);
	v3 =	vadd.f32 v3, v20;
	v20 =	vsub.f32 v32, v36;
	v32 =	vld [tilespmem:$0x1FB90];
	v1 =	vmax.f32 v1, v57  }
0x2fa: {  	v2 =	vadd.f32 v2, v21;
	v21 =	vsub.f32 v31, v36;
	v31 =	vld [tilespmem:$0x1FBA0];
	v1 =	vmax.f32 v1, v56  }
0x2fb: {  	v4 =	vmul.f32 $1.442695020e+00, v49;
	v26 =	vld [tilespmem:$0x1FBC0];
	(erf) = vpow2.f32 v30;
	v1 =	vmax.f32 v1, v55  }
0x2fc: {  	v30 =	vld [tilespmem:$0x1F780];
	(erf) = vpow2.f32 v15;
	v22 =	vmul.f32 $1.442695020e+00, v20;
	v1 =	vmax.f32 v1, v54  }
0x2fd: {  	v27 =	vld [tilespmem:$0x1FBD0];
	(erf) = vpow2.f32 v4;
	v28 =	vmul.f32 $1.442695020e+00, v21;
	v1 =	vmax.f32 v1, v53  }
0x2fe: {  	v49 =	vsub.f32 v43, v36;
	v43 =	vld [tilespmem:$0x1FBE0];
	(erf) = vpow2.f32 v22;
	v1 =	vmax.f32 v1, v32  }
0x2ff: {  	(erf) = vpow2.f32 v28;
	v28 =	vld [tilespmem:$0x1FBF0];
	v1 =	vmax.f32 v1, v31  }
0x300: {  	v20 =	vld [tilespmem:$0x1F790];
	v1 =	vmax.f32 v1, v25  }
0x301: {  	v15 =	vsub.f32 v30, v36;
	v1 =	vmax.f32 v1, v26  }
0x302: {  	v48 =	vsub.f32 v6, v36;
	v1 =	vmax.f32 v1, v27  }
0x303: {  	v15 =	vmul.f32 $1.442695020e+00, v15;
	v1 =	vmax.f32 v1, v43  }
0x304: {  	v4 =	vmul.f32 $1.442695020e+00, v48;
	v22 =	vsub.f32 v34, v36;
	v1 =	vmax.f32 v1, v28  }
0x305: {  	v21 =	vsub.f32 v20, v36;
	v20 =	vld [tilespmem:$0x1F9D0];
	(erf) = vpow2.f32 v15;
	(xrf0) =	vmax.scan.msk.f32 $0xffff, v1;
	v1 =	vmul.f32 $1.442695020e+00, v49  }
0x306: {  	(erf) = vpow2.f32 v4  }
0x307: {  	v30 =	vpop (erf);
	(erf) = vpow2.f32 v1;
	v1 =	vmul.f32 $1.442695020e+00, v22;
	v22 =	vld [tilespmem:$0x1F9E0]  }
0x308: {  	v48 =	vsub.f32 v52, v36;
	v2 =	vadd.f32 v2, v30;
	v30 =	vld [tilespmem:$0x1F9F0];
	v34 =	vmul.f32 $1.442695020e+00, v21;
	v49 =	vpop (erf)  }
0x309: {  	v51 =	vsub.f32 v51, v36;
	v3 =	vadd.f32 v3, v14;
	v19 =	vpop (erf)  }
0x30a: {  	v52 =	vmul.f32 $1.442695020e+00, v48;
	v21 =	vsub.f32 v20, v36;
	v16 =	vpop (erf);
	(erf) = vpow2.f32 v34  }
0x30b: {  	v2 =	vadd.f32 v2, v49;
	v17 =	vpop (erf);
	(erf) = vpow2.f32 v1;
	v1 =	vmul.f32 $1.442695020e+00, v51  }
0x30c: {  	v49 =	vsub.f32 v47, v36;
	v18 =	vpop (erf);
	(erf) = vpow2.f32 v52;
	v4 =	vsub.f32 v22, v36  }
0x30d: {  	v34 =	vsub.f32 v30, v36;
	(erf) = vpow2.f32 v1;
	v1 =	vmul.f32 $1.442695020e+00, v21;
	v48, _, _ =	vpop (xrf0)  }
0x30e: {  	v2 =	vadd.f32 v2, v19;
	v20 =	vpop (erf);
	v21 =	vbroadcast v48, $0xF;
	v4 =	vmul.f32 $1.442695020e+00, v4  }
0x30f: {  	v51 =	vsub.f32 v23, v36;
	v23 =	vpop (erf);
	(erf) = vpow2.f32 v1;
	v1 =	vmul.f32 $1.442695020e+00, v34  }
0x310: {  	v52 =	vmul.f32 $1.442695020e+00, v49;
	v30 =	vsub.f32 v24, v21;
	v24 =	vpop (erf);
	(erf) = vpow2.f32 v4  }
0x311: {  	v46 =	vsub.f32 v46, v21;
	v15 =	vpop (erf);
	(erf) = vpow2.f32 v1;
	v1 =	vmul.f32 $1.442695020e+00, v51  }
0x312: {  	v2 =	vadd.f32 v2, v16;
	v34 =	vmul.f32 $1.442695020e+00, v30;
	v22 =	vpop (erf);
	(erf) = vpow2.f32 v52  }
0x313: {  	v47 =	vsub.f32 v61, v21;
	v14 =	vpop (erf);
	(erf) = vpow2.f32 v1;
	v1 =	vmul.f32 $1.442695020e+00, v46  }
0x314: {  	v2 =	vadd.f32 v2, v17;
	v16 =	vpop (erf);
	(erf) = vpow2.f32 v34  }
0x315: {  	v48 =	vpop (erf);
	(erf) = vpow2.f32 v1;
	v1 =	vmul.f32 $1.442695020e+00, v47  }
0x316: {  	v3 =	vadd.f32 v3, v12  }
0x317: {  	v49 =	vsub.f32 v42, v21;
	v51 =	vpop (erf)  }
0x318: {  	v13 =	vadd.f32 v3, v13;
	v18 =	vadd.f32 v2, v18;
	v2 =	vpop (erf)  }
0x319: {  	v17 =	vmul.f32 $1.442695020e+00, v49;
	v52 =	vsub.f32 v41, v21;
	(erf) = vpow2.f32 v1;
	v1 =	vpop (erf)  }
0x31a: {  	v61 =	vadd.f32 v13, v10;
	[tilespmem:$0x1F800] =	vst v1;
	v1 =	vpop (erf)  }
0x31b: {  	v4 =	vadd.f32 v18, v20;
	v6 =	vmul.f32 $1.442695020e+00, v52;
	(erf) = vpow2.f32 v17;
	[tilespmem:$0x1F820] =	vst v1;
	v1 =	vpop (erf)  }
0x31c: {  	v11 =	vadd.f32 v61, v11;
	[tilespmem:$0x1F930] =	vst v1;
	v1 =	vpop (erf)  }
0x31d: {  	v3 =	vld [tilespmem:$0x1FC10];
	v13 =	vadd.f32 v4, v23;
	(erf) = vpow2.f32 v6;
	[tilespmem:$0x1F950] =	vst v1;
	v1 =	vpop (erf)  }
0x31e: {  	v30 =	vsub.f32 v37, v21;
	v20 =	vld [tilespmem:$0x1F7A0];
	v41 =	vadd.f32 v11, v7;
	v37 =	vpop (erf)  }
0x31f: {  	[tilespmem:$0x1F7B0] =	vst v48;
	v13 =	vadd.f32 v13, v24;
	v42 =	vadd.f32 $0.0e+00, v37;
	v37 =	vld [tilespmem:$0x1FC00]  }
0x320: {  	v8 =	vadd.f32 v41, v8;
	v24 =	vsub.f32 v39, v21;
	[tilespmem:$0x1F7F0] =	vst v2;
	v2 =	vld [tilespmem:$0x1FC20];
	v47 =	vpop (erf)  }
0x321: {  	v46 =	vadd.f32 v13, v15;
	[tilespmem:$0x1F970] =	vst v1;
	v1 =	vld [tilespmem:$0x1FC30];
	v48 =	vadd.f32 v42, v47  }
0x322: {  	v34 =	vmul.f32 $1.442695020e+00, v30;
	v41 =	vsub.f32 v33, v21;
	[tilespmem:$0x1F7C0] =	vst v51;
	v61 =	vadd.f32 v8, v5;
	v51 =	vpop (erf);
	v42 =	vld [tilespmem:$0x1FC40]  }
0x323: {  	v39 =	vld [tilespmem:$0x1FC50];
	v49 =	vadd.f32 v46, v22;
	v17 =	vadd.f32 v48, v51  }
0x324: {  	(erf) = vpow2.f32 v34;
	v34 =	vsub.f32 v38, v21;
	v38 =	vld [tilespmem:$0x1FC60];
	v19 =	vpop (erf);
	v52 =	vmax.f32 v37, v3  }
0x325: {  	v4 =	vadd.f32 v61, v20;
	v20 =	vld [tilespmem:$0x1FC70];
	v18 =	vmax.f32 v52, v2;
	v22 =	vadd.f32 v17, v19  }
0x326: {  	v33 =	vld [tilespmem:$0x1FC80];
	v8 =	vmul.f32 $1.442695020e+00, v24;
	v15 =	vsub.f32 v50, v21;
	v30 =	vpop (erf);
	v10 =	vmax.f32 v18, v1  }
0x327: {  	v24 =	vsub.f32 v60, v21;
	v23 =	vmax.f32 v10, v42;
	v5 =	vadd.f32 v22, v30;
	v22 =	vld [tilespmem:$0x1FC90]  }
0x328: {  	v11 =	vadd.f32 v49, v14;
	v48 =	vsub.f32 v29, v21;
	v29 =	vld [tilespmem:$0x1FCA0];
	v7 =	vmax.f32 v23, v39  }
0x329: {  	v60 =	vsub.f32 v57, v21;
	v49 =	vsub.f32 v40, v21;
	v30 =	vld [tilespmem:$0x1FCB0];
	v7 =	vmax.f32 v7, v38  }
0x32a: {  	v40 =	vld [tilespmem:$0x1FCC0];
	v61 =	vadd.f32 v11, v16;
	v16 =	vsub.f32 v44, v21;
	v7 =	vmax.f32 v7, v20  }
0x32b: {  	v44 =	vsub.f32 v59, v21;
	v47 =	vmul.f32 $1.442695020e+00, v41;
	v41 =	vld [tilespmem:$0x1FCD0];
	v7 =	vmax.f32 v7, v33  }
0x32c: {  	v59 =	vsub.f32 v58, v21;
	v10 =	vmul.f32 $1.442695020e+00, v34;
	v34 =	vld [tilespmem:$0x1FCE0];
	v7 =	vmax.f32 v7, v22  }
0x32d: {  	(erf) = vpow2.f32 v8;
	v51 =	vsub.f32 v35, v21;
	v35 =	vld [tilespmem:$0x1FCF0];
	v7 =	vmax.f32 v7, v29  }
0x32e: {  	v8 =	vmul.f32 $1.442695020e+00, v49;
	v52 =	vsub.f32 v45, v21;
	v45 =	vld [tilespmem:$0x1FD00];
	v46 =	vpop (erf);
	v7 =	vmax.f32 v7, v30  }
0x32f: {  	v5 =	vadd.f32 v5, v46;
	(erf) = vpow2.f32 v10;
	v46 =	vld [tilespmem:$0x1FD10];
	v7 =	vmax.f32 v7, v40  }
0x330: {  	v10 =	vmul.f32 $1.442695020e+00, v48;
	(erf) = vpow2.f32 v47;
	v47 =	vld [tilespmem:$0x1FD20];
	v7 =	vmax.f32 v7, v41  }
0x331: {  	v13 =	vmul.f32 $1.442695020e+00, v51;
	v14 =	vmul.f32 $1.442695020e+00, v52;
	v52 =	vld [tilespmem:$0x1FD30];
	v7 =	vmax.f32 v7, v34  }
0x332: {  	v17 =	vsub.f32 v63, v21;
	v51 =	vld [tilespmem:$0x1FD40];
	(erf) = vpow2.f32 v10;
	v7 =	vmax.f32 v7, v35  }
0x333: {  	v50 =	vld [tilespmem:$0x1FD50];
	v18 =	vsub.f32 v62, v21;
	(erf) = vpow2.f32 v8;
	v7 =	vmax.f32 v7, v45  }
0x334: {  	v49 =	vld [tilespmem:$0x1FD60];
	v10 =	vmul.f32 $1.442695020e+00, v15;
	(erf) = vpow2.f32 v13;
	v7 =	vmax.f32 v7, v46  }
0x335: {  	v48 =	vld [tilespmem:$0x1FD70];
	v8 =	vmul.f32 $1.442695020e+00, v16;
	(erf) = vpow2.f32 v14;
	v7 =	vmax.f32 v7, v47  }
0x336: {  	v63 =	vld [tilespmem:$0x1FD80];
	v19 =	vmul.f32 $1.442695020e+00, v17;
	(erf) = vpow2.f32 v10;
	v7 =	vmax.f32 v7, v52  }
0x337: {  	[tilespmem:$0x1F7E0] =	vst v4;
	v4 =	vld [tilespmem:$0x1FD90];
	v23 =	vmul.f32 $1.442695020e+00, v18;
	(erf) = vpow2.f32 v8;
	v7 =	vmax.f32 v7, v51  }
0x338: {  	v6 =	vld [tilespmem:$0x1FDA0];
	v10 =	vmul.f32 $1.442695020e+00, v24;
	(erf) = vpow2.f32 v19;
	v7 =	vmax.f32 v7, v50  }
0x339: {  	v18 =	vld [tilespmem:$0x1FDB0];
	v8 =	vmul.f32 $1.442695020e+00, v44;
	(erf) = vpow2.f32 v23;
	v7 =	vmax.f32 v7, v49  }
0x33a: {  	v62 =	vmul.f32 $1.442695020e+00, v59;
	v14 =	vld [tilespmem:$0x1FDC0];
	(erf) = vpow2.f32 v10;
	v7 =	vmax.f32 v7, v48  }
0x33b: {  	v59 =	vld [tilespmem:$0x1FDD0];
	v11 =	vpop (erf);
	v23 =	vmul.f32 $1.442695020e+00, v60;
	(erf) = vpow2.f32 v8;
	v7 =	vmax.f32 v7, v63  }
0x33c: {  	v12 =	vpop (erf);
	v60 =	vld [tilespmem:$0x1FDE0];
	(erf) = vpow2.f32 v62;
	v7 =	vmax.f32 v7, v4  }
0x33d: {  	v15 =	vpop (erf);
	(erf) = vpow2.f32 v23;
	v23 =	vld [tilespmem:$0x1FDF0];
	v7 =	vmax.f32 v7, v6  }
0x33e: {  	v7 =	vmax.f32 v7, v18  }
0x33f: {  	v7 =	vmax.f32 v7, v14  }
0x340: {  	v58 =	vsub.f32 v32, v21;
	v24 =	vsub.f32 v56, v21;
	v7 =	vmax.f32 v7, v59  }
0x341: {  	v13 =	vsub.f32 v31, v21;
	v56 =	vsub.f32 v53, v21;
	v7 =	vmax.f32 v7, v60  }
0x342: {  	v44 =	vsub.f32 v55, v21;
	v55 =	vsub.f32 v54, v21;
	v19 =	vpop (erf);
	v7 =	vmax.f32 v7, v23  }
0x343: {  	v53 =	vsub.f32 v25, v21;
	v54 =	vmul.f32 $1.442695020e+00, v13;
	v10 =	vmul.f32 $1.442695020e+00, v24;
	v32 =	vpop (erf);
	(xrf0) =	vmax.scan.msk.f32 $0xffff, v7  }
0x344: {  	v57 =	vmul.f32 $1.442695020e+00, v55;
	v8 =	vmul.f32 $1.442695020e+00, v44;
	v24 =	vpop (erf)  }
0x345: {  	v55 =	vmul.f32 $1.442695020e+00, v53;
	(erf) = vpow2.f32 v10;
	v31 =	vpop (erf)  }
0x346: {  	v5 =	vadd.f32 v5, v11;
	v62 =	vmul.f32 $1.442695020e+00, v56;
	(erf) = vpow2.f32 v8;
	v25 =	vpop (erf)  }
0x347: {  	v44 =	vmul.f32 $1.442695020e+00, v58;
	v56 =	vsub.f32 v26, v21;
	(erf) = vpow2.f32 v57;
	v26 =	vpop (erf)  }
0x348: {  	v57 =	vsub.f32 v27, v21;
	(erf) = vpow2.f32 v62;
	v27 =	vpop (erf);
	v62 =	vsub.f32 v43, v21  }
0x349: {  	v11 =	vadd.f32 v5, v12;
	v58 =	vmul.f32 $1.442695020e+00, v56;
	(erf) = vpow2.f32 v44;
	v43, _, _ =	vpop (xrf0)  }
0x34a: {  	v53 =	vsub.f32 v28, v21;
	v28 =	vpop (erf);
	(erf) = vpow2.f32 v54;
	v5 =	vbroadcast v43, $0xF  }
0x34b: {  	v44 =	vmul.f32 $1.442695020e+00, v57;
	v54 =	vadd.f32 v11, v15;
	v56 =	vpop (erf);
	(erf) = vpow2.f32 v55  }
0x34c: {  	v55 =	vmul.f32 $1.442695020e+00, v62;
	(erf) = vpow2.f32 v58;
	v62 =	vpop (erf);
	v58 =	vsub.f32 v37, v5  }
0x34d: {  	v57 =	vmul.f32 $1.442695020e+00, v53;
	v37 =	vadd.f32 v54, v19;
	v16 =	vsub.f32 v3, v5;
	v3 =	vpop (erf)  }
0x34e: {  	(erf) = vpow2.f32 v44;
	v19 =	vsub.f32 v2, v5;
	v43 =	vsub.f32 v1, v5;
	v2 =	vld [tilespmem:$0x1FE10];
	v1 =	vpop (erf)  }
0x34f: {  	(erf) = vpow2.f32 v55;
	[tilespmem:$0x1F860] =	vst v1;
	v1 =	vld [tilespmem:$0x1FE00]  }
0x350: {  	(erf) = vpow2.f32 v57;
	[tilespmem:$0x1F850] =	vst v3;
	v3 =	vld [tilespmem:$0x1FE20]  }
0x351: {  	v13 =	vld [tilespmem:$0x1FE30];
	v12 =	vsub.f32 v39, v5;
	v39 =	vsub.f32 v38, v5;
	v17 =	vmul.f32 $1.442695020e+00, v58  }
0x352: {  	v15 =	vld [tilespmem:$0x1FE40];
	v7 =	vmul.f32 $1.442695020e+00, v16;
	v53 =	vmul.f32 $1.442695020e+00, v19;
	v58 =	vsub.f32 v42, v5  }
0x353: {  	[tilespmem:$0x1F830] =	vst v56;
	v55 =	vpop (erf);
	v56 =	vmul.f32 $1.442695020e+00, v43;
	v16 =	vld [tilespmem:$0x1FE50];
	v42 =	vsub.f32 v20, v5;
	(erf) = vpow2.f32 v17  }
0x354: {  	v57 =	vpop (erf);
	v8 =	vmul.f32 $1.442695020e+00, v58;
	v17 =	vld [tilespmem:$0x1FE60];
	v58 =	vsub.f32 v22, v5;
	v44 =	vmax.f32 v1, v2  }
0x355: {  	[tilespmem:$0x1F840] =	vst v62;
	v19 =	vld [tilespmem:$0x1FE70];
	v62 =	vpop (erf);
	(erf) = vpow2.f32 v7;
	v7 =	vmul.f32 $1.442695020e+00, v12;
	v54 =	vmax.f32 v44, v3  }
0x356: {  	v20 =	vld [tilespmem:$0x1FE80];
	[tilespmem:$0x1F8A0] =	vst v62;
	v62 =	vsub.f32 v29, v5;
	(erf) = vpow2.f32 v53;
	v10 =	vmax.f32 v54, v13  }
0x357: {  	v12 =	vld [tilespmem:$0x1FE90];
	(erf) = vpow2.f32 v56;
	v56 =	vsub.f32 v33, v5;
	v10 =	vmax.f32 v10, v15  }
0x358: {  	v43 =	vpop (erf);
	(erf) = vpow2.f32 v8;
	v44 =	vmul.f32 $1.442695020e+00, v39;
	v8 =	vld [tilespmem:$0x1FEA0];
	v10 =	vmax.f32 v10, v16  }
0x359: {  	v22 =	vld [tilespmem:$0x1FEB0];
	v53 =	vpop (erf);
	(erf) = vpow2.f32 v7;
	v54 =	vmul.f32 $1.442695020e+00, v42;
	v10 =	vmax.f32 v10, v17  }
0x35a: {  	[tilespmem:$0x1F870] =	vst v55;
	v29 =	vld [tilespmem:$0x1FEC0];
	v55 =	vpop (erf);
	v11 =	vmul.f32 $1.442695020e+00, v56;
	(erf) = vpow2.f32 v44;
	v10 =	vmax.f32 v10, v19  }
0x35b: {  	[tilespmem:$0x1F880] =	vst v57;
	v57 =	vpop (erf);
	v42 =	vsub.f32 v30, v5;
	v30 =	vld [tilespmem:$0x1FED0];
	(erf) = vpow2.f32 v54;
	v10 =	vmax.f32 v10, v20  }
0x35c: {  	[tilespmem:$0x1F8D0] =	vst v43;
	v43 =	vpop (erf);
	(erf) = vpow2.f32 v11;
	v11 =	vld [tilespmem:$0x1FEE0];
	v10 =	vmax.f32 v10, v12  }
0x35d: {  	v33 =	vld [tilespmem:$0x1FEF0];
	v10 =	vmax.f32 v10, v8  }
0x35e: {  	v10 =	vmax.f32 v10, v22  }
0x35f: {  	v10 =	vmax.f32 v10, v29  }
0x360: {  	v10 =	vmax.f32 v10, v30  }
0x361: {  	v10 =	vmax.f32 v10, v11  }
0x362: {  	[tilespmem:$0x1F8F0] =	vst v53;
	v53 =	vmax.f32 v10, v33;
	v10 =	vld [tilespmem:$0x1FF00]  }
0x363: {  	v7 =	vmul.f32 $1.442695020e+00, v58  }
0x364: {  	v38 =	vmul.f32 $1.442695020e+00, v62  }
0x365: {  	[tilespmem:$0x1F900] =	vst v55;
	v55 =	vsub.f32 v40, v5;
	v58 =	vsub.f32 v41, v5;
	v44 =	vpop (erf);
	(erf) = vpow2.f32 v7;
	v7 =	vld [tilespmem:$0x1FF10]  }
0x366: {  	v62 =	vsub.f32 v34, v5;
	v39 =	vmul.f32 $1.442695020e+00, v42  }
0x367: {  	v34 =	vld [tilespmem:$0x1FF20];
	[tilespmem:$0x1F920] =	vst v57;
	v54 =	vpop (erf);
	(erf) = vpow2.f32 v38;
	v38 =	vmul.f32 $1.442695020e+00, v55;
	v56 =	vmax.f32 v53, v10  }
0x368: {  	[tilespmem:$0x1F940] =	vst v43;
	v57 =	vpop (erf);
	(erf) = vpow2.f32 v39;
	v39 =	vmul.f32 $1.442695020e+00, v58;
	v53 =	vsub.f32 v35, v5;
	v35 =	vld [tilespmem:$0x1FF30]  }
0x369: {  	v43 =	vld [tilespmem:$0x1FF40];
	[tilespmem:$0x1F960] =	vst v44;
	v58 =	vpop (erf);
	(erf) = vpow2.f32 v38;
	v38 =	vmul.f32 $1.442695020e+00, v62  }
0x36a: {  	v44 =	vld [tilespmem:$0x1FF50];
	[tilespmem:$0x1F980] =	vst v54;
	v40 =	vmax.f32 v56, v7;
	v62 =	vmul.f32 $1.442695020e+00, v53;
	v56 =	vpop (erf);
	(erf) = vpow2.f32 v39  }
0x36b: {  	[tilespmem:$0x1F990] =	vst v57;
	v57 =	vsub.f32 v45, v5;
	v45 =	vld [tilespmem:$0x1FF60];
	v54 =	vpop (erf);
	(erf) = vpow2.f32 v38  }
0x36c: {  	v40 =	vmax.f32 v40, v34;
	v53 =	vpop (erf);
	(erf) = vpow2.f32 v62;
	v62 =	vsub.f32 v46, v5;
	v46 =	vld [tilespmem:$0x1FF70]  }
0x36d: {  	v55 =	vsub.f32 v47, v5;
	v47 =	vld [tilespmem:$0x1FF80];
	v38 =	vmul.f32 $1.442695020e+00, v57;
	v40 =	vmax.f32 v40, v35  }
0x36e: {  	v40 =	vmax.f32 v40, v43;
	v39 =	vmul.f32 $1.442695020e+00, v62;
	v62 =	vld [tilespmem:$0x1FF90]  }
0x36f: {  	v57 =	vpop (erf);
	(erf) = vpow2.f32 v38;
	v38 =	vmul.f32 $1.442695020e+00, v55;
	v55 =	vld [tilespmem:$0x1FFA0];
	v40 =	vmax.f32 v40, v44  }
0x370: {  	v42 =	vsub.f32 v52, v5;
	v52 =	vld [tilespmem:$0x1FFB0];
	v40 =	vmax.f32 v40, v45  }
0x371: {  	v40 =	vmax.f32 v40, v46  }
0x372: {  	v40 =	vmax.f32 v40, v47  }
0x373: {  	v40 =	vmax.f32 v40, v62  }
0x374: {  	v40 =	vmax.f32 v40, v55;
	v55 =	vpop (erf);
	(erf) = vpow2.f32 v39  }
0x375: {  	v40 =	vmax.f32 v40, v52;
	v52 =	vpop (erf);
	(erf) = vpow2.f32 v38;
	v38 =	vsub.f32 v51, v5;
	v51 =	vld [tilespmem:$0x1FFC0];
	_ =	sdelay $0x2  }
0x376: {  	v39 =	vmul.f32 $1.442695020e+00, v42;
	_ =	sdelay $0x1  }
0x377: {  	v40 =	vmax.f32 v40, v51;
	v51 =	vpop (erf);
	(erf) = vpow2.f32 v39;
	v39 =	vsub.f32 v50, v5;
	v50 =	vld [tilespmem:$0x1FFD0]  }
0x378: {  	v41 =	vsub.f32 v49, v5;
	v49 =	vld [tilespmem:$0x1FFE0]  }
0x379: {  	v42 =	vsub.f32 v48, v5;
	v48 =	vld [tilespmem:$0x1FFF0];
	_ =	sdelay $0x2  }
0x37a: {  	v40 =	vmax.f32 v40, v50  }
0x37b: {  	v38 =	vmul.f32 $1.442695020e+00, v38;
	v50 =	vpop (erf);
	v40 =	vmax.f32 v40, v49  }
0x37c: {  	v39 =	vmul.f32 $1.442695020e+00, v39;
	v49 =	vpop (erf);
	v40 =	vmax.f32 v40, v48  }
0x37d: {  	(erf) = vpow2.f32 v38;
	v38 =	vmul.f32 $1.442695020e+00, v41;
	v48 =	vpop (erf);
	(xrf0) =	vmax.scan.msk.f32 $0xffff, v40;
	v40 =	vsub.f32 v63, v5  }
0x37e: {  	v41 =	vsub.f32 v4, v5;
	v63 =	vpop (erf);
	(erf) = vpow2.f32 v39;
	v39 =	vmul.f32 $1.442695020e+00, v42  }
0x37f: {  	v42 =	vpop (erf);
	(erf) = vpow2.f32 v38;
	v38 =	vmul.f32 $1.442695020e+00, v40;
	v40 =	vsub.f32 v6, v5  }
0x380: {  	v6 =	vmul.f32 $1.442695020e+00, v41  }
0x381: {  	v32 =	vadd.f32 v37, v32;
	v4 =	vpop (erf);
	(erf) = vpow2.f32 v39;
	v39 =	vsub.f32 v18, v5  }
0x382: {  	v41 =	vpop (erf);
	(erf) = vpow2.f32 v38  }
0x383: {  	v32 =	vadd.f32 v32, v24;
	v38 =	vmul.f32 $1.442695020e+00, v40;
	v24 =	vmul.f32 $1.442695020e+00, v39;
	v40 =	vpop (erf)  }
0x384: {  	v18 =	vsub.f32 v14, v5;
	(erf) = vpow2.f32 v6;
	v6, _, _ =	vpop (xrf0)  }
0x385: {  	v14 =	vpop (erf);
	(erf) = vpow2.f32 v38  }
0x386: {  	[tilespmem:$0x1F8B0] =	vst v14;
	v14 =	vmul.f32 $1.442695020e+00, v18;
	v18 =	vbroadcast v6, $0xF;
	v39 =	vpop (erf)  }
0x387: {  	(erf) = vpow2.f32 v24;
	v24 =	vpop (erf)  }
0x388: {  	[tilespmem:$0x1F890] =	vst v4;
	(erf) = vpow2.f32 v14;
	v14 =	vsub.f32 v1, v18;
	v1 =	vpop (erf)  }
0x389: {  	v4 =	vsub.f32 v59, v5;
	[tilespmem:$0x1F8E0] =	vst v1;
	v1 =	vld [tilespmem:$0x1F7B0]  }
0x38a: {  	v23 =	vsub.f32 v23, v5  }
0x38b: {  	v60 =	vsub.f32 v60, v5;
	v37 =	vmul.f32 $1.442695020e+00, v4  }
0x38c: {  	v31 =	vadd.f32 v32, v31;
	v32 =	vmul.f32 $1.442695020e+00, v23  }
0x38d: {  	v6 =	vmul.f32 $1.442695020e+00, v60  }
0x38e: {  	(erf) = vpow2.f32 v37;
	v38 =	vpop (erf);
	v23 =	vadd.f32 v61, v1;
	v1 =	vld [tilespmem:$0x1F7C0]  }
0x38f: {  	(erf) = vpow2.f32 v6;
	v37 =	vpop (erf)  }
0x390: {  	(erf) = vpow2.f32 v32;
	v32 =	vpop (erf)  }
0x391: {  	[tilespmem:$0x1F8C0] =	vst v24;
	v24 =	vadd.f32 v31, v25;
	v31 =	vpop (erf)  }
0x392: {  	v59 =	vmul.f32 $1.442695020e+00, v14;
	v14 =	vpop (erf)  }
0x393: {  	v60 =	vsub.f32 v2, v18;
	v2 =	vld [tilespmem:$0x1F7E0];
	v23 =	vadd.f32 v23, v1;
	v1 =	vpop (erf)  }
0x394: {  	[tilespmem:$0x1F910] =	vst v1;
	v1 =	vld [tilespmem:$0x1F7D0];
	_ =	sdelay $0x4  }
0x395: {  	v61 =	vadd.f32 v2, v1;
	v1 =	vld [tilespmem:$0x1F7F0];
	_ =	sdelay $0x4  }
0x396: {  	v25 =	vsub.f32 v3, v18;
	v3 =	vadd.f32 v23, v1;
	v1 =	vld [tilespmem:$0x1F800];
	_ =	sdelay $0x4  }
0x397: {  	v3 =	vadd.f32 v3, v1;
	v1 =	vld [tilespmem:$0x1F810];
	_ =	sdelay $0x4  }
0x398: {  	v61 =	vadd.f32 v61, v1;
	v1 =	vld [tilespmem:$0x1F820];
	_ =	sdelay $0x1  }
0x399: {  	v24 =	vadd.f32 v24, v26;
	(erf) = vpow2.f32 v59;
	v59 =	vmul.f32 $1.442695020e+00, v60  }
0x39a: {  	v26 =	vsub.f32 v13, v18  }
0x39b: {  	v25 =	vmul.f32 $1.442695020e+00, v25;
	v4 =	vadd.f32 v24, v27;
	(erf) = vpow2.f32 v59  }
0x39c: {  	v13 =	vpop (erf);
	v23 =	vmul.f32 $1.442695020e+00, v26;
	v27 =	vadd.f32 v3, v1;
	v1 =	vld [tilespmem:$0x1F830]  }
0x39d: {  	(erf) = vpow2.f32 v25;
	v6 =	vpop (erf)  }
0x39e: {  	v15 =	vsub.f32 v15, v18;
	v2 =	vpop (erf);
	(erf) = vpow2.f32 v23;
	v23 =	vsub.f32 v16, v18  }
0x39f: {  	v28 =	vadd.f32 v4, v28;
	v4 =	vpop (erf)  }
0x3a0: {  	v59 =	vmul.f32 $1.442695020e+00, v15;
	v15 =	vadd.f32 $0.0e+00, v58;
	v16 =	vmul.f32 $1.442695020e+00, v23;
	v3 =	vpop (erf)  }
0x3a1: {  	v26 =	vadd.f32 v28, v1;
	v1 =	vpop (erf)  }
0x3a2: {  	v28 =	vadd.f32 v15, v56;
	[tilespmem:$0x1F9A0] =	vst v1;
	v23 =	vpop (erf);
	v1 =	vld [tilespmem:$0x1F840]  }
0x3a3: {  	v17 =	vsub.f32 v17, v18;
	(erf) = vpow2.f32 v59;
	v24 =	vadd.f32 $0.0e+00, v23  }
0x3a4: {  	(erf) = vpow2.f32 v16;
	v16 =	vpop (erf);
	v28 =	vadd.f32 v28, v54  }
0x3a5: {  	v25 =	vmul.f32 $1.442695020e+00, v17;
	v17 =	vadd.f32 v24, v16  }
0x3a6: {  	v15 =	vsub.f32 v19, v18;
	v23 =	vpop (erf);
	v28 =	vadd.f32 v28, v53  }
0x3a7: {  	v24 =	vadd.f32 v17, v23;
	v17 =	vadd.f32 v26, v1;
	v1 =	vld [tilespmem:$0x1F850]  }
0x3a8: {  	v19 =	vmul.f32 $1.442695020e+00, v15;
	v28 =	vadd.f32 v28, v57  }
0x3a9: {  	(erf) = vpow2.f32 v25  }
0x3aa: {  	(erf) = vpow2.f32 v19;
	v19 =	vadd.f32 v28, v55;
	_ =	sdelay $0x1  }
0x3ab: {  	v26 =	vadd.f32 v19, v52;
	v59 =	vadd.f32 v17, v1;
	v1 =	vld [tilespmem:$0x1F860];
	_ =	sdelay $0x1  }
0x3ac: {  	v26 =	vadd.f32 v26, v51;
	_ =	sdelay $0x1  }
0x3ad: {  	v26 =	vadd.f32 v26, v50  }
0x3ae: {  	v23 =	vadd.f32 v59, v1;
	v1 =	vld [tilespmem:$0x1F870]  }
0x3af: {  	v26 =	vadd.f32 v26, v49  }
0x3b0: {  	v20 =	vsub.f32 v20, v18  }
0x3b1: {  	v60 =	vsub.f32 v12, v18;
	v26 =	vadd.f32 v26, v48  }
0x3b2: {  	v25 =	vmul.f32 $1.442695020e+00, v20  }
0x3b3: {  	v15 =	vmul.f32 $1.442695020e+00, v60;
	v12 =	vpop (erf);
	v26 =	vadd.f32 v26, v63;
	v63 =	vadd.f32 v23, v1;
	v1 =	vld [tilespmem:$0x1F880]  }
0x3b4: {  	v16 =	vsub.f32 v8, v18;
	(erf) = vpow2.f32 v25;
	v53 =	vadd.f32 v24, v12  }
0x3b5: {  	v57 =	vpop (erf)  }
0x3b6: {  	(erf) = vpow2.f32 v15;
	v58 =	vmul.f32 $1.442695020e+00, v16;
	v28 =	vadd.f32 v53, v57  }
0x3b7: {  	v8 =	vpop (erf);
	v52 =	vsub.f32 v11, v18  }
0x3b8: {  	(erf) = vpow2.f32 v58;
	v28 =	vadd.f32 v28, v8;
	v11 =	vadd.f32 v63, v1;
	v1 =	vld [tilespmem:$0x1F890]  }
0x3b9: {  	v60 =	vsub.f32 v22, v18;
	v16 =	vpop (erf)  }
0x3ba: {  	v28 =	vadd.f32 v28, v16  }
0x3bb: {  	v12 =	vmul.f32 $1.442695020e+00, v60;
	v60 =	vsub.f32 v7, v18;
	v20 =	vpop (erf);
	v7 =	vadd.f32 v26, v42  }
0x3bc: {  	v28 =	vadd.f32 v28, v20  }
0x3bd: {  	v53 =	vpop (erf);
	v23 =	vadd.f32 v7, v1;
	v1 =	vld [tilespmem:$0x1F8A0]  }
0x3be: {  	v28 =	vadd.f32 v28, v53  }
0x3bf: {  	v56 =	vpop (erf)  }
0x3c0: {  	v28 =	vadd.f32 v28, v56  }
0x3c1: {  	v57 =	vpop (erf)  }
0x3c2: {  	v24 =	vadd.f32 v28, v57;
	v28 =	vadd.f32 v11, v1;
	v1 =	vld [tilespmem:$0x1F8B0]  }
0x3c3: {  	v23 =	vadd.f32 v23, v41;
	_ =	sdelay $0x1  }
0x3c4: {  	v23 =	vadd.f32 v23, v40;
	_ =	sdelay $0x1  }
0x3c5: {  	v23 =	vadd.f32 v23, v1;
	v1 =	vld [tilespmem:$0x1F8C0];
	_ =	sdelay $0x2  }
0x3c6: {  	v23 =	vadd.f32 v23, v39;
	_ =	sdelay $0x1  }
0x3c7: {  	v23 =	vadd.f32 v23, v1;
	v1 =	vld [tilespmem:$0x1F8D0];
	_ =	sdelay $0x4  }
0x3c8: {  	v57 =	vadd.f32 v28, v1;
	v1 =	vld [tilespmem:$0x1F8E0];
	_ =	sdelay $0x1  }
0x3c9: {  	v15 =	vsub.f32 v29, v18  }
0x3ca: {  	v58 =	vsub.f32 v10, v18  }
0x3cb: {  	v17 =	vmul.f32 $1.442695020e+00, v15  }
0x3cc: {  	(erf) = vpow2.f32 v12;
	v59 =	vmul.f32 $1.442695020e+00, v58;
	v58 =	vadd.f32 v23, v1;
	v1 =	vld [tilespmem:$0x1F8F0]  }
0x3cd: {  	(erf) = vpow2.f32 v17  }
0x3ce: {  	v19 =	vsub.f32 v30, v18;
	_ =	sdelay $0x1  }
0x3cf: {  	v55 =	vsub.f32 v33, v18;
	v22 =	vmul.f32 $1.442695020e+00, v19  }
0x3d0: {  	v54 =	vmul.f32 $1.442695020e+00, v52;
	v63 =	vadd.f32 v57, v1;
	v1 =	vld [tilespmem:$0x1F900]  }
0x3d1: {  	v25 =	vmul.f32 $1.442695020e+00, v55;
	(erf) = vpow2.f32 v22  }
0x3d2: {  	(erf) = vpow2.f32 v54  }
0x3d3: {  	v10 =	vmul.f32 $1.442695020e+00, v60;
	(erf) = vpow2.f32 v25  }
0x3d4: {  	v8 =	vpop (erf);
	(erf) = vpow2.f32 v59  }
0x3d5: {  	v12 =	vpop (erf);
	(erf) = vpow2.f32 v10;
	v10 =	vadd.f32 v63, v1;
	v1 =	vld [tilespmem:$0x1FFA0];
	_ =	sdelay $0x2  }
0x3d6: {  	v24 =	vadd.f32 v24, v8;
	_ =	sdelay $0x1  }
0x3d7: {  	v22 =	vadd.f32 v24, v12;
	v24 =	vsub.f32 v1, v18;
	v1 =	vld [tilespmem:$0x1FFB0];
	_ =	sdelay $0x4  }
0x3d8: {  	v28 =	vsub.f32 v1, v18;
	v1 =	vld [tilespmem:$0x1FFC0]  }
0x3d9: {  	v19 =	vadd.f32 v58, v38;
	_ =	sdelay $0x1  }
0x3da: {  	v19 =	vadd.f32 v19, v37  }
0x3db: {  	v15 =	vsub.f32 v34, v18  }
0x3dc: {  	v19 =	vadd.f32 v19, v32;
	v32 =	vsub.f32 v1, v18;
	v1 =	vld [tilespmem:$0x1FFD0]  }
0x3dd: {  	v33 =	vsub.f32 v35, v18  }
0x3de: {  	v30 =	vmul.f32 $1.442695020e+00, v15  }
0x3df: {  	v35 =	vmul.f32 $1.442695020e+00, v33  }
0x3e0: {  	v29 =	vpop (erf);
	(erf) = vpow2.f32 v30  }
0x3e1: {  	v34 =	vpop (erf);
	(erf) = vpow2.f32 v35;
	v35 =	vsub.f32 v1, v18;
	v1 =	vld [tilespmem:$0x1FFE0];
	_ =	sdelay $0x4  }
0x3e2: {  	v39 =	vsub.f32 v1, v18;
	v1 =	vld [tilespmem:$0x1F910]  }
0x3e3: {  	v19 =	vadd.f32 v19, v31;
	_ =	sdelay $0x1  }
0x3e4: {  	v19 =	vadd.f32 v19, v14;
	_ =	sdelay $0x1  }
0x3e5: {  	v19 =	vadd.f32 v19, v1;
	v1 =	vld [tilespmem:$0x1FFF0];
	_ =	sdelay $0x2  }
0x3e6: {  	v41 =	vsub.f32 v43, v18;
	_ =	sdelay $0x1  }
0x3e7: {  	v43 =	vmul.f32 $1.442695020e+00, v41;
	v41 =	vsub.f32 v1, v18;
	v1 =	vld [tilespmem:$0x1F920]  }
0x3e8: {  	v20 =	vadd.f32 v22, v29;
	_ =	sdelay $0x1  }
0x3e9: {  	v20 =	vadd.f32 v20, v34  }
0x3ea: {  	v42 =	vpop (erf)  }
0x3eb: {  	v20 =	vadd.f32 v20, v42;
	v42 =	vadd.f32 v10, v1;
	v1 =	vld [tilespmem:$0x1F930];
	_ =	sdelay $0x4  }
0x3ec: {  	v54 =	vsub.f32 v46, v18;
	v46 =	vadd.f32 v27, v1;
	v1 =	vld [tilespmem:$0x1F940];
	_ =	sdelay $0x1  }
0x3ed: {  	v48 =	vsub.f32 v44, v18  }
0x3ee: {  	v8 =	vsub.f32 v62, v18  }
0x3ef: {  	v51 =	vsub.f32 v45, v18;
	v50 =	vmul.f32 $1.442695020e+00, v48;
	(erf) = vpow2.f32 v43  }
0x3f0: {  	v12 =	vmul.f32 $1.442695020e+00, v8;
	v49 =	vpop (erf);
	v8 =	vadd.f32 v42, v1;
	v1 =	vld [tilespmem:$0x1F950]  }
0x3f1: {  	v53 =	vmul.f32 $1.442695020e+00, v51;
	v20 =	vadd.f32 v20, v49;
	(erf) = vpow2.f32 v50  }
0x3f2: {  	v56 =	vsub.f32 v47, v18;
	v52 =	vpop (erf)  }
0x3f3: {  	v55 =	vmul.f32 $1.442695020e+00, v54;
	v20 =	vadd.f32 v20, v52;
	(erf) = vpow2.f32 v53  }
0x3f4: {  	v60 =	vmul.f32 $1.442695020e+00, v56;
	v59 =	vpop (erf)  }
0x3f5: {  	v20 =	vadd.f32 v20, v59;
	(erf) = vpow2.f32 v55;
	v48 =	vadd.f32 v46, v1;
	v1 =	vld [tilespmem:$0x1F960]  }
0x3f6: {  	v7 =	vpop (erf)  }
0x3f7: {  	v17 =	vadd.f32 v20, v7;
	(erf) = vpow2.f32 v60  }
0x3f8: {  	v11 =	vpop (erf)  }
0x3f9: {  	(erf) = vpow2.f32 v12;
	v16 =	vadd.f32 v17, v11  }
0x3fa: {  	v25 =	vpop (erf);
	v26 =	vmul.f32 $1.442695020e+00, v24;
	v8 =	vadd.f32 v8, v1;
	v1 =	vld [tilespmem:$0x1F970]  }
0x3fb: {  	v16 =	vadd.f32 v16, v25  }
0x3fc: {  	v29 =	vpop (erf);
	(erf) = vpow2.f32 v26;
	v30 =	vmul.f32 $1.442695020e+00, v28  }
0x3fd: {  	v16 =	vadd.f32 v16, v29  }
0x3fe: {  	v33 =	vpop (erf);
	(erf) = vpow2.f32 v30;
	v34 =	vmul.f32 $1.442695020e+00, v32  }
0x3ff: {  	v16 =	vadd.f32 v16, v33;
	v50 =	vadd.f32 v48, v1;
	v1 =	vld [tilespmem:$0x1F980]  }
0x400: {  	v37 =	vpop (erf);
	(erf) = vpow2.f32 v34;
	v38 =	vmul.f32 $1.442695020e+00, v35  }
0x401: {  	v16 =	vadd.f32 v16, v37;
	v40 =	vmul.f32 $1.442695020e+00, v39  }
0x402: {  	v44 =	vpop (erf);
	(erf) = vpow2.f32 v38  }
0x403: {  	v15 =	vadd.f32 v16, v44;
	(erf) = vpow2.f32 v40  }
0x404: {  	v43 =	vadd.f32 v19, v13;
	v45 =	vmul.f32 $1.442695020e+00, v41;
	v8 =	vadd.f32 v8, v1;
	v1 =	vld [tilespmem:$0x1F990]  }
0x405: {  	v47 =	vpop (erf)  }
0x406: {  	v12 =	vadd.f32 v15, v47;
	v13 =	vadd.f32 v43, v6;
	(erf) = vpow2.f32 v45  }
0x407: {  	v49 =	vpop (erf)  }
0x408: {  	v11 =	vadd.f32 v12, v49;
	v6 =	vadd.f32 v13, v2  }
0x409: {  	(xrf2) =	vadd.scan.msk.f32 $0xffff, v61;
	v51 =	vpop (erf);
	v53 =	vadd.f32 v8, v1;
	v1 =	vld [tilespmem:$0x1F9A0]  }
0x40a: {  	v52 =	vadd.f32 v11, v51;
	v2 =	vadd.f32 v6, v4  }
0x40b: {  	v55 =	vld [tilespmem:s13+$0x19280];
	v54 =	vpop (erf)  }
0x40c: {  	v57 =	vld [tilespmem:s13+$0x19200];
	v2 =	vadd.f32 v2, v3;
	v3 =	vadd.f32 v52, v54  }
0x40d: {  	v56 =	vpop (erf)  }
0x40e: {  	(xrf2) =	vadd.scan.msk.f32 $0xffff, v50;
	v1 =	vadd.f32 v2, v1;
	v2 =	vadd.f32 v3, v56;
	v3 =	vld [tilespmem:s13+$0x19300]  }
0x40f: {  	v58 =	vpop (erf);
	(xrf2) =	vadd.scan.msk.f32 $0xffff, v53  }
0x410: {  	(xrf2) =	vadd.scan.msk.f32 $0xffff, v1;
	v1 =	vadd.f32 v2, v58;
	v2 =	vld [tilespmem:s13+$0x19380]  }
0x411: {  	v59 =	vadd.f32 v55, v57;
	_ =	sdelay $0x1  }
0x412: {  	v60, _, _ =	vpop (xrf2);
	v3 =	vadd.f32 v3, v59  }
0x413: {  	vm10 =	vmmov $0x1;
	v4 =	vbroadcast v60, $0xF;
	(xrf2) =	vadd.scan.msk.f32 $0xffff, v1;
	v1 =	vld [tilespmem:s13+$0x19400]  }
0x414: {  	v2 =	vadd.f32 v2, v3;
	v3 =	vnsel vm10, $0x0, v9  }
0x415: {  	v3 =	vsel vm1, v3, v4;
	_ =	sdelay $0x1  }
0x416: {  	v61, _, _ =	vpop (xrf2);
	vm10 =	vmor vm0, vm2  }
0x417: {  	v62 =	vbroadcast v61, $0xF;
	v1 =	vadd.f32 v1, v2;
	v2 =	vsel vm10, v3, v36;
	v3, _, _ =	vpop (xrf2)  }
0x418: {  	vm10 =	vmor vm3, vm2;
	v3 =	vbroadcast v3, $0xF  }
0x419: {  	v2 =	vsel vm10, v2, v62;
	vm10 =	vmor vm3, vm4  }
0x41a: {  	s12 =	sadd.s32 $0x10, s12;
	v2 =	vsel vm10, v2, v21;
	vm10 =	vmor vm5, vm4;
	v63, _, _ =	vpop (xrf2)  }
0x41b: {  	[tilespmem:s12+$0x0] =	vst v1;
	v1 =	vsel vm10, v2, v3;
	vm10 =	vmor vm5, vm7;
	v2 =	vbroadcast v63, $0xF  }
0x41c: {  	[hbm4b:s6+s3] =	stream.linear.scatter [tilespmem:s30], [sflag:$0x3], $0x200, $0x38;
	v1 =	vsel vm10, v1, v5;
	vm10 =	vmor vm6, vm7;
	v3, _, _ =	vpop (xrf2);
	[tilespmem:$0x1A480] =	vst v63  }
0x41d: {  	v1 =	vsel vm10, v1, v2;
	_ =	swait.ge [sflag:s9], $0x200;
	v2 =	vbroadcast v3, $0xF  }
0x41e: {  	v1 =	vsel vm8, v1, v18;
	[sflag:s9] =	ssyncset.done $0x0  }
0x41f: {  	v1 =	vsel vm9, v1, v2;
	[sflag:s9] =	ssyncadd.s32 $0xFFFFFE00  }
0x420: {  	[tilespmem:$0x1A400] =	vst v1;
	v1 =	vimm.f32 $0.0e+00  }
0x421: {  	[tilespmem:$0x1A410] =	vst v1  }
0x422: {  	[tilespmem:$0x1A420] =	vst v1  }
0x423: {  	[tilespmem:$0x1A430] =	vst v1  }
0x424: {  	[tilespmem:$0x1A440] =	vst v1  }
0x425: {  	s0 =	sadd.s32 $0x1, s0;
	[tilespmem:$0x1A450] =	vst v1  }
0x426: {  	p0 =	sne.s32 s0, s8;
	[tilespmem:$0x1A460] =	vst v1  }
.Ltmp10:
0x427: {  	[tilespmem:$0x1A470] =	vst v1;
	(pc) =	sbr.rel @p0 .LBB2_1-.Ltmp10, $4  }
0x428: {  	[hbm4b:s7+s3] =	stream.linear.scatter [tilespmem:s31], [sflag:$0x3], $0x80, $0x38;
	[tilespmem:$0x1A480] =	vst v63  }
0x429: {  	_ =	swait.ge [sflag:s9], $0x80  }
0x42a: {  	[sflag:s9] =	ssyncset.done $0x0  }
0x42b: {  	[sflag:s9] =	ssyncadd.s32 $0xFFFFFF80  }
0x42c: {  	_ =	sfence.sel $0x180000  }
0x42d: {  	[bflag:$0x0] =	sbarrier.arrive $0xFFFF  }
0x42e: {  	_ =	strace $0x90000047  }
0x42f: {  	s0 =	stileid.u32;
	[bflag:$0x2] =	sbarrier.arrive $0xFFFF  }
0x430: {  	p0 =	sne.s32 s0, $0x0;
	s0 =	rddreg [dreg:$0x5]  }
0x431: {  	s0 =	sadd.s32 @!p0 $0x100000, s0  }
0x432: {  	[sflag:s0] =	ssyncadd.tile.s32 @!p0 $0x1;
	_ =	shalt  }
.Lfunc_end2:
_tile_overlayer_lowered:
.L_overlay_start_2:
0x433: {  	(tag) =	ssettag $0x2  }
0x434: {  	s0 =	rddreg [dreg:$0x0];
	s2 =	stileid.u32  }
0x435: {  	s1 =	rddreg [dreg:$0x1];
	p0 =	sne.s32 s2, $0x0  }
0x436: {  	s3 =	rddreg [dreg:$0x2];
	[bflag:$0x3] =	sbarrier.arrive $0xFFFF;
	s2 =	simm.s32 @!p0 $0x1C03  }
0x437: {  	[timem:s3], [sflag:s2] =	dma.local @!p0 [hbm:s0], s1  }
0x438: {  	s0 =	simm.s32 @!p0 $0x3  }
0x439: {  	_ =	swait.ge @!p0 [sflag:s0], s1  }
0x43a: {  	s1 =	ssub.s32 @!p0 $0x0, s1;
	[sflag:s0] =	ssyncset.done @!p0 $0x0  }
0x43b: {  	[sflag:s0] =	ssyncadd.s32 @!p0 s1  }
0x43c: {  	[bflag:$0x3] =	sbarrier.arrive $0xFFFF  }
0x43d: {  	_ =	shalt  }

</sc_bundles>
